<compile_context>
chip_gen: v7x
topology: tpu7x:2x2x1
jax: 0.10.2.dev20260603
libtpu: 0.0.44.dev20260713+nightly
codegen_flags: <defaults>
</compile_context>

<pallas_src>
import functools

import jax
import jax.numpy as jnp
import numpy as np
from jax import lax
from jax.experimental import pallas as pl
from jax.experimental.pallas import tpu as pltpu
from jax.experimental.pallas import tpu_sc as plsc

N = 10000
E = 160000
D = 128
DH = 64
DW = 80
H = 8
HH = 4
DK = 16
SQRT_DK = float(np.sqrt(DK))
NC, NS = 2, 16
C = 128
EPT = 10240
NCHUNK = EPT // C
EPAD = NS * EPT
NPAD = N + 8


def _proj_body(x_ref, w_ref, b_ref, o_ref):
    o_ref[...] = (
        jnp.dot(x_ref[...], w_ref[...], preferred_element_type=jnp.float32)
        + b_ref[...]
    )


def _proj(h, weff, beff):
    bm = 1000
    return pl.pallas_call(
        _proj_body,
        grid=(N // bm,),
        in_specs=[
            pl.BlockSpec((bm, D), lambda i: (i, 0)),
            pl.BlockSpec((D, 3 * D), lambda i: (0, 0)),
            pl.BlockSpec((1, 3 * D), lambda i: (0, 0)),
        ],
        out_specs=pl.BlockSpec((bm, 3 * D), lambda i: (i, 0)),
        out_shape=jax.ShapeDtypeStruct((N, 3 * D), jnp.float32),
    )(h, weff, beff)


def _edge_sc(q_tab, kv_tab, src3, dst3):
    mesh = plsc.VectorSubcoreMesh(core_axis_name="c", subcore_axis_name="s")

    @functools.partial(
        pl.kernel,
        out_type=jax.ShapeDtypeStruct((NC, N, DW), jnp.float32),
        mesh=mesh,
        scratch_types=[
            pltpu.VMEM((2, C, DH), jnp.float32),
            pltpu.VMEM((2, C, 2 * DH), jnp.float32),
            pltpu.VMEM((C, DW), jnp.float32),
            pltpu.VMEM((NCHUNK, C), jnp.int32),
            pltpu.VMEM((NCHUNK, C), jnp.int32),
            pltpu.VMEM_SHARED((NPAD, DW), jnp.float32),
            pltpu.SemaphoreType.DMA,
        ],
        compiler_params=pltpu.CompilerParams(use_tc_tiling_on_sc=False),
    )
    def k(q_hbm, kv_hbm, src_hbm, dst_hbm, outwz,
          qb, kvb, wzb, sidx2, didx2, accwz, sem):
        cid = lax.axis_index("c")
        sid = lax.axis_index("s")

        pltpu.sync_copy(src_hbm.at[sid], sidx2)
        pltpu.sync_copy(dst_hbm.at[sid], didx2)

        qc, kvc = q_hbm.at[cid], kv_hbm.at[cid]

        def gather_descs(i, b):
            return (
                pltpu.make_async_copy(qc.at[didx2.at[i]], qb.at[b], sem),
                pltpu.make_async_copy(kvc.at[sidx2.at[i]], kvb.at[b], sem),
            )

        for dsc in gather_descs(0, 0):
            dsc.start()

        z16 = jnp.zeros((16,), jnp.float32)

        def zrow(r, carry):
            for j in range(DW // 16):
                wzb[r, pl.ds(j * 16, 16)] = z16
            return carry

        lax.fori_loop(0, C, zrow, 0)
        for j in range(6):
            base = pl.multiple_of(sid * 624 + j * 104, 8)
            pltpu.sync_copy(wzb.at[pl.ds(0, 104)], accwz.at[pl.ds(base, 104)])

        @pl.when(sid == 0)
        def _():
            pltpu.sync_copy(wzb.at[pl.ds(0, 24)], accwz.at[pl.ds(9984, 24)])

        plsc.subcore_barrier()

        lidx = lax.broadcasted_iota(jnp.int32, (16,), 0)
        rot8 = (lidx + 8) % 16
        bfly = {sh: lidx ^ sh for sh in (4, 2, 1)}
        lane0 = jnp.zeros((16,), jnp.int32)
        lane8 = jnp.full((16,), 8, jnp.int32)
        lo_mask = lidx < 8
        zbase = cid * HH

        def compute(b):
            def edge(c, carry):
                zrow_v = jnp.zeros((16,), jnp.float32)
                for pair in range(HH // 2):
                    sl0 = pl.ds((2 * pair) * DK, DK)
                    sl1 = pl.ds((2 * pair + 1) * DK, DK)
                    vl0 = pl.ds(DH + (2 * pair) * DK, DK)
                    vl1 = pl.ds(DH + (2 * pair + 1) * DK, DK)
                    s0 = qb[b, c, sl0] * kvb[b, c, sl0]
                    s1 = qb[b, c, sl1] * kvb[b, c, sl1]
                    s0 = s0 + s0.at[rot8].get(mode="promise_in_bounds")
                    s1 = s1 + s1.at[rot8].get(mode="promise_in_bounds")
                    x = jnp.where(lo_mask, s0, s1)
                    for sh in (4, 2, 1):
                        x = x + x.at[bfly[sh]].get(mode="promise_in_bounds")
                    e2 = jnp.exp(x)
                    p0 = e2.at[lane0].get(mode="promise_in_bounds")
                    p1 = e2.at[lane8].get(mode="promise_in_bounds")
                    wzb[c, sl0] = kvb[b, c, vl0] * p0
                    wzb[c, sl1] = kvb[b, c, vl1] * p1
                    zrow_v = jnp.where(lidx == zbase + 2 * pair, p0, zrow_v)
                    zrow_v = jnp.where(lidx == zbase + 2 * pair + 1, p1, zrow_v)
                wzb[c, pl.ds(DH, 16)] = zrow_v
                return carry

            lax.fori_loop(0, C, edge, 0)

        def step(s, carry):
            for b in range(2):
                i = 2 * s + b
                for dsc in gather_descs(i, b):
                    dsc.wait()
                nxt = i + 1
                if b == 0:
                    for dsc in gather_descs(nxt, 1):
                        dsc.start()
                else:
                    @pl.when(s < NCHUNK // 2 - 1)
                    def _():
                        for dsc in gather_descs(nxt, 0):
                            dsc.start()
                compute(b)
                pltpu.sync_copy(wzb, accwz.at[didx2.at[i]], add=True)
            return carry

        lax.fori_loop(0, NCHUNK // 2, step, 0)

        plsc.subcore_barrier()
        for j in range(6):
            base = pl.multiple_of(sid * 624 + j * 104, 8)
            pltpu.sync_copy(accwz.at[pl.ds(base, 104)], wzb.at[pl.ds(0, 104)])
            pltpu.sync_copy(wzb.at[pl.ds(0, 104)], outwz.at[cid, pl.ds(base, 104)])

        @pl.when(sid == 0)
        def _():
            pltpu.sync_copy(accwz.at[pl.ds(9984, 16)], wzb.at[pl.ds(0, 16)])
            pltpu.sync_copy(wzb.at[pl.ds(0, 16)], outwz.at[cid, pl.ds(9984, 16)])

    return k(q_tab, kv_tab, src3, dst3)


def _final_body(wz_ref, h_ref, wa_ref, ba_ref, g_ref, be_ref, o_ref):
    w = jnp.concatenate([wz_ref[0, :, :DH], wz_ref[1, :, :DH]], axis=-1)
    z = wz_ref[0, :, DH:] + wz_ref[1, :, DH:]
    r = lax.broadcasted_iota(jnp.int32, (DK, D), 0)
    c = lax.broadcasted_iota(jnp.int32, (DK, D), 1)
    m = (c // DK == r).astype(jnp.float32)
    zf = jnp.dot(z, m, preferred_element_type=jnp.float32)
    denom = jnp.where(zf == 0.0, 1.0, zf)
    agg = w / denom
    y = (
        jnp.dot(agg, wa_ref[...], preferred_element_type=jnp.float32)
        + ba_ref[...]
        + h_ref[...]
    )
    mu = jnp.mean(y, axis=1, keepdims=True)
    var = jnp.mean((y - mu) ** 2, axis=1, keepdims=True)
    o_ref[...] = (y - mu) * lax.rsqrt(var + 1e-5) * g_ref[...] + be_ref[...]


def _final(wzacc, h, wa, ba, g, be):
    bm = 1000
    return pl.pallas_call(
        _final_body,
        grid=(N // bm,),
        in_specs=[
            pl.BlockSpec((NC, bm, DW), lambda i: (0, i, 0)),
            pl.BlockSpec((bm, D), lambda i: (i, 0)),
            pl.BlockSpec((D, D), lambda i: (0, 0)),
            pl.BlockSpec((1, D), lambda i: (0, 0)),
            pl.BlockSpec((1, D), lambda i: (0, 0)),
            pl.BlockSpec((1, D), lambda i: (0, 0)),
        ],
        out_specs=pl.BlockSpec((bm, D), lambda i: (i, 0)),
        out_shape=jax.ShapeDtypeStruct((N, D), jnp.float32),
    )(wzacc, h, wa, ba, g, be)


def _blockdiag(rel):
    eye = jnp.eye(H, dtype=rel.dtype)
    return jnp.einsum("hjk,hg->hjgk", rel, eye).reshape(H * DK, H * DK)


def _split_q(x):
    xp = jnp.pad(x, ((0, NPAD - N), (0, 0)))
    return jnp.stack([xp[:, :DH], xp[:, DH:]])


def _split_kv(kf, vf):
    return jnp.stack(
        [
            jnp.concatenate([kf[:, :DH], vf[:, :DH]], axis=1),
            jnp.concatenate([kf[:, DH:], vf[:, DH:]], axis=1),
        ]
    )


def _pad_edges(src, dst):
    pad = EPAD - E
    src_p = jnp.concatenate([src.astype(jnp.int32), jnp.zeros((pad,), jnp.int32)])
    dst_p = jnp.concatenate(
        [dst.astype(jnp.int32), jnp.full((pad,), N, jnp.int32)]
    )
    return src_p.reshape(NS, NCHUNK, C), dst_p.reshape(NS, NCHUNK, C)


def kernel(h_paper, h_author, edge_index_writes, edge_index_written_by,
           Wk0, bk0, Wq0, bq0, Wv0, bv0, Wa0, ba0, g0, be0,
           Wk1, bk1, Wq1, bq1, Wv1, bv1, Wa1, ba1, g1, be1,
           rel_pri, rel_att, rel_msg):
    scale0 = jnp.repeat(rel_pri[0] / SQRT_DK, DK)
    scale1 = jnp.repeat(rel_pri[1] / SQRT_DK, DK)
    ra0, rm0 = _blockdiag(rel_att[0]), _blockdiag(rel_msg[0])
    ra1, rm1 = _blockdiag(rel_att[1]), _blockdiag(rel_msg[1])

    weff_p = jnp.concatenate([Wq0 * scale0[None, :], Wk0 @ ra1, Wv0 @ rm1], axis=1)
    beff_p = jnp.concatenate([bq0 * scale0, bk0 @ ra1, bv0 @ rm1])[None, :]
    weff_a = jnp.concatenate([Wq1 * scale1[None, :], Wk1 @ ra0, Wv1 @ rm0], axis=1)
    beff_a = jnp.concatenate([bq1 * scale1, bk1 @ ra0, bv1 @ rm0])[None, :]

    proj_p = _proj(h_paper, weff_p, beff_p)
    proj_a = _proj(h_author, weff_a, beff_a)

    q0 = _split_q(proj_p[:, :D])
    kv0 = _split_kv(proj_a[:, D:2 * D], proj_a[:, 2 * D:])
    q1 = _split_q(proj_a[:, :D])
    kv1 = _split_kv(proj_p[:, D:2 * D], proj_p[:, 2 * D:])

    s0, d0 = _pad_edges(edge_index_writes[0], edge_index_writes[1])
    s1, d1 = _pad_edges(edge_index_written_by[0], edge_index_written_by[1])

    wz0 = _edge_sc(q0, kv0, s0, d0)
    wz1 = _edge_sc(q1, kv1, s1, d1)

    out_p = _final(wz0, h_paper, Wa0, ba0[None, :], g0[None, :], be0[None, :])
    out_a = _final(wz1, h_author, Wa1, ba1[None, :], g1[None, :], be1[None, :])
    return (out_p, out_a)

# --- scband reference (transcript-rebuilt; emitter-appended) ---
"""Pipeline reference for scband-hgtlayer-55370718380398 (READ-ONLY COPY).

The authoritative reference and input builder live on the scoring server;
editing this copy changes nothing except your own understanding.
"""

import jax, jax.numpy as jnp
import numpy as np

N_PAPER = 10000
N_AUTHOR = 10000
E = 160000
IN_DIM = 128
OUT_DIM = 128
H = 8
DK = 16
SQRT_DK = float(np.sqrt(DK))


def _ln(x, g, b):
    mu = jnp.mean(x, axis=-1, keepdims=True)
    var = jnp.var(x, axis=-1, keepdims=True)
    return (x - mu) / jnp.sqrt(var + 1e-5) * g + b


def _edge_softmax(s, dst, n):
    mx = jax.ops.segment_max(s, dst, num_segments=n)
    e = jnp.exp(s - mx[dst])
    z = jax.ops.segment_sum(e, dst, num_segments=n)
    return e / z[dst]


def _hgt(h_paper, h_author, edge_index_writes, edge_index_written_by,
         Wk0, bk0, Wq0, bq0, Wv0, bv0, Wa0, ba0, g0, be0,
         Wk1, bk1, Wq1, bq1, Wv1, bv1, Wa1, ba1, g1, be1,
         rel_pri, rel_att, rel_msg):
    # per-node-type K/Q/V projections (type 0 = paper, type 1 = author)
    k_p = (h_paper @ Wk0 + bk0).reshape(-1, H, DK)
    q_p = (h_paper @ Wq0 + bq0).reshape(-1, H, DK)
    v_p = (h_paper @ Wv0 + bv0).reshape(-1, H, DK)
    k_a = (h_author @ Wk1 + bk1).reshape(-1, H, DK)
    q_a = (h_author @ Wq1 + bq1).reshape(-1, H, DK)
    v_a = (h_author @ Wv1 + bv1).reshape(-1, H, DK)
    # etype 0: ('author','writes','paper')
    kk = jnp.einsum('bij,ijk->bik', k_a, rel_att[0])
    vv = jnp.einsum('bij,ijk->bik', v_a, rel_msg[0])
    s, d = edge_index_writes[0], edge_index_writes[1]
    score = jnp.sum(q_p[d] * kk[s], axis=-1) * rel_pri[0] / SQRT_DK
    attn = _edge_softmax(score, d, N_PAPER)
    agg_p = jax.ops.segment_sum(vv[s] * attn[:, :, None], d, num_segments=N_PAPER)
    # etype 1: ('paper','written_by','author')
    kk = jnp.einsum('bij,ijk->bik', k_p, rel_att[1])
    vv = jnp.einsum('bij,ijk->bik', v_p, rel_msg[1])
    s, d = edge_index_written_by[0], edge_index_written_by[1]
    score = jnp.sum(q_a[d] * kk[s], axis=-1) * rel_pri[1] / SQRT_DK
    attn = _edge_softmax(score, d, N_AUTHOR)
    agg_a = jax.ops.segment_sum(vv[s] * attn[:, :, None], d, num_segments=N_AUTHOR)
    # cross_reducer='mean' is identity here: each dst ntype has exactly one incoming etype
    out_p = _ln(agg_p.reshape(-1, OUT_DIM) @ Wa0 + ba0 + h_paper, g0, be0)
    out_a = _ln(agg_a.reshape(-1, OUT_DIM) @ Wa1 + ba1 + h_author, g1, be1)
    return (out_p, out_a)


def setup_inputs(seed: int = 0):
    key = jax.random.key(seed)
    ks = jax.random.split(key, 20)
    inp = {}
    inp['h_paper'] = jax.random.normal(ks[0], (N_PAPER, IN_DIM), dtype=jnp.float32)
    inp['h_author'] = jax.random.normal(ks[1], (N_AUTHOR, IN_DIM), dtype=jnp.float32)
    inp['edge_index_writes'] = jax.random.randint(ks[2], (2, E), 0, N_PAPER)
    inp['edge_index_written_by'] = jax.random.randint(ks[3], (2, E), 0, N_AUTHOR)
    i = 4
    for t in ('0', '1'):
        for nm in ('Wk', 'Wq', 'Wv'):
            inp[nm + t] = jax.random.normal(ks[i], (IN_DIM, OUT_DIM), dtype=jnp.float32) * 0.05
            i += 1
            inp['b' + nm[1] + t] = jnp.zeros((OUT_DIM,), jnp.float32)
        inp['Wa' + t] = jax.random.normal(ks[i], (OUT_DIM, OUT_DIM), dtype=jnp.float32) * 0.05
        i += 1
        inp['ba' + t] = jnp.zeros((OUT_DIM,), jnp.float32)
        inp['g' + t] = jnp.ones((OUT_DIM,), jnp.float32)
        inp['be' + t] = jnp.zeros((OUT_DIM,), jnp.float32)
    inp['rel_pri'] = jnp.ones((2, H), jnp.float32)
    inp['rel_att'] = jax.random.normal(ks[i], (2, H, DK, DK), dtype=jnp.float32) * 0.2
    inp['rel_msg'] = jax.random.normal(ks[i + 1], (2, H, DK, DK), dtype=jnp.float32) * 0.2
    return inp


def reference(h_paper, h_author, edge_index_writes, edge_index_written_by,
              Wk0, bk0, Wq0, bq0, Wv0, bv0, Wa0, ba0, g0, be0,
              Wk1, bk1, Wq1, bq1, Wv1, bv1, Wa1, ba1, g1, be1,
              rel_pri, rel_att, rel_msg):
    return _hgt(h_paper, h_author, edge_index_writes, edge_index_written_by,
                Wk0, bk0, Wq0, bq0, Wv0, bv0, Wa0, ba0, g0, be0,
                Wk1, bk1, Wq1, bq1, Wv1, bv1, Wa1, ba1, g1, be1,
                rel_pri, rel_att, rel_msg)

if __name__ == "__main__":
    import jax
    _d = setup_inputs()
    print(jax.jit(kernel)(*tuple(_d.values())))

</pallas_src>

<mosaic_0001>
#map = affine_map<(d0, d1) -> (0, 0, 0)>
module attributes {stable_mosaic.version = 14 : i64} {
  func.func @k(%arg0: i32, %arg1: i32, %arg2: memref<2x10008x64xf32, #tpu.memory_space<hbm>>, %arg3: memref<2x10000x128xf32, #tpu.memory_space<hbm>>, %arg4: memref<16x80x128xi32, #tpu.memory_space<hbm>>, %arg5: memref<16x80x128xi32, #tpu.memory_space<hbm>>, %arg6: memref<2x10000x80xf32, #tpu.memory_space<hbm>>, %arg7: memref<2x128x64xf32, #tpu.memory_space<vmem>>, %arg8: memref<2x128x128xf32, #tpu.memory_space<vmem>>, %arg9: memref<128x80xf32, #tpu.memory_space<vmem>>, %arg10: memref<80x128xi32, #tpu.memory_space<vmem>>, %arg11: memref<80x128xi32, #tpu.memory_space<vmem>>, %arg12: memref<10008x80xf32, #tpu.memory_space<vmem_shared>>, %arg13: memref<!tpu.dma_semaphore, #tpu.memory_space<semaphore_mem>>) attributes {dimension_semantics = [#tpu.dimension_semantics<core_parallel>, #tpu.dimension_semantics<subcore_parallel>], iteration_bounds = array<i64: 2, 16>, scalar_prefetch = 0 : i64, scratch_operands = 7 : i64, tpu.core_type = #tpu.core_type<sc_vector_subcore>, window_params = [{transform_indices = #map}, {transform_indices = #map}, {transform_indices = #map}, {transform_indices = #map}, {transform_indices = #map}]} {
    "tpu.region"() ({
      %run_scoped3A = tpu.sem_alloc : memref<!tpu.dma_semaphore, #tpu.memory_space<semaphore_mem>>
      %dma_start3A_144 = arith.constant 0 : i32
      %dma_start3A_145 = arith.constant 0 : i32
      %dma_start3A_146 = tpu.memref_slice %arg4[%arg1, %dma_start3A_144, %dma_start3A_145] : memref<16x80x128xi32, #tpu.memory_space<hbm>> -> memref<1x80x128xi32, #tpu.memory_space<hbm>>
      %dma_start3A_147 = tpu.memref_squeeze %dma_start3A_146 : memref<1x80x128xi32, #tpu.memory_space<hbm>> -> memref<80x128xi32, #tpu.memory_space<hbm>>
      %dma_start3A_148 = arith.constant 0 : i32
      %dma_start3A_149 = arith.constant 0 : i32
      %dma_start3A_150 = tpu.memref_slice %arg4[%arg1, %dma_start3A_148, %dma_start3A_149] : memref<16x80x128xi32, #tpu.memory_space<hbm>> -> memref<1x80x128xi32, #tpu.memory_space<hbm>>
      %dma_start3A_151 = tpu.memref_squeeze %dma_start3A_150 : memref<1x80x128xi32, #tpu.memory_space<hbm>> -> memref<80x128xi32, #tpu.memory_space<hbm>>
      tpu.enqueue_dma source(%dma_start3A_151 : memref<80x128xi32, #tpu.memory_space<hbm>>) target(%arg10 : memref<80x128xi32, #tpu.memory_space<vmem>>) target_semaphore(%run_scoped3A : memref<!tpu.dma_semaphore, #tpu.memory_space<semaphore_mem>>)
      %dma_wait3A = arith.constant 0 : i32
      %dma_wait3A_152 = arith.constant 0 : i32
      %dma_wait3A_153 = tpu.memref_slice %arg4[%arg1, %dma_wait3A, %dma_wait3A_152] : memref<16x80x128xi32, #tpu.memory_space<hbm>> -> memref<1x80x128xi32, #tpu.memory_space<hbm>>
      %dma_wait3A_154 = tpu.memref_squeeze %dma_wait3A_153 : memref<1x80x128xi32, #tpu.memory_space<hbm>> -> memref<80x128xi32, #tpu.memory_space<hbm>>
      %dma_wait3A_155 = arith.constant 0 : i32
      %dma_wait3A_156 = arith.constant 0 : i32
      %dma_wait3A_157 = tpu.memref_slice %arg4[%arg1, %dma_wait3A_155, %dma_wait3A_156] : memref<16x80x128xi32, #tpu.memory_space<hbm>> -> memref<1x80x128xi32, #tpu.memory_space<hbm>>
      %dma_wait3A_158 = tpu.memref_squeeze %dma_wait3A_157 : memref<1x80x128xi32, #tpu.memory_space<hbm>> -> memref<80x128xi32, #tpu.memory_space<hbm>>
      tpu.wait_dma2 semaphore(%run_scoped3A : memref<!tpu.dma_semaphore, #tpu.memory_space<semaphore_mem>>) src(%dma_wait3A_158 : memref<80x128xi32, #tpu.memory_space<hbm>>) dst(%arg10 : memref<80x128xi32, #tpu.memory_space<vmem>>)
      tpu.yield
    }) : () -> ()
    "tpu.region"() ({
      %run_scoped3A = tpu.sem_alloc : memref<!tpu.dma_semaphore, #tpu.memory_space<semaphore_mem>>
      %dma_start3A_144 = arith.constant 0 : i32
      %dma_start3A_145 = arith.constant 0 : i32
      %dma_start3A_146 = tpu.memref_slice %arg5[%arg1, %dma_start3A_144, %dma_start3A_145] : memref<16x80x128xi32, #tpu.memory_space<hbm>> -> memref<1x80x128xi32, #tpu.memory_space<hbm>>
      %dma_start3A_147 = tpu.memref_squeeze %dma_start3A_146 : memref<1x80x128xi32, #tpu.memory_space<hbm>> -> memref<80x128xi32, #tpu.memory_space<hbm>>
      %dma_start3A_148 = arith.constant 0 : i32
      %dma_start3A_149 = arith.constant 0 : i32
      %dma_start3A_150 = tpu.memref_slice %arg5[%arg1, %dma_start3A_148, %dma_start3A_149] : memref<16x80x128xi32, #tpu.memory_space<hbm>> -> memref<1x80x128xi32, #tpu.memory_space<hbm>>
      %dma_start3A_151 = tpu.memref_squeeze %dma_start3A_150 : memref<1x80x128xi32, #tpu.memory_space<hbm>> -> memref<80x128xi32, #tpu.memory_space<hbm>>
      tpu.enqueue_dma source(%dma_start3A_151 : memref<80x128xi32, #tpu.memory_space<hbm>>) target(%arg11 : memref<80x128xi32, #tpu.memory_space<vmem>>) target_semaphore(%run_scoped3A : memref<!tpu.dma_semaphore, #tpu.memory_space<semaphore_mem>>)
      %dma_wait3A = arith.constant 0 : i32
      %dma_wait3A_152 = arith.constant 0 : i32
      %dma_wait3A_153 = tpu.memref_slice %arg5[%arg1, %dma_wait3A, %dma_wait3A_152] : memref<16x80x128xi32, #tpu.memory_space<hbm>> -> memref<1x80x128xi32, #tpu.memory_space<hbm>>
      %dma_wait3A_154 = tpu.memref_squeeze %dma_wait3A_153 : memref<1x80x128xi32, #tpu.memory_space<hbm>> -> memref<80x128xi32, #tpu.memory_space<hbm>>
      %dma_wait3A_155 = arith.constant 0 : i32
      %dma_wait3A_156 = arith.constant 0 : i32
      %dma_wait3A_157 = tpu.memref_slice %arg5[%arg1, %dma_wait3A_155, %dma_wait3A_156] : memref<16x80x128xi32, #tpu.memory_space<hbm>> -> memref<1x80x128xi32, #tpu.memory_space<hbm>>
      %dma_wait3A_158 = tpu.memref_squeeze %dma_wait3A_157 : memref<1x80x128xi32, #tpu.memory_space<hbm>> -> memref<80x128xi32, #tpu.memory_space<hbm>>
      tpu.wait_dma2 semaphore(%run_scoped3A : memref<!tpu.dma_semaphore, #tpu.memory_space<semaphore_mem>>) src(%dma_wait3A_158 : memref<80x128xi32, #tpu.memory_space<hbm>>) dst(%arg11 : memref<80x128xi32, #tpu.memory_space<vmem>>)
      tpu.yield
    }) : () -> ()
    %dma_start3A = arith.constant 0 : i32
    %dma_start3A_0 = arith.constant 0 : i32
    %dma_start3A_1 = arith.constant 0 : i32
    %dma_start3A_2 = arith.constant 0 : i32
    %dma_start3A_3 = tpu.memref_slice %arg7[%dma_start3A_0, %dma_start3A_1, %dma_start3A_2] : memref<2x128x64xf32, #tpu.memory_space<vmem>> -> memref<1x128x64xf32, #tpu.memory_space<vmem>>
    %dma_start3A_4 = tpu.memref_squeeze %dma_start3A_3 : memref<1x128x64xf32, #tpu.memory_space<vmem>> -> memref<128x64xf32, #tpu.memory_space<vmem>>
    %dma_start3A_5 = arith.constant 0 : i32
    %dma_start3A_6 = tpu.memref_slice %arg11[%dma_start3A, %dma_start3A_5] : memref<80x128xi32, #tpu.memory_space<vmem>> -> memref<1x128xi32, #tpu.memory_space<vmem>>
    %dma_start3A_7 = tpu.memref_squeeze %dma_start3A_6 : memref<1x128xi32, #tpu.memory_space<vmem>> -> memref<128xi32, #tpu.memory_space<vmem>>
    %dma_start3A_8 = arith.constant 0 : i32
    %dma_start3A_9 = arith.constant 0 : i32
    %dma_start3A_10 = tpu.memref_slice %arg2[%arg0, %dma_start3A_8, %dma_start3A_9] : memref<2x10008x64xf32, #tpu.memory_space<hbm>> -> memref<1x10008x64xf32, #tpu.memory_space<hbm>>
    %dma_start3A_11 = tpu.memref_squeeze %dma_start3A_10 : memref<1x10008x64xf32, #tpu.memory_space<hbm>> -> memref<10008x64xf32, #tpu.memory_space<hbm>>
    %dma_start3A_12 = arith.constant 0 : i32
    %dma_start3A_13 = arith.constant 0 : i32
    %dma_start3A_14 = tpu.memref_slice %dma_start3A_11[%dma_start3A_12, %dma_start3A_13] : memref<10008x64xf32, #tpu.memory_space<hbm>> -> memref<10008x64xf32, #tpu.memory_space<hbm>>
    tpu.enqueue_indirect_dma source(%dma_start3A_14 : memref<10008x64xf32, #tpu.memory_space<hbm>>) target(%dma_start3A_4 : memref<128x64xf32, #tpu.memory_space<vmem>>) offsets(%dma_start3A_7 : memref<128xi32, #tpu.memory_space<vmem>>) semaphore(%arg13 : memref<!tpu.dma_semaphore, #tpu.memory_space<semaphore_mem>>)
    %dma_start3A_15 = arith.constant 0 : i32
    %dma_start3A_16 = arith.constant 0 : i32
    %dma_start3A_17 = arith.constant 0 : i32
    %dma_start3A_18 = arith.constant 0 : i32
    %dma_start3A_19 = tpu.memref_slice %arg8[%dma_start3A_16, %dma_start3A_17, %dma_start3A_18] : memref<2x128x128xf32, #tpu.memory_space<vmem>> -> memref<1x128x128xf32, #tpu.memory_space<vmem>>
    %dma_start3A_20 = tpu.memref_squeeze %dma_start3A_19 : memref<1x128x128xf32, #tpu.memory_space<vmem>> -> memref<128x128xf32, #tpu.memory_space<vmem>>
    %dma_start3A_21 = arith.constant 0 : i32
    %dma_start3A_22 = tpu.memref_slice %arg10[%dma_start3A_15, %dma_start3A_21] : memref<80x128xi32, #tpu.memory_space<vmem>> -> memref<1x128xi32, #tpu.memory_space<vmem>>
    %dma_start3A_23 = tpu.memref_squeeze %dma_start3A_22 : memref<1x128xi32, #tpu.memory_space<vmem>> -> memref<128xi32, #tpu.memory_space<vmem>>
    %dma_start3A_24 = arith.constant 0 : i32
    %dma_start3A_25 = arith.constant 0 : i32
    %dma_start3A_26 = tpu.memref_slice %arg3[%arg0, %dma_start3A_24, %dma_start3A_25] : memref<2x10000x128xf32, #tpu.memory_space<hbm>> -> memref<1x10000x128xf32, #tpu.memory_space<hbm>>
    %dma_start3A_27 = tpu.memref_squeeze %dma_start3A_26 : memref<1x10000x128xf32, #tpu.memory_space<hbm>> -> memref<10000x128xf32, #tpu.memory_space<hbm>>
    %dma_start3A_28 = arith.constant 0 : i32
    %dma_start3A_29 = arith.constant 0 : i32
    %dma_start3A_30 = tpu.memref_slice %dma_start3A_27[%dma_start3A_28, %dma_start3A_29] : memref<10000x128xf32, #tpu.memory_space<hbm>> -> memref<10000x128xf32, #tpu.memory_space<hbm>>
    tpu.enqueue_indirect_dma source(%dma_start3A_30 : memref<10000x128xf32, #tpu.memory_space<hbm>>) target(%dma_start3A_20 : memref<128x128xf32, #tpu.memory_space<vmem>>) offsets(%dma_start3A_23 : memref<128xi32, #tpu.memory_space<vmem>>) semaphore(%arg13 : memref<!tpu.dma_semaphore, #tpu.memory_space<semaphore_mem>>)
    %broadcast_in_dim3A = arith.constant 0.000000e+00 : f32
    %broadcast_in_dim3A_31 = vector.broadcast %broadcast_in_dim3A : f32 to vector<16xf32>
    %scan3A = arith.constant 0 : i32
    %scan3A_32 = arith.constant 0 : i32
    %scan3A_33 = arith.constant 128 : i32
    %scan3A_34 = arith.addi %scan3A_32, %scan3A_33 : i32
    %scan3A_35 = arith.constant 1 : i32
    scf.for %scan3A_144 = %scan3A_32 to %scan3A_34 step %scan3A_35  : i32 {
      %swap3A = arith.index_cast %scan3A_144 : i32 to index
      %swap3A_145 = arith.constant 0 : index
      %swap3A_146 = tpu.vector_load %arg9[%swap3A, %swap3A_145] {strides = array<i32>} : memref<128x80xf32, #tpu.memory_space<vmem>>, vector<1x16xf32>,
      %swap3A_147 = vector.shape_cast %swap3A_146 : vector<1x16xf32> to vector<16xf32>
      %swap3A_148 = vector.shape_cast %broadcast_in_dim3A_31 : vector<16xf32> to vector<1x16xf32>
      tpu.vector_store %arg9[%swap3A, %swap3A_145], %swap3A_148 {strides = array<i32>} : memref<128x80xf32, #tpu.memory_space<vmem>>, vector<1x16xf32>,
      %swap3A_149 = arith.index_cast %scan3A_144 : i32 to index
      %swap3A_150 = arith.constant 16 : index
      %swap3A_151 = tpu.vector_load %arg9[%swap3A_149, %swap3A_150] {strides = array<i32>} : memref<128x80xf32, #tpu.memory_space<vmem>>, vector<1x16xf32>,
      %swap3A_152 = vector.shape_cast %swap3A_151 : vector<1x16xf32> to vector<16xf32>
      %swap3A_153 = vector.shape_cast %broadcast_in_dim3A_31 : vector<16xf32> to vector<1x16xf32>
      tpu.vector_store %arg9[%swap3A_149, %swap3A_150], %swap3A_153 {strides = array<i32>} : memref<128x80xf32, #tpu.memory_space<vmem>>, vector<1x16xf32>,
      %swap3A_154 = arith.index_cast %scan3A_144 : i32 to index
      %swap3A_155 = arith.constant 32 : index
      %swap3A_156 = tpu.vector_load %arg9[%swap3A_154, %swap3A_155] {strides = array<i32>} : memref<128x80xf32, #tpu.memory_space<vmem>>, vector<1x16xf32>,
      %swap3A_157 = vector.shape_cast %swap3A_156 : vector<1x16xf32> to vector<16xf32>
      %swap3A_158 = vector.shape_cast %broadcast_in_dim3A_31 : vector<16xf32> to vector<1x16xf32>
      tpu.vector_store %arg9[%swap3A_154, %swap3A_155], %swap3A_158 {strides = array<i32>} : memref<128x80xf32, #tpu.memory_space<vmem>>, vector<1x16xf32>,
      %swap3A_159 = arith.index_cast %scan3A_144 : i32 to index
      %swap3A_160 = arith.constant 48 : index
      %swap3A_161 = tpu.vector_load %arg9[%swap3A_159, %swap3A_160] {strides = array<i32>} : memref<128x80xf32, #tpu.memory_space<vmem>>, vector<1x16xf32>,
      %swap3A_162 = vector.shape_cast %swap3A_161 : vector<1x16xf32> to vector<16xf32>
      %swap3A_163 = vector.shape_cast %broadcast_in_dim3A_31 : vector<16xf32> to vector<1x16xf32>
      tpu.vector_store %arg9[%swap3A_159, %swap3A_160], %swap3A_163 {strides = array<i32>} : memref<128x80xf32, #tpu.memory_space<vmem>>, vector<1x16xf32>,
      %swap3A_164 = arith.index_cast %scan3A_144 : i32 to index
      %swap3A_165 = arith.constant 64 : index
      %swap3A_166 = tpu.vector_load %arg9[%swap3A_164, %swap3A_165] {strides = array<i32>} : memref<128x80xf32, #tpu.memory_space<vmem>>, vector<1x16xf32>,
      %swap3A_167 = vector.shape_cast %swap3A_166 : vector<1x16xf32> to vector<16xf32>
      %swap3A_168 = vector.shape_cast %broadcast_in_dim3A_31 : vector<16xf32> to vector<1x16xf32>
      tpu.vector_store %arg9[%swap3A_164, %swap3A_165], %swap3A_168 {strides = array<i32>} : memref<128x80xf32, #tpu.memory_space<vmem>>, vector<1x16xf32>,
    }
    %scan3A_36 = arith.constant 128 : i32
    %mul3A = arith.constant 624 : i32
    %mul3A_37 = arith.muli %arg1, %mul3A : i32
    %add3A = arith.constant 0 : i32
    %add3A_38 = arith.addi %mul3A_37, %add3A : i32
    %multiple_of3A = tpu.assume_multiple %add3A_38, 8 : i32
    "tpu.region"() ({
      %run_scoped3A = tpu.sem_alloc : memref<!tpu.dma_semaphore, #tpu.memory_space<semaphore_mem>>
      %dma_start3A_144 = arith.constant 0 : i32
      %dma_start3A_145 = arith.constant 0 : i32
      %dma_start3A_146 = tpu.memref_slice %arg9[%dma_start3A_144, %dma_start3A_145] : memref<128x80xf32, #tpu.memory_space<vmem>> -> memref<104x80xf32, #tpu.memory_space<vmem>>
      %dma_start3A_147 = arith.constant 0 : i32
      %dma_start3A_148 = tpu.memref_slice %arg12[%multiple_of3A, %dma_start3A_147] : memref<10008x80xf32, #tpu.memory_space<vmem_shared>> -> memref<104x80xf32, #tpu.memory_space<vmem_shared>>
      %dma_start3A_149 = arith.constant 0 : i32
      %dma_start3A_150 = tpu.memref_slice %arg12[%multiple_of3A, %dma_start3A_149] : memref<10008x80xf32, #tpu.memory_space<vmem_shared>> -> memref<104x80xf32, #tpu.memory_space<vmem_shared>>
      %dma_start3A_151 = arith.constant 0 : i32
      %dma_start3A_152 = arith.constant 0 : i32
      %dma_start3A_153 = tpu.memref_slice %arg9[%dma_start3A_151, %dma_start3A_152] : memref<128x80xf32, #tpu.memory_space<vmem>> -> memref<104x80xf32, #tpu.memory_space<vmem>>
      tpu.enqueue_dma source(%dma_start3A_153 : memref<104x80xf32, #tpu.memory_space<vmem>>) target(%dma_start3A_150 : memref<104x80xf32, #tpu.memory_space<vmem_shared>>) target_semaphore(%run_scoped3A : memref<!tpu.dma_semaphore, #tpu.memory_space<semaphore_mem>>)
      %dma_wait3A = arith.constant 0 : i32
      %dma_wait3A_154 = arith.constant 0 : i32
      %dma_wait3A_155 = tpu.memref_slice %arg9[%dma_wait3A, %dma_wait3A_154] : memref<128x80xf32, #tpu.memory_space<vmem>> -> memref<104x80xf32, #tpu.memory_space<vmem>>
      %dma_wait3A_156 = arith.constant 0 : i32
      %dma_wait3A_157 = tpu.memref_slice %arg12[%multiple_of3A, %dma_wait3A_156] : memref<10008x80xf32, #tpu.memory_space<vmem_shared>> -> memref<104x80xf32, #tpu.memory_space<vmem_shared>>
      %dma_wait3A_158 = arith.constant 0 : i32
      %dma_wait3A_159 = tpu.memref_slice %arg12[%multiple_of3A, %dma_wait3A_158] : memref<10008x80xf32, #tpu.memory_space<vmem_shared>> -> memref<104x80xf32, #tpu.memory_space<vmem_shared>>
      %dma_wait3A_160 = arith.constant 0 : i32
      %dma_wait3A_161 = arith.constant 0 : i32
      %dma_wait3A_162 = tpu.memref_slice %arg9[%dma_wait3A_160, %dma_wait3A_161] : memref<128x80xf32, #tpu.memory_space<vmem>> -> memref<104x80xf32, #tpu.memory_space<vmem>>
      tpu.wait_dma2 semaphore(%run_scoped3A : memref<!tpu.dma_semaphore, #tpu.memory_space<semaphore_mem>>) src(%dma_wait3A_162 : memref<104x80xf32, #tpu.memory_space<vmem>>) dst(%dma_wait3A_159 : memref<104x80xf32, #tpu.memory_space<vmem_shared>>)
      tpu.yield
    }) : () -> ()
    %mul3A_39 = arith.constant 624 : i32
    %mul3A_40 = arith.muli %arg1, %mul3A_39 : i32
    %add3A_41 = arith.constant 104 : i32
    %add3A_42 = arith.addi %mul3A_40, %add3A_41 : i32
    %multiple_of3A_43 = tpu.assume_multiple %add3A_42, 8 : i32
    "tpu.region"() ({
      %run_scoped3A = tpu.sem_alloc : memref<!tpu.dma_semaphore, #tpu.memory_space<semaphore_mem>>
      %dma_start3A_144 = arith.constant 0 : i32
      %dma_start3A_145 = arith.constant 0 : i32
      %dma_start3A_146 = tpu.memref_slice %arg9[%dma_start3A_144, %dma_start3A_145] : memref<128x80xf32, #tpu.memory_space<vmem>> -> memref<104x80xf32, #tpu.memory_space<vmem>>
      %dma_start3A_147 = arith.constant 0 : i32
      %dma_start3A_148 = tpu.memref_slice %arg12[%multiple_of3A_43, %dma_start3A_147] : memref<10008x80xf32, #tpu.memory_space<vmem_shared>> -> memref<104x80xf32, #tpu.memory_space<vmem_shared>>
      %dma_start3A_149 = arith.constant 0 : i32
      %dma_start3A_150 = tpu.memref_slice %arg12[%multiple_of3A_43, %dma_start3A_149] : memref<10008x80xf32, #tpu.memory_space<vmem_shared>> -> memref<104x80xf32, #tpu.memory_space<vmem_shared>>
      %dma_start3A_151 = arith.constant 0 : i32
      %dma_start3A_152 = arith.constant 0 : i32
      %dma_start3A_153 = tpu.memref_slice %arg9[%dma_start3A_151, %dma_start3A_152] : memref<128x80xf32, #tpu.memory_space<vmem>> -> memref<104x80xf32, #tpu.memory_space<vmem>>
      tpu.enqueue_dma source(%dma_start3A_153 : memref<104x80xf32, #tpu.memory_space<vmem>>) target(%dma_start3A_150 : memref<104x80xf32, #tpu.memory_space<vmem_shared>>) target_semaphore(%run_scoped3A : memref<!tpu.dma_semaphore, #tpu.memory_space<semaphore_mem>>)
      %dma_wait3A = arith.constant 0 : i32
      %dma_wait3A_154 = arith.constant 0 : i32
      %dma_wait3A_155 = tpu.memref_slice %arg9[%dma_wait3A, %dma_wait3A_154] : memref<128x80xf32, #tpu.memory_space<vmem>> -> memref<104x80xf32, #tpu.memory_space<vmem>>
      %dma_wait3A_156 = arith.constant 0 : i32
      %dma_wait3A_157 = tpu.memref_slice %arg12[%multiple_of3A_43, %dma_wait3A_156] : memref<10008x80xf32, #tpu.memory_space<vmem_shared>> -> memref<104x80xf32, #tpu.memory_space<vmem_shared>>
      %dma_wait3A_158 = arith.constant 0 : i32
      %dma_wait3A_159 = tpu.memref_slice %arg12[%multiple_of3A_43, %dma_wait3A_158] : memref<10008x80xf32, #tpu.memory_space<vmem_shared>> -> memref<104x80xf32, #tpu.memory_space<vmem_shared>>
      %dma_wait3A_160 = arith.constant 0 : i32
      %dma_wait3A_161 = arith.constant 0 : i32
      %dma_wait3A_162 = tpu.memref_slice %arg9[%dma_wait3A_160, %dma_wait3A_161] : memref<128x80xf32, #tpu.memory_space<vmem>> -> memref<104x80xf32, #tpu.memory_space<vmem>>
      tpu.wait_dma2 semaphore(%run_scoped3A : memref<!tpu.dma_semaphore, #tpu.memory_space<semaphore_mem>>) src(%dma_wait3A_162 : memref<104x80xf32, #tpu.memory_space<vmem>>) dst(%dma_wait3A_159 : memref<104x80xf32, #tpu.memory_space<vmem_shared>>)
      tpu.yield
    }) : () -> ()
    %mul3A_44 = arith.constant 624 : i32
    %mul3A_45 = arith.muli %arg1, %mul3A_44 : i32
    %add3A_46 = arith.constant 208 : i32
    %add3A_47 = arith.addi %mul3A_45, %add3A_46 : i32
    %multiple_of3A_48 = tpu.assume_multiple %add3A_47, 8 : i32
    "tpu.region"() ({
      %run_scoped3A = tpu.sem_alloc : memref<!tpu.dma_semaphore, #tpu.memory_space<semaphore_mem>>
      %dma_start3A_144 = arith.constant 0 : i32
      %dma_start3A_145 = arith.constant 0 : i32
      %dma_start3A_146 = tpu.memref_slice %arg9[%dma_start3A_144, %dma_start3A_145] : memref<128x80xf32, #tpu.memory_space<vmem>> -> memref<104x80xf32, #tpu.memory_space<vmem>>
      %dma_start3A_147 = arith.constant 0 : i32
      %dma_start3A_148 = tpu.memref_slice %arg12[%multiple_of3A_48, %dma_start3A_147] : memref<10008x80xf32, #tpu.memory_space<vmem_shared>> -> memref<104x80xf32, #tpu.memory_space<vmem_shared>>
      %dma_start3A_149 = arith.constant 0 : i32
      %dma_start3A_150 = tpu.memref_slice %arg12[%multiple_of3A_48, %dma_start3A_149] : memref<10008x80xf32, #tpu.memory_space<vmem_shared>> -> memref<104x80xf32, #tpu.memory_space<vmem_shared>>
      %dma_start3A_151 = arith.constant 0 : i32
      %dma_start3A_152 = arith.constant 0 : i32
      %dma_start3A_153 = tpu.memref_slice %arg9[%dma_start3A_151, %dma_start3A_152] : memref<128x80xf32, #tpu.memory_space<vmem>> -> memref<104x80xf32, #tpu.memory_space<vmem>>
      tpu.enqueue_dma source(%dma_start3A_153 : memref<104x80xf32, #tpu.memory_space<vmem>>) target(%dma_start3A_150 : memref<104x80xf32, #tpu.memory_space<vmem_shared>>) target_semaphore(%run_scoped3A : memref<!tpu.dma_semaphore, #tpu.memory_space<semaphore_mem>>)
      %dma_wait3A = arith.constant 0 : i32
      %dma_wait3A_154 = arith.constant 0 : i32
      %dma_wait3A_155 = tpu.memref_slice %arg9[%dma_wait3A, %dma_wait3A_154] : memref<128x80xf32, #tpu.memory_space<vmem>> -> memref<104x80xf32, #tpu.memory_space<vmem>>
      %dma_wait3A_156 = arith.constant 0 : i32
      %dma_wait3A_157 = tpu.memref_slice %arg12[%multiple_of3A_48, %dma_wait3A_156] : memref<10008x80xf32, #tpu.memory_space<vmem_shared>> -> memref<104x80xf32, #tpu.memory_space<vmem_shared>>
      %dma_wait3A_158 = arith.constant 0 : i32
      %dma_wait3A_159 = tpu.memref_slice %arg12[%multiple_of3A_48, %dma_wait3A_158] : memref<10008x80xf32, #tpu.memory_space<vmem_shared>> -> memref<104x80xf32, #tpu.memory_space<vmem_shared>>
      %dma_wait3A_160 = arith.constant 0 : i32
      %dma_wait3A_161 = arith.constant 0 : i32
      %dma_wait3A_162 = tpu.memref_slice %arg9[%dma_wait3A_160, %dma_wait3A_161] : memref<128x80xf32, #tpu.memory_space<vmem>> -> memref<104x80xf32, #tpu.memory_space<vmem>>
      tpu.wait_dma2 semaphore(%run_scoped3A : memref<!tpu.dma_semaphore, #tpu.memory_space<semaphore_mem>>) src(%dma_wait3A_162 : memref<104x80xf32, #tpu.memory_space<vmem>>) dst(%dma_wait3A_159 : memref<104x80xf32, #tpu.memory_space<vmem_shared>>)
      tpu.yield
    }) : () -> ()
    %mul3A_49 = arith.constant 624 : i32
    %mul3A_50 = arith.muli %arg1, %mul3A_49 : i32
    %add3A_51 = arith.constant 312 : i32
    %add3A_52 = arith.addi %mul3A_50, %add3A_51 : i32
    %multiple_of3A_53 = tpu.assume_multiple %add3A_52, 8 : i32
    "tpu.region"() ({
      %run_scoped3A = tpu.sem_alloc : memref<!tpu.dma_semaphore, #tpu.memory_space<semaphore_mem>>
      %dma_start3A_144 = arith.constant 0 : i32
      %dma_start3A_145 = arith.constant 0 : i32
      %dma_start3A_146 = tpu.memref_slice %arg9[%dma_start3A_144, %dma_start3A_145] : memref<128x80xf32, #tpu.memory_space<vmem>> -> memref<104x80xf32, #tpu.memory_space<vmem>>
      %dma_start3A_147 = arith.constant 0 : i32
      %dma_start3A_148 = tpu.memref_slice %arg12[%multiple_of3A_53, %dma_start3A_147] : memref<10008x80xf32, #tpu.memory_space<vmem_shared>> -> memref<104x80xf32, #tpu.memory_space<vmem_shared>>
      %dma_start3A_149 = arith.constant 0 : i32
      %dma_start3A_150 = tpu.memref_slice %arg12[%multiple_of3A_53, %dma_start3A_149] : memref<10008x80xf32, #tpu.memory_space<vmem_shared>> -> memref<104x80xf32, #tpu.memory_space<vmem_shared>>
      %dma_start3A_151 = arith.constant 0 : i32
      %dma_start3A_152 = arith.constant 0 : i32
      %dma_start3A_153 = tpu.memref_slice %arg9[%dma_start3A_151, %dma_start3A_152] : memref<128x80xf32, #tpu.memory_space<vmem>> -> memref<104x80xf32, #tpu.memory_space<vmem>>
      tpu.enqueue_dma source(%dma_start3A_153 : memref<104x80xf32, #tpu.memory_space<vmem>>) target(%dma_start3A_150 : memref<104x80xf32, #tpu.memory_space<vmem_shared>>) target_semaphore(%run_scoped3A : memref<!tpu.dma_semaphore, #tpu.memory_space<semaphore_mem>>)
      %dma_wait3A = arith.constant 0 : i32
      %dma_wait3A_154 = arith.constant 0 : i32
      %dma_wait3A_155 = tpu.memref_slice %arg9[%dma_wait3A, %dma_wait3A_154] : memref<128x80xf32, #tpu.memory_space<vmem>> -> memref<104x80xf32, #tpu.memory_space<vmem>>
      %dma_wait3A_156 = arith.constant 0 : i32
      %dma_wait3A_157 = tpu.memref_slice %arg12[%multiple_of3A_53, %dma_wait3A_156] : memref<10008x80xf32, #tpu.memory_space<vmem_shared>> -> memref<104x80xf32, #tpu.memory_space<vmem_shared>>
      %dma_wait3A_158 = arith.constant 0 : i32
      %dma_wait3A_159 = tpu.memref_slice %arg12[%multiple_of3A_53, %dma_wait3A_158] : memref<10008x80xf32, #tpu.memory_space<vmem_shared>> -> memref<104x80xf32, #tpu.memory_space<vmem_shared>>
      %dma_wait3A_160 = arith.constant 0 : i32
      %dma_wait3A_161 = arith.constant 0 : i32
      %dma_wait3A_162 = tpu.memref_slice %arg9[%dma_wait3A_160, %dma_wait3A_161] : memref<128x80xf32, #tpu.memory_space<vmem>> -> memref<104x80xf32, #tpu.memory_space<vmem>>
      tpu.wait_dma2 semaphore(%run_scoped3A : memref<!tpu.dma_semaphore, #tpu.memory_space<semaphore_mem>>) src(%dma_wait3A_162 : memref<104x80xf32, #tpu.memory_space<vmem>>) dst(%dma_wait3A_159 : memref<104x80xf32, #tpu.memory_space<vmem_shared>>)
      tpu.yield
    }) : () -> ()
    %mul3A_54 = arith.constant 624 : i32
    %mul3A_55 = arith.muli %arg1, %mul3A_54 : i32
    %add3A_56 = arith.constant 416 : i32
    %add3A_57 = arith.addi %mul3A_55, %add3A_56 : i32
    %multiple_of3A_58 = tpu.assume_multiple %add3A_57, 8 : i32
    "tpu.region"() ({
      %run_scoped3A = tpu.sem_alloc : memref<!tpu.dma_semaphore, #tpu.memory_space<semaphore_mem>>
      %dma_start3A_144 = arith.constant 0 : i32
      %dma_start3A_145 = arith.constant 0 : i32
      %dma_start3A_146 = tpu.memref_slice %arg9[%dma_start3A_144, %dma_start3A_145] : memref<128x80xf32, #tpu.memory_space<vmem>> -> memref<104x80xf32, #tpu.memory_space<vmem>>
      %dma_start3A_147 = arith.constant 0 : i32
      %dma_start3A_148 = tpu.memref_slice %arg12[%multiple_of3A_58, %dma_start3A_147] : memref<10008x80xf32, #tpu.memory_space<vmem_shared>> -> memref<104x80xf32, #tpu.memory_space<vmem_shared>>
      %dma_start3A_149 = arith.constant 0 : i32
      %dma_start3A_150 = tpu.memref_slice %arg12[%multiple_of3A_58, %dma_start3A_149] : memref<10008x80xf32, #tpu.memory_space<vmem_shared>> -> memref<104x80xf32, #tpu.memory_space<vmem_shared>>
      %dma_start3A_151 = arith.constant 0 : i32
      %dma_start3A_152 = arith.constant 0 : i32
      %dma_start3A_153 = tpu.memref_slice %arg9[%dma_start3A_151, %dma_start3A_152] : memref<128x80xf32, #tpu.memory_space<vmem>> -> memref<104x80xf32, #tpu.memory_space<vmem>>
      tpu.enqueue_dma source(%dma_start3A_153 : memref<104x80xf32, #tpu.memory_space<vmem>>) target(%dma_start3A_150 : memref<104x80xf32, #tpu.memory_space<vmem_shared>>) target_semaphore(%run_scoped3A : memref<!tpu.dma_semaphore, #tpu.memory_space<semaphore_mem>>)
      %dma_wait3A = arith.constant 0 : i32
      %dma_wait3A_154 = arith.constant 0 : i32
      %dma_wait3A_155 = tpu.memref_slice %arg9[%dma_wait3A, %dma_wait3A_154] : memref<128x80xf32, #tpu.memory_space<vmem>> -> memref<104x80xf32, #tpu.memory_space<vmem>>
      %dma_wait3A_156 = arith.constant 0 : i32
      %dma_wait3A_157 = tpu.memref_slice %arg12[%multiple_of3A_58, %dma_wait3A_156] : memref<10008x80xf32, #tpu.memory_space<vmem_shared>> -> memref<104x80xf32, #tpu.memory_space<vmem_shared>>
      %dma_wait3A_158 = arith.constant 0 : i32
      %dma_wait3A_159 = tpu.memref_slice %arg12[%multiple_of3A_58, %dma_wait3A_158] : memref<10008x80xf32, #tpu.memory_space<vmem_shared>> -> memref<104x80xf32, #tpu.memory_space<vmem_shared>>
      %dma_wait3A_160 = arith.constant 0 : i32
      %dma_wait3A_161 = arith.constant 0 : i32
      %dma_wait3A_162 = tpu.memref_slice %arg9[%dma_wait3A_160, %dma_wait3A_161] : memref<128x80xf32, #tpu.memory_space<vmem>> -> memref<104x80xf32, #tpu.memory_space<vmem>>
      tpu.wait_dma2 semaphore(%run_scoped3A : memref<!tpu.dma_semaphore, #tpu.memory_space<semaphore_mem>>) src(%dma_wait3A_162 : memref<104x80xf32, #tpu.memory_space<vmem>>) dst(%dma_wait3A_159 : memref<104x80xf32, #tpu.memory_space<vmem_shared>>)
      tpu.yield
    }) : () -> ()
    %mul3A_59 = arith.constant 624 : i32
    %mul3A_60 = arith.muli %arg1, %mul3A_59 : i32
    %add3A_61 = arith.constant 520 : i32
    %add3A_62 = arith.addi %mul3A_60, %add3A_61 : i32
    %multiple_of3A_63 = tpu.assume_multiple %add3A_62, 8 : i32
    "tpu.region"() ({
      %run_scoped3A = tpu.sem_alloc : memref<!tpu.dma_semaphore, #tpu.memory_space<semaphore_mem>>
      %dma_start3A_144 = arith.constant 0 : i32
      %dma_start3A_145 = arith.constant 0 : i32
      %dma_start3A_146 = tpu.memref_slice %arg9[%dma_start3A_144, %dma_start3A_145] : memref<128x80xf32, #tpu.memory_space<vmem>> -> memref<104x80xf32, #tpu.memory_space<vmem>>
      %dma_start3A_147 = arith.constant 0 : i32
      %dma_start3A_148 = tpu.memref_slice %arg12[%multiple_of3A_63, %dma_start3A_147] : memref<10008x80xf32, #tpu.memory_space<vmem_shared>> -> memref<104x80xf32, #tpu.memory_space<vmem_shared>>
      %dma_start3A_149 = arith.constant 0 : i32
      %dma_start3A_150 = tpu.memref_slice %arg12[%multiple_of3A_63, %dma_start3A_149] : memref<10008x80xf32, #tpu.memory_space<vmem_shared>> -> memref<104x80xf32, #tpu.memory_space<vmem_shared>>
      %dma_start3A_151 = arith.constant 0 : i32
      %dma_start3A_152 = arith.constant 0 : i32
      %dma_start3A_153 = tpu.memref_slice %arg9[%dma_start3A_151, %dma_start3A_152] : memref<128x80xf32, #tpu.memory_space<vmem>> -> memref<104x80xf32, #tpu.memory_space<vmem>>
      tpu.enqueue_dma source(%dma_start3A_153 : memref<104x80xf32, #tpu.memory_space<vmem>>) target(%dma_start3A_150 : memref<104x80xf32, #tpu.memory_space<vmem_shared>>) target_semaphore(%run_scoped3A : memref<!tpu.dma_semaphore, #tpu.memory_space<semaphore_mem>>)
      %dma_wait3A = arith.constant 0 : i32
      %dma_wait3A_154 = arith.constant 0 : i32
      %dma_wait3A_155 = tpu.memref_slice %arg9[%dma_wait3A, %dma_wait3A_154] : memref<128x80xf32, #tpu.memory_space<vmem>> -> memref<104x80xf32, #tpu.memory_space<vmem>>
      %dma_wait3A_156 = arith.constant 0 : i32
      %dma_wait3A_157 = tpu.memref_slice %arg12[%multiple_of3A_63, %dma_wait3A_156] : memref<10008x80xf32, #tpu.memory_space<vmem_shared>> -> memref<104x80xf32, #tpu.memory_space<vmem_shared>>
      %dma_wait3A_158 = arith.constant 0 : i32
      %dma_wait3A_159 = tpu.memref_slice %arg12[%multiple_of3A_63, %dma_wait3A_158] : memref<10008x80xf32, #tpu.memory_space<vmem_shared>> -> memref<104x80xf32, #tpu.memory_space<vmem_shared>>
      %dma_wait3A_160 = arith.constant 0 : i32
      %dma_wait3A_161 = arith.constant 0 : i32
      %dma_wait3A_162 = tpu.memref_slice %arg9[%dma_wait3A_160, %dma_wait3A_161] : memref<128x80xf32, #tpu.memory_space<vmem>> -> memref<104x80xf32, #tpu.memory_space<vmem>>
      tpu.wait_dma2 semaphore(%run_scoped3A : memref<!tpu.dma_semaphore, #tpu.memory_space<semaphore_mem>>) src(%dma_wait3A_162 : memref<104x80xf32, #tpu.memory_space<vmem>>) dst(%dma_wait3A_159 : memref<104x80xf32, #tpu.memory_space<vmem_shared>>)
      tpu.yield
    }) : () -> ()
    %eq3A = arith.constant 0 : i32
    %eq3A_64 = arith.cmpi eq, %arg1, %eq3A : i32
    %convert_element_type3A = arith.extui %eq3A_64 : i1 to i32
    %cond3A = arith.constant 0 : i32
    %cond3A_65 = arith.cmpi ne, %convert_element_type3A, %cond3A : i32
    scf.if %cond3A_65 {
      "tpu.region"() ({
        %run_scoped3A = tpu.sem_alloc : memref<!tpu.dma_semaphore, #tpu.memory_space<semaphore_mem>>
        %dma_start3A_144 = arith.constant 0 : i32
        %dma_start3A_145 = arith.constant 0 : i32
        %dma_start3A_146 = tpu.memref_slice %arg9[%dma_start3A_144, %dma_start3A_145] : memref<128x80xf32, #tpu.memory_space<vmem>> -> memref<24x80xf32, #tpu.memory_space<vmem>>
        %dma_start3A_147 = arith.constant 9984 : i32
        %dma_start3A_148 = arith.constant 0 : i32
        %dma_start3A_149 = tpu.memref_slice %arg12[%dma_start3A_147, %dma_start3A_148] : memref<10008x80xf32, #tpu.memory_space<vmem_shared>> -> memref<24x80xf32, #tpu.memory_space<vmem_shared>>
        %dma_start3A_150 = arith.constant 9984 : i32
        %dma_start3A_151 = arith.constant 0 : i32
        %dma_start3A_152 = tpu.memref_slice %arg12[%dma_start3A_150, %dma_start3A_151] : memref<10008x80xf32, #tpu.memory_space<vmem_shared>> -> memref<24x80xf32, #tpu.memory_space<vmem_shared>>
        %dma_start3A_153 = arith.constant 0 : i32
        %dma_start3A_154 = arith.constant 0 : i32
        %dma_start3A_155 = tpu.memref_slice %arg9[%dma_start3A_153, %dma_start3A_154] : memref<128x80xf32, #tpu.memory_space<vmem>> -> memref<24x80xf32, #tpu.memory_space<vmem>>
        tpu.enqueue_dma source(%dma_start3A_155 : memref<24x80xf32, #tpu.memory_space<vmem>>) target(%dma_start3A_152 : memref<24x80xf32, #tpu.memory_space<vmem_shared>>) target_semaphore(%run_scoped3A : memref<!tpu.dma_semaphore, #tpu.memory_space<semaphore_mem>>)
        %dma_wait3A = arith.constant 0 : i32
        %dma_wait3A_156 = arith.constant 0 : i32
        %dma_wait3A_157 = tpu.memref_slice %arg9[%dma_wait3A, %dma_wait3A_156] : memref<128x80xf32, #tpu.memory_space<vmem>> -> memref<24x80xf32, #tpu.memory_space<vmem>>
        %dma_wait3A_158 = arith.constant 9984 : i32
        %dma_wait3A_159 = arith.constant 0 : i32
        %dma_wait3A_160 = tpu.memref_slice %arg12[%dma_wait3A_158, %dma_wait3A_159] : memref<10008x80xf32, #tpu.memory_space<vmem_shared>> -> memref<24x80xf32, #tpu.memory_space<vmem_shared>>
        %dma_wait3A_161 = arith.constant 9984 : i32
        %dma_wait3A_162 = arith.constant 0 : i32
        %dma_wait3A_163 = tpu.memref_slice %arg12[%dma_wait3A_161, %dma_wait3A_162] : memref<10008x80xf32, #tpu.memory_space<vmem_shared>> -> memref<24x80xf32, #tpu.memory_space<vmem_shared>>
        %dma_wait3A_164 = arith.constant 0 : i32
        %dma_wait3A_165 = arith.constant 0 : i32
        %dma_wait3A_166 = tpu.memref_slice %arg9[%dma_wait3A_164, %dma_wait3A_165] : memref<128x80xf32, #tpu.memory_space<vmem>> -> memref<24x80xf32, #tpu.memory_space<vmem>>
        tpu.wait_dma2 semaphore(%run_scoped3A : memref<!tpu.dma_semaphore, #tpu.memory_space<semaphore_mem>>) src(%dma_wait3A_166 : memref<24x80xf32, #tpu.memory_space<vmem>>) dst(%dma_wait3A_163 : memref<24x80xf32, #tpu.memory_space<vmem_shared>>)
        tpu.yield
      }) : () -> ()
    } else {
    }
    %barrier3A = arith.constant 0 : index
    tpu.barrier barrier_id(%barrier3A)
    %iota3A = tpu.iota {dimensions = array<i32: 0>} : vector<16xi32>
    %add3A_66 = arith.constant 8 : i32
    %add3A_67 = vector.broadcast %add3A_66 : i32 to vector<16xi32>
    %add3A_68 = arith.addi %iota3A, %add3A_67 : vector<16xi32>
    %jit3A = arith.constant 16 : i32
    %eq3A_69 = arith.constant 0 : i32
    %eq3A_70 = arith.cmpi eq, %jit3A, %eq3A_69 : i32
    %jit3A_71 = arith.constant 1 : i32
    %select_n3A = arith.select %eq3A_70, %jit3A_71, %jit3A : i32
    %rem3A = vector.broadcast %select_n3A : i32 to vector<16xi32>
    %rem3A_72 = arith.remsi %add3A_68, %rem3A : vector<16xi32>
    %ne3A = arith.constant 0 : i32
    %ne3A_73 = vector.broadcast %ne3A : i32 to vector<16xi32>
    %ne3A_74 = arith.cmpi ne, %rem3A_72, %ne3A_73 : vector<16xi32>
    %lt3A = arith.constant 0 : i32
    %lt3A_75 = vector.broadcast %lt3A : i32 to vector<16xi32>
    %lt3A_76 = arith.cmpi slt, %rem3A_72, %lt3A_75 : vector<16xi32>
    %lt3A_77 = arith.constant 0 : i32
    %lt3A_78 = arith.cmpi slt, %select_n3A, %lt3A_77 : i32
    %ne3A_79 = vector.broadcast %lt3A_78 : i1 to vector<16xi1>
    %ne3A_80 = vector.broadcast %ne3A_79 : vector<16xi1> to vector<16xi1>
    %ne3A_81 = arith.xori %lt3A_76, %ne3A_80 : vector<16xi1>
    %and3A = arith.andi %ne3A_81, %ne3A_74 : vector<16xi1>
    %add3A_82 = vector.broadcast %select_n3A : i32 to vector<16xi32>
    %add3A_83 = arith.addi %rem3A_72, %add3A_82 : vector<16xi32>
    %select_n3A_84 = arith.select %and3A, %add3A_83, %rem3A_72 : vector<16xi1>, vector<16xi32>
    %xor3A = arith.constant 4 : i32
    %xor3A_85 = vector.broadcast %xor3A : i32 to vector<16xi32>
    %xor3A_86 = arith.xori %iota3A, %xor3A_85 : vector<16xi32>
    %xor3A_87 = arith.constant 2 : i32
    %xor3A_88 = vector.broadcast %xor3A_87 : i32 to vector<16xi32>
    %xor3A_89 = arith.xori %iota3A, %xor3A_88 : vector<16xi32>
    %xor3A_90 = arith.constant 1 : i32
    %xor3A_91 = vector.broadcast %xor3A_90 : i32 to vector<16xi32>
    %xor3A_92 = arith.xori %iota3A, %xor3A_91 : vector<16xi32>
    %broadcast_in_dim3A_93 = arith.constant 0 : i32
    %broadcast_in_dim3A_94 = vector.broadcast %broadcast_in_dim3A_93 : i32 to vector<16xi32>
    %broadcast_in_dim3A_95 = arith.constant 8 : i32
    %broadcast_in_dim3A_96 = vector.broadcast %broadcast_in_dim3A_95 : i32 to vector<16xi32>
    %lt3A_97 = arith.constant 8 : i32
    %lt3A_98 = vector.broadcast %lt3A_97 : i32 to vector<16xi32>
    %lt3A_99 = arith.cmpi slt, %iota3A, %lt3A_98 : vector<16xi32>
    %mul3A_100 = arith.constant 4 : i32
    %mul3A_101 = arith.muli %arg0, %mul3A_100 : i32
    %scan3A_102 = arith.constant 0 : i32
    %scan3A_103 = arith.constant 0 : i32
    %scan3A_104 = arith.constant 40 : i32
    %scan3A_105 = arith.addi %scan3A_103, %scan3A_104 : i32
    %scan3A_106 = arith.constant 1 : i32
    scf.for %scan3A_144 = %scan3A_103 to %scan3A_105 step %scan3A_106  : i32 {
      %mul3A_145 = arith.constant 2 : i32
      %mul3A_146 = arith.muli %mul3A_145, %scan3A_144 : i32
      %add3A_147 = arith.constant 0 : i32
      %add3A_148 = arith.addi %mul3A_146, %add3A_147 : i32
      %dma_wait3A = arith.constant 0 : i32
      %dma_wait3A_149 = arith.constant 0 : i32
      %dma_wait3A_150 = arith.constant 0 : i32
      %dma_wait3A_151 = tpu.memref_slice %arg7[%dma_wait3A, %dma_wait3A_149, %dma_wait3A_150] : memref<2x128x64xf32, #tpu.memory_space<vmem>> -> memref<1x128x64xf32, #tpu.memory_space<vmem>>
      %dma_wait3A_152 = tpu.memref_squeeze %dma_wait3A_151 : memref<1x128x64xf32, #tpu.memory_space<vmem>> -> memref<128x64xf32, #tpu.memory_space<vmem>>
      %dma_wait3A_153 = arith.constant 0 : i32
      %dma_wait3A_154 = tpu.memref_slice %arg11[%add3A_148, %dma_wait3A_153] : memref<80x128xi32, #tpu.memory_space<vmem>> -> memref<1x128xi32, #tpu.memory_space<vmem>>
      %dma_wait3A_155 = tpu.memref_squeeze %dma_wait3A_154 : memref<1x128xi32, #tpu.memory_space<vmem>> -> memref<128xi32, #tpu.memory_space<vmem>>
      %dma_wait3A_156 = arith.constant 0 : i32
      %dma_wait3A_157 = arith.constant 0 : i32
      %dma_wait3A_158 = tpu.memref_slice %arg2[%arg0, %dma_wait3A_156, %dma_wait3A_157] : memref<2x10008x64xf32, #tpu.memory_space<hbm>> -> memref<1x10008x64xf32, #tpu.memory_space<hbm>>
      %dma_wait3A_159 = tpu.memref_squeeze %dma_wait3A_158 : memref<1x10008x64xf32, #tpu.memory_space<hbm>> -> memref<10008x64xf32, #tpu.memory_space<hbm>>
      %dma_wait3A_160 = arith.constant 0 : i32
      %dma_wait3A_161 = arith.constant 0 : i32
      %dma_wait3A_162 = tpu.memref_slice %dma_wait3A_159[%dma_wait3A_160, %dma_wait3A_161] : memref<10008x64xf32, #tpu.memory_space<hbm>> -> memref<10008x64xf32, #tpu.memory_space<hbm>>
      tpu.wait_indirect_dma semaphore(%arg13 : memref<!tpu.dma_semaphore, #tpu.memory_space<semaphore_mem>>) src(%dma_wait3A_162 : memref<10008x64xf32, #tpu.memory_space<hbm>>) dst(%dma_wait3A_152 : memref<128x64xf32, #tpu.memory_space<vmem>>)
      %dma_wait3A_163 = arith.constant 0 : i32
      %dma_wait3A_164 = arith.constant 0 : i32
      %dma_wait3A_165 = arith.constant 0 : i32
      %dma_wait3A_166 = tpu.memref_slice %arg8[%dma_wait3A_163, %dma_wait3A_164, %dma_wait3A_165] : memref<2x128x128xf32, #tpu.memory_space<vmem>> -> memref<1x128x128xf32, #tpu.memory_space<vmem>>
      %dma_wait3A_167 = tpu.memref_squeeze %dma_wait3A_166 : memref<1x128x128xf32, #tpu.memory_space<vmem>> -> memref<128x128xf32, #tpu.memory_space<vmem>>
      %dma_wait3A_168 = arith.constant 0 : i32
      %dma_wait3A_169 = tpu.memref_slice %arg10[%add3A_148, %dma_wait3A_168] : memref<80x128xi32, #tpu.memory_space<vmem>> -> memref<1x128xi32, #tpu.memory_space<vmem>>
      %dma_wait3A_170 = tpu.memref_squeeze %dma_wait3A_169 : memref<1x128xi32, #tpu.memory_space<vmem>> -> memref<128xi32, #tpu.memory_space<vmem>>
      %dma_wait3A_171 = arith.constant 0 : i32
      %dma_wait3A_172 = arith.constant 0 : i32
      %dma_wait3A_173 = tpu.memref_slice %arg3[%arg0, %dma_wait3A_171, %dma_wait3A_172] : memref<2x10000x128xf32, #tpu.memory_space<hbm>> -> memref<1x10000x128xf32, #tpu.memory_space<hbm>>
      %dma_wait3A_174 = tpu.memref_squeeze %dma_wait3A_173 : memref<1x10000x128xf32, #tpu.memory_space<hbm>> -> memref<10000x128xf32, #tpu.memory_space<hbm>>
      %dma_wait3A_175 = arith.constant 0 : i32
      %dma_wait3A_176 = arith.constant 0 : i32
      %dma_wait3A_177 = tpu.memref_slice %dma_wait3A_174[%dma_wait3A_175, %dma_wait3A_176] : memref<10000x128xf32, #tpu.memory_space<hbm>> -> memref<10000x128xf32, #tpu.memory_space<hbm>>
      tpu.wait_indirect_dma semaphore(%arg13 : memref<!tpu.dma_semaphore, #tpu.memory_space<semaphore_mem>>) src(%dma_wait3A_177 : memref<10000x128xf32, #tpu.memory_space<hbm>>) dst(%dma_wait3A_167 : memref<128x128xf32, #tpu.memory_space<vmem>>)
      %add3A_178 = arith.constant 1 : i32
      %add3A_179 = arith.addi %add3A_148, %add3A_178 : i32
      %dma_start3A_180 = arith.constant 1 : i32
      %dma_start3A_181 = arith.constant 0 : i32
      %dma_start3A_182 = arith.constant 0 : i32
      %dma_start3A_183 = tpu.memref_slice %arg7[%dma_start3A_180, %dma_start3A_181, %dma_start3A_182] : memref<2x128x64xf32, #tpu.memory_space<vmem>> -> memref<1x128x64xf32, #tpu.memory_space<vmem>>
      %dma_start3A_184 = tpu.memref_squeeze %dma_start3A_183 : memref<1x128x64xf32, #tpu.memory_space<vmem>> -> memref<128x64xf32, #tpu.memory_space<vmem>>
      %dma_start3A_185 = arith.constant 0 : i32
      %dma_start3A_186 = tpu.memref_slice %arg11[%add3A_179, %dma_start3A_185] : memref<80x128xi32, #tpu.memory_space<vmem>> -> memref<1x128xi32, #tpu.memory_space<vmem>>
      %dma_start3A_187 = tpu.memref_squeeze %dma_start3A_186 : memref<1x128xi32, #tpu.memory_space<vmem>> -> memref<128xi32, #tpu.memory_space<vmem>>
      %dma_start3A_188 = arith.constant 0 : i32
      %dma_start3A_189 = arith.constant 0 : i32
      %dma_start3A_190 = tpu.memref_slice %arg2[%arg0, %dma_start3A_188, %dma_start3A_189] : memref<2x10008x64xf32, #tpu.memory_space<hbm>> -> memref<1x10008x64xf32, #tpu.memory_space<hbm>>
      %dma_start3A_191 = tpu.memref_squeeze %dma_start3A_190 : memref<1x10008x64xf32, #tpu.memory_space<hbm>> -> memref<10008x64xf32, #tpu.memory_space<hbm>>
      %dma_start3A_192 = arith.constant 0 : i32
      %dma_start3A_193 = arith.constant 0 : i32
      %dma_start3A_194 = tpu.memref_slice %dma_start3A_191[%dma_start3A_192, %dma_start3A_193] : memref<10008x64xf32, #tpu.memory_space<hbm>> -> memref<10008x64xf32, #tpu.memory_space<hbm>>
      tpu.enqueue_indirect_dma source(%dma_start3A_194 : memref<10008x64xf32, #tpu.memory_space<hbm>>) target(%dma_start3A_184 : memref<128x64xf32, #tpu.memory_space<vmem>>) offsets(%dma_start3A_187 : memref<128xi32, #tpu.memory_space<vmem>>) semaphore(%arg13 : memref<!tpu.dma_semaphore, #tpu.memory_space<semaphore_mem>>)
      %dma_start3A_195 = arith.constant 1 : i32
      %dma_start3A_196 = arith.constant 0 : i32
      %dma_start3A_197 = arith.constant 0 : i32
      %dma_start3A_198 = tpu.memref_slice %arg8[%dma_start3A_195, %dma_start3A_196, %dma_start3A_197] : memref<2x128x128xf32, #tpu.memory_space<vmem>> -> memref<1x128x128xf32, #tpu.memory_space<vmem>>
      %dma_start3A_199 = tpu.memref_squeeze %dma_start3A_198 : memref<1x128x128xf32, #tpu.memory_space<vmem>> -> memref<128x128xf32, #tpu.memory_space<vmem>>
      %dma_start3A_200 = arith.constant 0 : i32
      %dma_start3A_201 = tpu.memref_slice %arg10[%add3A_179, %dma_start3A_200] : memref<80x128xi32, #tpu.memory_space<vmem>> -> memref<1x128xi32, #tpu.memory_space<vmem>>
      %dma_start3A_202 = tpu.memref_squeeze %dma_start3A_201 : memref<1x128xi32, #tpu.memory_space<vmem>> -> memref<128xi32, #tpu.memory_space<vmem>>
      %dma_start3A_203 = arith.constant 0 : i32
      %dma_start3A_204 = arith.constant 0 : i32
      %dma_start3A_205 = tpu.memref_slice %arg3[%arg0, %dma_start3A_203, %dma_start3A_204] : memref<2x10000x128xf32, #tpu.memory_space<hbm>> -> memref<1x10000x128xf32, #tpu.memory_space<hbm>>
      %dma_start3A_206 = tpu.memref_squeeze %dma_start3A_205 : memref<1x10000x128xf32, #tpu.memory_space<hbm>> -> memref<10000x128xf32, #tpu.memory_space<hbm>>
      %dma_start3A_207 = arith.constant 0 : i32
      %dma_start3A_208 = arith.constant 0 : i32
      %dma_start3A_209 = tpu.memref_slice %dma_start3A_206[%dma_start3A_207, %dma_start3A_208] : memref<10000x128xf32, #tpu.memory_space<hbm>> -> memref<10000x128xf32, #tpu.memory_space<hbm>>
      tpu.enqueue_indirect_dma source(%dma_start3A_209 : memref<10000x128xf32, #tpu.memory_space<hbm>>) target(%dma_start3A_199 : memref<128x128xf32, #tpu.memory_space<vmem>>) offsets(%dma_start3A_202 : memref<128xi32, #tpu.memory_space<vmem>>) semaphore(%arg13 : memref<!tpu.dma_semaphore, #tpu.memory_space<semaphore_mem>>)
      %scan3A_210 = arith.constant 0 : i32
      %scan3A_211 = arith.constant 0 : i32
      %scan3A_212 = arith.constant 128 : i32
      %scan3A_213 = arith.addi %scan3A_211, %scan3A_212 : i32
      %scan3A_214 = arith.constant 1 : i32
      scf.for %scan3A_263 = %scan3A_211 to %scan3A_213 step %scan3A_214  : i32 {
        %broadcast_in_dim3A_264 = arith.constant 0.000000e+00 : f32
        %broadcast_in_dim3A_265 = vector.broadcast %broadcast_in_dim3A_264 : f32 to vector<16xf32>
        %get3A = arith.constant 0 : i32
        %get3A_266 = arith.index_cast %get3A : i32 to index
        %get3A_267 = arith.index_cast %scan3A_263 : i32 to index
        %get3A_268 = arith.constant 0 : index
        %get3A_269 = tpu.vector_load %arg7[%get3A_266, %get3A_267, %get3A_268] {strides = array<i32>} : memref<2x128x64xf32, #tpu.memory_space<vmem>>, vector<1x1x16xf32>,
        %get3A_270 = vector.shape_cast %get3A_269 : vector<1x1x16xf32> to vector<16xf32>
        %get3A_271 = arith.constant 0 : i32
        %get3A_272 = arith.index_cast %get3A_271 : i32 to index
        %get3A_273 = arith.index_cast %scan3A_263 : i32 to index
        %get3A_274 = arith.constant 0 : index
        %get3A_275 = tpu.vector_load %arg8[%get3A_272, %get3A_273, %get3A_274] {strides = array<i32>} : memref<2x128x128xf32, #tpu.memory_space<vmem>>, vector<1x1x16xf32>,
        %get3A_276 = vector.shape_cast %get3A_275 : vector<1x1x16xf32> to vector<16xf32>
        %mul3A_277 = arith.mulf %get3A_270, %get3A_276 : vector<16xf32>
        %get3A_278 = arith.constant 0 : i32
        %get3A_279 = arith.index_cast %get3A_278 : i32 to index
        %get3A_280 = arith.index_cast %scan3A_263 : i32 to index
        %get3A_281 = arith.constant 16 : index
        %get3A_282 = tpu.vector_load %arg7[%get3A_279, %get3A_280, %get3A_281] {strides = array<i32>} : memref<2x128x64xf32, #tpu.memory_space<vmem>>, vector<1x1x16xf32>,
        %get3A_283 = vector.shape_cast %get3A_282 : vector<1x1x16xf32> to vector<16xf32>
        %get3A_284 = arith.constant 0 : i32
        %get3A_285 = arith.index_cast %get3A_284 : i32 to index
        %get3A_286 = arith.index_cast %scan3A_263 : i32 to index
        %get3A_287 = arith.constant 16 : index
        %get3A_288 = tpu.vector_load %arg8[%get3A_285, %get3A_286, %get3A_287] {strides = array<i32>} : memref<2x128x128xf32, #tpu.memory_space<vmem>>, vector<1x1x16xf32>,
        %get3A_289 = vector.shape_cast %get3A_288 : vector<1x1x16xf32> to vector<16xf32>
        %mul3A_290 = arith.mulf %get3A_283, %get3A_289 : vector<16xf32>
        %lt3A_291 = arith.constant 0 : i32
        %lt3A_292 = vector.broadcast %lt3A_291 : i32 to vector<16xi32>
        %lt3A_293 = arith.cmpi slt, %select_n3A_84, %lt3A_292 : vector<16xi32>
        %add3A_294 = arith.constant 16 : i32
        %add3A_295 = vector.broadcast %add3A_294 : i32 to vector<16xi32>
        %add3A_296 = arith.addi %select_n3A_84, %add3A_295 : vector<16xi32>
        %select_n3A_297 = arith.select %lt3A_293, %add3A_296, %select_n3A_84 : vector<16xi1>, vector<16xi32>
        %broadcast_in_dim3A_298 = vector.shape_cast %select_n3A_297 : vector<16xi32> to vector<16x1xi32>
        %gather3A = vector.shape_cast %broadcast_in_dim3A_298 : vector<16x1xi32> to vector<16xi32>
        %gather3A_299 = tpu.dynamic_gather %mul3A_277[%gather3A] in [0] : vector<16xf32>, vector<16xi32> -> vector<16xf32>
        %add3A_300 = arith.addf %mul3A_277, %gather3A_299 : vector<16xf32>
        %lt3A_301 = arith.constant 0 : i32
        %lt3A_302 = vector.broadcast %lt3A_301 : i32 to vector<16xi32>
        %lt3A_303 = arith.cmpi slt, %select_n3A_84, %lt3A_302 : vector<16xi32>
        %add3A_304 = arith.constant 16 : i32
        %add3A_305 = vector.broadcast %add3A_304 : i32 to vector<16xi32>
        %add3A_306 = arith.addi %select_n3A_84, %add3A_305 : vector<16xi32>
        %select_n3A_307 = arith.select %lt3A_303, %add3A_306, %select_n3A_84 : vector<16xi1>, vector<16xi32>
        %broadcast_in_dim3A_308 = vector.shape_cast %select_n3A_307 : vector<16xi32> to vector<16x1xi32>
        %gather3A_309 = vector.shape_cast %broadcast_in_dim3A_308 : vector<16x1xi32> to vector<16xi32>
        %gather3A_310 = tpu.dynamic_gather %mul3A_290[%gather3A_309] in [0] : vector<16xf32>, vector<16xi32> -> vector<16xf32>
        %add3A_311 = arith.addf %mul3A_290, %gather3A_310 : vector<16xf32>
        %select_n3A_312 = arith.select %lt3A_99, %add3A_300, %add3A_311 : vector<16xi1>, vector<16xf32>
        %lt3A_313 = arith.constant 0 : i32
        %lt3A_314 = vector.broadcast %lt3A_313 : i32 to vector<16xi32>
        %lt3A_315 = arith.cmpi slt, %xor3A_86, %lt3A_314 : vector<16xi32>
        %add3A_316 = arith.constant 16 : i32
        %add3A_317 = vector.broadcast %add3A_316 : i32 to vector<16xi32>
        %add3A_318 = arith.addi %xor3A_86, %add3A_317 : vector<16xi32>
        %select_n3A_319 = arith.select %lt3A_315, %add3A_318, %xor3A_86 : vector<16xi1>, vector<16xi32>
        %broadcast_in_dim3A_320 = vector.shape_cast %select_n3A_319 : vector<16xi32> to vector<16x1xi32>
        %gather3A_321 = vector.shape_cast %broadcast_in_dim3A_320 : vector<16x1xi32> to vector<16xi32>
        %gather3A_322 = tpu.dynamic_gather %select_n3A_312[%gather3A_321] in [0] : vector<16xf32>, vector<16xi32> -> vector<16xf32>
        %add3A_323 = arith.addf %select_n3A_312, %gather3A_322 : vector<16xf32>
        %lt3A_324 = arith.constant 0 : i32
        %lt3A_325 = vector.broadcast %lt3A_324 : i32 to vector<16xi32>
        %lt3A_326 = arith.cmpi slt, %xor3A_89, %lt3A_325 : vector<16xi32>
        %add3A_327 = arith.constant 16 : i32
        %add3A_328 = vector.broadcast %add3A_327 : i32 to vector<16xi32>
        %add3A_329 = arith.addi %xor3A_89, %add3A_328 : vector<16xi32>
        %select_n3A_330 = arith.select %lt3A_326, %add3A_329, %xor3A_89 : vector<16xi1>, vector<16xi32>
        %broadcast_in_dim3A_331 = vector.shape_cast %select_n3A_330 : vector<16xi32> to vector<16x1xi32>
        %gather3A_332 = vector.shape_cast %broadcast_in_dim3A_331 : vector<16x1xi32> to vector<16xi32>
        %gather3A_333 = tpu.dynamic_gather %add3A_323[%gather3A_332] in [0] : vector<16xf32>, vector<16xi32> -> vector<16xf32>
        %add3A_334 = arith.addf %add3A_323, %gather3A_333 : vector<16xf32>
        %lt3A_335 = arith.constant 0 : i32
        %lt3A_336 = vector.broadcast %lt3A_335 : i32 to vector<16xi32>
        %lt3A_337 = arith.cmpi slt, %xor3A_92, %lt3A_336 : vector<16xi32>
        %add3A_338 = arith.constant 16 : i32
        %add3A_339 = vector.broadcast %add3A_338 : i32 to vector<16xi32>
        %add3A_340 = arith.addi %xor3A_92, %add3A_339 : vector<16xi32>
        %select_n3A_341 = arith.select %lt3A_337, %add3A_340, %xor3A_92 : vector<16xi1>, vector<16xi32>
        %broadcast_in_dim3A_342 = vector.shape_cast %select_n3A_341 : vector<16xi32> to vector<16x1xi32>
        %gather3A_343 = vector.shape_cast %broadcast_in_dim3A_342 : vector<16x1xi32> to vector<16xi32>
        %gather3A_344 = tpu.dynamic_gather %add3A_334[%gather3A_343] in [0] : vector<16xf32>, vector<16xi32> -> vector<16xf32>
        %add3A_345 = arith.addf %add3A_334, %gather3A_344 : vector<16xf32>
        %exp3A = math.exp %add3A_345 : vector<16xf32>
        %lt3A_346 = arith.constant 0 : i32
        %lt3A_347 = vector.broadcast %lt3A_346 : i32 to vector<16xi32>
        %lt3A_348 = arith.cmpi slt, %broadcast_in_dim3A_94, %lt3A_347 : vector<16xi32>
        %add3A_349 = arith.constant 16 : i32
        %add3A_350 = vector.broadcast %add3A_349 : i32 to vector<16xi32>
        %add3A_351 = arith.addi %broadcast_in_dim3A_94, %add3A_350 : vector<16xi32>
        %select_n3A_352 = arith.select %lt3A_348, %add3A_351, %broadcast_in_dim3A_94 : vector<16xi1>, vector<16xi32>
        %broadcast_in_dim3A_353 = vector.shape_cast %select_n3A_352 : vector<16xi32> to vector<16x1xi32>
        %gather3A_354 = vector.shape_cast %broadcast_in_dim3A_353 : vector<16x1xi32> to vector<16xi32>
        %gather3A_355 = tpu.dynamic_gather %exp3A[%gather3A_354] in [0] : vector<16xf32>, vector<16xi32> -> vector<16xf32>
        %lt3A_356 = arith.constant 0 : i32
        %lt3A_357 = vector.broadcast %lt3A_356 : i32 to vector<16xi32>
        %lt3A_358 = arith.cmpi slt, %broadcast_in_dim3A_96, %lt3A_357 : vector<16xi32>
        %add3A_359 = arith.constant 16 : i32
        %add3A_360 = vector.broadcast %add3A_359 : i32 to vector<16xi32>
        %add3A_361 = arith.addi %broadcast_in_dim3A_96, %add3A_360 : vector<16xi32>
        %select_n3A_362 = arith.select %lt3A_358, %add3A_361, %broadcast_in_dim3A_96 : vector<16xi1>, vector<16xi32>
        %broadcast_in_dim3A_363 = vector.shape_cast %select_n3A_362 : vector<16xi32> to vector<16x1xi32>
        %gather3A_364 = vector.shape_cast %broadcast_in_dim3A_363 : vector<16x1xi32> to vector<16xi32>
        %gather3A_365 = tpu.dynamic_gather %exp3A[%gather3A_364] in [0] : vector<16xf32>, vector<16xi32> -> vector<16xf32>
        %get3A_366 = arith.constant 0 : i32
        %get3A_367 = arith.index_cast %get3A_366 : i32 to index
        %get3A_368 = arith.index_cast %scan3A_263 : i32 to index
        %get3A_369 = arith.constant 64 : index
        %get3A_370 = tpu.vector_load %arg8[%get3A_367, %get3A_368, %get3A_369] {strides = array<i32>} : memref<2x128x128xf32, #tpu.memory_space<vmem>>, vector<1x1x16xf32>,
        %get3A_371 = vector.shape_cast %get3A_370 : vector<1x1x16xf32> to vector<16xf32>
        %mul3A_372 = arith.mulf %get3A_371, %gather3A_355 : vector<16xf32>
        %swap3A = arith.index_cast %scan3A_263 : i32 to index
        %swap3A_373 = arith.constant 0 : index
        %swap3A_374 = tpu.vector_load %arg9[%swap3A, %swap3A_373] {strides = array<i32>} : memref<128x80xf32, #tpu.memory_space<vmem>>, vector<1x16xf32>,
        %swap3A_375 = vector.shape_cast %swap3A_374 : vector<1x16xf32> to vector<16xf32>
        %swap3A_376 = vector.shape_cast %mul3A_372 : vector<16xf32> to vector<1x16xf32>
        tpu.vector_store %arg9[%swap3A, %swap3A_373], %swap3A_376 {strides = array<i32>} : memref<128x80xf32, #tpu.memory_space<vmem>>, vector<1x16xf32>,
        %get3A_377 = arith.constant 0 : i32
        %get3A_378 = arith.index_cast %get3A_377 : i32 to index
        %get3A_379 = arith.index_cast %scan3A_263 : i32 to index
        %get3A_380 = arith.constant 80 : index
        %get3A_381 = tpu.vector_load %arg8[%get3A_378, %get3A_379, %get3A_380] {strides = array<i32>} : memref<2x128x128xf32, #tpu.memory_space<vmem>>, vector<1x1x16xf32>,
        %get3A_382 = vector.shape_cast %get3A_381 : vector<1x1x16xf32> to vector<16xf32>
        %mul3A_383 = arith.mulf %get3A_382, %gather3A_365 : vector<16xf32>
        %swap3A_384 = arith.index_cast %scan3A_263 : i32 to index
        %swap3A_385 = arith.constant 16 : index
        %swap3A_386 = tpu.vector_load %arg9[%swap3A_384, %swap3A_385] {strides = array<i32>} : memref<128x80xf32, #tpu.memory_space<vmem>>, vector<1x16xf32>,
        %swap3A_387 = vector.shape_cast %swap3A_386 : vector<1x16xf32> to vector<16xf32>
        %swap3A_388 = vector.shape_cast %mul3A_383 : vector<16xf32> to vector<1x16xf32>
        tpu.vector_store %arg9[%swap3A_384, %swap3A_385], %swap3A_388 {strides = array<i32>} : memref<128x80xf32, #tpu.memory_space<vmem>>, vector<1x16xf32>,
        %add3A_389 = arith.constant 0 : i32
        %add3A_390 = arith.addi %mul3A_101, %add3A_389 : i32
        %eq3A_391 = vector.broadcast %add3A_390 : i32 to vector<16xi32>
        %eq3A_392 = arith.cmpi eq, %iota3A, %eq3A_391 : vector<16xi32>
        %select_n3A_393 = arith.select %eq3A_392, %gather3A_355, %broadcast_in_dim3A_265 : vector<16xi1>, vector<16xf32>
        %add3A_394 = arith.constant 0 : i32
        %add3A_395 = arith.addi %mul3A_101, %add3A_394 : i32
        %add3A_396 = arith.constant 1 : i32
        %add3A_397 = arith.addi %add3A_395, %add3A_396 : i32
        %eq3A_398 = vector.broadcast %add3A_397 : i32 to vector<16xi32>
        %eq3A_399 = arith.cmpi eq, %iota3A, %eq3A_398 : vector<16xi32>
        %select_n3A_400 = arith.select %eq3A_399, %gather3A_365, %select_n3A_393 : vector<16xi1>, vector<16xf32>
        %get3A_401 = arith.constant 0 : i32
        %get3A_402 = arith.index_cast %get3A_401 : i32 to index
        %get3A_403 = arith.index_cast %scan3A_263 : i32 to index
        %get3A_404 = arith.constant 32 : index
        %get3A_405 = tpu.vector_load %arg7[%get3A_402, %get3A_403, %get3A_404] {strides = array<i32>} : memref<2x128x64xf32, #tpu.memory_space<vmem>>, vector<1x1x16xf32>,
        %get3A_406 = vector.shape_cast %get3A_405 : vector<1x1x16xf32> to vector<16xf32>
        %get3A_407 = arith.constant 0 : i32
        %get3A_408 = arith.index_cast %get3A_407 : i32 to index
        %get3A_409 = arith.index_cast %scan3A_263 : i32 to index
        %get3A_410 = arith.constant 32 : index
        %get3A_411 = tpu.vector_load %arg8[%get3A_408, %get3A_409, %get3A_410] {strides = array<i32>} : memref<2x128x128xf32, #tpu.memory_space<vmem>>, vector<1x1x16xf32>,
        %get3A_412 = vector.shape_cast %get3A_411 : vector<1x1x16xf32> to vector<16xf32>
        %mul3A_413 = arith.mulf %get3A_406, %get3A_412 : vector<16xf32>
        %get3A_414 = arith.constant 0 : i32
        %get3A_415 = arith.index_cast %get3A_414 : i32 to index
        %get3A_416 = arith.index_cast %scan3A_263 : i32 to index
        %get3A_417 = arith.constant 48 : index
        %get3A_418 = tpu.vector_load %arg7[%get3A_415, %get3A_416, %get3A_417] {strides = array<i32>} : memref<2x128x64xf32, #tpu.memory_space<vmem>>, vector<1x1x16xf32>,
        %get3A_419 = vector.shape_cast %get3A_418 : vector<1x1x16xf32> to vector<16xf32>
        %get3A_420 = arith.constant 0 : i32
        %get3A_421 = arith.index_cast %get3A_420 : i32 to index
        %get3A_422 = arith.index_cast %scan3A_263 : i32 to index
        %get3A_423 = arith.constant 48 : index
        %get3A_424 = tpu.vector_load %arg8[%get3A_421, %get3A_422, %get3A_423] {strides = array<i32>} : memref<2x128x128xf32, #tpu.memory_space<vmem>>, vector<1x1x16xf32>,
        %get3A_425 = vector.shape_cast %get3A_424 : vector<1x1x16xf32> to vector<16xf32>
        %mul3A_426 = arith.mulf %get3A_419, %get3A_425 : vector<16xf32>
        %lt3A_427 = arith.constant 0 : i32
        %lt3A_428 = vector.broadcast %lt3A_427 : i32 to vector<16xi32>
        %lt3A_429 = arith.cmpi slt, %select_n3A_84, %lt3A_428 : vector<16xi32>
        %add3A_430 = arith.constant 16 : i32
        %add3A_431 = vector.broadcast %add3A_430 : i32 to vector<16xi32>
        %add3A_432 = arith.addi %select_n3A_84, %add3A_431 : vector<16xi32>
        %select_n3A_433 = arith.select %lt3A_429, %add3A_432, %select_n3A_84 : vector<16xi1>, vector<16xi32>
        %broadcast_in_dim3A_434 = vector.shape_cast %select_n3A_433 : vector<16xi32> to vector<16x1xi32>
        %gather3A_435 = vector.shape_cast %broadcast_in_dim3A_434 : vector<16x1xi32> to vector<16xi32>
        %gather3A_436 = tpu.dynamic_gather %mul3A_413[%gather3A_435] in [0] : vector<16xf32>, vector<16xi32> -> vector<16xf32>
        %add3A_437 = arith.addf %mul3A_413, %gather3A_436 : vector<16xf32>
        %lt3A_438 = arith.constant 0 : i32
        %lt3A_439 = vector.broadcast %lt3A_438 : i32 to vector<16xi32>
        %lt3A_440 = arith.cmpi slt, %select_n3A_84, %lt3A_439 : vector<16xi32>
        %add3A_441 = arith.constant 16 : i32
        %add3A_442 = vector.broadcast %add3A_441 : i32 to vector<16xi32>
        %add3A_443 = arith.addi %select_n3A_84, %add3A_442 : vector<16xi32>
        %select_n3A_444 = arith.select %lt3A_440, %add3A_443, %select_n3A_84 : vector<16xi1>, vector<16xi32>
        %broadcast_in_dim3A_445 = vector.shape_cast %select_n3A_444 : vector<16xi32> to vector<16x1xi32>
        %gather3A_446 = vector.shape_cast %broadcast_in_dim3A_445 : vector<16x1xi32> to vector<16xi32>
        %gather3A_447 = tpu.dynamic_gather %mul3A_426[%gather3A_446] in [0] : vector<16xf32>, vector<16xi32> -> vector<16xf32>
        %add3A_448 = arith.addf %mul3A_426, %gather3A_447 : vector<16xf32>
        %select_n3A_449 = arith.select %lt3A_99, %add3A_437, %add3A_448 : vector<16xi1>, vector<16xf32>
        %lt3A_450 = arith.constant 0 : i32
        %lt3A_451 = vector.broadcast %lt3A_450 : i32 to vector<16xi32>
        %lt3A_452 = arith.cmpi slt, %xor3A_86, %lt3A_451 : vector<16xi32>
        %add3A_453 = arith.constant 16 : i32
        %add3A_454 = vector.broadcast %add3A_453 : i32 to vector<16xi32>
        %add3A_455 = arith.addi %xor3A_86, %add3A_454 : vector<16xi32>
        %select_n3A_456 = arith.select %lt3A_452, %add3A_455, %xor3A_86 : vector<16xi1>, vector<16xi32>
        %broadcast_in_dim3A_457 = vector.shape_cast %select_n3A_456 : vector<16xi32> to vector<16x1xi32>
        %gather3A_458 = vector.shape_cast %broadcast_in_dim3A_457 : vector<16x1xi32> to vector<16xi32>
        %gather3A_459 = tpu.dynamic_gather %select_n3A_449[%gather3A_458] in [0] : vector<16xf32>, vector<16xi32> -> vector<16xf32>
        %add3A_460 = arith.addf %select_n3A_449, %gather3A_459 : vector<16xf32>
        %lt3A_461 = arith.constant 0 : i32
        %lt3A_462 = vector.broadcast %lt3A_461 : i32 to vector<16xi32>
        %lt3A_463 = arith.cmpi slt, %xor3A_89, %lt3A_462 : vector<16xi32>
        %add3A_464 = arith.constant 16 : i32
        %add3A_465 = vector.broadcast %add3A_464 : i32 to vector<16xi32>
        %add3A_466 = arith.addi %xor3A_89, %add3A_465 : vector<16xi32>
        %select_n3A_467 = arith.select %lt3A_463, %add3A_466, %xor3A_89 : vector<16xi1>, vector<16xi32>
        %broadcast_in_dim3A_468 = vector.shape_cast %select_n3A_467 : vector<16xi32> to vector<16x1xi32>
        %gather3A_469 = vector.shape_cast %broadcast_in_dim3A_468 : vector<16x1xi32> to vector<16xi32>
        %gather3A_470 = tpu.dynamic_gather %add3A_460[%gather3A_469] in [0] : vector<16xf32>, vector<16xi32> -> vector<16xf32>
        %add3A_471 = arith.addf %add3A_460, %gather3A_470 : vector<16xf32>
        %lt3A_472 = arith.constant 0 : i32
        %lt3A_473 = vector.broadcast %lt3A_472 : i32 to vector<16xi32>
        %lt3A_474 = arith.cmpi slt, %xor3A_92, %lt3A_473 : vector<16xi32>
        %add3A_475 = arith.constant 16 : i32
        %add3A_476 = vector.broadcast %add3A_475 : i32 to vector<16xi32>
        %add3A_477 = arith.addi %xor3A_92, %add3A_476 : vector<16xi32>
        %select_n3A_478 = arith.select %lt3A_474, %add3A_477, %xor3A_92 : vector<16xi1>, vector<16xi32>
        %broadcast_in_dim3A_479 = vector.shape_cast %select_n3A_478 : vector<16xi32> to vector<16x1xi32>
        %gather3A_480 = vector.shape_cast %broadcast_in_dim3A_479 : vector<16x1xi32> to vector<16xi32>
        %gather3A_481 = tpu.dynamic_gather %add3A_471[%gather3A_480] in [0] : vector<16xf32>, vector<16xi32> -> vector<16xf32>
        %add3A_482 = arith.addf %add3A_471, %gather3A_481 : vector<16xf32>
        %exp3A_483 = math.exp %add3A_482 : vector<16xf32>
        %lt3A_484 = arith.constant 0 : i32
        %lt3A_485 = vector.broadcast %lt3A_484 : i32 to vector<16xi32>
        %lt3A_486 = arith.cmpi slt, %broadcast_in_dim3A_94, %lt3A_485 : vector<16xi32>
        %add3A_487 = arith.constant 16 : i32
        %add3A_488 = vector.broadcast %add3A_487 : i32 to vector<16xi32>
        %add3A_489 = arith.addi %broadcast_in_dim3A_94, %add3A_488 : vector<16xi32>
        %select_n3A_490 = arith.select %lt3A_486, %add3A_489, %broadcast_in_dim3A_94 : vector<16xi1>, vector<16xi32>
        %broadcast_in_dim3A_491 = vector.shape_cast %select_n3A_490 : vector<16xi32> to vector<16x1xi32>
        %gather3A_492 = vector.shape_cast %broadcast_in_dim3A_491 : vector<16x1xi32> to vector<16xi32>
        %gather3A_493 = tpu.dynamic_gather %exp3A_483[%gather3A_492] in [0] : vector<16xf32>, vector<16xi32> -> vector<16xf32>
        %lt3A_494 = arith.constant 0 : i32
        %lt3A_495 = vector.broadcast %lt3A_494 : i32 to vector<16xi32>
        %lt3A_496 = arith.cmpi slt, %broadcast_in_dim3A_96, %lt3A_495 : vector<16xi32>
        %add3A_497 = arith.constant 16 : i32
        %add3A_498 = vector.broadcast %add3A_497 : i32 to vector<16xi32>
        %add3A_499 = arith.addi %broadcast_in_dim3A_96, %add3A_498 : vector<16xi32>
        %select_n3A_500 = arith.select %lt3A_496, %add3A_499, %broadcast_in_dim3A_96 : vector<16xi1>, vector<16xi32>
        %broadcast_in_dim3A_501 = vector.shape_cast %select_n3A_500 : vector<16xi32> to vector<16x1xi32>
        %gather3A_502 = vector.shape_cast %broadcast_in_dim3A_501 : vector<16x1xi32> to vector<16xi32>
        %gather3A_503 = tpu.dynamic_gather %exp3A_483[%gather3A_502] in [0] : vector<16xf32>, vector<16xi32> -> vector<16xf32>
        %get3A_504 = arith.constant 0 : i32
        %get3A_505 = arith.index_cast %get3A_504 : i32 to index
        %get3A_506 = arith.index_cast %scan3A_263 : i32 to index
        %get3A_507 = arith.constant 96 : index
        %get3A_508 = tpu.vector_load %arg8[%get3A_505, %get3A_506, %get3A_507] {strides = array<i32>} : memref<2x128x128xf32, #tpu.memory_space<vmem>>, vector<1x1x16xf32>,
        %get3A_509 = vector.shape_cast %get3A_508 : vector<1x1x16xf32> to vector<16xf32>
        %mul3A_510 = arith.mulf %get3A_509, %gather3A_493 : vector<16xf32>
        %swap3A_511 = arith.index_cast %scan3A_263 : i32 to index
        %swap3A_512 = arith.constant 32 : index
        %swap3A_513 = tpu.vector_load %arg9[%swap3A_511, %swap3A_512] {strides = array<i32>} : memref<128x80xf32, #tpu.memory_space<vmem>>, vector<1x16xf32>,
        %swap3A_514 = vector.shape_cast %swap3A_513 : vector<1x16xf32> to vector<16xf32>
        %swap3A_515 = vector.shape_cast %mul3A_510 : vector<16xf32> to vector<1x16xf32>
        tpu.vector_store %arg9[%swap3A_511, %swap3A_512], %swap3A_515 {strides = array<i32>} : memref<128x80xf32, #tpu.memory_space<vmem>>, vector<1x16xf32>,
        %get3A_516 = arith.constant 0 : i32
        %get3A_517 = arith.index_cast %get3A_516 : i32 to index
        %get3A_518 = arith.index_cast %scan3A_263 : i32 to index
        %get3A_519 = arith.constant 112 : index
        %get3A_520 = tpu.vector_load %arg8[%get3A_517, %get3A_518, %get3A_519] {strides = array<i32>} : memref<2x128x128xf32, #tpu.memory_space<vmem>>, vector<1x1x16xf32>,
        %get3A_521 = vector.shape_cast %get3A_520 : vector<1x1x16xf32> to vector<16xf32>
        %mul3A_522 = arith.mulf %get3A_521, %gather3A_503 : vector<16xf32>
        %swap3A_523 = arith.index_cast %scan3A_263 : i32 to index
        %swap3A_524 = arith.constant 48 : index
        %swap3A_525 = tpu.vector_load %arg9[%swap3A_523, %swap3A_524] {strides = array<i32>} : memref<128x80xf32, #tpu.memory_space<vmem>>, vector<1x16xf32>,
        %swap3A_526 = vector.shape_cast %swap3A_525 : vector<1x16xf32> to vector<16xf32>
        %swap3A_527 = vector.shape_cast %mul3A_522 : vector<16xf32> to vector<1x16xf32>
        tpu.vector_store %arg9[%swap3A_523, %swap3A_524], %swap3A_527 {strides = array<i32>} : memref<128x80xf32, #tpu.memory_space<vmem>>, vector<1x16xf32>,
        %add3A_528 = arith.constant 2 : i32
        %add3A_529 = arith.addi %mul3A_101, %add3A_528 : i32
        %eq3A_530 = vector.broadcast %add3A_529 : i32 to vector<16xi32>
        %eq3A_531 = arith.cmpi eq, %iota3A, %eq3A_530 : vector<16xi32>
        %select_n3A_532 = arith.select %eq3A_531, %gather3A_493, %select_n3A_400 : vector<16xi1>, vector<16xf32>
        %add3A_533 = arith.constant 2 : i32
        %add3A_534 = arith.addi %mul3A_101, %add3A_533 : i32
        %add3A_535 = arith.constant 1 : i32
        %add3A_536 = arith.addi %add3A_534, %add3A_535 : i32
        %eq3A_537 = vector.broadcast %add3A_536 : i32 to vector<16xi32>
        %eq3A_538 = arith.cmpi eq, %iota3A, %eq3A_537 : vector<16xi32>
        %select_n3A_539 = arith.select %eq3A_538, %gather3A_503, %select_n3A_532 : vector<16xi1>, vector<16xf32>
        %swap3A_540 = arith.index_cast %scan3A_263 : i32 to index
        %swap3A_541 = arith.constant 64 : index
        %swap3A_542 = tpu.vector_load %arg9[%swap3A_540, %swap3A_541] {strides = array<i32>} : memref<128x80xf32, #tpu.memory_space<vmem>>, vector<1x16xf32>,
        %swap3A_543 = vector.shape_cast %swap3A_542 : vector<1x16xf32> to vector<16xf32>
        %swap3A_544 = vector.shape_cast %select_n3A_539 : vector<16xf32> to vector<1x16xf32>
        tpu.vector_store %arg9[%swap3A_540, %swap3A_541], %swap3A_544 {strides = array<i32>} : memref<128x80xf32, #tpu.memory_space<vmem>>, vector<1x16xf32>,
      }
      %scan3A_215 = arith.constant 128 : i32
      "tpu.region"() ({
        %run_scoped3A = tpu.sem_alloc : memref<!tpu.dma_semaphore, #tpu.memory_space<semaphore_mem>>
        %dma_start3A_263 = arith.constant 0 : i32
        %dma_start3A_264 = tpu.memref_slice %arg11[%add3A_148, %dma_start3A_263] : memref<80x128xi32, #tpu.memory_space<vmem>> -> memref<1x128xi32, #tpu.memory_space<vmem>>
        %dma_start3A_265 = tpu.memref_squeeze %dma_start3A_264 : memref<1x128xi32, #tpu.memory_space<vmem>> -> memref<128xi32, #tpu.memory_space<vmem>>
        %dma_start3A_266 = arith.constant 0 : i32
        %dma_start3A_267 = arith.constant 0 : i32
        %dma_start3A_268 = tpu.memref_slice %arg12[%dma_start3A_266, %dma_start3A_267] : memref<10008x80xf32, #tpu.memory_space<vmem_shared>> -> memref<10008x80xf32, #tpu.memory_space<vmem_shared>>
        tpu.enqueue_indirect_dma source(%arg9 : memref<128x80xf32, #tpu.memory_space<vmem>>) target(%dma_start3A_268 : memref<10008x80xf32, #tpu.memory_space<vmem_shared>>) offsets(%dma_start3A_265 : memref<128xi32, #tpu.memory_space<vmem>>) semaphore(%run_scoped3A : memref<!tpu.dma_semaphore, #tpu.memory_space<semaphore_mem>>) {add = true}
        %dma_wait3A_269 = arith.constant 0 : i32
        %dma_wait3A_270 = tpu.memref_slice %arg11[%add3A_148, %dma_wait3A_269] : memref<80x128xi32, #tpu.memory_space<vmem>> -> memref<1x128xi32, #tpu.memory_space<vmem>>
        %dma_wait3A_271 = tpu.memref_squeeze %dma_wait3A_270 : memref<1x128xi32, #tpu.memory_space<vmem>> -> memref<128xi32, #tpu.memory_space<vmem>>
        %dma_wait3A_272 = arith.constant 0 : i32
        %dma_wait3A_273 = arith.constant 0 : i32
        %dma_wait3A_274 = tpu.memref_slice %arg12[%dma_wait3A_272, %dma_wait3A_273] : memref<10008x80xf32, #tpu.memory_space<vmem_shared>> -> memref<10008x80xf32, #tpu.memory_space<vmem_shared>>
        tpu.wait_indirect_dma semaphore(%run_scoped3A : memref<!tpu.dma_semaphore, #tpu.memory_space<semaphore_mem>>) src(%arg9 : memref<128x80xf32, #tpu.memory_space<vmem>>) dst(%dma_wait3A_274 : memref<10008x80xf32, #tpu.memory_space<vmem_shared>>)
        tpu.yield
      }) : () -> ()
      %mul3A_216 = arith.constant 2 : i32
      %mul3A_217 = arith.muli %mul3A_216, %scan3A_144 : i32
      %add3A_218 = arith.constant 1 : i32
      %add3A_219 = arith.addi %mul3A_217, %add3A_218 : i32
      %dma_wait3A_220 = arith.constant 1 : i32
      %dma_wait3A_221 = arith.constant 0 : i32
      %dma_wait3A_222 = arith.constant 0 : i32
      %dma_wait3A_223 = tpu.memref_slice %arg7[%dma_wait3A_220, %dma_wait3A_221, %dma_wait3A_222] : memref<2x128x64xf32, #tpu.memory_space<vmem>> -> memref<1x128x64xf32, #tpu.memory_space<vmem>>
      %dma_wait3A_224 = tpu.memref_squeeze %dma_wait3A_223 : memref<1x128x64xf32, #tpu.memory_space<vmem>> -> memref<128x64xf32, #tpu.memory_space<vmem>>
      %dma_wait3A_225 = arith.constant 0 : i32
      %dma_wait3A_226 = tpu.memref_slice %arg11[%add3A_219, %dma_wait3A_225] : memref<80x128xi32, #tpu.memory_space<vmem>> -> memref<1x128xi32, #tpu.memory_space<vmem>>
      %dma_wait3A_227 = tpu.memref_squeeze %dma_wait3A_226 : memref<1x128xi32, #tpu.memory_space<vmem>> -> memref<128xi32, #tpu.memory_space<vmem>>
      %dma_wait3A_228 = arith.constant 0 : i32
      %dma_wait3A_229 = arith.constant 0 : i32
      %dma_wait3A_230 = tpu.memref_slice %arg2[%arg0, %dma_wait3A_228, %dma_wait3A_229] : memref<2x10008x64xf32, #tpu.memory_space<hbm>> -> memref<1x10008x64xf32, #tpu.memory_space<hbm>>
      %dma_wait3A_231 = tpu.memref_squeeze %dma_wait3A_230 : memref<1x10008x64xf32, #tpu.memory_space<hbm>> -> memref<10008x64xf32, #tpu.memory_space<hbm>>
      %dma_wait3A_232 = arith.constant 0 : i32
      %dma_wait3A_233 = arith.constant 0 : i32
      %dma_wait3A_234 = tpu.memref_slice %dma_wait3A_231[%dma_wait3A_232, %dma_wait3A_233] : memref<10008x64xf32, #tpu.memory_space<hbm>> -> memref<10008x64xf32, #tpu.memory_space<hbm>>
      tpu.wait_indirect_dma semaphore(%arg13 : memref<!tpu.dma_semaphore, #tpu.memory_space<semaphore_mem>>) src(%dma_wait3A_234 : memref<10008x64xf32, #tpu.memory_space<hbm>>) dst(%dma_wait3A_224 : memref<128x64xf32, #tpu.memory_space<vmem>>)
      %dma_wait3A_235 = arith.constant 1 : i32
      %dma_wait3A_236 = arith.constant 0 : i32
      %dma_wait3A_237 = arith.constant 0 : i32
      %dma_wait3A_238 = tpu.memref_slice %arg8[%dma_wait3A_235, %dma_wait3A_236, %dma_wait3A_237] : memref<2x128x128xf32, #tpu.memory_space<vmem>> -> memref<1x128x128xf32, #tpu.memory_space<vmem>>
      %dma_wait3A_239 = tpu.memref_squeeze %dma_wait3A_238 : memref<1x128x128xf32, #tpu.memory_space<vmem>> -> memref<128x128xf32, #tpu.memory_space<vmem>>
      %dma_wait3A_240 = arith.constant 0 : i32
      %dma_wait3A_241 = tpu.memref_slice %arg10[%add3A_219, %dma_wait3A_240] : memref<80x128xi32, #tpu.memory_space<vmem>> -> memref<1x128xi32, #tpu.memory_space<vmem>>
      %dma_wait3A_242 = tpu.memref_squeeze %dma_wait3A_241 : memref<1x128xi32, #tpu.memory_space<vmem>> -> memref<128xi32, #tpu.memory_space<vmem>>
      %dma_wait3A_243 = arith.constant 0 : i32
      %dma_wait3A_244 = arith.constant 0 : i32
      %dma_wait3A_245 = tpu.memref_slice %arg3[%arg0, %dma_wait3A_243, %dma_wait3A_244] : memref<2x10000x128xf32, #tpu.memory_space<hbm>> -> memref<1x10000x128xf32, #tpu.memory_space<hbm>>
      %dma_wait3A_246 = tpu.memref_squeeze %dma_wait3A_245 : memref<1x10000x128xf32, #tpu.memory_space<hbm>> -> memref<10000x128xf32, #tpu.memory_space<hbm>>
      %dma_wait3A_247 = arith.constant 0 : i32
      %dma_wait3A_248 = arith.constant 0 : i32
      %dma_wait3A_249 = tpu.memref_slice %dma_wait3A_246[%dma_wait3A_247, %dma_wait3A_248] : memref<10000x128xf32, #tpu.memory_space<hbm>> -> memref<10000x128xf32, #tpu.memory_space<hbm>>
      tpu.wait_indirect_dma semaphore(%arg13 : memref<!tpu.dma_semaphore, #tpu.memory_space<semaphore_mem>>) src(%dma_wait3A_249 : memref<10000x128xf32, #tpu.memory_space<hbm>>) dst(%dma_wait3A_239 : memref<128x128xf32, #tpu.memory_space<vmem>>)
      %add3A_250 = arith.constant 1 : i32
      %add3A_251 = arith.addi %add3A_219, %add3A_250 : i32
      %lt3A_252 = arith.constant 39 : i32
      %lt3A_253 = arith.cmpi slt, %scan3A_144, %lt3A_252 : i32
      %convert_element_type3A_254 = arith.extui %lt3A_253 : i1 to i32
      %cond3A_255 = arith.constant 0 : i32
      %cond3A_256 = arith.cmpi ne, %convert_element_type3A_254, %cond3A_255 : i32
      scf.if %cond3A_256 {
        %dma_start3A_263 = arith.constant 0 : i32
        %dma_start3A_264 = arith.constant 0 : i32
        %dma_start3A_265 = arith.constant 0 : i32
        %dma_start3A_266 = tpu.memref_slice %arg7[%dma_start3A_263, %dma_start3A_264, %dma_start3A_265] : memref<2x128x64xf32, #tpu.memory_space<vmem>> -> memref<1x128x64xf32, #tpu.memory_space<vmem>>
        %dma_start3A_267 = tpu.memref_squeeze %dma_start3A_266 : memref<1x128x64xf32, #tpu.memory_space<vmem>> -> memref<128x64xf32, #tpu.memory_space<vmem>>
        %dma_start3A_268 = arith.constant 0 : i32
        %dma_start3A_269 = tpu.memref_slice %arg11[%add3A_251, %dma_start3A_268] : memref<80x128xi32, #tpu.memory_space<vmem>> -> memref<1x128xi32, #tpu.memory_space<vmem>>
        %dma_start3A_270 = tpu.memref_squeeze %dma_start3A_269 : memref<1x128xi32, #tpu.memory_space<vmem>> -> memref<128xi32, #tpu.memory_space<vmem>>
        %dma_start3A_271 = arith.constant 0 : i32
        %dma_start3A_272 = arith.constant 0 : i32
        %dma_start3A_273 = tpu.memref_slice %arg2[%arg0, %dma_start3A_271, %dma_start3A_272] : memref<2x10008x64xf32, #tpu.memory_space<hbm>> -> memref<1x10008x64xf32, #tpu.memory_space<hbm>>
        %dma_start3A_274 = tpu.memref_squeeze %dma_start3A_273 : memref<1x10008x64xf32, #tpu.memory_space<hbm>> -> memref<10008x64xf32, #tpu.memory_space<hbm>>
        %dma_start3A_275 = arith.constant 0 : i32
        %dma_start3A_276 = arith.constant 0 : i32
        %dma_start3A_277 = tpu.memref_slice %dma_start3A_274[%dma_start3A_275, %dma_start3A_276] : memref<10008x64xf32, #tpu.memory_space<hbm>> -> memref<10008x64xf32, #tpu.memory_space<hbm>>
        tpu.enqueue_indirect_dma source(%dma_start3A_277 : memref<10008x64xf32, #tpu.memory_space<hbm>>) target(%dma_start3A_267 : memref<128x64xf32, #tpu.memory_space<vmem>>) offsets(%dma_start3A_270 : memref<128xi32, #tpu.memory_space<vmem>>) semaphore(%arg13 : memref<!tpu.dma_semaphore, #tpu.memory_space<semaphore_mem>>)
        %dma_start3A_278 = arith.constant 0 : i32
        %dma_start3A_279 = arith.constant 0 : i32
        %dma_start3A_280 = arith.constant 0 : i32
        %dma_start3A_281 = tpu.memref_slice %arg8[%dma_start3A_278, %dma_start3A_279, %dma_start3A_280] : memref<2x128x128xf32, #tpu.memory_space<vmem>> -> memref<1x128x128xf32, #tpu.memory_space<vmem>>
        %dma_start3A_282 = tpu.memref_squeeze %dma_start3A_281 : memref<1x128x128xf32, #tpu.memory_space<vmem>> -> memref<128x128xf32, #tpu.memory_space<vmem>>
        %dma_start3A_283 = arith.constant 0 : i32
        %dma_start3A_284 = tpu.memref_slice %arg10[%add3A_251, %dma_start3A_283] : memref<80x128xi32, #tpu.memory_space<vmem>> -> memref<1x128xi32, #tpu.memory_space<vmem>>
        %dma_start3A_285 = tpu.memref_squeeze %dma_start3A_284 : memref<1x128xi32, #tpu.memory_space<vmem>> -> memref<128xi32, #tpu.memory_space<vmem>>
        %dma_start3A_286 = arith.constant 0 : i32
        %dma_start3A_287 = arith.constant 0 : i32
        %dma_start3A_288 = tpu.memref_slice %arg3[%arg0, %dma_start3A_286, %dma_start3A_287] : memref<2x10000x128xf32, #tpu.memory_space<hbm>> -> memref<1x10000x128xf32, #tpu.memory_space<hbm>>
        %dma_start3A_289 = tpu.memref_squeeze %dma_start3A_288 : memref<1x10000x128xf32, #tpu.memory_space<hbm>> -> memref<10000x128xf32, #tpu.memory_space<hbm>>
        %dma_start3A_290 = arith.constant 0 : i32
        %dma_start3A_291 = arith.constant 0 : i32
        %dma_start3A_292 = tpu.memref_slice %dma_start3A_289[%dma_start3A_290, %dma_start3A_291] : memref<10000x128xf32, #tpu.memory_space<hbm>> -> memref<10000x128xf32, #tpu.memory_space<hbm>>
        tpu.enqueue_indirect_dma source(%dma_start3A_292 : memref<10000x128xf32, #tpu.memory_space<hbm>>) target(%dma_start3A_282 : memref<128x128xf32, #tpu.memory_space<vmem>>) offsets(%dma_start3A_285 : memref<128xi32, #tpu.memory_space<vmem>>) semaphore(%arg13 : memref<!tpu.dma_semaphore, #tpu.memory_space<semaphore_mem>>)
      } else {
      }
      %scan3A_257 = arith.constant 0 : i32
      %scan3A_258 = arith.constant 0 : i32
      %scan3A_259 = arith.constant 128 : i32
      %scan3A_260 = arith.addi %scan3A_258, %scan3A_259 : i32
      %scan3A_261 = arith.constant 1 : i32
      scf.for %scan3A_263 = %scan3A_258 to %scan3A_260 step %scan3A_261  : i32 {
        %broadcast_in_dim3A_264 = arith.constant 0.000000e+00 : f32
        %broadcast_in_dim3A_265 = vector.broadcast %broadcast_in_dim3A_264 : f32 to vector<16xf32>
        %get3A = arith.constant 1 : i32
        %get3A_266 = arith.index_cast %get3A : i32 to index
        %get3A_267 = arith.index_cast %scan3A_263 : i32 to index
        %get3A_268 = arith.constant 0 : index
        %get3A_269 = tpu.vector_load %arg7[%get3A_266, %get3A_267, %get3A_268] {strides = array<i32>} : memref<2x128x64xf32, #tpu.memory_space<vmem>>, vector<1x1x16xf32>,
        %get3A_270 = vector.shape_cast %get3A_269 : vector<1x1x16xf32> to vector<16xf32>
        %get3A_271 = arith.constant 1 : i32
        %get3A_272 = arith.index_cast %get3A_271 : i32 to index
        %get3A_273 = arith.index_cast %scan3A_263 : i32 to index
        %get3A_274 = arith.constant 0 : index
        %get3A_275 = tpu.vector_load %arg8[%get3A_272, %get3A_273, %get3A_274] {strides = array<i32>} : memref<2x128x128xf32, #tpu.memory_space<vmem>>, vector<1x1x16xf32>,
        %get3A_276 = vector.shape_cast %get3A_275 : vector<1x1x16xf32> to vector<16xf32>
        %mul3A_277 = arith.mulf %get3A_270, %get3A_276 : vector<16xf32>
        %get3A_278 = arith.constant 1 : i32
        %get3A_279 = arith.index_cast %get3A_278 : i32 to index
        %get3A_280 = arith.index_cast %scan3A_263 : i32 to index
        %get3A_281 = arith.constant 16 : index
        %get3A_282 = tpu.vector_load %arg7[%get3A_279, %get3A_280, %get3A_281] {strides = array<i32>} : memref<2x128x64xf32, #tpu.memory_space<vmem>>, vector<1x1x16xf32>,
        %get3A_283 = vector.shape_cast %get3A_282 : vector<1x1x16xf32> to vector<16xf32>
        %get3A_284 = arith.constant 1 : i32
        %get3A_285 = arith.index_cast %get3A_284 : i32 to index
        %get3A_286 = arith.index_cast %scan3A_263 : i32 to index
        %get3A_287 = arith.constant 16 : index
        %get3A_288 = tpu.vector_load %arg8[%get3A_285, %get3A_286, %get3A_287] {strides = array<i32>} : memref<2x128x128xf32, #tpu.memory_space<vmem>>, vector<1x1x16xf32>,
        %get3A_289 = vector.shape_cast %get3A_288 : vector<1x1x16xf32> to vector<16xf32>
        %mul3A_290 = arith.mulf %get3A_283, %get3A_289 : vector<16xf32>
        %lt3A_291 = arith.constant 0 : i32
        %lt3A_292 = vector.broadcast %lt3A_291 : i32 to vector<16xi32>
        %lt3A_293 = arith.cmpi slt, %select_n3A_84, %lt3A_292 : vector<16xi32>
        %add3A_294 = arith.constant 16 : i32
        %add3A_295 = vector.broadcast %add3A_294 : i32 to vector<16xi32>
        %add3A_296 = arith.addi %select_n3A_84, %add3A_295 : vector<16xi32>
        %select_n3A_297 = arith.select %lt3A_293, %add3A_296, %select_n3A_84 : vector<16xi1>, vector<16xi32>
        %broadcast_in_dim3A_298 = vector.shape_cast %select_n3A_297 : vector<16xi32> to vector<16x1xi32>
        %gather3A = vector.shape_cast %broadcast_in_dim3A_298 : vector<16x1xi32> to vector<16xi32>
        %gather3A_299 = tpu.dynamic_gather %mul3A_277[%gather3A] in [0] : vector<16xf32>, vector<16xi32> -> vector<16xf32>
        %add3A_300 = arith.addf %mul3A_277, %gather3A_299 : vector<16xf32>
        %lt3A_301 = arith.constant 0 : i32
        %lt3A_302 = vector.broadcast %lt3A_301 : i32 to vector<16xi32>
        %lt3A_303 = arith.cmpi slt, %select_n3A_84, %lt3A_302 : vector<16xi32>
        %add3A_304 = arith.constant 16 : i32
        %add3A_305 = vector.broadcast %add3A_304 : i32 to vector<16xi32>
        %add3A_306 = arith.addi %select_n3A_84, %add3A_305 : vector<16xi32>
        %select_n3A_307 = arith.select %lt3A_303, %add3A_306, %select_n3A_84 : vector<16xi1>, vector<16xi32>
        %broadcast_in_dim3A_308 = vector.shape_cast %select_n3A_307 : vector<16xi32> to vector<16x1xi32>
        %gather3A_309 = vector.shape_cast %broadcast_in_dim3A_308 : vector<16x1xi32> to vector<16xi32>
        %gather3A_310 = tpu.dynamic_gather %mul3A_290[%gather3A_309] in [0] : vector<16xf32>, vector<16xi32> -> vector<16xf32>
        %add3A_311 = arith.addf %mul3A_290, %gather3A_310 : vector<16xf32>
        %select_n3A_312 = arith.select %lt3A_99, %add3A_300, %add3A_311 : vector<16xi1>, vector<16xf32>
        %lt3A_313 = arith.constant 0 : i32
        %lt3A_314 = vector.broadcast %lt3A_313 : i32 to vector<16xi32>
        %lt3A_315 = arith.cmpi slt, %xor3A_86, %lt3A_314 : vector<16xi32>
        %add3A_316 = arith.constant 16 : i32
        %add3A_317 = vector.broadcast %add3A_316 : i32 to vector<16xi32>
        %add3A_318 = arith.addi %xor3A_86, %add3A_317 : vector<16xi32>
        %select_n3A_319 = arith.select %lt3A_315, %add3A_318, %xor3A_86 : vector<16xi1>, vector<16xi32>
        %broadcast_in_dim3A_320 = vector.shape_cast %select_n3A_319 : vector<16xi32> to vector<16x1xi32>
        %gather3A_321 = vector.shape_cast %broadcast_in_dim3A_320 : vector<16x1xi32> to vector<16xi32>
        %gather3A_322 = tpu.dynamic_gather %select_n3A_312[%gather3A_321] in [0] : vector<16xf32>, vector<16xi32> -> vector<16xf32>
        %add3A_323 = arith.addf %select_n3A_312, %gather3A_322 : vector<16xf32>
        %lt3A_324 = arith.constant 0 : i32
        %lt3A_325 = vector.broadcast %lt3A_324 : i32 to vector<16xi32>
        %lt3A_326 = arith.cmpi slt, %xor3A_89, %lt3A_325 : vector<16xi32>
        %add3A_327 = arith.constant 16 : i32
        %add3A_328 = vector.broadcast %add3A_327 : i32 to vector<16xi32>
        %add3A_329 = arith.addi %xor3A_89, %add3A_328 : vector<16xi32>
        %select_n3A_330 = arith.select %lt3A_326, %add3A_329, %xor3A_89 : vector<16xi1>, vector<16xi32>
        %broadcast_in_dim3A_331 = vector.shape_cast %select_n3A_330 : vector<16xi32> to vector<16x1xi32>
        %gather3A_332 = vector.shape_cast %broadcast_in_dim3A_331 : vector<16x1xi32> to vector<16xi32>
        %gather3A_333 = tpu.dynamic_gather %add3A_323[%gather3A_332] in [0] : vector<16xf32>, vector<16xi32> -> vector<16xf32>
        %add3A_334 = arith.addf %add3A_323, %gather3A_333 : vector<16xf32>
        %lt3A_335 = arith.constant 0 : i32
        %lt3A_336 = vector.broadcast %lt3A_335 : i32 to vector<16xi32>
        %lt3A_337 = arith.cmpi slt, %xor3A_92, %lt3A_336 : vector<16xi32>
        %add3A_338 = arith.constant 16 : i32
        %add3A_339 = vector.broadcast %add3A_338 : i32 to vector<16xi32>
        %add3A_340 = arith.addi %xor3A_92, %add3A_339 : vector<16xi32>
        %select_n3A_341 = arith.select %lt3A_337, %add3A_340, %xor3A_92 : vector<16xi1>, vector<16xi32>
        %broadcast_in_dim3A_342 = vector.shape_cast %select_n3A_341 : vector<16xi32> to vector<16x1xi32>
        %gather3A_343 = vector.shape_cast %broadcast_in_dim3A_342 : vector<16x1xi32> to vector<16xi32>
        %gather3A_344 = tpu.dynamic_gather %add3A_334[%gather3A_343] in [0] : vector<16xf32>, vector<16xi32> -> vector<16xf32>
        %add3A_345 = arith.addf %add3A_334, %gather3A_344 : vector<16xf32>
        %exp3A = math.exp %add3A_345 : vector<16xf32>
        %lt3A_346 = arith.constant 0 : i32
        %lt3A_347 = vector.broadcast %lt3A_346 : i32 to vector<16xi32>
        %lt3A_348 = arith.cmpi slt, %broadcast_in_dim3A_94, %lt3A_347 : vector<16xi32>
        %add3A_349 = arith.constant 16 : i32
        %add3A_350 = vector.broadcast %add3A_349 : i32 to vector<16xi32>
        %add3A_351 = arith.addi %broadcast_in_dim3A_94, %add3A_350 : vector<16xi32>
        %select_n3A_352 = arith.select %lt3A_348, %add3A_351, %broadcast_in_dim3A_94 : vector<16xi1>, vector<16xi32>
        %broadcast_in_dim3A_353 = vector.shape_cast %select_n3A_352 : vector<16xi32> to vector<16x1xi32>
        %gather3A_354 = vector.shape_cast %broadcast_in_dim3A_353 : vector<16x1xi32> to vector<16xi32>
        %gather3A_355 = tpu.dynamic_gather %exp3A[%gather3A_354] in [0] : vector<16xf32>, vector<16xi32> -> vector<16xf32>
        %lt3A_356 = arith.constant 0 : i32
        %lt3A_357 = vector.broadcast %lt3A_356 : i32 to vector<16xi32>
        %lt3A_358 = arith.cmpi slt, %broadcast_in_dim3A_96, %lt3A_357 : vector<16xi32>
        %add3A_359 = arith.constant 16 : i32
        %add3A_360 = vector.broadcast %add3A_359 : i32 to vector<16xi32>
        %add3A_361 = arith.addi %broadcast_in_dim3A_96, %add3A_360 : vector<16xi32>
        %select_n3A_362 = arith.select %lt3A_358, %add3A_361, %broadcast_in_dim3A_96 : vector<16xi1>, vector<16xi32>
        %broadcast_in_dim3A_363 = vector.shape_cast %select_n3A_362 : vector<16xi32> to vector<16x1xi32>
        %gather3A_364 = vector.shape_cast %broadcast_in_dim3A_363 : vector<16x1xi32> to vector<16xi32>
        %gather3A_365 = tpu.dynamic_gather %exp3A[%gather3A_364] in [0] : vector<16xf32>, vector<16xi32> -> vector<16xf32>
        %get3A_366 = arith.constant 1 : i32
        %get3A_367 = arith.index_cast %get3A_366 : i32 to index
        %get3A_368 = arith.index_cast %scan3A_263 : i32 to index
        %get3A_369 = arith.constant 64 : index
        %get3A_370 = tpu.vector_load %arg8[%get3A_367, %get3A_368, %get3A_369] {strides = array<i32>} : memref<2x128x128xf32, #tpu.memory_space<vmem>>, vector<1x1x16xf32>,
        %get3A_371 = vector.shape_cast %get3A_370 : vector<1x1x16xf32> to vector<16xf32>
        %mul3A_372 = arith.mulf %get3A_371, %gather3A_355 : vector<16xf32>
        %swap3A = arith.index_cast %scan3A_263 : i32 to index
        %swap3A_373 = arith.constant 0 : index
        %swap3A_374 = tpu.vector_load %arg9[%swap3A, %swap3A_373] {strides = array<i32>} : memref<128x80xf32, #tpu.memory_space<vmem>>, vector<1x16xf32>,
        %swap3A_375 = vector.shape_cast %swap3A_374 : vector<1x16xf32> to vector<16xf32>
        %swap3A_376 = vector.shape_cast %mul3A_372 : vector<16xf32> to vector<1x16xf32>
        tpu.vector_store %arg9[%swap3A, %swap3A_373], %swap3A_376 {strides = array<i32>} : memref<128x80xf32, #tpu.memory_space<vmem>>, vector<1x16xf32>,
        %get3A_377 = arith.constant 1 : i32
        %get3A_378 = arith.index_cast %get3A_377 : i32 to index
        %get3A_379 = arith.index_cast %scan3A_263 : i32 to index
        %get3A_380 = arith.constant 80 : index
        %get3A_381 = tpu.vector_load %arg8[%get3A_378, %get3A_379, %get3A_380] {strides = array<i32>} : memref<2x128x128xf32, #tpu.memory_space<vmem>>, vector<1x1x16xf32>,
        %get3A_382 = vector.shape_cast %get3A_381 : vector<1x1x16xf32> to vector<16xf32>
        %mul3A_383 = arith.mulf %get3A_382, %gather3A_365 : vector<16xf32>
        %swap3A_384 = arith.index_cast %scan3A_263 : i32 to index
        %swap3A_385 = arith.constant 16 : index
        %swap3A_386 = tpu.vector_load %arg9[%swap3A_384, %swap3A_385] {strides = array<i32>} : memref<128x80xf32, #tpu.memory_space<vmem>>, vector<1x16xf32>,
        %swap3A_387 = vector.shape_cast %swap3A_386 : vector<1x16xf32> to vector<16xf32>
        %swap3A_388 = vector.shape_cast %mul3A_383 : vector<16xf32> to vector<1x16xf32>
        tpu.vector_store %arg9[%swap3A_384, %swap3A_385], %swap3A_388 {strides = array<i32>} : memref<128x80xf32, #tpu.memory_space<vmem>>, vector<1x16xf32>,
        %add3A_389 = arith.constant 0 : i32
        %add3A_390 = arith.addi %mul3A_101, %add3A_389 : i32
        %eq3A_391 = vector.broadcast %add3A_390 : i32 to vector<16xi32>
        %eq3A_392 = arith.cmpi eq, %iota3A, %eq3A_391 : vector<16xi32>
        %select_n3A_393 = arith.select %eq3A_392, %gather3A_355, %broadcast_in_dim3A_265 : vector<16xi1>, vector<16xf32>
        %add3A_394 = arith.constant 0 : i32
        %add3A_395 = arith.addi %mul3A_101, %add3A_394 : i32
        %add3A_396 = arith.constant 1 : i32
        %add3A_397 = arith.addi %add3A_395, %add3A_396 : i32
        %eq3A_398 = vector.broadcast %add3A_397 : i32 to vector<16xi32>
        %eq3A_399 = arith.cmpi eq, %iota3A, %eq3A_398 : vector<16xi32>
        %select_n3A_400 = arith.select %eq3A_399, %gather3A_365, %select_n3A_393 : vector<16xi1>, vector<16xf32>
        %get3A_401 = arith.constant 1 : i32
        %get3A_402 = arith.index_cast %get3A_401 : i32 to index
        %get3A_403 = arith.index_cast %scan3A_263 : i32 to index
        %get3A_404 = arith.constant 32 : index
        %get3A_405 = tpu.vector_load %arg7[%get3A_402, %get3A_403, %get3A_404] {strides = array<i32>} : memref<2x128x64xf32, #tpu.memory_space<vmem>>, vector<1x1x16xf32>,
        %get3A_406 = vector.shape_cast %get3A_405 : vector<1x1x16xf32> to vector<16xf32>
        %get3A_407 = arith.constant 1 : i32
        %get3A_408 = arith.index_cast %get3A_407 : i32 to index
        %get3A_409 = arith.index_cast %scan3A_263 : i32 to index
        %get3A_410 = arith.constant 32 : index
        %get3A_411 = tpu.vector_load %arg8[%get3A_408, %get3A_409, %get3A_410] {strides = array<i32>} : memref<2x128x128xf32, #tpu.memory_space<vmem>>, vector<1x1x16xf32>,
        %get3A_412 = vector.shape_cast %get3A_411 : vector<1x1x16xf32> to vector<16xf32>
        %mul3A_413 = arith.mulf %get3A_406, %get3A_412 : vector<16xf32>
        %get3A_414 = arith.constant 1 : i32
        %get3A_415 = arith.index_cast %get3A_414 : i32 to index
        %get3A_416 = arith.index_cast %scan3A_263 : i32 to index
        %get3A_417 = arith.constant 48 : index
        %get3A_418 = tpu.vector_load %arg7[%get3A_415, %get3A_416, %get3A_417] {strides = array<i32>} : memref<2x128x64xf32, #tpu.memory_space<vmem>>, vector<1x1x16xf32>,
        %get3A_419 = vector.shape_cast %get3A_418 : vector<1x1x16xf32> to vector<16xf32>
        %get3A_420 = arith.constant 1 : i32
        %get3A_421 = arith.index_cast %get3A_420 : i32 to index
        %get3A_422 = arith.index_cast %scan3A_263 : i32 to index
        %get3A_423 = arith.constant 48 : index
        %get3A_424 = tpu.vector_load %arg8[%get3A_421, %get3A_422, %get3A_423] {strides = array<i32>} : memref<2x128x128xf32, #tpu.memory_space<vmem>>, vector<1x1x16xf32>,
        %get3A_425 = vector.shape_cast %get3A_424 : vector<1x1x16xf32> to vector<16xf32>
        %mul3A_426 = arith.mulf %get3A_419, %get3A_425 : vector<16xf32>
        %lt3A_427 = arith.constant 0 : i32
        %lt3A_428 = vector.broadcast %lt3A_427 : i32 to vector<16xi32>
        %lt3A_429 = arith.cmpi slt, %select_n3A_84, %lt3A_428 : vector<16xi32>
        %add3A_430 = arith.constant 16 : i32
        %add3A_431 = vector.broadcast %add3A_430 : i32 to vector<16xi32>
        %add3A_432 = arith.addi %select_n3A_84, %add3A_431 : vector<16xi32>
        %select_n3A_433 = arith.select %lt3A_429, %add3A_432, %select_n3A_84 : vector<16xi1>, vector<16xi32>
        %broadcast_in_dim3A_434 = vector.shape_cast %select_n3A_433 : vector<16xi32> to vector<16x1xi32>
        %gather3A_435 = vector.shape_cast %broadcast_in_dim3A_434 : vector<16x1xi32> to vector<16xi32>
        %gather3A_436 = tpu.dynamic_gather %mul3A_413[%gather3A_435] in [0] : vector<16xf32>, vector<16xi32> -> vector<16xf32>
        %add3A_437 = arith.addf %mul3A_413, %gather3A_436 : vector<16xf32>
        %lt3A_438 = arith.constant 0 : i32
        %lt3A_439 = vector.broadcast %lt3A_438 : i32 to vector<16xi32>
        %lt3A_440 = arith.cmpi slt, %select_n3A_84, %lt3A_439 : vector<16xi32>
        %add3A_441 = arith.constant 16 : i32
        %add3A_442 = vector.broadcast %add3A_441 : i32 to vector<16xi32>
        %add3A_443 = arith.addi %select_n3A_84, %add3A_442 : vector<16xi32>
        %select_n3A_444 = arith.select %lt3A_440, %add3A_443, %select_n3A_84 : vector<16xi1>, vector<16xi32>
        %broadcast_in_dim3A_445 = vector.shape_cast %select_n3A_444 : vector<16xi32> to vector<16x1xi32>
        %gather3A_446 = vector.shape_cast %broadcast_in_dim3A_445 : vector<16x1xi32> to vector<16xi32>
        %gather3A_447 = tpu.dynamic_gather %mul3A_426[%gather3A_446] in [0] : vector<16xf32>, vector<16xi32> -> vector<16xf32>
        %add3A_448 = arith.addf %mul3A_426, %gather3A_447 : vector<16xf32>
        %select_n3A_449 = arith.select %lt3A_99, %add3A_437, %add3A_448 : vector<16xi1>, vector<16xf32>
        %lt3A_450 = arith.constant 0 : i32
        %lt3A_451 = vector.broadcast %lt3A_450 : i32 to vector<16xi32>
        %lt3A_452 = arith.cmpi slt, %xor3A_86, %lt3A_451 : vector<16xi32>
        %add3A_453 = arith.constant 16 : i32
        %add3A_454 = vector.broadcast %add3A_453 : i32 to vector<16xi32>
        %add3A_455 = arith.addi %xor3A_86, %add3A_454 : vector<16xi32>
        %select_n3A_456 = arith.select %lt3A_452, %add3A_455, %xor3A_86 : vector<16xi1>, vector<16xi32>
        %broadcast_in_dim3A_457 = vector.shape_cast %select_n3A_456 : vector<16xi32> to vector<16x1xi32>
        %gather3A_458 = vector.shape_cast %broadcast_in_dim3A_457 : vector<16x1xi32> to vector<16xi32>
        %gather3A_459 = tpu.dynamic_gather %select_n3A_449[%gather3A_458] in [0] : vector<16xf32>, vector<16xi32> -> vector<16xf32>
        %add3A_460 = arith.addf %select_n3A_449, %gather3A_459 : vector<16xf32>
        %lt3A_461 = arith.constant 0 : i32
        %lt3A_462 = vector.broadcast %lt3A_461 : i32 to vector<16xi32>
        %lt3A_463 = arith.cmpi slt, %xor3A_89, %lt3A_462 : vector<16xi32>
        %add3A_464 = arith.constant 16 : i32
        %add3A_465 = vector.broadcast %add3A_464 : i32 to vector<16xi32>
        %add3A_466 = arith.addi %xor3A_89, %add3A_465 : vector<16xi32>
        %select_n3A_467 = arith.select %lt3A_463, %add3A_466, %xor3A_89 : vector<16xi1>, vector<16xi32>
        %broadcast_in_dim3A_468 = vector.shape_cast %select_n3A_467 : vector<16xi32> to vector<16x1xi32>
        %gather3A_469 = vector.shape_cast %broadcast_in_dim3A_468 : vector<16x1xi32> to vector<16xi32>
        %gather3A_470 = tpu.dynamic_gather %add3A_460[%gather3A_469] in [0] : vector<16xf32>, vector<16xi32> -> vector<16xf32>
        %add3A_471 = arith.addf %add3A_460, %gather3A_470 : vector<16xf32>
        %lt3A_472 = arith.constant 0 : i32
        %lt3A_473 = vector.broadcast %lt3A_472 : i32 to vector<16xi32>
        %lt3A_474 = arith.cmpi slt, %xor3A_92, %lt3A_473 : vector<16xi32>
        %add3A_475 = arith.constant 16 : i32
        %add3A_476 = vector.broadcast %add3A_475 : i32 to vector<16xi32>
        %add3A_477 = arith.addi %xor3A_92, %add3A_476 : vector<16xi32>
        %select_n3A_478 = arith.select %lt3A_474, %add3A_477, %xor3A_92 : vector<16xi1>, vector<16xi32>
        %broadcast_in_dim3A_479 = vector.shape_cast %select_n3A_478 : vector<16xi32> to vector<16x1xi32>
        %gather3A_480 = vector.shape_cast %broadcast_in_dim3A_479 : vector<16x1xi32> to vector<16xi32>
        %gather3A_481 = tpu.dynamic_gather %add3A_471[%gather3A_480] in [0] : vector<16xf32>, vector<16xi32> -> vector<16xf32>
        %add3A_482 = arith.addf %add3A_471, %gather3A_481 : vector<16xf32>
        %exp3A_483 = math.exp %add3A_482 : vector<16xf32>
        %lt3A_484 = arith.constant 0 : i32
        %lt3A_485 = vector.broadcast %lt3A_484 : i32 to vector<16xi32>
        %lt3A_486 = arith.cmpi slt, %broadcast_in_dim3A_94, %lt3A_485 : vector<16xi32>
        %add3A_487 = arith.constant 16 : i32
        %add3A_488 = vector.broadcast %add3A_487 : i32 to vector<16xi32>
        %add3A_489 = arith.addi %broadcast_in_dim3A_94, %add3A_488 : vector<16xi32>
        %select_n3A_490 = arith.select %lt3A_486, %add3A_489, %broadcast_in_dim3A_94 : vector<16xi1>, vector<16xi32>
        %broadcast_in_dim3A_491 = vector.shape_cast %select_n3A_490 : vector<16xi32> to vector<16x1xi32>
        %gather3A_492 = vector.shape_cast %broadcast_in_dim3A_491 : vector<16x1xi32> to vector<16xi32>
        %gather3A_493 = tpu.dynamic_gather %exp3A_483[%gather3A_492] in [0] : vector<16xf32>, vector<16xi32> -> vector<16xf32>
        %lt3A_494 = arith.constant 0 : i32
        %lt3A_495 = vector.broadcast %lt3A_494 : i32 to vector<16xi32>
        %lt3A_496 = arith.cmpi slt, %broadcast_in_dim3A_96, %lt3A_495 : vector<16xi32>
        %add3A_497 = arith.constant 16 : i32
        %add3A_498 = vector.broadcast %add3A_497 : i32 to vector<16xi32>
        %add3A_499 = arith.addi %broadcast_in_dim3A_96, %add3A_498 : vector<16xi32>
        %select_n3A_500 = arith.select %lt3A_496, %add3A_499, %broadcast_in_dim3A_96 : vector<16xi1>, vector<16xi32>
        %broadcast_in_dim3A_501 = vector.shape_cast %select_n3A_500 : vector<16xi32> to vector<16x1xi32>
        %gather3A_502 = vector.shape_cast %broadcast_in_dim3A_501 : vector<16x1xi32> to vector<16xi32>
        %gather3A_503 = tpu.dynamic_gather %exp3A_483[%gather3A_502] in [0] : vector<16xf32>, vector<16xi32> -> vector<16xf32>
        %get3A_504 = arith.constant 1 : i32
        %get3A_505 = arith.index_cast %get3A_504 : i32 to index
        %get3A_506 = arith.index_cast %scan3A_263 : i32 to index
        %get3A_507 = arith.constant 96 : index
        %get3A_508 = tpu.vector_load %arg8[%get3A_505, %get3A_506, %get3A_507] {strides = array<i32>} : memref<2x128x128xf32, #tpu.memory_space<vmem>>, vector<1x1x16xf32>,
        %get3A_509 = vector.shape_cast %get3A_508 : vector<1x1x16xf32> to vector<16xf32>
        %mul3A_510 = arith.mulf %get3A_509, %gather3A_493 : vector<16xf32>
        %swap3A_511 = arith.index_cast %scan3A_263 : i32 to index
        %swap3A_512 = arith.constant 32 : index
        %swap3A_513 = tpu.vector_load %arg9[%swap3A_511, %swap3A_512] {strides = array<i32>} : memref<128x80xf32, #tpu.memory_space<vmem>>, vector<1x16xf32>,
        %swap3A_514 = vector.shape_cast %swap3A_513 : vector<1x16xf32> to vector<16xf32>
        %swap3A_515 = vector.shape_cast %mul3A_510 : vector<16xf32> to vector<1x16xf32>
        tpu.vector_store %arg9[%swap3A_511, %swap3A_512], %swap3A_515 {strides = array<i32>} : memref<128x80xf32, #tpu.memory_space<vmem>>, vector<1x16xf32>,
        %get3A_516 = arith.constant 1 : i32
        %get3A_517 = arith.index_cast %get3A_516 : i32 to index
        %get3A_518 = arith.index_cast %scan3A_263 : i32 to index
        %get3A_519 = arith.constant 112 : index
        %get3A_520 = tpu.vector_load %arg8[%get3A_517, %get3A_518, %get3A_519] {strides = array<i32>} : memref<2x128x128xf32, #tpu.memory_space<vmem>>, vector<1x1x16xf32>,
        %get3A_521 = vector.shape_cast %get3A_520 : vector<1x1x16xf32> to vector<16xf32>
        %mul3A_522 = arith.mulf %get3A_521, %gather3A_503 : vector<16xf32>
        %swap3A_523 = arith.index_cast %scan3A_263 : i32 to index
        %swap3A_524 = arith.constant 48 : index
        %swap3A_525 = tpu.vector_load %arg9[%swap3A_523, %swap3A_524] {strides = array<i32>} : memref<128x80xf32, #tpu.memory_space<vmem>>, vector<1x16xf32>,
        %swap3A_526 = vector.shape_cast %swap3A_525 : vector<1x16xf32> to vector<16xf32>
        %swap3A_527 = vector.shape_cast %mul3A_522 : vector<16xf32> to vector<1x16xf32>
        tpu.vector_store %arg9[%swap3A_523, %swap3A_524], %swap3A_527 {strides = array<i32>} : memref<128x80xf32, #tpu.memory_space<vmem>>, vector<1x16xf32>,
        %add3A_528 = arith.constant 2 : i32
        %add3A_529 = arith.addi %mul3A_101, %add3A_528 : i32
        %eq3A_530 = vector.broadcast %add3A_529 : i32 to vector<16xi32>
        %eq3A_531 = arith.cmpi eq, %iota3A, %eq3A_530 : vector<16xi32>
        %select_n3A_532 = arith.select %eq3A_531, %gather3A_493, %select_n3A_400 : vector<16xi1>, vector<16xf32>
        %add3A_533 = arith.constant 2 : i32
        %add3A_534 = arith.addi %mul3A_101, %add3A_533 : i32
        %add3A_535 = arith.constant 1 : i32
        %add3A_536 = arith.addi %add3A_534, %add3A_535 : i32
        %eq3A_537 = vector.broadcast %add3A_536 : i32 to vector<16xi32>
        %eq3A_538 = arith.cmpi eq, %iota3A, %eq3A_537 : vector<16xi32>
        %select_n3A_539 = arith.select %eq3A_538, %gather3A_503, %select_n3A_532 : vector<16xi1>, vector<16xf32>
        %swap3A_540 = arith.index_cast %scan3A_263 : i32 to index
        %swap3A_541 = arith.constant 64 : index
        %swap3A_542 = tpu.vector_load %arg9[%swap3A_540, %swap3A_541] {strides = array<i32>} : memref<128x80xf32, #tpu.memory_space<vmem>>, vector<1x16xf32>,
        %swap3A_543 = vector.shape_cast %swap3A_542 : vector<1x16xf32> to vector<16xf32>
        %swap3A_544 = vector.shape_cast %select_n3A_539 : vector<16xf32> to vector<1x16xf32>
        tpu.vector_store %arg9[%swap3A_540, %swap3A_541], %swap3A_544 {strides = array<i32>} : memref<128x80xf32, #tpu.memory_space<vmem>>, vector<1x16xf32>,
      }
      %scan3A_262 = arith.constant 128 : i32
      "tpu.region"() ({
        %run_scoped3A = tpu.sem_alloc : memref<!tpu.dma_semaphore, #tpu.memory_space<semaphore_mem>>
        %dma_start3A_263 = arith.constant 0 : i32
        %dma_start3A_264 = tpu.memref_slice %arg11[%add3A_219, %dma_start3A_263] : memref<80x128xi32, #tpu.memory_space<vmem>> -> memref<1x128xi32, #tpu.memory_space<vmem>>
        %dma_start3A_265 = tpu.memref_squeeze %dma_start3A_264 : memref<1x128xi32, #tpu.memory_space<vmem>> -> memref<128xi32, #tpu.memory_space<vmem>>
        %dma_start3A_266 = arith.constant 0 : i32
        %dma_start3A_267 = arith.constant 0 : i32
        %dma_start3A_268 = tpu.memref_slice %arg12[%dma_start3A_266, %dma_start3A_267] : memref<10008x80xf32, #tpu.memory_space<vmem_shared>> -> memref<10008x80xf32, #tpu.memory_space<vmem_shared>>
        tpu.enqueue_indirect_dma source(%arg9 : memref<128x80xf32, #tpu.memory_space<vmem>>) target(%dma_start3A_268 : memref<10008x80xf32, #tpu.memory_space<vmem_shared>>) offsets(%dma_start3A_265 : memref<128xi32, #tpu.memory_space<vmem>>) semaphore(%run_scoped3A : memref<!tpu.dma_semaphore, #tpu.memory_space<semaphore_mem>>) {add = true}
        %dma_wait3A_269 = arith.constant 0 : i32
        %dma_wait3A_270 = tpu.memref_slice %arg11[%add3A_219, %dma_wait3A_269] : memref<80x128xi32, #tpu.memory_space<vmem>> -> memref<1x128xi32, #tpu.memory_space<vmem>>
        %dma_wait3A_271 = tpu.memref_squeeze %dma_wait3A_270 : memref<1x128xi32, #tpu.memory_space<vmem>> -> memref<128xi32, #tpu.memory_space<vmem>>
        %dma_wait3A_272 = arith.constant 0 : i32
        %dma_wait3A_273 = arith.constant 0 : i32
        %dma_wait3A_274 = tpu.memref_slice %arg12[%dma_wait3A_272, %dma_wait3A_273] : memref<10008x80xf32, #tpu.memory_space<vmem_shared>> -> memref<10008x80xf32, #tpu.memory_space<vmem_shared>>
        tpu.wait_indirect_dma semaphore(%run_scoped3A : memref<!tpu.dma_semaphore, #tpu.memory_space<semaphore_mem>>) src(%arg9 : memref<128x80xf32, #tpu.memory_space<vmem>>) dst(%dma_wait3A_274 : memref<10008x80xf32, #tpu.memory_space<vmem_shared>>)
        tpu.yield
      }) : () -> ()
    }
    %scan3A_107 = arith.constant 40 : i32
    %barrier3A_108 = arith.constant 0 : index
    tpu.barrier barrier_id(%barrier3A_108)
    %mul3A_109 = arith.constant 624 : i32
    %mul3A_110 = arith.muli %arg1, %mul3A_109 : i32
    %add3A_111 = arith.constant 0 : i32
    %add3A_112 = arith.addi %mul3A_110, %add3A_111 : i32
    %multiple_of3A_113 = tpu.assume_multiple %add3A_112, 8 : i32
    "tpu.region"() ({
      %run_scoped3A = tpu.sem_alloc : memref<!tpu.dma_semaphore, #tpu.memory_space<semaphore_mem>>
      %dma_start3A_144 = arith.constant 0 : i32
      %dma_start3A_145 = arith.constant 0 : i32
      %dma_start3A_146 = tpu.memref_slice %arg9[%dma_start3A_144, %dma_start3A_145] : memref<128x80xf32, #tpu.memory_space<vmem>> -> memref<104x80xf32, #tpu.memory_space<vmem>>
      %dma_start3A_147 = arith.constant 0 : i32
      %dma_start3A_148 = tpu.memref_slice %arg12[%multiple_of3A_113, %dma_start3A_147] : memref<10008x80xf32, #tpu.memory_space<vmem_shared>> -> memref<104x80xf32, #tpu.memory_space<vmem_shared>>
      %dma_start3A_149 = arith.constant 0 : i32
      %dma_start3A_150 = arith.constant 0 : i32
      %dma_start3A_151 = tpu.memref_slice %arg9[%dma_start3A_149, %dma_start3A_150] : memref<128x80xf32, #tpu.memory_space<vmem>> -> memref<104x80xf32, #tpu.memory_space<vmem>>
      %dma_start3A_152 = arith.constant 0 : i32
      %dma_start3A_153 = tpu.memref_slice %arg12[%multiple_of3A_113, %dma_start3A_152] : memref<10008x80xf32, #tpu.memory_space<vmem_shared>> -> memref<104x80xf32, #tpu.memory_space<vmem_shared>>
      tpu.enqueue_dma source(%dma_start3A_153 : memref<104x80xf32, #tpu.memory_space<vmem_shared>>) target(%dma_start3A_151 : memref<104x80xf32, #tpu.memory_space<vmem>>) target_semaphore(%run_scoped3A : memref<!tpu.dma_semaphore, #tpu.memory_space<semaphore_mem>>)
      %dma_wait3A = arith.constant 0 : i32
      %dma_wait3A_154 = arith.constant 0 : i32
      %dma_wait3A_155 = tpu.memref_slice %arg9[%dma_wait3A, %dma_wait3A_154] : memref<128x80xf32, #tpu.memory_space<vmem>> -> memref<104x80xf32, #tpu.memory_space<vmem>>
      %dma_wait3A_156 = arith.constant 0 : i32
      %dma_wait3A_157 = tpu.memref_slice %arg12[%multiple_of3A_113, %dma_wait3A_156] : memref<10008x80xf32, #tpu.memory_space<vmem_shared>> -> memref<104x80xf32, #tpu.memory_space<vmem_shared>>
      %dma_wait3A_158 = arith.constant 0 : i32
      %dma_wait3A_159 = arith.constant 0 : i32
      %dma_wait3A_160 = tpu.memref_slice %arg9[%dma_wait3A_158, %dma_wait3A_159] : memref<128x80xf32, #tpu.memory_space<vmem>> -> memref<104x80xf32, #tpu.memory_space<vmem>>
      %dma_wait3A_161 = arith.constant 0 : i32
      %dma_wait3A_162 = tpu.memref_slice %arg12[%multiple_of3A_113, %dma_wait3A_161] : memref<10008x80xf32, #tpu.memory_space<vmem_shared>> -> memref<104x80xf32, #tpu.memory_space<vmem_shared>>
      tpu.wait_dma2 semaphore(%run_scoped3A : memref<!tpu.dma_semaphore, #tpu.memory_space<semaphore_mem>>) src(%dma_wait3A_162 : memref<104x80xf32, #tpu.memory_space<vmem_shared>>) dst(%dma_wait3A_160 : memref<104x80xf32, #tpu.memory_space<vmem>>)
      tpu.yield
    }) : () -> ()
    "tpu.region"() ({
      %run_scoped3A = tpu.sem_alloc : memref<!tpu.dma_semaphore, #tpu.memory_space<semaphore_mem>>
      %dma_start3A_144 = arith.constant 0 : i32
      %dma_start3A_145 = arith.constant 0 : i32
      %dma_start3A_146 = tpu.memref_slice %arg9[%dma_start3A_144, %dma_start3A_145] : memref<128x80xf32, #tpu.memory_space<vmem>> -> memref<104x80xf32, #tpu.memory_space<vmem>>
      %dma_start3A_147 = arith.constant 0 : i32
      %dma_start3A_148 = tpu.memref_slice %arg6[%arg0, %multiple_of3A_113, %dma_start3A_147] : memref<2x10000x80xf32, #tpu.memory_space<hbm>> -> memref<1x104x80xf32, #tpu.memory_space<hbm>>
      %dma_start3A_149 = tpu.memref_squeeze %dma_start3A_148 : memref<1x104x80xf32, #tpu.memory_space<hbm>> -> memref<104x80xf32, #tpu.memory_space<hbm>>
      %dma_start3A_150 = arith.constant 0 : i32
      %dma_start3A_151 = tpu.memref_slice %arg6[%arg0, %multiple_of3A_113, %dma_start3A_150] : memref<2x10000x80xf32, #tpu.memory_space<hbm>> -> memref<1x104x80xf32, #tpu.memory_space<hbm>>
      %dma_start3A_152 = tpu.memref_squeeze %dma_start3A_151 : memref<1x104x80xf32, #tpu.memory_space<hbm>> -> memref<104x80xf32, #tpu.memory_space<hbm>>
      %dma_start3A_153 = arith.constant 0 : i32
      %dma_start3A_154 = arith.constant 0 : i32
      %dma_start3A_155 = tpu.memref_slice %arg9[%dma_start3A_153, %dma_start3A_154] : memref<128x80xf32, #tpu.memory_space<vmem>> -> memref<104x80xf32, #tpu.memory_space<vmem>>
      tpu.enqueue_dma source(%dma_start3A_155 : memref<104x80xf32, #tpu.memory_space<vmem>>) target(%dma_start3A_152 : memref<104x80xf32, #tpu.memory_space<hbm>>) target_semaphore(%run_scoped3A : memref<!tpu.dma_semaphore, #tpu.memory_space<semaphore_mem>>)
      %dma_wait3A = arith.constant 0 : i32
      %dma_wait3A_156 = arith.constant 0 : i32
      %dma_wait3A_157 = tpu.memref_slice %arg9[%dma_wait3A, %dma_wait3A_156] : memref<128x80xf32, #tpu.memory_space<vmem>> -> memref<104x80xf32, #tpu.memory_space<vmem>>
      %dma_wait3A_158 = arith.constant 0 : i32
      %dma_wait3A_159 = tpu.memref_slice %arg6[%arg0, %multiple_of3A_113, %dma_wait3A_158] : memref<2x10000x80xf32, #tpu.memory_space<hbm>> -> memref<1x104x80xf32, #tpu.memory_space<hbm>>
      %dma_wait3A_160 = tpu.memref_squeeze %dma_wait3A_159 : memref<1x104x80xf32, #tpu.memory_space<hbm>> -> memref<104x80xf32, #tpu.memory_space<hbm>>
      %dma_wait3A_161 = arith.constant 0 : i32
      %dma_wait3A_162 = tpu.memref_slice %arg6[%arg0, %multiple_of3A_113, %dma_wait3A_161] : memref<2x10000x80xf32, #tpu.memory_space<hbm>> -> memref<1x104x80xf32, #tpu.memory_space<hbm>>
      %dma_wait3A_163 = tpu.memref_squeeze %dma_wait3A_162 : memref<1x104x80xf32, #tpu.memory_space<hbm>> -> memref<104x80xf32, #tpu.memory_space<hbm>>
      %dma_wait3A_164 = arith.constant 0 : i32
      %dma_wait3A_165 = arith.constant 0 : i32
      %dma_wait3A_166 = tpu.memref_slice %arg9[%dma_wait3A_164, %dma_wait3A_165] : memref<128x80xf32, #tpu.memory_space<vmem>> -> memref<104x80xf32, #tpu.memory_space<vmem>>
      tpu.wait_dma2 semaphore(%run_scoped3A : memref<!tpu.dma_semaphore, #tpu.memory_space<semaphore_mem>>) src(%dma_wait3A_166 : memref<104x80xf32, #tpu.memory_space<vmem>>) dst(%dma_wait3A_163 : memref<104x80xf32, #tpu.memory_space<hbm>>)
      tpu.yield
    }) : () -> ()
    %mul3A_114 = arith.constant 624 : i32
    %mul3A_115 = arith.muli %arg1, %mul3A_114 : i32
    %add3A_116 = arith.constant 104 : i32
    %add3A_117 = arith.addi %mul3A_115, %add3A_116 : i32
    %multiple_of3A_118 = tpu.assume_multiple %add3A_117, 8 : i32
    "tpu.region"() ({
      %run_scoped3A = tpu.sem_alloc : memref<!tpu.dma_semaphore, #tpu.memory_space<semaphore_mem>>
      %dma_start3A_144 = arith.constant 0 : i32
      %dma_start3A_145 = arith.constant 0 : i32
      %dma_start3A_146 = tpu.memref_slice %arg9[%dma_start3A_144, %dma_start3A_145] : memref<128x80xf32, #tpu.memory_space<vmem>> -> memref<104x80xf32, #tpu.memory_space<vmem>>
      %dma_start3A_147 = arith.constant 0 : i32
      %dma_start3A_148 = tpu.memref_slice %arg12[%multiple_of3A_118, %dma_start3A_147] : memref<10008x80xf32, #tpu.memory_space<vmem_shared>> -> memref<104x80xf32, #tpu.memory_space<vmem_shared>>
      %dma_start3A_149 = arith.constant 0 : i32
      %dma_start3A_150 = arith.constant 0 : i32
      %dma_start3A_151 = tpu.memref_slice %arg9[%dma_start3A_149, %dma_start3A_150] : memref<128x80xf32, #tpu.memory_space<vmem>> -> memref<104x80xf32, #tpu.memory_space<vmem>>
      %dma_start3A_152 = arith.constant 0 : i32
      %dma_start3A_153 = tpu.memref_slice %arg12[%multiple_of3A_118, %dma_start3A_152] : memref<10008x80xf32, #tpu.memory_space<vmem_shared>> -> memref<104x80xf32, #tpu.memory_space<vmem_shared>>
      tpu.enqueue_dma source(%dma_start3A_153 : memref<104x80xf32, #tpu.memory_space<vmem_shared>>) target(%dma_start3A_151 : memref<104x80xf32, #tpu.memory_space<vmem>>) target_semaphore(%run_scoped3A : memref<!tpu.dma_semaphore, #tpu.memory_space<semaphore_mem>>)
      %dma_wait3A = arith.constant 0 : i32
      %dma_wait3A_154 = arith.constant 0 : i32
      %dma_wait3A_155 = tpu.memref_slice %arg9[%dma_wait3A, %dma_wait3A_154] : memref<128x80xf32, #tpu.memory_space<vmem>> -> memref<104x80xf32, #tpu.memory_space<vmem>>
      %dma_wait3A_156 = arith.constant 0 : i32
      %dma_wait3A_157 = tpu.memref_slice %arg12[%multiple_of3A_118, %dma_wait3A_156] : memref<10008x80xf32, #tpu.memory_space<vmem_shared>> -> memref<104x80xf32, #tpu.memory_space<vmem_shared>>
      %dma_wait3A_158 = arith.constant 0 : i32
      %dma_wait3A_159 = arith.constant 0 : i32
      %dma_wait3A_160 = tpu.memref_slice %arg9[%dma_wait3A_158, %dma_wait3A_159] : memref<128x80xf32, #tpu.memory_space<vmem>> -> memref<104x80xf32, #tpu.memory_space<vmem>>
      %dma_wait3A_161 = arith.constant 0 : i32
      %dma_wait3A_162 = tpu.memref_slice %arg12[%multiple_of3A_118, %dma_wait3A_161] : memref<10008x80xf32, #tpu.memory_space<vmem_shared>> -> memref<104x80xf32, #tpu.memory_space<vmem_shared>>
      tpu.wait_dma2 semaphore(%run_scoped3A : memref<!tpu.dma_semaphore, #tpu.memory_space<semaphore_mem>>) src(%dma_wait3A_162 : memref<104x80xf32, #tpu.memory_space<vmem_shared>>) dst(%dma_wait3A_160 : memref<104x80xf32, #tpu.memory_space<vmem>>)
      tpu.yield
    }) : () -> ()
    "tpu.region"() ({
      %run_scoped3A = tpu.sem_alloc : memref<!tpu.dma_semaphore, #tpu.memory_space<semaphore_mem>>
      %dma_start3A_144 = arith.constant 0 : i32
      %dma_start3A_145 = arith.constant 0 : i32
      %dma_start3A_146 = tpu.memref_slice %arg9[%dma_start3A_144, %dma_start3A_145] : memref<128x80xf32, #tpu.memory_space<vmem>> -> memref<104x80xf32, #tpu.memory_space<vmem>>
      %dma_start3A_147 = arith.constant 0 : i32
      %dma_start3A_148 = tpu.memref_slice %arg6[%arg0, %multiple_of3A_118, %dma_start3A_147] : memref<2x10000x80xf32, #tpu.memory_space<hbm>> -> memref<1x104x80xf32, #tpu.memory_space<hbm>>
      %dma_start3A_149 = tpu.memref_squeeze %dma_start3A_148 : memref<1x104x80xf32, #tpu.memory_space<hbm>> -> memref<104x80xf32, #tpu.memory_space<hbm>>
      %dma_start3A_150 = arith.constant 0 : i32
      %dma_start3A_151 = tpu.memref_slice %arg6[%arg0, %multiple_of3A_118, %dma_start3A_150] : memref<2x10000x80xf32, #tpu.memory_space<hbm>> -> memref<1x104x80xf32, #tpu.memory_space<hbm>>
      %dma_start3A_152 = tpu.memref_squeeze %dma_start3A_151 : memref<1x104x80xf32, #tpu.memory_space<hbm>> -> memref<104x80xf32, #tpu.memory_space<hbm>>
      %dma_start3A_153 = arith.constant 0 : i32
      %dma_start3A_154 = arith.constant 0 : i32
      %dma_start3A_155 = tpu.memref_slice %arg9[%dma_start3A_153, %dma_start3A_154] : memref<128x80xf32, #tpu.memory_space<vmem>> -> memref<104x80xf32, #tpu.memory_space<vmem>>
      tpu.enqueue_dma source(%dma_start3A_155 : memref<104x80xf32, #tpu.memory_space<vmem>>) target(%dma_start3A_152 : memref<104x80xf32, #tpu.memory_space<hbm>>) target_semaphore(%run_scoped3A : memref<!tpu.dma_semaphore, #tpu.memory_space<semaphore_mem>>)
      %dma_wait3A = arith.constant 0 : i32
      %dma_wait3A_156 = arith.constant 0 : i32
      %dma_wait3A_157 = tpu.memref_slice %arg9[%dma_wait3A, %dma_wait3A_156] : memref<128x80xf32, #tpu.memory_space<vmem>> -> memref<104x80xf32, #tpu.memory_space<vmem>>
      %dma_wait3A_158 = arith.constant 0 : i32
      %dma_wait3A_159 = tpu.memref_slice %arg6[%arg0, %multiple_of3A_118, %dma_wait3A_158] : memref<2x10000x80xf32, #tpu.memory_space<hbm>> -> memref<1x104x80xf32, #tpu.memory_space<hbm>>
      %dma_wait3A_160 = tpu.memref_squeeze %dma_wait3A_159 : memref<1x104x80xf32, #tpu.memory_space<hbm>> -> memref<104x80xf32, #tpu.memory_space<hbm>>
      %dma_wait3A_161 = arith.constant 0 : i32
      %dma_wait3A_162 = tpu.memref_slice %arg6[%arg0, %multiple_of3A_118, %dma_wait3A_161] : memref<2x10000x80xf32, #tpu.memory_space<hbm>> -> memref<1x104x80xf32, #tpu.memory_space<hbm>>
      %dma_wait3A_163 = tpu.memref_squeeze %dma_wait3A_162 : memref<1x104x80xf32, #tpu.memory_space<hbm>> -> memref<104x80xf32, #tpu.memory_space<hbm>>
      %dma_wait3A_164 = arith.constant 0 : i32
      %dma_wait3A_165 = arith.constant 0 : i32
      %dma_wait3A_166 = tpu.memref_slice %arg9[%dma_wait3A_164, %dma_wait3A_165] : memref<128x80xf32, #tpu.memory_space<vmem>> -> memref<104x80xf32, #tpu.memory_space<vmem>>
      tpu.wait_dma2 semaphore(%run_scoped3A : memref<!tpu.dma_semaphore, #tpu.memory_space<semaphore_mem>>) src(%dma_wait3A_166 : memref<104x80xf32, #tpu.memory_space<vmem>>) dst(%dma_wait3A_163 : memref<104x80xf32, #tpu.memory_space<hbm>>)
      tpu.yield
    }) : () -> ()
    %mul3A_119 = arith.constant 624 : i32
    %mul3A_120 = arith.muli %arg1, %mul3A_119 : i32
    %add3A_121 = arith.constant 208 : i32
    %add3A_122 = arith.addi %mul3A_120, %add3A_121 : i32
    %multiple_of3A_123 = tpu.assume_multiple %add3A_122, 8 : i32
    "tpu.region"() ({
      %run_scoped3A = tpu.sem_alloc : memref<!tpu.dma_semaphore, #tpu.memory_space<semaphore_mem>>
      %dma_start3A_144 = arith.constant 0 : i32
      %dma_start3A_145 = arith.constant 0 : i32
      %dma_start3A_146 = tpu.memref_slice %arg9[%dma_start3A_144, %dma_start3A_145] : memref<128x80xf32, #tpu.memory_space<vmem>> -> memref<104x80xf32, #tpu.memory_space<vmem>>
      %dma_start3A_147 = arith.constant 0 : i32
      %dma_start3A_148 = tpu.memref_slice %arg12[%multiple_of3A_123, %dma_start3A_147] : memref<10008x80xf32, #tpu.memory_space<vmem_shared>> -> memref<104x80xf32, #tpu.memory_space<vmem_shared>>
      %dma_start3A_149 = arith.constant 0 : i32
      %dma_start3A_150 = arith.constant 0 : i32
      %dma_start3A_151 = tpu.memref_slice %arg9[%dma_start3A_149, %dma_start3A_150] : memref<128x80xf32, #tpu.memory_space<vmem>> -> memref<104x80xf32, #tpu.memory_space<vmem>>
      %dma_start3A_152 = arith.constant 0 : i32
      %dma_start3A_153 = tpu.memref_slice %arg12[%multiple_of3A_123, %dma_start3A_152] : memref<10008x80xf32, #tpu.memory_space<vmem_shared>> -> memref<104x80xf32, #tpu.memory_space<vmem_shared>>
      tpu.enqueue_dma source(%dma_start3A_153 : memref<104x80xf32, #tpu.memory_space<vmem_shared>>) target(%dma_start3A_151 : memref<104x80xf32, #tpu.memory_space<vmem>>) target_semaphore(%run_scoped3A : memref<!tpu.dma_semaphore, #tpu.memory_space<semaphore_mem>>)
      %dma_wait3A = arith.constant 0 : i32
      %dma_wait3A_154 = arith.constant 0 : i32
      %dma_wait3A_155 = tpu.memref_slice %arg9[%dma_wait3A, %dma_wait3A_154] : memref<128x80xf32, #tpu.memory_space<vmem>> -> memref<104x80xf32, #tpu.memory_space<vmem>>
      %dma_wait3A_156 = arith.constant 0 : i32
      %dma_wait3A_157 = tpu.memref_slice %arg12[%multiple_of3A_123, %dma_wait3A_156] : memref<10008x80xf32, #tpu.memory_space<vmem_shared>> -> memref<104x80xf32, #tpu.memory_space<vmem_shared>>
      %dma_wait3A_158 = arith.constant 0 : i32
      %dma_wait3A_159 = arith.constant 0 : i32
      %dma_wait3A_160 = tpu.memref_slice %arg9[%dma_wait3A_158, %dma_wait3A_159] : memref<128x80xf32, #tpu.memory_space<vmem>> -> memref<104x80xf32, #tpu.memory_space<vmem>>
      %dma_wait3A_161 = arith.constant 0 : i32
      %dma_wait3A_162 = tpu.memref_slice %arg12[%multiple_of3A_123, %dma_wait3A_161] : memref<10008x80xf32, #tpu.memory_space<vmem_shared>> -> memref<104x80xf32, #tpu.memory_space<vmem_shared>>
      tpu.wait_dma2 semaphore(%run_scoped3A : memref<!tpu.dma_semaphore, #tpu.memory_space<semaphore_mem>>) src(%dma_wait3A_162 : memref<104x80xf32, #tpu.memory_space<vmem_shared>>) dst(%dma_wait3A_160 : memref<104x80xf32, #tpu.memory_space<vmem>>)
      tpu.yield
    }) : () -> ()
    "tpu.region"() ({
      %run_scoped3A = tpu.sem_alloc : memref<!tpu.dma_semaphore, #tpu.memory_space<semaphore_mem>>
      %dma_start3A_144 = arith.constant 0 : i32
      %dma_start3A_145 = arith.constant 0 : i32
      %dma_start3A_146 = tpu.memref_slice %arg9[%dma_start3A_144, %dma_start3A_145] : memref<128x80xf32, #tpu.memory_space<vmem>> -> memref<104x80xf32, #tpu.memory_space<vmem>>
      %dma_start3A_147 = arith.constant 0 : i32
      %dma_start3A_148 = tpu.memref_slice %arg6[%arg0, %multiple_of3A_123, %dma_start3A_147] : memref<2x10000x80xf32, #tpu.memory_space<hbm>> -> memref<1x104x80xf32, #tpu.memory_space<hbm>>
      %dma_start3A_149 = tpu.memref_squeeze %dma_start3A_148 : memref<1x104x80xf32, #tpu.memory_space<hbm>> -> memref<104x80xf32, #tpu.memory_space<hbm>>
      %dma_start3A_150 = arith.constant 0 : i32
      %dma_start3A_151 = tpu.memref_slice %arg6[%arg0, %multiple_of3A_123, %dma_start3A_150] : memref<2x10000x80xf32, #tpu.memory_space<hbm>> -> memref<1x104x80xf32, #tpu.memory_space<hbm>>
      %dma_start3A_152 = tpu.memref_squeeze %dma_start3A_151 : memref<1x104x80xf32, #tpu.memory_space<hbm>> -> memref<104x80xf32, #tpu.memory_space<hbm>>
      %dma_start3A_153 = arith.constant 0 : i32
      %dma_start3A_154 = arith.constant 0 : i32
      %dma_start3A_155 = tpu.memref_slice %arg9[%dma_start3A_153, %dma_start3A_154] : memref<128x80xf32, #tpu.memory_space<vmem>> -> memref<104x80xf32, #tpu.memory_space<vmem>>
      tpu.enqueue_dma source(%dma_start3A_155 : memref<104x80xf32, #tpu.memory_space<vmem>>) target(%dma_start3A_152 : memref<104x80xf32, #tpu.memory_space<hbm>>) target_semaphore(%run_scoped3A : memref<!tpu.dma_semaphore, #tpu.memory_space<semaphore_mem>>)
      %dma_wait3A = arith.constant 0 : i32
      %dma_wait3A_156 = arith.constant 0 : i32
      %dma_wait3A_157 = tpu.memref_slice %arg9[%dma_wait3A, %dma_wait3A_156] : memref<128x80xf32, #tpu.memory_space<vmem>> -> memref<104x80xf32, #tpu.memory_space<vmem>>
      %dma_wait3A_158 = arith.constant 0 : i32
      %dma_wait3A_159 = tpu.memref_slice %arg6[%arg0, %multiple_of3A_123, %dma_wait3A_158] : memref<2x10000x80xf32, #tpu.memory_space<hbm>> -> memref<1x104x80xf32, #tpu.memory_space<hbm>>
      %dma_wait3A_160 = tpu.memref_squeeze %dma_wait3A_159 : memref<1x104x80xf32, #tpu.memory_space<hbm>> -> memref<104x80xf32, #tpu.memory_space<hbm>>
      %dma_wait3A_161 = arith.constant 0 : i32
      %dma_wait3A_162 = tpu.memref_slice %arg6[%arg0, %multiple_of3A_123, %dma_wait3A_161] : memref<2x10000x80xf32, #tpu.memory_space<hbm>> -> memref<1x104x80xf32, #tpu.memory_space<hbm>>
      %dma_wait3A_163 = tpu.memref_squeeze %dma_wait3A_162 : memref<1x104x80xf32, #tpu.memory_space<hbm>> -> memref<104x80xf32, #tpu.memory_space<hbm>>
      %dma_wait3A_164 = arith.constant 0 : i32
      %dma_wait3A_165 = arith.constant 0 : i32
      %dma_wait3A_166 = tpu.memref_slice %arg9[%dma_wait3A_164, %dma_wait3A_165] : memref<128x80xf32, #tpu.memory_space<vmem>> -> memref<104x80xf32, #tpu.memory_space<vmem>>
      tpu.wait_dma2 semaphore(%run_scoped3A : memref<!tpu.dma_semaphore, #tpu.memory_space<semaphore_mem>>) src(%dma_wait3A_166 : memref<104x80xf32, #tpu.memory_space<vmem>>) dst(%dma_wait3A_163 : memref<104x80xf32, #tpu.memory_space<hbm>>)
      tpu.yield
    }) : () -> ()
    %mul3A_124 = arith.constant 624 : i32
    %mul3A_125 = arith.muli %arg1, %mul3A_124 : i32
    %add3A_126 = arith.constant 312 : i32
    %add3A_127 = arith.addi %mul3A_125, %add3A_126 : i32
    %multiple_of3A_128 = tpu.assume_multiple %add3A_127, 8 : i32
    "tpu.region"() ({
      %run_scoped3A = tpu.sem_alloc : memref<!tpu.dma_semaphore, #tpu.memory_space<semaphore_mem>>
      %dma_start3A_144 = arith.constant 0 : i32
      %dma_start3A_145 = arith.constant 0 : i32
      %dma_start3A_146 = tpu.memref_slice %arg9[%dma_start3A_144, %dma_start3A_145] : memref<128x80xf32, #tpu.memory_space<vmem>> -> memref<104x80xf32, #tpu.memory_space<vmem>>
      %dma_start3A_147 = arith.constant 0 : i32
      %dma_start3A_148 = tpu.memref_slice %arg12[%multiple_of3A_128, %dma_start3A_147] : memref<10008x80xf32, #tpu.memory_space<vmem_shared>> -> memref<104x80xf32, #tpu.memory_space<vmem_shared>>
      %dma_start3A_149 = arith.constant 0 : i32
      %dma_start3A_150 = arith.constant 0 : i32
      %dma_start3A_151 = tpu.memref_slice %arg9[%dma_start3A_149, %dma_start3A_150] : memref<128x80xf32, #tpu.memory_space<vmem>> -> memref<104x80xf32, #tpu.memory_space<vmem>>
      %dma_start3A_152 = arith.constant 0 : i32
      %dma_start3A_153 = tpu.memref_slice %arg12[%multiple_of3A_128, %dma_start3A_152] : memref<10008x80xf32, #tpu.memory_space<vmem_shared>> -> memref<104x80xf32, #tpu.memory_space<vmem_shared>>
      tpu.enqueue_dma source(%dma_start3A_153 : memref<104x80xf32, #tpu.memory_space<vmem_shared>>) target(%dma_start3A_151 : memref<104x80xf32, #tpu.memory_space<vmem>>) target_semaphore(%run_scoped3A : memref<!tpu.dma_semaphore, #tpu.memory_space<semaphore_mem>>)
      %dma_wait3A = arith.constant 0 : i32
      %dma_wait3A_154 = arith.constant 0 : i32
      %dma_wait3A_155 = tpu.memref_slice %arg9[%dma_wait3A, %dma_wait3A_154] : memref<128x80xf32, #tpu.memory_space<vmem>> -> memref<104x80xf32, #tpu.memory_space<vmem>>
      %dma_wait3A_156 = arith.constant 0 : i32
      %dma_wait3A_157 = tpu.memref_slice %arg12[%multiple_of3A_128, %dma_wait3A_156] : memref<10008x80xf32, #tpu.memory_space<vmem_shared>> -> memref<104x80xf32, #tpu.memory_space<vmem_shared>>
      %dma_wait3A_158 = arith.constant 0 : i32
      %dma_wait3A_159 = arith.constant 0 : i32
      %dma_wait3A_160 = tpu.memref_slice %arg9[%dma_wait3A_158, %dma_wait3A_159] : memref<128x80xf32, #tpu.memory_space<vmem>> -> memref<104x80xf32, #tpu.memory_space<vmem>>
      %dma_wait3A_161 = arith.constant 0 : i32
      %dma_wait3A_162 = tpu.memref_slice %arg12[%multiple_of3A_128, %dma_wait3A_161] : memref<10008x80xf32, #tpu.memory_space<vmem_shared>> -> memref<104x80xf32, #tpu.memory_space<vmem_shared>>
      tpu.wait_dma2 semaphore(%run_scoped3A : memref<!tpu.dma_semaphore, #tpu.memory_space<semaphore_mem>>) src(%dma_wait3A_162 : memref<104x80xf32, #tpu.memory_space<vmem_shared>>) dst(%dma_wait3A_160 : memref<104x80xf32, #tpu.memory_space<vmem>>)
      tpu.yield
    }) : () -> ()
    "tpu.region"() ({
      %run_scoped3A = tpu.sem_alloc : memref<!tpu.dma_semaphore, #tpu.memory_space<semaphore_mem>>
      %dma_start3A_144 = arith.constant 0 : i32
      %dma_start3A_145 = arith.constant 0 : i32
      %dma_start3A_146 = tpu.memref_slice %arg9[%dma_start3A_144, %dma_start3A_145] : memref<128x80xf32, #tpu.memory_space<vmem>> -> memref<104x80xf32, #tpu.memory_space<vmem>>
      %dma_start3A_147 = arith.constant 0 : i32
      %dma_start3A_148 = tpu.memref_slice %arg6[%arg0, %multiple_of3A_128, %dma_start3A_147] : memref<2x10000x80xf32, #tpu.memory_space<hbm>> -> memref<1x104x80xf32, #tpu.memory_space<hbm>>
      %dma_start3A_149 = tpu.memref_squeeze %dma_start3A_148 : memref<1x104x80xf32, #tpu.memory_space<hbm>> -> memref<104x80xf32, #tpu.memory_space<hbm>>
      %dma_start3A_150 = arith.constant 0 : i32
      %dma_start3A_151 = tpu.memref_slice %arg6[%arg0, %multiple_of3A_128, %dma_start3A_150] : memref<2x10000x80xf32, #tpu.memory_space<hbm>> -> memref<1x104x80xf32, #tpu.memory_space<hbm>>
      %dma_start3A_152 = tpu.memref_squeeze %dma_start3A_151 : memref<1x104x80xf32, #tpu.memory_space<hbm>> -> memref<104x80xf32, #tpu.memory_space<hbm>>
      %dma_start3A_153 = arith.constant 0 : i32
      %dma_start3A_154 = arith.constant 0 : i32
      %dma_start3A_155 = tpu.memref_slice %arg9[%dma_start3A_153, %dma_start3A_154] : memref<128x80xf32, #tpu.memory_space<vmem>> -> memref<104x80xf32, #tpu.memory_space<vmem>>
      tpu.enqueue_dma source(%dma_start3A_155 : memref<104x80xf32, #tpu.memory_space<vmem>>) target(%dma_start3A_152 : memref<104x80xf32, #tpu.memory_space<hbm>>) target_semaphore(%run_scoped3A : memref<!tpu.dma_semaphore, #tpu.memory_space<semaphore_mem>>)
      %dma_wait3A = arith.constant 0 : i32
      %dma_wait3A_156 = arith.constant 0 : i32
      %dma_wait3A_157 = tpu.memref_slice %arg9[%dma_wait3A, %dma_wait3A_156] : memref<128x80xf32, #tpu.memory_space<vmem>> -> memref<104x80xf32, #tpu.memory_space<vmem>>
      %dma_wait3A_158 = arith.constant 0 : i32
      %dma_wait3A_159 = tpu.memref_slice %arg6[%arg0, %multiple_of3A_128, %dma_wait3A_158] : memref<2x10000x80xf32, #tpu.memory_space<hbm>> -> memref<1x104x80xf32, #tpu.memory_space<hbm>>
      %dma_wait3A_160 = tpu.memref_squeeze %dma_wait3A_159 : memref<1x104x80xf32, #tpu.memory_space<hbm>> -> memref<104x80xf32, #tpu.memory_space<hbm>>
      %dma_wait3A_161 = arith.constant 0 : i32
      %dma_wait3A_162 = tpu.memref_slice %arg6[%arg0, %multiple_of3A_128, %dma_wait3A_161] : memref<2x10000x80xf32, #tpu.memory_space<hbm>> -> memref<1x104x80xf32, #tpu.memory_space<hbm>>
      %dma_wait3A_163 = tpu.memref_squeeze %dma_wait3A_162 : memref<1x104x80xf32, #tpu.memory_space<hbm>> -> memref<104x80xf32, #tpu.memory_space<hbm>>
      %dma_wait3A_164 = arith.constant 0 : i32
      %dma_wait3A_165 = arith.constant 0 : i32
      %dma_wait3A_166 = tpu.memref_slice %arg9[%dma_wait3A_164, %dma_wait3A_165] : memref<128x80xf32, #tpu.memory_space<vmem>> -> memref<104x80xf32, #tpu.memory_space<vmem>>
      tpu.wait_dma2 semaphore(%run_scoped3A : memref<!tpu.dma_semaphore, #tpu.memory_space<semaphore_mem>>) src(%dma_wait3A_166 : memref<104x80xf32, #tpu.memory_space<vmem>>) dst(%dma_wait3A_163 : memref<104x80xf32, #tpu.memory_space<hbm>>)
      tpu.yield
    }) : () -> ()
    %mul3A_129 = arith.constant 624 : i32
    %mul3A_130 = arith.muli %arg1, %mul3A_129 : i32
    %add3A_131 = arith.constant 416 : i32
    %add3A_132 = arith.addi %mul3A_130, %add3A_131 : i32
    %multiple_of3A_133 = tpu.assume_multiple %add3A_132, 8 : i32
    "tpu.region"() ({
      %run_scoped3A = tpu.sem_alloc : memref<!tpu.dma_semaphore, #tpu.memory_space<semaphore_mem>>
      %dma_start3A_144 = arith.constant 0 : i32
      %dma_start3A_145 = arith.constant 0 : i32
      %dma_start3A_146 = tpu.memref_slice %arg9[%dma_start3A_144, %dma_start3A_145] : memref<128x80xf32, #tpu.memory_space<vmem>> -> memref<104x80xf32, #tpu.memory_space<vmem>>
      %dma_start3A_147 = arith.constant 0 : i32
      %dma_start3A_148 = tpu.memref_slice %arg12[%multiple_of3A_133, %dma_start3A_147] : memref<10008x80xf32, #tpu.memory_space<vmem_shared>> -> memref<104x80xf32, #tpu.memory_space<vmem_shared>>
      %dma_start3A_149 = arith.constant 0 : i32
      %dma_start3A_150 = arith.constant 0 : i32
      %dma_start3A_151 = tpu.memref_slice %arg9[%dma_start3A_149, %dma_start3A_150] : memref<128x80xf32, #tpu.memory_space<vmem>> -> memref<104x80xf32, #tpu.memory_space<vmem>>
      %dma_start3A_152 = arith.constant 0 : i32
      %dma_start3A_153 = tpu.memref_slice %arg12[%multiple_of3A_133, %dma_start3A_152] : memref<10008x80xf32, #tpu.memory_space<vmem_shared>> -> memref<104x80xf32, #tpu.memory_space<vmem_shared>>
      tpu.enqueue_dma source(%dma_start3A_153 : memref<104x80xf32, #tpu.memory_space<vmem_shared>>) target(%dma_start3A_151 : memref<104x80xf32, #tpu.memory_space<vmem>>) target_semaphore(%run_scoped3A : memref<!tpu.dma_semaphore, #tpu.memory_space<semaphore_mem>>)
      %dma_wait3A = arith.constant 0 : i32
      %dma_wait3A_154 = arith.constant 0 : i32
      %dma_wait3A_155 = tpu.memref_slice %arg9[%dma_wait3A, %dma_wait3A_154] : memref<128x80xf32, #tpu.memory_space<vmem>> -> memref<104x80xf32, #tpu.memory_space<vmem>>
      %dma_wait3A_156 = arith.constant 0 : i32
      %dma_wait3A_157 = tpu.memref_slice %arg12[%multiple_of3A_133, %dma_wait3A_156] : memref<10008x80xf32, #tpu.memory_space<vmem_shared>> -> memref<104x80xf32, #tpu.memory_space<vmem_shared>>
      %dma_wait3A_158 = arith.constant 0 : i32
      %dma_wait3A_159 = arith.constant 0 : i32
      %dma_wait3A_160 = tpu.memref_slice %arg9[%dma_wait3A_158, %dma_wait3A_159] : memref<128x80xf32, #tpu.memory_space<vmem>> -> memref<104x80xf32, #tpu.memory_space<vmem>>
      %dma_wait3A_161 = arith.constant 0 : i32
      %dma_wait3A_162 = tpu.memref_slice %arg12[%multiple_of3A_133, %dma_wait3A_161] : memref<10008x80xf32, #tpu.memory_space<vmem_shared>> -> memref<104x80xf32, #tpu.memory_space<vmem_shared>>
      tpu.wait_dma2 semaphore(%run_scoped3A : memref<!tpu.dma_semaphore, #tpu.memory_space<semaphore_mem>>) src(%dma_wait3A_162 : memref<104x80xf32, #tpu.memory_space<vmem_shared>>) dst(%dma_wait3A_160 : memref<104x80xf32, #tpu.memory_space<vmem>>)
      tpu.yield
    }) : () -> ()
    "tpu.region"() ({
      %run_scoped3A = tpu.sem_alloc : memref<!tpu.dma_semaphore, #tpu.memory_space<semaphore_mem>>
      %dma_start3A_144 = arith.constant 0 : i32
      %dma_start3A_145 = arith.constant 0 : i32
      %dma_start3A_146 = tpu.memref_slice %arg9[%dma_start3A_144, %dma_start3A_145] : memref<128x80xf32, #tpu.memory_space<vmem>> -> memref<104x80xf32, #tpu.memory_space<vmem>>
      %dma_start3A_147 = arith.constant 0 : i32
      %dma_start3A_148 = tpu.memref_slice %arg6[%arg0, %multiple_of3A_133, %dma_start3A_147] : memref<2x10000x80xf32, #tpu.memory_space<hbm>> -> memref<1x104x80xf32, #tpu.memory_space<hbm>>
      %dma_start3A_149 = tpu.memref_squeeze %dma_start3A_148 : memref<1x104x80xf32, #tpu.memory_space<hbm>> -> memref<104x80xf32, #tpu.memory_space<hbm>>
      %dma_start3A_150 = arith.constant 0 : i32
      %dma_start3A_151 = tpu.memref_slice %arg6[%arg0, %multiple_of3A_133, %dma_start3A_150] : memref<2x10000x80xf32, #tpu.memory_space<hbm>> -> memref<1x104x80xf32, #tpu.memory_space<hbm>>
      %dma_start3A_152 = tpu.memref_squeeze %dma_start3A_151 : memref<1x104x80xf32, #tpu.memory_space<hbm>> -> memref<104x80xf32, #tpu.memory_space<hbm>>
      %dma_start3A_153 = arith.constant 0 : i32
      %dma_start3A_154 = arith.constant 0 : i32
      %dma_start3A_155 = tpu.memref_slice %arg9[%dma_start3A_153, %dma_start3A_154] : memref<128x80xf32, #tpu.memory_space<vmem>> -> memref<104x80xf32, #tpu.memory_space<vmem>>
      tpu.enqueue_dma source(%dma_start3A_155 : memref<104x80xf32, #tpu.memory_space<vmem>>) target(%dma_start3A_152 : memref<104x80xf32, #tpu.memory_space<hbm>>) target_semaphore(%run_scoped3A : memref<!tpu.dma_semaphore, #tpu.memory_space<semaphore_mem>>)
      %dma_wait3A = arith.constant 0 : i32
      %dma_wait3A_156 = arith.constant 0 : i32
      %dma_wait3A_157 = tpu.memref_slice %arg9[%dma_wait3A, %dma_wait3A_156] : memref<128x80xf32, #tpu.memory_space<vmem>> -> memref<104x80xf32, #tpu.memory_space<vmem>>
      %dma_wait3A_158 = arith.constant 0 : i32
      %dma_wait3A_159 = tpu.memref_slice %arg6[%arg0, %multiple_of3A_133, %dma_wait3A_158] : memref<2x10000x80xf32, #tpu.memory_space<hbm>> -> memref<1x104x80xf32, #tpu.memory_space<hbm>>
      %dma_wait3A_160 = tpu.memref_squeeze %dma_wait3A_159 : memref<1x104x80xf32, #tpu.memory_space<hbm>> -> memref<104x80xf32, #tpu.memory_space<hbm>>
      %dma_wait3A_161 = arith.constant 0 : i32
      %dma_wait3A_162 = tpu.memref_slice %arg6[%arg0, %multiple_of3A_133, %dma_wait3A_161] : memref<2x10000x80xf32, #tpu.memory_space<hbm>> -> memref<1x104x80xf32, #tpu.memory_space<hbm>>
      %dma_wait3A_163 = tpu.memref_squeeze %dma_wait3A_162 : memref<1x104x80xf32, #tpu.memory_space<hbm>> -> memref<104x80xf32, #tpu.memory_space<hbm>>
      %dma_wait3A_164 = arith.constant 0 : i32
      %dma_wait3A_165 = arith.constant 0 : i32
      %dma_wait3A_166 = tpu.memref_slice %arg9[%dma_wait3A_164, %dma_wait3A_165] : memref<128x80xf32, #tpu.memory_space<vmem>> -> memref<104x80xf32, #tpu.memory_space<vmem>>
      tpu.wait_dma2 semaphore(%run_scoped3A : memref<!tpu.dma_semaphore, #tpu.memory_space<semaphore_mem>>) src(%dma_wait3A_166 : memref<104x80xf32, #tpu.memory_space<vmem>>) dst(%dma_wait3A_163 : memref<104x80xf32, #tpu.memory_space<hbm>>)
      tpu.yield
    }) : () -> ()
    %mul3A_134 = arith.constant 624 : i32
    %mul3A_135 = arith.muli %arg1, %mul3A_134 : i32
    %add3A_136 = arith.constant 520 : i32
    %add3A_137 = arith.addi %mul3A_135, %add3A_136 : i32
    %multiple_of3A_138 = tpu.assume_multiple %add3A_137, 8 : i32
    "tpu.region"() ({
      %run_scoped3A = tpu.sem_alloc : memref<!tpu.dma_semaphore, #tpu.memory_space<semaphore_mem>>
      %dma_start3A_144 = arith.constant 0 : i32
      %dma_start3A_145 = arith.constant 0 : i32
      %dma_start3A_146 = tpu.memref_slice %arg9[%dma_start3A_144, %dma_start3A_145] : memref<128x80xf32, #tpu.memory_space<vmem>> -> memref<104x80xf32, #tpu.memory_space<vmem>>
      %dma_start3A_147 = arith.constant 0 : i32
      %dma_start3A_148 = tpu.memref_slice %arg12[%multiple_of3A_138, %dma_start3A_147] : memref<10008x80xf32, #tpu.memory_space<vmem_shared>> -> memref<104x80xf32, #tpu.memory_space<vmem_shared>>
      %dma_start3A_149 = arith.constant 0 : i32
      %dma_start3A_150 = arith.constant 0 : i32
      %dma_start3A_151 = tpu.memref_slice %arg9[%dma_start3A_149, %dma_start3A_150] : memref<128x80xf32, #tpu.memory_space<vmem>> -> memref<104x80xf32, #tpu.memory_space<vmem>>
      %dma_start3A_152 = arith.constant 0 : i32
      %dma_start3A_153 = tpu.memref_slice %arg12[%multiple_of3A_138, %dma_start3A_152] : memref<10008x80xf32, #tpu.memory_space<vmem_shared>> -> memref<104x80xf32, #tpu.memory_space<vmem_shared>>
      tpu.enqueue_dma source(%dma_start3A_153 : memref<104x80xf32, #tpu.memory_space<vmem_shared>>) target(%dma_start3A_151 : memref<104x80xf32, #tpu.memory_space<vmem>>) target_semaphore(%run_scoped3A : memref<!tpu.dma_semaphore, #tpu.memory_space<semaphore_mem>>)
      %dma_wait3A = arith.constant 0 : i32
      %dma_wait3A_154 = arith.constant 0 : i32
      %dma_wait3A_155 = tpu.memref_slice %arg9[%dma_wait3A, %dma_wait3A_154] : memref<128x80xf32, #tpu.memory_space<vmem>> -> memref<104x80xf32, #tpu.memory_space<vmem>>
      %dma_wait3A_156 = arith.constant 0 : i32
      %dma_wait3A_157 = tpu.memref_slice %arg12[%multiple_of3A_138, %dma_wait3A_156] : memref<10008x80xf32, #tpu.memory_space<vmem_shared>> -> memref<104x80xf32, #tpu.memory_space<vmem_shared>>
      %dma_wait3A_158 = arith.constant 0 : i32
      %dma_wait3A_159 = arith.constant 0 : i32
      %dma_wait3A_160 = tpu.memref_slice %arg9[%dma_wait3A_158, %dma_wait3A_159] : memref<128x80xf32, #tpu.memory_space<vmem>> -> memref<104x80xf32, #tpu.memory_space<vmem>>
      %dma_wait3A_161 = arith.constant 0 : i32
      %dma_wait3A_162 = tpu.memref_slice %arg12[%multiple_of3A_138, %dma_wait3A_161] : memref<10008x80xf32, #tpu.memory_space<vmem_shared>> -> memref<104x80xf32, #tpu.memory_space<vmem_shared>>
      tpu.wait_dma2 semaphore(%run_scoped3A : memref<!tpu.dma_semaphore, #tpu.memory_space<semaphore_mem>>) src(%dma_wait3A_162 : memref<104x80xf32, #tpu.memory_space<vmem_shared>>) dst(%dma_wait3A_160 : memref<104x80xf32, #tpu.memory_space<vmem>>)
      tpu.yield
    }) : () -> ()
    "tpu.region"() ({
      %run_scoped3A = tpu.sem_alloc : memref<!tpu.dma_semaphore, #tpu.memory_space<semaphore_mem>>
      %dma_start3A_144 = arith.constant 0 : i32
      %dma_start3A_145 = arith.constant 0 : i32
      %dma_start3A_146 = tpu.memref_slice %arg9[%dma_start3A_144, %dma_start3A_145] : memref<128x80xf32, #tpu.memory_space<vmem>> -> memref<104x80xf32, #tpu.memory_space<vmem>>
      %dma_start3A_147 = arith.constant 0 : i32
      %dma_start3A_148 = tpu.memref_slice %arg6[%arg0, %multiple_of3A_138, %dma_start3A_147] : memref<2x10000x80xf32, #tpu.memory_space<hbm>> -> memref<1x104x80xf32, #tpu.memory_space<hbm>>
      %dma_start3A_149 = tpu.memref_squeeze %dma_start3A_148 : memref<1x104x80xf32, #tpu.memory_space<hbm>> -> memref<104x80xf32, #tpu.memory_space<hbm>>
      %dma_start3A_150 = arith.constant 0 : i32
      %dma_start3A_151 = tpu.memref_slice %arg6[%arg0, %multiple_of3A_138, %dma_start3A_150] : memref<2x10000x80xf32, #tpu.memory_space<hbm>> -> memref<1x104x80xf32, #tpu.memory_space<hbm>>
      %dma_start3A_152 = tpu.memref_squeeze %dma_start3A_151 : memref<1x104x80xf32, #tpu.memory_space<hbm>> -> memref<104x80xf32, #tpu.memory_space<hbm>>
      %dma_start3A_153 = arith.constant 0 : i32
      %dma_start3A_154 = arith.constant 0 : i32
      %dma_start3A_155 = tpu.memref_slice %arg9[%dma_start3A_153, %dma_start3A_154] : memref<128x80xf32, #tpu.memory_space<vmem>> -> memref<104x80xf32, #tpu.memory_space<vmem>>
      tpu.enqueue_dma source(%dma_start3A_155 : memref<104x80xf32, #tpu.memory_space<vmem>>) target(%dma_start3A_152 : memref<104x80xf32, #tpu.memory_space<hbm>>) target_semaphore(%run_scoped3A : memref<!tpu.dma_semaphore, #tpu.memory_space<semaphore_mem>>)
      %dma_wait3A = arith.constant 0 : i32
      %dma_wait3A_156 = arith.constant 0 : i32
      %dma_wait3A_157 = tpu.memref_slice %arg9[%dma_wait3A, %dma_wait3A_156] : memref<128x80xf32, #tpu.memory_space<vmem>> -> memref<104x80xf32, #tpu.memory_space<vmem>>
      %dma_wait3A_158 = arith.constant 0 : i32
      %dma_wait3A_159 = tpu.memref_slice %arg6[%arg0, %multiple_of3A_138, %dma_wait3A_158] : memref<2x10000x80xf32, #tpu.memory_space<hbm>> -> memref<1x104x80xf32, #tpu.memory_space<hbm>>
      %dma_wait3A_160 = tpu.memref_squeeze %dma_wait3A_159 : memref<1x104x80xf32, #tpu.memory_space<hbm>> -> memref<104x80xf32, #tpu.memory_space<hbm>>
      %dma_wait3A_161 = arith.constant 0 : i32
      %dma_wait3A_162 = tpu.memref_slice %arg6[%arg0, %multiple_of3A_138, %dma_wait3A_161] : memref<2x10000x80xf32, #tpu.memory_space<hbm>> -> memref<1x104x80xf32, #tpu.memory_space<hbm>>
      %dma_wait3A_163 = tpu.memref_squeeze %dma_wait3A_162 : memref<1x104x80xf32, #tpu.memory_space<hbm>> -> memref<104x80xf32, #tpu.memory_space<hbm>>
      %dma_wait3A_164 = arith.constant 0 : i32
      %dma_wait3A_165 = arith.constant 0 : i32
      %dma_wait3A_166 = tpu.memref_slice %arg9[%dma_wait3A_164, %dma_wait3A_165] : memref<128x80xf32, #tpu.memory_space<vmem>> -> memref<104x80xf32, #tpu.memory_space<vmem>>
      tpu.wait_dma2 semaphore(%run_scoped3A : memref<!tpu.dma_semaphore, #tpu.memory_space<semaphore_mem>>) src(%dma_wait3A_166 : memref<104x80xf32, #tpu.memory_space<vmem>>) dst(%dma_wait3A_163 : memref<104x80xf32, #tpu.memory_space<hbm>>)
      tpu.yield
    }) : () -> ()
    %eq3A_139 = arith.constant 0 : i32
    %eq3A_140 = arith.cmpi eq, %arg1, %eq3A_139 : i32
    %convert_element_type3A_141 = arith.extui %eq3A_140 : i1 to i32
    %cond3A_142 = arith.constant 0 : i32
    %cond3A_143 = arith.cmpi ne, %convert_element_type3A_141, %cond3A_142 : i32
    scf.if %cond3A_143 {
      "tpu.region"() ({
        %run_scoped3A = tpu.sem_alloc : memref<!tpu.dma_semaphore, #tpu.memory_space<semaphore_mem>>
        %dma_start3A_144 = arith.constant 0 : i32
        %dma_start3A_145 = arith.constant 0 : i32
        %dma_start3A_146 = tpu.memref_slice %arg9[%dma_start3A_144, %dma_start3A_145] : memref<128x80xf32, #tpu.memory_space<vmem>> -> memref<16x80xf32, #tpu.memory_space<vmem>>
        %dma_start3A_147 = arith.constant 9984 : i32
        %dma_start3A_148 = arith.constant 0 : i32
        %dma_start3A_149 = tpu.memref_slice %arg12[%dma_start3A_147, %dma_start3A_148] : memref<10008x80xf32, #tpu.memory_space<vmem_shared>> -> memref<16x80xf32, #tpu.memory_space<vmem_shared>>
        %dma_start3A_150 = arith.constant 0 : i32
        %dma_start3A_151 = arith.constant 0 : i32
        %dma_start3A_152 = tpu.memref_slice %arg9[%dma_start3A_150, %dma_start3A_151] : memref<128x80xf32, #tpu.memory_space<vmem>> -> memref<16x80xf32, #tpu.memory_space<vmem>>
        %dma_start3A_153 = arith.constant 9984 : i32
        %dma_start3A_154 = arith.constant 0 : i32
        %dma_start3A_155 = tpu.memref_slice %arg12[%dma_start3A_153, %dma_start3A_154] : memref<10008x80xf32, #tpu.memory_space<vmem_shared>> -> memref<16x80xf32, #tpu.memory_space<vmem_shared>>
        tpu.enqueue_dma source(%dma_start3A_155 : memref<16x80xf32, #tpu.memory_space<vmem_shared>>) target(%dma_start3A_152 : memref<16x80xf32, #tpu.memory_space<vmem>>) target_semaphore(%run_scoped3A : memref<!tpu.dma_semaphore, #tpu.memory_space<semaphore_mem>>)
        %dma_wait3A = arith.constant 0 : i32
        %dma_wait3A_156 = arith.constant 0 : i32
        %dma_wait3A_157 = tpu.memref_slice %arg9[%dma_wait3A, %dma_wait3A_156] : memref<128x80xf32, #tpu.memory_space<vmem>> -> memref<16x80xf32, #tpu.memory_space<vmem>>
        %dma_wait3A_158 = arith.constant 9984 : i32
        %dma_wait3A_159 = arith.constant 0 : i32
        %dma_wait3A_160 = tpu.memref_slice %arg12[%dma_wait3A_158, %dma_wait3A_159] : memref<10008x80xf32, #tpu.memory_space<vmem_shared>> -> memref<16x80xf32, #tpu.memory_space<vmem_shared>>
        %dma_wait3A_161 = arith.constant 0 : i32
        %dma_wait3A_162 = arith.constant 0 : i32
        %dma_wait3A_163 = tpu.memref_slice %arg9[%dma_wait3A_161, %dma_wait3A_162] : memref<128x80xf32, #tpu.memory_space<vmem>> -> memref<16x80xf32, #tpu.memory_space<vmem>>
        %dma_wait3A_164 = arith.constant 9984 : i32
        %dma_wait3A_165 = arith.constant 0 : i32
        %dma_wait3A_166 = tpu.memref_slice %arg12[%dma_wait3A_164, %dma_wait3A_165] : memref<10008x80xf32, #tpu.memory_space<vmem_shared>> -> memref<16x80xf32, #tpu.memory_space<vmem_shared>>
        tpu.wait_dma2 semaphore(%run_scoped3A : memref<!tpu.dma_semaphore, #tpu.memory_space<semaphore_mem>>) src(%dma_wait3A_166 : memref<16x80xf32, #tpu.memory_space<vmem_shared>>) dst(%dma_wait3A_163 : memref<16x80xf32, #tpu.memory_space<vmem>>)
        tpu.yield
      }) : () -> ()
      "tpu.region"() ({
        %run_scoped3A = tpu.sem_alloc : memref<!tpu.dma_semaphore, #tpu.memory_space<semaphore_mem>>
        %dma_start3A_144 = arith.constant 0 : i32
        %dma_start3A_145 = arith.constant 0 : i32
        %dma_start3A_146 = tpu.memref_slice %arg9[%dma_start3A_144, %dma_start3A_145] : memref<128x80xf32, #tpu.memory_space<vmem>> -> memref<16x80xf32, #tpu.memory_space<vmem>>
        %dma_start3A_147 = arith.constant 9984 : i32
        %dma_start3A_148 = arith.constant 0 : i32
        %dma_start3A_149 = tpu.memref_slice %arg6[%arg0, %dma_start3A_147, %dma_start3A_148] : memref<2x10000x80xf32, #tpu.memory_space<hbm>> -> memref<1x16x80xf32, #tpu.memory_space<hbm>>
        %dma_start3A_150 = tpu.memref_squeeze %dma_start3A_149 : memref<1x16x80xf32, #tpu.memory_space<hbm>> -> memref<16x80xf32, #tpu.memory_space<hbm>>
        %dma_start3A_151 = arith.constant 9984 : i32
        %dma_start3A_152 = arith.constant 0 : i32
        %dma_start3A_153 = tpu.memref_slice %arg6[%arg0, %dma_start3A_151, %dma_start3A_152] : memref<2x10000x80xf32, #tpu.memory_space<hbm>> -> memref<1x16x80xf32, #tpu.memory_space<hbm>>
        %dma_start3A_154 = tpu.memref_squeeze %dma_start3A_153 : memref<1x16x80xf32, #tpu.memory_space<hbm>> -> memref<16x80xf32, #tpu.memory_space<hbm>>
        %dma_start3A_155 = arith.constant 0 : i32
        %dma_start3A_156 = arith.constant 0 : i32
        %dma_start3A_157 = tpu.memref_slice %arg9[%dma_start3A_155, %dma_start3A_156] : memref<128x80xf32, #tpu.memory_space<vmem>> -> memref<16x80xf32, #tpu.memory_space<vmem>>
        tpu.enqueue_dma source(%dma_start3A_157 : memref<16x80xf32, #tpu.memory_space<vmem>>) target(%dma_start3A_154 : memref<16x80xf32, #tpu.memory_space<hbm>>) target_semaphore(%run_scoped3A : memref<!tpu.dma_semaphore, #tpu.memory_space<semaphore_mem>>)
        %dma_wait3A = arith.constant 0 : i32
        %dma_wait3A_158 = arith.constant 0 : i32
        %dma_wait3A_159 = tpu.memref_slice %arg9[%dma_wait3A, %dma_wait3A_158] : memref<128x80xf32, #tpu.memory_space<vmem>> -> memref<16x80xf32, #tpu.memory_space<vmem>>
        %dma_wait3A_160 = arith.constant 9984 : i32
        %dma_wait3A_161 = arith.constant 0 : i32
        %dma_wait3A_162 = tpu.memref_slice %arg6[%arg0, %dma_wait3A_160, %dma_wait3A_161] : memref<2x10000x80xf32, #tpu.memory_space<hbm>> -> memref<1x16x80xf32, #tpu.memory_space<hbm>>
        %dma_wait3A_163 = tpu.memref_squeeze %dma_wait3A_162 : memref<1x16x80xf32, #tpu.memory_space<hbm>> -> memref<16x80xf32, #tpu.memory_space<hbm>>
        %dma_wait3A_164 = arith.constant 9984 : i32
        %dma_wait3A_165 = arith.constant 0 : i32
        %dma_wait3A_166 = tpu.memref_slice %arg6[%arg0, %dma_wait3A_164, %dma_wait3A_165] : memref<2x10000x80xf32, #tpu.memory_space<hbm>> -> memref<1x16x80xf32, #tpu.memory_space<hbm>>
        %dma_wait3A_167 = tpu.memref_squeeze %dma_wait3A_166 : memref<1x16x80xf32, #tpu.memory_space<hbm>> -> memref<16x80xf32, #tpu.memory_space<hbm>>
        %dma_wait3A_168 = arith.constant 0 : i32
        %dma_wait3A_169 = arith.constant 0 : i32
        %dma_wait3A_170 = tpu.memref_slice %arg9[%dma_wait3A_168, %dma_wait3A_169] : memref<128x80xf32, #tpu.memory_space<vmem>> -> memref<16x80xf32, #tpu.memory_space<vmem>>
        tpu.wait_dma2 semaphore(%run_scoped3A : memref<!tpu.dma_semaphore, #tpu.memory_space<semaphore_mem>>) src(%dma_wait3A_170 : memref<16x80xf32, #tpu.memory_space<vmem>>) dst(%dma_wait3A_167 : memref<16x80xf32, #tpu.memory_space<hbm>>)
        tpu.yield
      }) : () -> ()
    } else {
    }
    return
  }
}

#map = affine_map<(d0, d1) -> (0, 0, 0)>
module attributes {stable_mosaic.version = 14 : i64} {
  func.func @k(%arg0: i32, %arg1: i32, %arg2: memref<2x10008x64xf32, #tpu.memory_space<hbm>>, %arg3: memref<2x10000x128xf32, #tpu.memory_space<hbm>>, %arg4: memref<16x80x128xi32, #tpu.memory_space<hbm>>, %arg5: memref<16x80x128xi32, #tpu.memory_space<hbm>>, %arg6: memref<2x10000x80xf32, #tpu.memory_space<hbm>>, %arg7: memref<2x128x64xf32, #tpu.memory_space<vmem>>, %arg8: memref<2x128x128xf32, #tpu.memory_space<vmem>>, %arg9: memref<128x80xf32, #tpu.memory_space<vmem>>, %arg10: memref<80x128xi32, #tpu.memory_space<vmem>>, %arg11: memref<80x128xi32, #tpu.memory_space<vmem>>, %arg12: memref<10008x80xf32, #tpu.memory_space<vmem_shared>>, %arg13: memref<!tpu.dma_semaphore, #tpu.memory_space<semaphore_mem>>) attributes {dimension_semantics = [#tpu.dimension_semantics<core_parallel>, #tpu.dimension_semantics<subcore_parallel>], iteration_bounds = array<i64: 2, 16>, scalar_prefetch = 0 : i64, scratch_operands = 7 : i64, tpu.core_type = #tpu.core_type<sc_vector_subcore>, window_params = [{transform_indices = #map}, {transform_indices = #map}, {transform_indices = #map}, {transform_indices = #map}, {transform_indices = #map}]} {
    "tpu.region"() ({
      %run_scoped3A = tpu.sem_alloc : memref<!tpu.dma_semaphore, #tpu.memory_space<semaphore_mem>>
      %dma_start3A_144 = arith.constant 0 : i32
      %dma_start3A_145 = arith.constant 0 : i32
      %dma_start3A_146 = tpu.memref_slice %arg4[%arg1, %dma_start3A_144, %dma_start3A_145] : memref<16x80x128xi32, #tpu.memory_space<hbm>> -> memref<1x80x128xi32, #tpu.memory_space<hbm>>
      %dma_start3A_147 = tpu.memref_squeeze %dma_start3A_146 : memref<1x80x128xi32, #tpu.memory_space<hbm>> -> memref<80x128xi32, #tpu.memory_space<hbm>>
      %dma_start3A_148 = arith.constant 0 : i32
      %dma_start3A_149 = arith.constant 0 : i32
      %dma_start3A_150 = tpu.memref_slice %arg4[%arg1, %dma_start3A_148, %dma_start3A_149] : memref<16x80x128xi32, #tpu.memory_space<hbm>> -> memref<1x80x128xi32, #tpu.memory_space<hbm>>
      %dma_start3A_151 = tpu.memref_squeeze %dma_start3A_150 : memref<1x80x128xi32, #tpu.memory_space<hbm>> -> memref<80x128xi32, #tpu.memory_space<hbm>>
      tpu.enqueue_dma source(%dma_start3A_151 : memref<80x128xi32, #tpu.memory_space<hbm>>) target(%arg10 : memref<80x128xi32, #tpu.memory_space<vmem>>) target_semaphore(%run_scoped3A : memref<!tpu.dma_semaphore, #tpu.memory_space<semaphore_mem>>)
      %dma_wait3A = arith.constant 0 : i32
      %dma_wait3A_152 = arith.constant 0 : i32
      %dma_wait3A_153 = tpu.memref_slice %arg4[%arg1, %dma_wait3A, %dma_wait3A_152] : memref<16x80x128xi32, #tpu.memory_space<hbm>> -> memref<1x80x128xi32, #tpu.memory_space<hbm>>
      %dma_wait3A_154 = tpu.memref_squeeze %dma_wait3A_153 : memref<1x80x128xi32, #tpu.memory_space<hbm>> -> memref<80x128xi32, #tpu.memory_space<hbm>>
      %dma_wait3A_155 = arith.constant 0 : i32
      %dma_wait3A_156 = arith.constant 0 : i32
      %dma_wait3A_157 = tpu.memref_slice %arg4[%arg1, %dma_wait3A_155, %dma_wait3A_156] : memref<16x80x128xi32, #tpu.memory_space<hbm>> -> memref<1x80x128xi32, #tpu.memory_space<hbm>>
      %dma_wait3A_158 = tpu.memref_squeeze %dma_wait3A_157 : memref<1x80x128xi32, #tpu.memory_space<hbm>> -> memref<80x128xi32, #tpu.memory_space<hbm>>
      tpu.wait_dma2 semaphore(%run_scoped3A : memref<!tpu.dma_semaphore, #tpu.memory_space<semaphore_mem>>) src(%dma_wait3A_158 : memref<80x128xi32, #tpu.memory_space<hbm>>) dst(%arg10 : memref<80x128xi32, #tpu.memory_space<vmem>>)
      tpu.yield
    }) : () -> ()
    "tpu.region"() ({
      %run_scoped3A = tpu.sem_alloc : memref<!tpu.dma_semaphore, #tpu.memory_space<semaphore_mem>>
      %dma_start3A_144 = arith.constant 0 : i32
      %dma_start3A_145 = arith.constant 0 : i32
      %dma_start3A_146 = tpu.memref_slice %arg5[%arg1, %dma_start3A_144, %dma_start3A_145] : memref<16x80x128xi32, #tpu.memory_space<hbm>> -> memref<1x80x128xi32, #tpu.memory_space<hbm>>
      %dma_start3A_147 = tpu.memref_squeeze %dma_start3A_146 : memref<1x80x128xi32, #tpu.memory_space<hbm>> -> memref<80x128xi32, #tpu.memory_space<hbm>>
      %dma_start3A_148 = arith.constant 0 : i32
      %dma_start3A_149 = arith.constant 0 : i32
      %dma_start3A_150 = tpu.memref_slice %arg5[%arg1, %dma_start3A_148, %dma_start3A_149] : memref<16x80x128xi32, #tpu.memory_space<hbm>> -> memref<1x80x128xi32, #tpu.memory_space<hbm>>
      %dma_start3A_151 = tpu.memref_squeeze %dma_start3A_150 : memref<1x80x128xi32, #tpu.memory_space<hbm>> -> memref<80x128xi32, #tpu.memory_space<hbm>>
      tpu.enqueue_dma source(%dma_start3A_151 : memref<80x128xi32, #tpu.memory_space<hbm>>) target(%arg11 : memref<80x128xi32, #tpu.memory_space<vmem>>) target_semaphore(%run_scoped3A : memref<!tpu.dma_semaphore, #tpu.memory_space<semaphore_mem>>)
      %dma_wait3A = arith.constant 0 : i32
      %dma_wait3A_152 = arith.constant 0 : i32
      %dma_wait3A_153 = tpu.memref_slice %arg5[%arg1, %dma_wait3A, %dma_wait3A_152] : memref<16x80x128xi32, #tpu.memory_space<hbm>> -> memref<1x80x128xi32, #tpu.memory_space<hbm>>
      %dma_wait3A_154 = tpu.memref_squeeze %dma_wait3A_153 : memref<1x80x128xi32, #tpu.memory_space<hbm>> -> memref<80x128xi32, #tpu.memory_space<hbm>>
      %dma_wait3A_155 = arith.constant 0 : i32
      %dma_wait3A_156 = arith.constant 0 : i32
      %dma_wait3A_157 = tpu.memref_slice %arg5[%arg1, %dma_wait3A_155, %dma_wait3A_156] : memref<16x80x128xi32, #tpu.memory_space<hbm>> -> memref<1x80x128xi32, #tpu.memory_space<hbm>>
      %dma_wait3A_158 = tpu.memref_squeeze %dma_wait3A_157 : memref<1x80x128xi32, #tpu.memory_space<hbm>> -> memref<80x128xi32, #tpu.memory_space<hbm>>
      tpu.wait_dma2 semaphore(%run_scoped3A : memref<!tpu.dma_semaphore, #tpu.memory_space<semaphore_mem>>) src(%dma_wait3A_158 : memref<80x128xi32, #tpu.memory_space<hbm>>) dst(%arg11 : memref<80x128xi32, #tpu.memory_space<vmem>>)
      tpu.yield
    }) : () -> ()
    %dma_start3A = arith.constant 0 : i32
    %dma_start3A_0 = arith.constant 0 : i32
    %dma_start3A_1 = arith.constant 0 : i32
    %dma_start3A_2 = arith.constant 0 : i32
    %dma_start3A_3 = tpu.memref_slice %arg7[%dma_start3A_0, %dma_start3A_1, %dma_start3A_2] : memref<2x128x64xf32, #tpu.memory_space<vmem>> -> memref<1x128x64xf32, #tpu.memory_space<vmem>>
    %dma_start3A_4 = tpu.memref_squeeze %dma_start3A_3 : memref<1x128x64xf32, #tpu.memory_space<vmem>> -> memref<128x64xf32, #tpu.memory_space<vmem>>
    %dma_start3A_5 = arith.constant 0 : i32
    %dma_start3A_6 = tpu.memref_slice %arg11[%dma_start3A, %dma_start3A_5] : memref<80x128xi32, #tpu.memory_space<vmem>> -> memref<1x128xi32, #tpu.memory_space<vmem>>
    %dma_start3A_7 = tpu.memref_squeeze %dma_start3A_6 : memref<1x128xi32, #tpu.memory_space<vmem>> -> memref<128xi32, #tpu.memory_space<vmem>>
    %dma_start3A_8 = arith.constant 0 : i32
    %dma_start3A_9 = arith.constant 0 : i32
    %dma_start3A_10 = tpu.memref_slice %arg2[%arg0, %dma_start3A_8, %dma_start3A_9] : memref<2x10008x64xf32, #tpu.memory_space<hbm>> -> memref<1x10008x64xf32, #tpu.memory_space<hbm>>
    %dma_start3A_11 = tpu.memref_squeeze %dma_start3A_10 : memref<1x10008x64xf32, #tpu.memory_space<hbm>> -> memref<10008x64xf32, #tpu.memory_space<hbm>>
    %dma_start3A_12 = arith.constant 0 : i32
    %dma_start3A_13 = arith.constant 0 : i32
    %dma_start3A_14 = tpu.memref_slice %dma_start3A_11[%dma_start3A_12, %dma_start3A_13] : memref<10008x64xf32, #tpu.memory_space<hbm>> -> memref<10008x64xf32, #tpu.memory_space<hbm>>
    tpu.enqueue_indirect_dma source(%dma_start3A_14 : memref<10008x64xf32, #tpu.memory_space<hbm>>) target(%dma_start3A_4 : memref<128x64xf32, #tpu.memory_space<vmem>>) offsets(%dma_start3A_7 : memref<128xi32, #tpu.memory_space<vmem>>) semaphore(%arg13 : memref<!tpu.dma_semaphore, #tpu.memory_space<semaphore_mem>>)
    %dma_start3A_15 = arith.constant 0 : i32
    %dma_start3A_16 = arith.constant 0 : i32
    %dma_start3A_17 = arith.constant 0 : i32
    %dma_start3A_18 = arith.constant 0 : i32
    %dma_start3A_19 = tpu.memref_slice %arg8[%dma_start3A_16, %dma_start3A_17, %dma_start3A_18] : memref<2x128x128xf32, #tpu.memory_space<vmem>> -> memref<1x128x128xf32, #tpu.memory_space<vmem>>
    %dma_start3A_20 = tpu.memref_squeeze %dma_start3A_19 : memref<1x128x128xf32, #tpu.memory_space<vmem>> -> memref<128x128xf32, #tpu.memory_space<vmem>>
    %dma_start3A_21 = arith.constant 0 : i32
    %dma_start3A_22 = tpu.memref_slice %arg10[%dma_start3A_15, %dma_start3A_21] : memref<80x128xi32, #tpu.memory_space<vmem>> -> memref<1x128xi32, #tpu.memory_space<vmem>>
    %dma_start3A_23 = tpu.memref_squeeze %dma_start3A_22 : memref<1x128xi32, #tpu.memory_space<vmem>> -> memref<128xi32, #tpu.memory_space<vmem>>
    %dma_start3A_24 = arith.constant 0 : i32
    %dma_start3A_25 = arith.constant 0 : i32
    %dma_start3A_26 = tpu.memref_slice %arg3[%arg0, %dma_start3A_24, %dma_start3A_25] : memref<2x10000x128xf32, #tpu.memory_space<hbm>> -> memref<1x10000x128xf32, #tpu.memory_space<hbm>>
    %dma_start3A_27 = tpu.memref_squeeze %dma_start3A_26 : memref<1x10000x128xf32, #tpu.memory_space<hbm>> -> memref<10000x128xf32, #tpu.memory_space<hbm>>
    %dma_start3A_28 = arith.constant 0 : i32
    %dma_start3A_29 = arith.constant 0 : i32
    %dma_start3A_30 = tpu.memref_slice %dma_start3A_27[%dma_start3A_28, %dma_start3A_29] : memref<10000x128xf32, #tpu.memory_space<hbm>> -> memref<10000x128xf32, #tpu.memory_space<hbm>>
    tpu.enqueue_indirect_dma source(%dma_start3A_30 : memref<10000x128xf32, #tpu.memory_space<hbm>>) target(%dma_start3A_20 : memref<128x128xf32, #tpu.memory_space<vmem>>) offsets(%dma_start3A_23 : memref<128xi32, #tpu.memory_space<vmem>>) semaphore(%arg13 : memref<!tpu.dma_semaphore, #tpu.memory_space<semaphore_mem>>)
    %broadcast_in_dim3A = arith.constant 0.000000e+00 : f32
    %broadcast_in_dim3A_31 = vector.broadcast %broadcast_in_dim3A : f32 to vector<16xf32>
    %scan3A = arith.constant 0 : i32
    %scan3A_32 = arith.constant 0 : i32
    %scan3A_33 = arith.constant 128 : i32
    %scan3A_34 = arith.addi %scan3A_32, %scan3A_33 : i32
    %scan3A_35 = arith.constant 1 : i32
    scf.for %scan3A_144 = %scan3A_32 to %scan3A_34 step %scan3A_35  : i32 {
      %swap3A = arith.index_cast %scan3A_144 : i32 to index
      %swap3A_145 = arith.constant 0 : index
      %swap3A_146 = tpu.vector_load %arg9[%swap3A, %swap3A_145] {strides = array<i32>} : memref<128x80xf32, #tpu.memory_space<vmem>>, vector<1x16xf32>,
      %swap3A_147 = vector.shape_cast %swap3A_146 : vector<1x16xf32> to vector<16xf32>
      %swap3A_148 = vector.shape_cast %broadcast_in_dim3A_31 : vector<16xf32> to vector<1x16xf32>
      tpu.vector_store %arg9[%swap3A, %swap3A_145], %swap3A_148 {strides = array<i32>} : memref<128x80xf32, #tpu.memory_space<vmem>>, vector<1x16xf32>,
      %swap3A_149 = arith.index_cast %scan3A_144 : i32 to index
      %swap3A_150 = arith.constant 16 : index
      %swap3A_151 = tpu.vector_load %arg9[%swap3A_149, %swap3A_150] {strides = array<i32>} : memref<128x80xf32, #tpu.memory_space<vmem>>, vector<1x16xf32>,
      %swap3A_152 = vector.shape_cast %swap3A_151 : vector<1x16xf32> to vector<16xf32>
      %swap3A_153 = vector.shape_cast %broadcast_in_dim3A_31 : vector<16xf32> to vector<1x16xf32>
      tpu.vector_store %arg9[%swap3A_149, %swap3A_150], %swap3A_153 {strides = array<i32>} : memref<128x80xf32, #tpu.memory_space<vmem>>, vector<1x16xf32>,
      %swap3A_154 = arith.index_cast %scan3A_144 : i32 to index
      %swap3A_155 = arith.constant 32 : index
      %swap3A_156 = tpu.vector_load %arg9[%swap3A_154, %swap3A_155] {strides = array<i32>} : memref<128x80xf32, #tpu.memory_space<vmem>>, vector<1x16xf32>,
      %swap3A_157 = vector.shape_cast %swap3A_156 : vector<1x16xf32> to vector<16xf32>
      %swap3A_158 = vector.shape_cast %broadcast_in_dim3A_31 : vector<16xf32> to vector<1x16xf32>
      tpu.vector_store %arg9[%swap3A_154, %swap3A_155], %swap3A_158 {strides = array<i32>} : memref<128x80xf32, #tpu.memory_space<vmem>>, vector<1x16xf32>,
      %swap3A_159 = arith.index_cast %scan3A_144 : i32 to index
      %swap3A_160 = arith.constant 48 : index
      %swap3A_161 = tpu.vector_load %arg9[%swap3A_159, %swap3A_160] {strides = array<i32>} : memref<128x80xf32, #tpu.memory_space<vmem>>, vector<1x16xf32>,
      %swap3A_162 = vector.shape_cast %swap3A_161 : vector<1x16xf32> to vector<16xf32>
      %swap3A_163 = vector.shape_cast %broadcast_in_dim3A_31 : vector<16xf32> to vector<1x16xf32>
      tpu.vector_store %arg9[%swap3A_159, %swap3A_160], %swap3A_163 {strides = array<i32>} : memref<128x80xf32, #tpu.memory_space<vmem>>, vector<1x16xf32>,
      %swap3A_164 = arith.index_cast %scan3A_144 : i32 to index
      %swap3A_165 = arith.constant 64 : index
      %swap3A_166 = tpu.vector_load %arg9[%swap3A_164, %swap3A_165] {strides = array<i32>} : memref<128x80xf32, #tpu.memory_space<vmem>>, vector<1x16xf32>,
      %swap3A_167 = vector.shape_cast %swap3A_166 : vector<1x16xf32> to vector<16xf32>
      %swap3A_168 = vector.shape_cast %broadcast_in_dim3A_31 : vector<16xf32> to vector<1x16xf32>
      tpu.vector_store %arg9[%swap3A_164, %swap3A_165], %swap3A_168 {strides = array<i32>} : memref<128x80xf32, #tpu.memory_space<vmem>>, vector<1x16xf32>,
    }
    %scan3A_36 = arith.constant 128 : i32
    %mul3A = arith.constant 624 : i32
    %mul3A_37 = arith.muli %arg1, %mul3A : i32
    %add3A = arith.constant 0 : i32
    %add3A_38 = arith.addi %mul3A_37, %add3A : i32
    %multiple_of3A = tpu.assume_multiple %add3A_38, 8 : i32
    "tpu.region"() ({
      %run_scoped3A = tpu.sem_alloc : memref<!tpu.dma_semaphore, #tpu.memory_space<semaphore_mem>>
      %dma_start3A_144 = arith.constant 0 : i32
      %dma_start3A_145 = arith.constant 0 : i32
      %dma_start3A_146 = tpu.memref_slice %arg9[%dma_start3A_144, %dma_start3A_145] : memref<128x80xf32, #tpu.memory_space<vmem>> -> memref<104x80xf32, #tpu.memory_space<vmem>>
      %dma_start3A_147 = arith.constant 0 : i32
      %dma_start3A_148 = tpu.memref_slice %arg12[%multiple_of3A, %dma_start3A_147] : memref<10008x80xf32, #tpu.memory_space<vmem_shared>> -> memref<104x80xf32, #tpu.memory_space<vmem_shared>>
      %dma_start3A_149 = arith.constant 0 : i32
      %dma_start3A_150 = tpu.memref_slice %arg12[%multiple_of3A, %dma_start3A_149] : memref<10008x80xf32, #tpu.memory_space<vmem_shared>> -> memref<104x80xf32, #tpu.memory_space<vmem_shared>>
      %dma_start3A_151 = arith.constant 0 : i32
      %dma_start3A_152 = arith.constant 0 : i32
      %dma_start3A_153 = tpu.memref_slice %arg9[%dma_start3A_151, %dma_start3A_152] : memref<128x80xf32, #tpu.memory_space<vmem>> -> memref<104x80xf32, #tpu.memory_space<vmem>>
      tpu.enqueue_dma source(%dma_start3A_153 : memref<104x80xf32, #tpu.memory_space<vmem>>) target(%dma_start3A_150 : memref<104x80xf32, #tpu.memory_space<vmem_shared>>) target_semaphore(%run_scoped3A : memref<!tpu.dma_semaphore, #tpu.memory_space<semaphore_mem>>)
      %dma_wait3A = arith.constant 0 : i32
      %dma_wait3A_154 = arith.constant 0 : i32
      %dma_wait3A_155 = tpu.memref_slice %arg9[%dma_wait3A, %dma_wait3A_154] : memref<128x80xf32, #tpu.memory_space<vmem>> -> memref<104x80xf32, #tpu.memory_space<vmem>>
      %dma_wait3A_156 = arith.constant 0 : i32
      %dma_wait3A_157 = tpu.memref_slice %arg12[%multiple_of3A, %dma_wait3A_156] : memref<10008x80xf32, #tpu.memory_space<vmem_shared>> -> memref<104x80xf32, #tpu.memory_space<vmem_shared>>
      %dma_wait3A_158 = arith.constant 0 : i32
      %dma_wait3A_159 = tpu.memref_slice %arg12[%multiple_of3A, %dma_wait3A_158] : memref<10008x80xf32, #tpu.memory_space<vmem_shared>> -> memref<104x80xf32, #tpu.memory_space<vmem_shared>>
      %dma_wait3A_160 = arith.constant 0 : i32
      %dma_wait3A_161 = arith.constant 0 : i32
      %dma_wait3A_162 = tpu.memref_slice %arg9[%dma_wait3A_160, %dma_wait3A_161] : memref<128x80xf32, #tpu.memory_space<vmem>> -> memref<104x80xf32, #tpu.memory_space<vmem>>
      tpu.wait_dma2 semaphore(%run_scoped3A : memref<!tpu.dma_semaphore, #tpu.memory_space<semaphore_mem>>) src(%dma_wait3A_162 : memref<104x80xf32, #tpu.memory_space<vmem>>) dst(%dma_wait3A_159 : memref<104x80xf32, #tpu.memory_space<vmem_shared>>)
      tpu.yield
    }) : () -> ()
    %mul3A_39 = arith.constant 624 : i32
    %mul3A_40 = arith.muli %arg1, %mul3A_39 : i32
    %add3A_41 = arith.constant 104 : i32
    %add3A_42 = arith.addi %mul3A_40, %add3A_41 : i32
    %multiple_of3A_43 = tpu.assume_multiple %add3A_42, 8 : i32
    "tpu.region"() ({
      %run_scoped3A = tpu.sem_alloc : memref<!tpu.dma_semaphore, #tpu.memory_space<semaphore_mem>>
      %dma_start3A_144 = arith.constant 0 : i32
      %dma_start3A_145 = arith.constant 0 : i32
      %dma_start3A_146 = tpu.memref_slice %arg9[%dma_start3A_144, %dma_start3A_145] : memref<128x80xf32, #tpu.memory_space<vmem>> -> memref<104x80xf32, #tpu.memory_space<vmem>>
      %dma_start3A_147 = arith.constant 0 : i32
      %dma_start3A_148 = tpu.memref_slice %arg12[%multiple_of3A_43, %dma_start3A_147] : memref<10008x80xf32, #tpu.memory_space<vmem_shared>> -> memref<104x80xf32, #tpu.memory_space<vmem_shared>>
      %dma_start3A_149 = arith.constant 0 : i32
      %dma_start3A_150 = tpu.memref_slice %arg12[%multiple_of3A_43, %dma_start3A_149] : memref<10008x80xf32, #tpu.memory_space<vmem_shared>> -> memref<104x80xf32, #tpu.memory_space<vmem_shared>>
      %dma_start3A_151 = arith.constant 0 : i32
      %dma_start3A_152 = arith.constant 0 : i32
      %dma_start3A_153 = tpu.memref_slice %arg9[%dma_start3A_151, %dma_start3A_152] : memref<128x80xf32, #tpu.memory_space<vmem>> -> memref<104x80xf32, #tpu.memory_space<vmem>>
      tpu.enqueue_dma source(%dma_start3A_153 : memref<104x80xf32, #tpu.memory_space<vmem>>) target(%dma_start3A_150 : memref<104x80xf32, #tpu.memory_space<vmem_shared>>) target_semaphore(%run_scoped3A : memref<!tpu.dma_semaphore, #tpu.memory_space<semaphore_mem>>)
      %dma_wait3A = arith.constant 0 : i32
      %dma_wait3A_154 = arith.constant 0 : i32
      %dma_wait3A_155 = tpu.memref_slice %arg9[%dma_wait3A, %dma_wait3A_154] : memref<128x80xf32, #tpu.memory_space<vmem>> -> memref<104x80xf32, #tpu.memory_space<vmem>>
      %dma_wait3A_156 = arith.constant 0 : i32
      %dma_wait3A_157 = tpu.memref_slice %arg12[%multiple_of3A_43, %dma_wait3A_156] : memref<10008x80xf32, #tpu.memory_space<vmem_shared>> -> memref<104x80xf32, #tpu.memory_space<vmem_shared>>
      %dma_wait3A_158 = arith.constant 0 : i32
      %dma_wait3A_159 = tpu.memref_slice %arg12[%multiple_of3A_43, %dma_wait3A_158] : memref<10008x80xf32, #tpu.memory_space<vmem_shared>> -> memref<104x80xf32, #tpu.memory_space<vmem_shared>>
      %dma_wait3A_160 = arith.constant 0 : i32
      %dma_wait3A_161 = arith.constant 0 : i32
      %dma_wait3A_162 = tpu.memref_slice %arg9[%dma_wait3A_160, %dma_wait3A_161] : memref<128x80xf32, #tpu.memory_space<vmem>> -> memref<104x80xf32, #tpu.memory_space<vmem>>
      tpu.wait_dma2 semaphore(%run_scoped3A : memref<!tpu.dma_semaphore, #tpu.memory_space<semaphore_mem>>) src(%dma_wait3A_162 : memref<104x80xf32, #tpu.memory_space<vmem>>) dst(%dma_wait3A_159 : memref<104x80xf32, #tpu.memory_space<vmem_shared>>)
      tpu.yield
    }) : () -> ()
    %mul3A_44 = arith.constant 624 : i32
    %mul3A_45 = arith.muli %arg1, %mul3A_44 : i32
    %add3A_46 = arith.constant 208 : i32
    %add3A_47 = arith.addi %mul3A_45, %add3A_46 : i32
    %multiple_of3A_48 = tpu.assume_multiple %add3A_47, 8 : i32
    "tpu.region"() ({
      %run_scoped3A = tpu.sem_alloc : memref<!tpu.dma_semaphore, #tpu.memory_space<semaphore_mem>>
      %dma_start3A_144 = arith.constant 0 : i32
      %dma_start3A_145 = arith.constant 0 : i32
      %dma_start3A_146 = tpu.memref_slice %arg9[%dma_start3A_144, %dma_start3A_145] : memref<128x80xf32, #tpu.memory_space<vmem>> -> memref<104x80xf32, #tpu.memory_space<vmem>>
      %dma_start3A_147 = arith.constant 0 : i32
      %dma_start3A_148 = tpu.memref_slice %arg12[%multiple_of3A_48, %dma_start3A_147] : memref<10008x80xf32, #tpu.memory_space<vmem_shared>> -> memref<104x80xf32, #tpu.memory_space<vmem_shared>>
      %dma_start3A_149 = arith.constant 0 : i32
      %dma_start3A_150 = tpu.memref_slice %arg12[%multiple_of3A_48, %dma_start3A_149] : memref<10008x80xf32, #tpu.memory_space<vmem_shared>> -> memref<104x80xf32, #tpu.memory_space<vmem_shared>>
      %dma_start3A_151 = arith.constant 0 : i32
      %dma_start3A_152 = arith.constant 0 : i32
      %dma_start3A_153 = tpu.memref_slice %arg9[%dma_start3A_151, %dma_start3A_152] : memref<128x80xf32, #tpu.memory_space<vmem>> -> memref<104x80xf32, #tpu.memory_space<vmem>>
      tpu.enqueue_dma source(%dma_start3A_153 : memref<104x80xf32, #tpu.memory_space<vmem>>) target(%dma_start3A_150 : memref<104x80xf32, #tpu.memory_space<vmem_shared>>) target_semaphore(%run_scoped3A : memref<!tpu.dma_semaphore, #tpu.memory_space<semaphore_mem>>)
      %dma_wait3A = arith.constant 0 : i32
      %dma_wait3A_154 = arith.constant 0 : i32
      %dma_wait3A_155 = tpu.memref_slice %arg9[%dma_wait3A, %dma_wait3A_154] : memref<128x80xf32, #tpu.memory_space<vmem>> -> memref<104x80xf32, #tpu.memory_space<vmem>>
      %dma_wait3A_156 = arith.constant 0 : i32
      %dma_wait3A_157 = tpu.memref_slice %arg12[%multiple_of3A_48, %dma_wait3A_156] : memref<10008x80xf32, #tpu.memory_space<vmem_shared>> -> memref<104x80xf32, #tpu.memory_space<vmem_shared>>
      %dma_wait3A_158 = arith.constant 0 : i32
      %dma_wait3A_159 = tpu.memref_slice %arg12[%multiple_of3A_48, %dma_wait3A_158] : memref<10008x80xf32, #tpu.memory_space<vmem_shared>> -> memref<104x80xf32, #tpu.memory_space<vmem_shared>>
      %dma_wait3A_160 = arith.constant 0 : i32
      %dma_wait3A_161 = arith.constant 0 : i32
      %dma_wait3A_162 = tpu.memref_slice %arg9[%dma_wait3A_160, %dma_wait3A_161] : memref<128x80xf32, #tpu.memory_space<vmem>> -> memref<104x80xf32, #tpu.memory_space<vmem>>
      tpu.wait_dma2 semaphore(%run_scoped3A : memref<!tpu.dma_semaphore, #tpu.memory_space<semaphore_mem>>) src(%dma_wait3A_162 : memref<104x80xf32, #tpu.memory_space<vmem>>) dst(%dma_wait3A_159 : memref<104x80xf32, #tpu.memory_space<vmem_shared>>)
      tpu.yield
    }) : () -> ()
    %mul3A_49 = arith.constant 624 : i32
    %mul3A_50 = arith.muli %arg1, %mul3A_49 : i32
    %add3A_51 = arith.constant 312 : i32
    %add3A_52 = arith.addi %mul3A_50, %add3A_51 : i32
    %multiple_of3A_53 = tpu.assume_multiple %add3A_52, 8 : i32
    "tpu.region"() ({
      %run_scoped3A = tpu.sem_alloc : memref<!tpu.dma_semaphore, #tpu.memory_space<semaphore_mem>>
      %dma_start3A_144 = arith.constant 0 : i32
      %dma_start3A_145 = arith.constant 0 : i32
      %dma_start3A_146 = tpu.memref_slice %arg9[%dma_start3A_144, %dma_start3A_145] : memref<128x80xf32, #tpu.memory_space<vmem>> -> memref<104x80xf32, #tpu.memory_space<vmem>>
      %dma_start3A_147 = arith.constant 0 : i32
      %dma_start3A_148 = tpu.memref_slice %arg12[%multiple_of3A_53, %dma_start3A_147] : memref<10008x80xf32, #tpu.memory_space<vmem_shared>> -> memref<104x80xf32, #tpu.memory_space<vmem_shared>>
      %dma_start3A_149 = arith.constant 0 : i32
      %dma_start3A_150 = tpu.memref_slice %arg12[%multiple_of3A_53, %dma_start3A_149] : memref<10008x80xf32, #tpu.memory_space<vmem_shared>> -> memref<104x80xf32, #tpu.memory_space<vmem_shared>>
      %dma_start3A_151 = arith.constant 0 : i32
      %dma_start3A_152 = arith.constant 0 : i32
      %dma_start3A_153 = tpu.memref_slice %arg9[%dma_start3A_151, %dma_start3A_152] : memref<128x80xf32, #tpu.memory_space<vmem>> -> memref<104x80xf32, #tpu.memory_space<vmem>>
      tpu.enqueue_dma source(%dma_start3A_153 : memref<104x80xf32, #tpu.memory_space<vmem>>) target(%dma_start3A_150 : memref<104x80xf32, #tpu.memory_space<vmem_shared>>) target_semaphore(%run_scoped3A : memref<!tpu.dma_semaphore, #tpu.memory_space<semaphore_mem>>)
      %dma_wait3A = arith.constant 0 : i32
      %dma_wait3A_154 = arith.constant 0 : i32
      %dma_wait3A_155 = tpu.memref_slice %arg9[%dma_wait3A, %dma_wait3A_154] : memref<128x80xf32, #tpu.memory_space<vmem>> -> memref<104x80xf32, #tpu.memory_space<vmem>>
      %dma_wait3A_156 = arith.constant 0 : i32
      %dma_wait3A_157 = tpu.memref_slice %arg12[%multiple_of3A_53, %dma_wait3A_156] : memref<10008x80xf32, #tpu.memory_space<vmem_shared>> -> memref<104x80xf32, #tpu.memory_space<vmem_shared>>
      %dma_wait3A_158 = arith.constant 0 : i32
      %dma_wait3A_159 = tpu.memref_slice %arg12[%multiple_of3A_53, %dma_wait3A_158] : memref<10008x80xf32, #tpu.memory_space<vmem_shared>> -> memref<104x80xf32, #tpu.memory_space<vmem_shared>>
      %dma_wait3A_160 = arith.constant 0 : i32
      %dma_wait3A_161 = arith.constant 0 : i32
      %dma_wait3A_162 = tpu.memref_slice %arg9[%dma_wait3A_160, %dma_wait3A_161] : memref<128x80xf32, #tpu.memory_space<vmem>> -> memref<104x80xf32, #tpu.memory_space<vmem>>
      tpu.wait_dma2 semaphore(%run_scoped3A : memref<!tpu.dma_semaphore, #tpu.memory_space<semaphore_mem>>) src(%dma_wait3A_162 : memref<104x80xf32, #tpu.memory_space<vmem>>) dst(%dma_wait3A_159 : memref<104x80xf32, #tpu.memory_space<vmem_shared>>)
      tpu.yield
    }) : () -> ()
    %mul3A_54 = arith.constant 624 : i32
    %mul3A_55 = arith.muli %arg1, %mul3A_54 : i32
    %add3A_56 = arith.constant 416 : i32
    %add3A_57 = arith.addi %mul3A_55, %add3A_56 : i32
    %multiple_of3A_58 = tpu.assume_multiple %add3A_57, 8 : i32
    "tpu.region"() ({
      %run_scoped3A = tpu.sem_alloc : memref<!tpu.dma_semaphore, #tpu.memory_space<semaphore_mem>>
      %dma_start3A_144 = arith.constant 0 : i32
      %dma_start3A_145 = arith.constant 0 : i32
      %dma_start3A_146 = tpu.memref_slice %arg9[%dma_start3A_144, %dma_start3A_145] : memref<128x80xf32, #tpu.memory_space<vmem>> -> memref<104x80xf32, #tpu.memory_space<vmem>>
      %dma_start3A_147 = arith.constant 0 : i32
      %dma_start3A_148 = tpu.memref_slice %arg12[%multiple_of3A_58, %dma_start3A_147] : memref<10008x80xf32, #tpu.memory_space<vmem_shared>> -> memref<104x80xf32, #tpu.memory_space<vmem_shared>>
      %dma_start3A_149 = arith.constant 0 : i32
      %dma_start3A_150 = tpu.memref_slice %arg12[%multiple_of3A_58, %dma_start3A_149] : memref<10008x80xf32, #tpu.memory_space<vmem_shared>> -> memref<104x80xf32, #tpu.memory_space<vmem_shared>>
      %dma_start3A_151 = arith.constant 0 : i32
      %dma_start3A_152 = arith.constant 0 : i32
      %dma_start3A_153 = tpu.memref_slice %arg9[%dma_start3A_151, %dma_start3A_152] : memref<128x80xf32, #tpu.memory_space<vmem>> -> memref<104x80xf32, #tpu.memory_space<vmem>>
      tpu.enqueue_dma source(%dma_start3A_153 : memref<104x80xf32, #tpu.memory_space<vmem>>) target(%dma_start3A_150 : memref<104x80xf32, #tpu.memory_space<vmem_shared>>) target_semaphore(%run_scoped3A : memref<!tpu.dma_semaphore, #tpu.memory_space<semaphore_mem>>)
      %dma_wait3A = arith.constant 0 : i32
      %dma_wait3A_154 = arith.constant 0 : i32
      %dma_wait3A_155 = tpu.memref_slice %arg9[%dma_wait3A, %dma_wait3A_154] : memref<128x80xf32, #tpu.memory_space<vmem>> -> memref<104x80xf32, #tpu.memory_space<vmem>>
      %dma_wait3A_156 = arith.constant 0 : i32
      %dma_wait3A_157 = tpu.memref_slice %arg12[%multiple_of3A_58, %dma_wait3A_156] : memref<10008x80xf32, #tpu.memory_space<vmem_shared>> -> memref<104x80xf32, #tpu.memory_space<vmem_shared>>
      %dma_wait3A_158 = arith.constant 0 : i32
      %dma_wait3A_159 = tpu.memref_slice %arg12[%multiple_of3A_58, %dma_wait3A_158] : memref<10008x80xf32, #tpu.memory_space<vmem_shared>> -> memref<104x80xf32, #tpu.memory_space<vmem_shared>>
      %dma_wait3A_160 = arith.constant 0 : i32
      %dma_wait3A_161 = arith.constant 0 : i32
      %dma_wait3A_162 = tpu.memref_slice %arg9[%dma_wait3A_160, %dma_wait3A_161] : memref<128x80xf32, #tpu.memory_space<vmem>> -> memref<104x80xf32, #tpu.memory_space<vmem>>
      tpu.wait_dma2 semaphore(%run_scoped3A : memref<!tpu.dma_semaphore, #tpu.memory_space<semaphore_mem>>) src(%dma_wait3A_162 : memref<104x80xf32, #tpu.memory_space<vmem>>) dst(%dma_wait3A_159 : memref<104x80xf32, #tpu.memory_space<vmem_shared>>)
      tpu.yield
    }) : () -> ()
    %mul3A_59 = arith.constant 624 : i32
    %mul3A_60 = arith.muli %arg1, %mul3A_59 : i32
    %add3A_61 = arith.constant 520 : i32
    %add3A_62 = arith.addi %mul3A_60, %add3A_61 : i32
    %multiple_of3A_63 = tpu.assume_multiple %add3A_62, 8 : i32
    "tpu.region"() ({
      %run_scoped3A = tpu.sem_alloc : memref<!tpu.dma_semaphore, #tpu.memory_space<semaphore_mem>>
      %dma_start3A_144 = arith.constant 0 : i32
      %dma_start3A_145 = arith.constant 0 : i32
      %dma_start3A_146 = tpu.memref_slice %arg9[%dma_start3A_144, %dma_start3A_145] : memref<128x80xf32, #tpu.memory_space<vmem>> -> memref<104x80xf32, #tpu.memory_space<vmem>>
      %dma_start3A_147 = arith.constant 0 : i32
      %dma_start3A_148 = tpu.memref_slice %arg12[%multiple_of3A_63, %dma_start3A_147] : memref<10008x80xf32, #tpu.memory_space<vmem_shared>> -> memref<104x80xf32, #tpu.memory_space<vmem_shared>>
      %dma_start3A_149 = arith.constant 0 : i32
      %dma_start3A_150 = tpu.memref_slice %arg12[%multiple_of3A_63, %dma_start3A_149] : memref<10008x80xf32, #tpu.memory_space<vmem_shared>> -> memref<104x80xf32, #tpu.memory_space<vmem_shared>>
      %dma_start3A_151 = arith.constant 0 : i32
      %dma_start3A_152 = arith.constant 0 : i32
      %dma_start3A_153 = tpu.memref_slice %arg9[%dma_start3A_151, %dma_start3A_152] : memref<128x80xf32, #tpu.memory_space<vmem>> -> memref<104x80xf32, #tpu.memory_space<vmem>>
      tpu.enqueue_dma source(%dma_start3A_153 : memref<104x80xf32, #tpu.memory_space<vmem>>) target(%dma_start3A_150 : memref<104x80xf32, #tpu.memory_space<vmem_shared>>) target_semaphore(%run_scoped3A : memref<!tpu.dma_semaphore, #tpu.memory_space<semaphore_mem>>)
      %dma_wait3A = arith.constant 0 : i32
      %dma_wait3A_154 = arith.constant 0 : i32
      %dma_wait3A_155 = tpu.memref_slice %arg9[%dma_wait3A, %dma_wait3A_154] : memref<128x80xf32, #tpu.memory_space<vmem>> -> memref<104x80xf32, #tpu.memory_space<vmem>>
      %dma_wait3A_156 = arith.constant 0 : i32
      %dma_wait3A_157 = tpu.memref_slice %arg12[%multiple_of3A_63, %dma_wait3A_156] : memref<10008x80xf32, #tpu.memory_space<vmem_shared>> -> memref<104x80xf32, #tpu.memory_space<vmem_shared>>
      %dma_wait3A_158 = arith.constant 0 : i32
      %dma_wait3A_159 = tpu.memref_slice %arg12[%multiple_of3A_63, %dma_wait3A_158] : memref<10008x80xf32, #tpu.memory_space<vmem_shared>> -> memref<104x80xf32, #tpu.memory_space<vmem_shared>>
      %dma_wait3A_160 = arith.constant 0 : i32
      %dma_wait3A_161 = arith.constant 0 : i32
      %dma_wait3A_162 = tpu.memref_slice %arg9[%dma_wait3A_160, %dma_wait3A_161] : memref<128x80xf32, #tpu.memory_space<vmem>> -> memref<104x80xf32, #tpu.memory_space<vmem>>
      tpu.wait_dma2 semaphore(%run_scoped3A : memref<!tpu.dma_semaphore, #tpu.memory_space<semaphore_mem>>) src(%dma_wait3A_162 : memref<104x80xf32, #tpu.memory_space<vmem>>) dst(%dma_wait3A_159 : memref<104x80xf32, #tpu.memory_space<vmem_shared>>)
      tpu.yield
    }) : () -> ()
    %eq3A = arith.constant 0 : i32
    %eq3A_64 = arith.cmpi eq, %arg1, %eq3A : i32
    %convert_element_type3A = arith.extui %eq3A_64 : i1 to i32
    %cond3A = arith.constant 0 : i32
    %cond3A_65 = arith.cmpi ne, %convert_element_type3A, %cond3A : i32
    scf.if %cond3A_65 {
      "tpu.region"() ({
        %run_scoped3A = tpu.sem_alloc : memref<!tpu.dma_semaphore, #tpu.memory_space<semaphore_mem>>
        %dma_start3A_144 = arith.constant 0 : i32
        %dma_start3A_145 = arith.constant 0 : i32
        %dma_start3A_146 = tpu.memref_slice %arg9[%dma_start3A_144, %dma_start3A_145] : memref<128x80xf32, #tpu.memory_space<vmem>> -> memref<24x80xf32, #tpu.memory_space<vmem>>
        %dma_start3A_147 = arith.constant 9984 : i32
        %dma_start3A_148 = arith.constant 0 : i32
        %dma_start3A_149 = tpu.memref_slice %arg12[%dma_start3A_147, %dma_start3A_148] : memref<10008x80xf32, #tpu.memory_space<vmem_shared>> -> memref<24x80xf32, #tpu.memory_space<vmem_shared>>
        %dma_start3A_150 = arith.constant 9984 : i32
        %dma_start3A_151 = arith.constant 0 : i32
        %dma_start3A_152 = tpu.memref_slice %arg12[%dma_start3A_150, %dma_start3A_151] : memref<10008x80xf32, #tpu.memory_space<vmem_shared>> -> memref<24x80xf32, #tpu.memory_space<vmem_shared>>
        %dma_start3A_153 = arith.constant 0 : i32
        %dma_start3A_154 = arith.constant 0 : i32
        %dma_start3A_155 = tpu.memref_slice %arg9[%dma_start3A_153, %dma_start3A_154] : memref<128x80xf32, #tpu.memory_space<vmem>> -> memref<24x80xf32, #tpu.memory_space<vmem>>
        tpu.enqueue_dma source(%dma_start3A_155 : memref<24x80xf32, #tpu.memory_space<vmem>>) target(%dma_start3A_152 : memref<24x80xf32, #tpu.memory_space<vmem_shared>>) target_semaphore(%run_scoped3A : memref<!tpu.dma_semaphore, #tpu.memory_space<semaphore_mem>>)
        %dma_wait3A = arith.constant 0 : i32
        %dma_wait3A_156 = arith.constant 0 : i32
        %dma_wait3A_157 = tpu.memref_slice %arg9[%dma_wait3A, %dma_wait3A_156] : memref<128x80xf32, #tpu.memory_space<vmem>> -> memref<24x80xf32, #tpu.memory_space<vmem>>
        %dma_wait3A_158 = arith.constant 9984 : i32
        %dma_wait3A_159 = arith.constant 0 : i32
        %dma_wait3A_160 = tpu.memref_slice %arg12[%dma_wait3A_158, %dma_wait3A_159] : memref<10008x80xf32, #tpu.memory_space<vmem_shared>> -> memref<24x80xf32, #tpu.memory_space<vmem_shared>>
        %dma_wait3A_161 = arith.constant 9984 : i32
        %dma_wait3A_162 = arith.constant 0 : i32
        %dma_wait3A_163 = tpu.memref_slice %arg12[%dma_wait3A_161, %dma_wait3A_162] : memref<10008x80xf32, #tpu.memory_space<vmem_shared>> -> memref<24x80xf32, #tpu.memory_space<vmem_shared>>
        %dma_wait3A_164 = arith.constant 0 : i32
        %dma_wait3A_165 = arith.constant 0 : i32
        %dma_wait3A_166 = tpu.memref_slice %arg9[%dma_wait3A_164, %dma_wait3A_165] : memref<128x80xf32, #tpu.memory_space<vmem>> -> memref<24x80xf32, #tpu.memory_space<vmem>>
        tpu.wait_dma2 semaphore(%run_scoped3A : memref<!tpu.dma_semaphore, #tpu.memory_space<semaphore_mem>>) src(%dma_wait3A_166 : memref<24x80xf32, #tpu.memory_space<vmem>>) dst(%dma_wait3A_163 : memref<24x80xf32, #tpu.memory_space<vmem_shared>>)
        tpu.yield
      }) : () -> ()
    } else {
    }
    %barrier3A = arith.constant 0 : index
    tpu.barrier barrier_id(%barrier3A)
    %iota3A = tpu.iota {dimensions = array<i32: 0>} : vector<16xi32>
    %add3A_66 = arith.constant 8 : i32
    %add3A_67 = vector.broadcast %add3A_66 : i32 to vector<16xi32>
    %add3A_68 = arith.addi %iota3A, %add3A_67 : vector<16xi32>
    %jit3A = arith.constant 16 : i32
    %eq3A_69 = arith.constant 0 : i32
    %eq3A_70 = arith.cmpi eq, %jit3A, %eq3A_69 : i32
    %jit3A_71 = arith.constant 1 : i32
    %select_n3A = arith.select %eq3A_70, %jit3A_71, %jit3A : i32
    %rem3A = vector.broadcast %select_n3A : i32 to vector<16xi32>
    %rem3A_72 = arith.remsi %add3A_68, %rem3A : vector<16xi32>
    %ne3A = arith.constant 0 : i32
    %ne3A_73 = vector.broadcast %ne3A : i32 to vector<16xi32>
    %ne3A_74 = arith.cmpi ne, %rem3A_72, %ne3A_73 : vector<16xi32>
    %lt3A = arith.constant 0 : i32
    %lt3A_75 = vector.broadcast %lt3A : i32 to vector<16xi32>
    %lt3A_76 = arith.cmpi slt, %rem3A_72, %lt3A_75 : vector<16xi32>
    %lt3A_77 = arith.constant 0 : i32
    %lt3A_78 = arith.cmpi slt, %select_n3A, %lt3A_77 : i32
    %ne3A_79 = vector.broadcast %lt3A_78 : i1 to vector<16xi1>
    %ne3A_80 = vector.broadcast %ne3A_79 : vector<16xi1> to vector<16xi1>
    %ne3A_81 = arith.xori %lt3A_76, %ne3A_80 : vector<16xi1>
    %and3A = arith.andi %ne3A_81, %ne3A_74 : vector<16xi1>
    %add3A_82 = vector.broadcast %select_n3A : i32 to vector<16xi32>
    %add3A_83 = arith.addi %rem3A_72, %add3A_82 : vector<16xi32>
    %select_n3A_84 = arith.select %and3A, %add3A_83, %rem3A_72 : vector<16xi1>, vector<16xi32>
    %xor3A = arith.constant 4 : i32
    %xor3A_85 = vector.broadcast %xor3A : i32 to vector<16xi32>
    %xor3A_86 = arith.xori %iota3A, %xor3A_85 : vector<16xi32>
    %xor3A_87 = arith.constant 2 : i32
    %xor3A_88 = vector.broadcast %xor3A_87 : i32 to vector<16xi32>
    %xor3A_89 = arith.xori %iota3A, %xor3A_88 : vector<16xi32>
    %xor3A_90 = arith.constant 1 : i32
    %xor3A_91 = vector.broadcast %xor3A_90 : i32 to vector<16xi32>
    %xor3A_92 = arith.xori %iota3A, %xor3A_91 : vector<16xi32>
    %broadcast_in_dim3A_93 = arith.constant 0 : i32
    %broadcast_in_dim3A_94 = vector.broadcast %broadcast_in_dim3A_93 : i32 to vector<16xi32>
    %broadcast_in_dim3A_95 = arith.constant 8 : i32
    %broadcast_in_dim3A_96 = vector.broadcast %broadcast_in_dim3A_95 : i32 to vector<16xi32>
    %lt3A_97 = arith.constant 8 : i32
    %lt3A_98 = vector.broadcast %lt3A_97 : i32 to vector<16xi32>
    %lt3A_99 = arith.cmpi slt, %iota3A, %lt3A_98 : vector<16xi32>
    %mul3A_100 = arith.constant 4 : i32
    %mul3A_101 = arith.muli %arg0, %mul3A_100 : i32
    %scan3A_102 = arith.constant 0 : i32
    %scan3A_103 = arith.constant 0 : i32
    %scan3A_104 = arith.constant 40 : i32
    %scan3A_105 = arith.addi %scan3A_103, %scan3A_104 : i32
    %scan3A_106 = arith.constant 1 : i32
    scf.for %scan3A_144 = %scan3A_103 to %scan3A_105 step %scan3A_106  : i32 {
      %mul3A_145 = arith.constant 2 : i32
      %mul3A_146 = arith.muli %mul3A_145, %scan3A_144 : i32
      %add3A_147 = arith.constant 0 : i32
      %add3A_148 = arith.addi %mul3A_146, %add3A_147 : i32
      %dma_wait3A = arith.constant 0 : i32
      %dma_wait3A_149 = arith.constant 0 : i32
      %dma_wait3A_150 = arith.constant 0 : i32
      %dma_wait3A_151 = tpu.memref_slice %arg7[%dma_wait3A, %dma_wait3A_149, %dma_wait3A_150] : memref<2x128x64xf32, #tpu.memory_space<vmem>> -> memref<1x128x64xf32, #tpu.memory_space<vmem>>
      %dma_wait3A_152 = tpu.memref_squeeze %dma_wait3A_151 : memref<1x128x64xf32, #tpu.memory_space<vmem>> -> memref<128x64xf32, #tpu.memory_space<vmem>>
      %dma_wait3A_153 = arith.constant 0 : i32
      %dma_wait3A_154 = tpu.memref_slice %arg11[%add3A_148, %dma_wait3A_153] : memref<80x128xi32, #tpu.memory_space<vmem>> -> memref<1x128xi32, #tpu.memory_space<vmem>>
      %dma_wait3A_155 = tpu.memref_squeeze %dma_wait3A_154 : memref<1x128xi32, #tpu.memory_space<vmem>> -> memref<128xi32, #tpu.memory_space<vmem>>
      %dma_wait3A_156 = arith.constant 0 : i32
      %dma_wait3A_157 = arith.constant 0 : i32
      %dma_wait3A_158 = tpu.memref_slice %arg2[%arg0, %dma_wait3A_156, %dma_wait3A_157] : memref<2x10008x64xf32, #tpu.memory_space<hbm>> -> memref<1x10008x64xf32, #tpu.memory_space<hbm>>
      %dma_wait3A_159 = tpu.memref_squeeze %dma_wait3A_158 : memref<1x10008x64xf32, #tpu.memory_space<hbm>> -> memref<10008x64xf32, #tpu.memory_space<hbm>>
      %dma_wait3A_160 = arith.constant 0 : i32
      %dma_wait3A_161 = arith.constant 0 : i32
      %dma_wait3A_162 = tpu.memref_slice %dma_wait3A_159[%dma_wait3A_160, %dma_wait3A_161] : memref<10008x64xf32, #tpu.memory_space<hbm>> -> memref<10008x64xf32, #tpu.memory_space<hbm>>
      tpu.wait_indirect_dma semaphore(%arg13 : memref<!tpu.dma_semaphore, #tpu.memory_space<semaphore_mem>>) src(%dma_wait3A_162 : memref<10008x64xf32, #tpu.memory_space<hbm>>) dst(%dma_wait3A_152 : memref<128x64xf32, #tpu.memory_space<vmem>>)
      %dma_wait3A_163 = arith.constant 0 : i32
      %dma_wait3A_164 = arith.constant 0 : i32
      %dma_wait3A_165 = arith.constant 0 : i32
      %dma_wait3A_166 = tpu.memref_slice %arg8[%dma_wait3A_163, %dma_wait3A_164, %dma_wait3A_165] : memref<2x128x128xf32, #tpu.memory_space<vmem>> -> memref<1x128x128xf32, #tpu.memory_space<vmem>>
      %dma_wait3A_167 = tpu.memref_squeeze %dma_wait3A_166 : memref<1x128x128xf32, #tpu.memory_space<vmem>> -> memref<128x128xf32, #tpu.memory_space<vmem>>
      %dma_wait3A_168 = arith.constant 0 : i32
      %dma_wait3A_169 = tpu.memref_slice %arg10[%add3A_148, %dma_wait3A_168] : memref<80x128xi32, #tpu.memory_space<vmem>> -> memref<1x128xi32, #tpu.memory_space<vmem>>
      %dma_wait3A_170 = tpu.memref_squeeze %dma_wait3A_169 : memref<1x128xi32, #tpu.memory_space<vmem>> -> memref<128xi32, #tpu.memory_space<vmem>>
      %dma_wait3A_171 = arith.constant 0 : i32
      %dma_wait3A_172 = arith.constant 0 : i32
      %dma_wait3A_173 = tpu.memref_slice %arg3[%arg0, %dma_wait3A_171, %dma_wait3A_172] : memref<2x10000x128xf32, #tpu.memory_space<hbm>> -> memref<1x10000x128xf32, #tpu.memory_space<hbm>>
      %dma_wait3A_174 = tpu.memref_squeeze %dma_wait3A_173 : memref<1x10000x128xf32, #tpu.memory_space<hbm>> -> memref<10000x128xf32, #tpu.memory_space<hbm>>
      %dma_wait3A_175 = arith.constant 0 : i32
      %dma_wait3A_176 = arith.constant 0 : i32
      %dma_wait3A_177 = tpu.memref_slice %dma_wait3A_174[%dma_wait3A_175, %dma_wait3A_176] : memref<10000x128xf32, #tpu.memory_space<hbm>> -> memref<10000x128xf32, #tpu.memory_space<hbm>>
      tpu.wait_indirect_dma semaphore(%arg13 : memref<!tpu.dma_semaphore, #tpu.memory_space<semaphore_mem>>) src(%dma_wait3A_177 : memref<10000x128xf32, #tpu.memory_space<hbm>>) dst(%dma_wait3A_167 : memref<128x128xf32, #tpu.memory_space<vmem>>)
      %add3A_178 = arith.constant 1 : i32
      %add3A_179 = arith.addi %add3A_148, %add3A_178 : i32
      %dma_start3A_180 = arith.constant 1 : i32
      %dma_start3A_181 = arith.constant 0 : i32
      %dma_start3A_182 = arith.constant 0 : i32
      %dma_start3A_183 = tpu.memref_slice %arg7[%dma_start3A_180, %dma_start3A_181, %dma_start3A_182] : memref<2x128x64xf32, #tpu.memory_space<vmem>> -> memref<1x128x64xf32, #tpu.memory_space<vmem>>
      %dma_start3A_184 = tpu.memref_squeeze %dma_start3A_183 : memref<1x128x64xf32, #tpu.memory_space<vmem>> -> memref<128x64xf32, #tpu.memory_space<vmem>>
      %dma_start3A_185 = arith.constant 0 : i32
      %dma_start3A_186 = tpu.memref_slice %arg11[%add3A_179, %dma_start3A_185] : memref<80x128xi32, #tpu.memory_space<vmem>> -> memref<1x128xi32, #tpu.memory_space<vmem>>
      %dma_start3A_187 = tpu.memref_squeeze %dma_start3A_186 : memref<1x128xi32, #tpu.memory_space<vmem>> -> memref<128xi32, #tpu.memory_space<vmem>>
      %dma_start3A_188 = arith.constant 0 : i32
      %dma_start3A_189 = arith.constant 0 : i32
      %dma_start3A_190 = tpu.memref_slice %arg2[%arg0, %dma_start3A_188, %dma_start3A_189] : memref<2x10008x64xf32, #tpu.memory_space<hbm>> -> memref<1x10008x64xf32, #tpu.memory_space<hbm>>
      %dma_start3A_191 = tpu.memref_squeeze %dma_start3A_190 : memref<1x10008x64xf32, #tpu.memory_space<hbm>> -> memref<10008x64xf32, #tpu.memory_space<hbm>>
      %dma_start3A_192 = arith.constant 0 : i32
      %dma_start3A_193 = arith.constant 0 : i32
      %dma_start3A_194 = tpu.memref_slice %dma_start3A_191[%dma_start3A_192, %dma_start3A_193] : memref<10008x64xf32, #tpu.memory_space<hbm>> -> memref<10008x64xf32, #tpu.memory_space<hbm>>
      tpu.enqueue_indirect_dma source(%dma_start3A_194 : memref<10008x64xf32, #tpu.memory_space<hbm>>) target(%dma_start3A_184 : memref<128x64xf32, #tpu.memory_space<vmem>>) offsets(%dma_start3A_187 : memref<128xi32, #tpu.memory_space<vmem>>) semaphore(%arg13 : memref<!tpu.dma_semaphore, #tpu.memory_space<semaphore_mem>>)
      %dma_start3A_195 = arith.constant 1 : i32
      %dma_start3A_196 = arith.constant 0 : i32
      %dma_start3A_197 = arith.constant 0 : i32
      %dma_start3A_198 = tpu.memref_slice %arg8[%dma_start3A_195, %dma_start3A_196, %dma_start3A_197] : memref<2x128x128xf32, #tpu.memory_space<vmem>> -> memref<1x128x128xf32, #tpu.memory_space<vmem>>
      %dma_start3A_199 = tpu.memref_squeeze %dma_start3A_198 : memref<1x128x128xf32, #tpu.memory_space<vmem>> -> memref<128x128xf32, #tpu.memory_space<vmem>>
      %dma_start3A_200 = arith.constant 0 : i32
      %dma_start3A_201 = tpu.memref_slice %arg10[%add3A_179, %dma_start3A_200] : memref<80x128xi32, #tpu.memory_space<vmem>> -> memref<1x128xi32, #tpu.memory_space<vmem>>
      %dma_start3A_202 = tpu.memref_squeeze %dma_start3A_201 : memref<1x128xi32, #tpu.memory_space<vmem>> -> memref<128xi32, #tpu.memory_space<vmem>>
      %dma_start3A_203 = arith.constant 0 : i32
      %dma_start3A_204 = arith.constant 0 : i32
      %dma_start3A_205 = tpu.memref_slice %arg3[%arg0, %dma_start3A_203, %dma_start3A_204] : memref<2x10000x128xf32, #tpu.memory_space<hbm>> -> memref<1x10000x128xf32, #tpu.memory_space<hbm>>
      %dma_start3A_206 = tpu.memref_squeeze %dma_start3A_205 : memref<1x10000x128xf32, #tpu.memory_space<hbm>> -> memref<10000x128xf32, #tpu.memory_space<hbm>>
      %dma_start3A_207 = arith.constant 0 : i32
      %dma_start3A_208 = arith.constant 0 : i32
      %dma_start3A_209 = tpu.memref_slice %dma_start3A_206[%dma_start3A_207, %dma_start3A_208] : memref<10000x128xf32, #tpu.memory_space<hbm>> -> memref<10000x128xf32, #tpu.memory_space<hbm>>
      tpu.enqueue_indirect_dma source(%dma_start3A_209 : memref<10000x128xf32, #tpu.memory_space<hbm>>) target(%dma_start3A_199 : memref<128x128xf32, #tpu.memory_space<vmem>>) offsets(%dma_start3A_202 : memref<128xi32, #tpu.memory_space<vmem>>) semaphore(%arg13 : memref<!tpu.dma_semaphore, #tpu.memory_space<semaphore_mem>>)
      %scan3A_210 = arith.constant 0 : i32
      %scan3A_211 = arith.constant 0 : i32
      %scan3A_212 = arith.constant 128 : i32
      %scan3A_213 = arith.addi %scan3A_211, %scan3A_212 : i32
      %scan3A_214 = arith.constant 1 : i32
      scf.for %scan3A_263 = %scan3A_211 to %scan3A_213 step %scan3A_214  : i32 {
        %broadcast_in_dim3A_264 = arith.constant 0.000000e+00 : f32
        %broadcast_in_dim3A_265 = vector.broadcast %broadcast_in_dim3A_264 : f32 to vector<16xf32>
        %get3A = arith.constant 0 : i32
        %get3A_266 = arith.index_cast %get3A : i32 to index
        %get3A_267 = arith.index_cast %scan3A_263 : i32 to index
        %get3A_268 = arith.constant 0 : index
        %get3A_269 = tpu.vector_load %arg7[%get3A_266, %get3A_267, %get3A_268] {strides = array<i32>} : memref<2x128x64xf32, #tpu.memory_space<vmem>>, vector<1x1x16xf32>,
        %get3A_270 = vector.shape_cast %get3A_269 : vector<1x1x16xf32> to vector<16xf32>
        %get3A_271 = arith.constant 0 : i32
        %get3A_272 = arith.index_cast %get3A_271 : i32 to index
        %get3A_273 = arith.index_cast %scan3A_263 : i32 to index
        %get3A_274 = arith.constant 0 : index
        %get3A_275 = tpu.vector_load %arg8[%get3A_272, %get3A_273, %get3A_274] {strides = array<i32>} : memref<2x128x128xf32, #tpu.memory_space<vmem>>, vector<1x1x16xf32>,
        %get3A_276 = vector.shape_cast %get3A_275 : vector<1x1x16xf32> to vector<16xf32>
        %mul3A_277 = arith.mulf %get3A_270, %get3A_276 : vector<16xf32>
        %get3A_278 = arith.constant 0 : i32
        %get3A_279 = arith.index_cast %get3A_278 : i32 to index
        %get3A_280 = arith.index_cast %scan3A_263 : i32 to index
        %get3A_281 = arith.constant 16 : index
        %get3A_282 = tpu.vector_load %arg7[%get3A_279, %get3A_280, %get3A_281] {strides = array<i32>} : memref<2x128x64xf32, #tpu.memory_space<vmem>>, vector<1x1x16xf32>,
        %get3A_283 = vector.shape_cast %get3A_282 : vector<1x1x16xf32> to vector<16xf32>
        %get3A_284 = arith.constant 0 : i32
        %get3A_285 = arith.index_cast %get3A_284 : i32 to index
        %get3A_286 = arith.index_cast %scan3A_263 : i32 to index
        %get3A_287 = arith.constant 16 : index
        %get3A_288 = tpu.vector_load %arg8[%get3A_285, %get3A_286, %get3A_287] {strides = array<i32>} : memref<2x128x128xf32, #tpu.memory_space<vmem>>, vector<1x1x16xf32>,
        %get3A_289 = vector.shape_cast %get3A_288 : vector<1x1x16xf32> to vector<16xf32>
        %mul3A_290 = arith.mulf %get3A_283, %get3A_289 : vector<16xf32>
        %lt3A_291 = arith.constant 0 : i32
        %lt3A_292 = vector.broadcast %lt3A_291 : i32 to vector<16xi32>
        %lt3A_293 = arith.cmpi slt, %select_n3A_84, %lt3A_292 : vector<16xi32>
        %add3A_294 = arith.constant 16 : i32
        %add3A_295 = vector.broadcast %add3A_294 : i32 to vector<16xi32>
        %add3A_296 = arith.addi %select_n3A_84, %add3A_295 : vector<16xi32>
        %select_n3A_297 = arith.select %lt3A_293, %add3A_296, %select_n3A_84 : vector<16xi1>, vector<16xi32>
        %broadcast_in_dim3A_298 = vector.shape_cast %select_n3A_297 : vector<16xi32> to vector<16x1xi32>
        %gather3A = vector.shape_cast %broadcast_in_dim3A_298 : vector<16x1xi32> to vector<16xi32>
        %gather3A_299 = tpu.dynamic_gather %mul3A_277[%gather3A] in [0] : vector<16xf32>, vector<16xi32> -> vector<16xf32>
        %add3A_300 = arith.addf %mul3A_277, %gather3A_299 : vector<16xf32>
        %lt3A_301 = arith.constant 0 : i32
        %lt3A_302 = vector.broadcast %lt3A_301 : i32 to vector<16xi32>
        %lt3A_303 = arith.cmpi slt, %select_n3A_84, %lt3A_302 : vector<16xi32>
        %add3A_304 = arith.constant 16 : i32
        %add3A_305 = vector.broadcast %add3A_304 : i32 to vector<16xi32>
        %add3A_306 = arith.addi %select_n3A_84, %add3A_305 : vector<16xi32>
        %select_n3A_307 = arith.select %lt3A_303, %add3A_306, %select_n3A_84 : vector<16xi1>, vector<16xi32>
        %broadcast_in_dim3A_308 = vector.shape_cast %select_n3A_307 : vector<16xi32> to vector<16x1xi32>
        %gather3A_309 = vector.shape_cast %broadcast_in_dim3A_308 : vector<16x1xi32> to vector<16xi32>
        %gather3A_310 = tpu.dynamic_gather %mul3A_290[%gather3A_309] in [0] : vector<16xf32>, vector<16xi32> -> vector<16xf32>
        %add3A_311 = arith.addf %mul3A_290, %gather3A_310 : vector<16xf32>
        %select_n3A_312 = arith.select %lt3A_99, %add3A_300, %add3A_311 : vector<16xi1>, vector<16xf32>
        %lt3A_313 = arith.constant 0 : i32
        %lt3A_314 = vector.broadcast %lt3A_313 : i32 to vector<16xi32>
        %lt3A_315 = arith.cmpi slt, %xor3A_86, %lt3A_314 : vector<16xi32>
        %add3A_316 = arith.constant 16 : i32
        %add3A_317 = vector.broadcast %add3A_316 : i32 to vector<16xi32>
        %add3A_318 = arith.addi %xor3A_86, %add3A_317 : vector<16xi32>
        %select_n3A_319 = arith.select %lt3A_315, %add3A_318, %xor3A_86 : vector<16xi1>, vector<16xi32>
        %broadcast_in_dim3A_320 = vector.shape_cast %select_n3A_319 : vector<16xi32> to vector<16x1xi32>
        %gather3A_321 = vector.shape_cast %broadcast_in_dim3A_320 : vector<16x1xi32> to vector<16xi32>
        %gather3A_322 = tpu.dynamic_gather %select_n3A_312[%gather3A_321] in [0] : vector<16xf32>, vector<16xi32> -> vector<16xf32>
        %add3A_323 = arith.addf %select_n3A_312, %gather3A_322 : vector<16xf32>
        %lt3A_324 = arith.constant 0 : i32
        %lt3A_325 = vector.broadcast %lt3A_324 : i32 to vector<16xi32>
        %lt3A_326 = arith.cmpi slt, %xor3A_89, %lt3A_325 : vector<16xi32>
        %add3A_327 = arith.constant 16 : i32
        %add3A_328 = vector.broadcast %add3A_327 : i32 to vector<16xi32>
        %add3A_329 = arith.addi %xor3A_89, %add3A_328 : vector<16xi32>
        %select_n3A_330 = arith.select %lt3A_326, %add3A_329, %xor3A_89 : vector<16xi1>, vector<16xi32>
        %broadcast_in_dim3A_331 = vector.shape_cast %select_n3A_330 : vector<16xi32> to vector<16x1xi32>
        %gather3A_332 = vector.shape_cast %broadcast_in_dim3A_331 : vector<16x1xi32> to vector<16xi32>
        %gather3A_333 = tpu.dynamic_gather %add3A_323[%gather3A_332] in [0] : vector<16xf32>, vector<16xi32> -> vector<16xf32>
        %add3A_334 = arith.addf %add3A_323, %gather3A_333 : vector<16xf32>
        %lt3A_335 = arith.constant 0 : i32
        %lt3A_336 = vector.broadcast %lt3A_335 : i32 to vector<16xi32>
        %lt3A_337 = arith.cmpi slt, %xor3A_92, %lt3A_336 : vector<16xi32>
        %add3A_338 = arith.constant 16 : i32
        %add3A_339 = vector.broadcast %add3A_338 : i32 to vector<16xi32>
        %add3A_340 = arith.addi %xor3A_92, %add3A_339 : vector<16xi32>
        %select_n3A_341 = arith.select %lt3A_337, %add3A_340, %xor3A_92 : vector<16xi1>, vector<16xi32>
        %broadcast_in_dim3A_342 = vector.shape_cast %select_n3A_341 : vector<16xi32> to vector<16x1xi32>
        %gather3A_343 = vector.shape_cast %broadcast_in_dim3A_342 : vector<16x1xi32> to vector<16xi32>
        %gather3A_344 = tpu.dynamic_gather %add3A_334[%gather3A_343] in [0] : vector<16xf32>, vector<16xi32> -> vector<16xf32>
        %add3A_345 = arith.addf %add3A_334, %gather3A_344 : vector<16xf32>
        %exp3A = math.exp %add3A_345 : vector<16xf32>
        %lt3A_346 = arith.constant 0 : i32
        %lt3A_347 = vector.broadcast %lt3A_346 : i32 to vector<16xi32>
        %lt3A_348 = arith.cmpi slt, %broadcast_in_dim3A_94, %lt3A_347 : vector<16xi32>
        %add3A_349 = arith.constant 16 : i32
        %add3A_350 = vector.broadcast %add3A_349 : i32 to vector<16xi32>
        %add3A_351 = arith.addi %broadcast_in_dim3A_94, %add3A_350 : vector<16xi32>
        %select_n3A_352 = arith.select %lt3A_348, %add3A_351, %broadcast_in_dim3A_94 : vector<16xi1>, vector<16xi32>
        %broadcast_in_dim3A_353 = vector.shape_cast %select_n3A_352 : vector<16xi32> to vector<16x1xi32>
        %gather3A_354 = vector.shape_cast %broadcast_in_dim3A_353 : vector<16x1xi32> to vector<16xi32>
        %gather3A_355 = tpu.dynamic_gather %exp3A[%gather3A_354] in [0] : vector<16xf32>, vector<16xi32> -> vector<16xf32>
        %lt3A_356 = arith.constant 0 : i32
        %lt3A_357 = vector.broadcast %lt3A_356 : i32 to vector<16xi32>
        %lt3A_358 = arith.cmpi slt, %broadcast_in_dim3A_96, %lt3A_357 : vector<16xi32>
        %add3A_359 = arith.constant 16 : i32
        %add3A_360 = vector.broadcast %add3A_359 : i32 to vector<16xi32>
        %add3A_361 = arith.addi %broadcast_in_dim3A_96, %add3A_360 : vector<16xi32>
        %select_n3A_362 = arith.select %lt3A_358, %add3A_361, %broadcast_in_dim3A_96 : vector<16xi1>, vector<16xi32>
        %broadcast_in_dim3A_363 = vector.shape_cast %select_n3A_362 : vector<16xi32> to vector<16x1xi32>
        %gather3A_364 = vector.shape_cast %broadcast_in_dim3A_363 : vector<16x1xi32> to vector<16xi32>
        %gather3A_365 = tpu.dynamic_gather %exp3A[%gather3A_364] in [0] : vector<16xf32>, vector<16xi32> -> vector<16xf32>
        %get3A_366 = arith.constant 0 : i32
        %get3A_367 = arith.index_cast %get3A_366 : i32 to index
        %get3A_368 = arith.index_cast %scan3A_263 : i32 to index
        %get3A_369 = arith.constant 64 : index
        %get3A_370 = tpu.vector_load %arg8[%get3A_367, %get3A_368, %get3A_369] {strides = array<i32>} : memref<2x128x128xf32, #tpu.memory_space<vmem>>, vector<1x1x16xf32>,
        %get3A_371 = vector.shape_cast %get3A_370 : vector<1x1x16xf32> to vector<16xf32>
        %mul3A_372 = arith.mulf %get3A_371, %gather3A_355 : vector<16xf32>
        %swap3A = arith.index_cast %scan3A_263 : i32 to index
        %swap3A_373 = arith.constant 0 : index
        %swap3A_374 = tpu.vector_load %arg9[%swap3A, %swap3A_373] {strides = array<i32>} : memref<128x80xf32, #tpu.memory_space<vmem>>, vector<1x16xf32>,
        %swap3A_375 = vector.shape_cast %swap3A_374 : vector<1x16xf32> to vector<16xf32>
        %swap3A_376 = vector.shape_cast %mul3A_372 : vector<16xf32> to vector<1x16xf32>
        tpu.vector_store %arg9[%swap3A, %swap3A_373], %swap3A_376 {strides = array<i32>} : memref<128x80xf32, #tpu.memory_space<vmem>>, vector<1x16xf32>,
        %get3A_377 = arith.constant 0 : i32
        %get3A_378 = arith.index_cast %get3A_377 : i32 to index
        %get3A_379 = arith.index_cast %scan3A_263 : i32 to index
        %get3A_380 = arith.constant 80 : index
        %get3A_381 = tpu.vector_load %arg8[%get3A_378, %get3A_379, %get3A_380] {strides = array<i32>} : memref<2x128x128xf32, #tpu.memory_space<vmem>>, vector<1x1x16xf32>,
        %get3A_382 = vector.shape_cast %get3A_381 : vector<1x1x16xf32> to vector<16xf32>
        %mul3A_383 = arith.mulf %get3A_382, %gather3A_365 : vector<16xf32>
        %swap3A_384 = arith.index_cast %scan3A_263 : i32 to index
        %swap3A_385 = arith.constant 16 : index
        %swap3A_386 = tpu.vector_load %arg9[%swap3A_384, %swap3A_385] {strides = array<i32>} : memref<128x80xf32, #tpu.memory_space<vmem>>, vector<1x16xf32>,
        %swap3A_387 = vector.shape_cast %swap3A_386 : vector<1x16xf32> to vector<16xf32>
        %swap3A_388 = vector.shape_cast %mul3A_383 : vector<16xf32> to vector<1x16xf32>
        tpu.vector_store %arg9[%swap3A_384, %swap3A_385], %swap3A_388 {strides = array<i32>} : memref<128x80xf32, #tpu.memory_space<vmem>>, vector<1x16xf32>,
        %add3A_389 = arith.constant 0 : i32
        %add3A_390 = arith.addi %mul3A_101, %add3A_389 : i32
        %eq3A_391 = vector.broadcast %add3A_390 : i32 to vector<16xi32>
        %eq3A_392 = arith.cmpi eq, %iota3A, %eq3A_391 : vector<16xi32>
        %select_n3A_393 = arith.select %eq3A_392, %gather3A_355, %broadcast_in_dim3A_265 : vector<16xi1>, vector<16xf32>
        %add3A_394 = arith.constant 0 : i32
        %add3A_395 = arith.addi %mul3A_101, %add3A_394 : i32
        %add3A_396 = arith.constant 1 : i32
        %add3A_397 = arith.addi %add3A_395, %add3A_396 : i32
        %eq3A_398 = vector.broadcast %add3A_397 : i32 to vector<16xi32>
        %eq3A_399 = arith.cmpi eq, %iota3A, %eq3A_398 : vector<16xi32>
        %select_n3A_400 = arith.select %eq3A_399, %gather3A_365, %select_n3A_393 : vector<16xi1>, vector<16xf32>
        %get3A_401 = arith.constant 0 : i32
        %get3A_402 = arith.index_cast %get3A_401 : i32 to index
        %get3A_403 = arith.index_cast %scan3A_263 : i32 to index
        %get3A_404 = arith.constant 32 : index
        %get3A_405 = tpu.vector_load %arg7[%get3A_402, %get3A_403, %get3A_404] {strides = array<i32>} : memref<2x128x64xf32, #tpu.memory_space<vmem>>, vector<1x1x16xf32>,
        %get3A_406 = vector.shape_cast %get3A_405 : vector<1x1x16xf32> to vector<16xf32>
        %get3A_407 = arith.constant 0 : i32
        %get3A_408 = arith.index_cast %get3A_407 : i32 to index
        %get3A_409 = arith.index_cast %scan3A_263 : i32 to index
        %get3A_410 = arith.constant 32 : index
        %get3A_411 = tpu.vector_load %arg8[%get3A_408, %get3A_409, %get3A_410] {strides = array<i32>} : memref<2x128x128xf32, #tpu.memory_space<vmem>>, vector<1x1x16xf32>,
        %get3A_412 = vector.shape_cast %get3A_411 : vector<1x1x16xf32> to vector<16xf32>
        %mul3A_413 = arith.mulf %get3A_406, %get3A_412 : vector<16xf32>
        %get3A_414 = arith.constant 0 : i32
        %get3A_415 = arith.index_cast %get3A_414 : i32 to index
        %get3A_416 = arith.index_cast %scan3A_263 : i32 to index
        %get3A_417 = arith.constant 48 : index
        %get3A_418 = tpu.vector_load %arg7[%get3A_415, %get3A_416, %get3A_417] {strides = array<i32>} : memref<2x128x64xf32, #tpu.memory_space<vmem>>, vector<1x1x16xf32>,
        %get3A_419 = vector.shape_cast %get3A_418 : vector<1x1x16xf32> to vector<16xf32>
        %get3A_420 = arith.constant 0 : i32
        %get3A_421 = arith.index_cast %get3A_420 : i32 to index
        %get3A_422 = arith.index_cast %scan3A_263 : i32 to index
        %get3A_423 = arith.constant 48 : index
        %get3A_424 = tpu.vector_load %arg8[%get3A_421, %get3A_422, %get3A_423] {strides = array<i32>} : memref<2x128x128xf32, #tpu.memory_space<vmem>>, vector<1x1x16xf32>,
        %get3A_425 = vector.shape_cast %get3A_424 : vector<1x1x16xf32> to vector<16xf32>
        %mul3A_426 = arith.mulf %get3A_419, %get3A_425 : vector<16xf32>
        %lt3A_427 = arith.constant 0 : i32
        %lt3A_428 = vector.broadcast %lt3A_427 : i32 to vector<16xi32>
        %lt3A_429 = arith.cmpi slt, %select_n3A_84, %lt3A_428 : vector<16xi32>
        %add3A_430 = arith.constant 16 : i32
        %add3A_431 = vector.broadcast %add3A_430 : i32 to vector<16xi32>
        %add3A_432 = arith.addi %select_n3A_84, %add3A_431 : vector<16xi32>
        %select_n3A_433 = arith.select %lt3A_429, %add3A_432, %select_n3A_84 : vector<16xi1>, vector<16xi32>
        %broadcast_in_dim3A_434 = vector.shape_cast %select_n3A_433 : vector<16xi32> to vector<16x1xi32>
        %gather3A_435 = vector.shape_cast %broadcast_in_dim3A_434 : vector<16x1xi32> to vector<16xi32>
        %gather3A_436 = tpu.dynamic_gather %mul3A_413[%gather3A_435] in [0] : vector<16xf32>, vector<16xi32> -> vector<16xf32>
        %add3A_437 = arith.addf %mul3A_413, %gather3A_436 : vector<16xf32>
        %lt3A_438 = arith.constant 0 : i32
        %lt3A_439 = vector.broadcast %lt3A_438 : i32 to vector<16xi32>
        %lt3A_440 = arith.cmpi slt, %select_n3A_84, %lt3A_439 : vector<16xi32>
        %add3A_441 = arith.constant 16 : i32
        %add3A_442 = vector.broadcast %add3A_441 : i32 to vector<16xi32>
        %add3A_443 = arith.addi %select_n3A_84, %add3A_442 : vector<16xi32>
        %select_n3A_444 = arith.select %lt3A_440, %add3A_443, %select_n3A_84 : vector<16xi1>, vector<16xi32>
        %broadcast_in_dim3A_445 = vector.shape_cast %select_n3A_444 : vector<16xi32> to vector<16x1xi32>
        %gather3A_446 = vector.shape_cast %broadcast_in_dim3A_445 : vector<16x1xi32> to vector<16xi32>
        %gather3A_447 = tpu.dynamic_gather %mul3A_426[%gather3A_446] in [0] : vector<16xf32>, vector<16xi32> -> vector<16xf32>
        %add3A_448 = arith.addf %mul3A_426, %gather3A_447 : vector<16xf32>
        %select_n3A_449 = arith.select %lt3A_99, %add3A_437, %add3A_448 : vector<16xi1>, vector<16xf32>
        %lt3A_450 = arith.constant 0 : i32
        %lt3A_451 = vector.broadcast %lt3A_450 : i32 to vector<16xi32>
        %lt3A_452 = arith.cmpi slt, %xor3A_86, %lt3A_451 : vector<16xi32>
        %add3A_453 = arith.constant 16 : i32
        %add3A_454 = vector.broadcast %add3A_453 : i32 to vector<16xi32>
        %add3A_455 = arith.addi %xor3A_86, %add3A_454 : vector<16xi32>
        %select_n3A_456 = arith.select %lt3A_452, %add3A_455, %xor3A_86 : vector<16xi1>, vector<16xi32>
        %broadcast_in_dim3A_457 = vector.shape_cast %select_n3A_456 : vector<16xi32> to vector<16x1xi32>
        %gather3A_458 = vector.shape_cast %broadcast_in_dim3A_457 : vector<16x1xi32> to vector<16xi32>
        %gather3A_459 = tpu.dynamic_gather %select_n3A_449[%gather3A_458] in [0] : vector<16xf32>, vector<16xi32> -> vector<16xf32>
        %add3A_460 = arith.addf %select_n3A_449, %gather3A_459 : vector<16xf32>
        %lt3A_461 = arith.constant 0 : i32
        %lt3A_462 = vector.broadcast %lt3A_461 : i32 to vector<16xi32>
        %lt3A_463 = arith.cmpi slt, %xor3A_89, %lt3A_462 : vector<16xi32>
        %add3A_464 = arith.constant 16 : i32
        %add3A_465 = vector.broadcast %add3A_464 : i32 to vector<16xi32>
        %add3A_466 = arith.addi %xor3A_89, %add3A_465 : vector<16xi32>
        %select_n3A_467 = arith.select %lt3A_463, %add3A_466, %xor3A_89 : vector<16xi1>, vector<16xi32>
        %broadcast_in_dim3A_468 = vector.shape_cast %select_n3A_467 : vector<16xi32> to vector<16x1xi32>
        %gather3A_469 = vector.shape_cast %broadcast_in_dim3A_468 : vector<16x1xi32> to vector<16xi32>
        %gather3A_470 = tpu.dynamic_gather %add3A_460[%gather3A_469] in [0] : vector<16xf32>, vector<16xi32> -> vector<16xf32>
        %add3A_471 = arith.addf %add3A_460, %gather3A_470 : vector<16xf32>
        %lt3A_472 = arith.constant 0 : i32
        %lt3A_473 = vector.broadcast %lt3A_472 : i32 to vector<16xi32>
        %lt3A_474 = arith.cmpi slt, %xor3A_92, %lt3A_473 : vector<16xi32>
        %add3A_475 = arith.constant 16 : i32
        %add3A_476 = vector.broadcast %add3A_475 : i32 to vector<16xi32>
        %add3A_477 = arith.addi %xor3A_92, %add3A_476 : vector<16xi32>
        %select_n3A_478 = arith.select %lt3A_474, %add3A_477, %xor3A_92 : vector<16xi1>, vector<16xi32>
        %broadcast_in_dim3A_479 = vector.shape_cast %select_n3A_478 : vector<16xi32> to vector<16x1xi32>
        %gather3A_480 = vector.shape_cast %broadcast_in_dim3A_479 : vector<16x1xi32> to vector<16xi32>
        %gather3A_481 = tpu.dynamic_gather %add3A_471[%gather3A_480] in [0] : vector<16xf32>, vector<16xi32> -> vector<16xf32>
        %add3A_482 = arith.addf %add3A_471, %gather3A_481 : vector<16xf32>
        %exp3A_483 = math.exp %add3A_482 : vector<16xf32>
        %lt3A_484 = arith.constant 0 : i32
        %lt3A_485 = vector.broadcast %lt3A_484 : i32 to vector<16xi32>
        %lt3A_486 = arith.cmpi slt, %broadcast_in_dim3A_94, %lt3A_485 : vector<16xi32>
        %add3A_487 = arith.constant 16 : i32
        %add3A_488 = vector.broadcast %add3A_487 : i32 to vector<16xi32>
        %add3A_489 = arith.addi %broadcast_in_dim3A_94, %add3A_488 : vector<16xi32>
        %select_n3A_490 = arith.select %lt3A_486, %add3A_489, %broadcast_in_dim3A_94 : vector<16xi1>, vector<16xi32>
        %broadcast_in_dim3A_491 = vector.shape_cast %select_n3A_490 : vector<16xi32> to vector<16x1xi32>
        %gather3A_492 = vector.shape_cast %broadcast_in_dim3A_491 : vector<16x1xi32> to vector<16xi32>
        %gather3A_493 = tpu.dynamic_gather %exp3A_483[%gather3A_492] in [0] : vector<16xf32>, vector<16xi32> -> vector<16xf32>
        %lt3A_494 = arith.constant 0 : i32
        %lt3A_495 = vector.broadcast %lt3A_494 : i32 to vector<16xi32>
        %lt3A_496 = arith.cmpi slt, %broadcast_in_dim3A_96, %lt3A_495 : vector<16xi32>
        %add3A_497 = arith.constant 16 : i32
        %add3A_498 = vector.broadcast %add3A_497 : i32 to vector<16xi32>
        %add3A_499 = arith.addi %broadcast_in_dim3A_96, %add3A_498 : vector<16xi32>
        %select_n3A_500 = arith.select %lt3A_496, %add3A_499, %broadcast_in_dim3A_96 : vector<16xi1>, vector<16xi32>
        %broadcast_in_dim3A_501 = vector.shape_cast %select_n3A_500 : vector<16xi32> to vector<16x1xi32>
        %gather3A_502 = vector.shape_cast %broadcast_in_dim3A_501 : vector<16x1xi32> to vector<16xi32>
        %gather3A_503 = tpu.dynamic_gather %exp3A_483[%gather3A_502] in [0] : vector<16xf32>, vector<16xi32> -> vector<16xf32>
        %get3A_504 = arith.constant 0 : i32
        %get3A_505 = arith.index_cast %get3A_504 : i32 to index
        %get3A_506 = arith.index_cast %scan3A_263 : i32 to index
        %get3A_507 = arith.constant 96 : index
        %get3A_508 = tpu.vector_load %arg8[%get3A_505, %get3A_506, %get3A_507] {strides = array<i32>} : memref<2x128x128xf32, #tpu.memory_space<vmem>>, vector<1x1x16xf32>,
        %get3A_509 = vector.shape_cast %get3A_508 : vector<1x1x16xf32> to vector<16xf32>
        %mul3A_510 = arith.mulf %get3A_509, %gather3A_493 : vector<16xf32>
        %swap3A_511 = arith.index_cast %scan3A_263 : i32 to index
        %swap3A_512 = arith.constant 32 : index
        %swap3A_513 = tpu.vector_load %arg9[%swap3A_511, %swap3A_512] {strides = array<i32>} : memref<128x80xf32, #tpu.memory_space<vmem>>, vector<1x16xf32>,
        %swap3A_514 = vector.shape_cast %swap3A_513 : vector<1x16xf32> to vector<16xf32>
        %swap3A_515 = vector.shape_cast %mul3A_510 : vector<16xf32> to vector<1x16xf32>
        tpu.vector_store %arg9[%swap3A_511, %swap3A_512], %swap3A_515 {strides = array<i32>} : memref<128x80xf32, #tpu.memory_space<vmem>>, vector<1x16xf32>,
        %get3A_516 = arith.constant 0 : i32
        %get3A_517 = arith.index_cast %get3A_516 : i32 to index
        %get3A_518 = arith.index_cast %scan3A_263 : i32 to index
        %get3A_519 = arith.constant 112 : index
        %get3A_520 = tpu.vector_load %arg8[%get3A_517, %get3A_518, %get3A_519] {strides = array<i32>} : memref<2x128x128xf32, #tpu.memory_space<vmem>>, vector<1x1x16xf32>,
        %get3A_521 = vector.shape_cast %get3A_520 : vector<1x1x16xf32> to vector<16xf32>
        %mul3A_522 = arith.mulf %get3A_521, %gather3A_503 : vector<16xf32>
        %swap3A_523 = arith.index_cast %scan3A_263 : i32 to index
        %swap3A_524 = arith.constant 48 : index
        %swap3A_525 = tpu.vector_load %arg9[%swap3A_523, %swap3A_524] {strides = array<i32>} : memref<128x80xf32, #tpu.memory_space<vmem>>, vector<1x16xf32>,
        %swap3A_526 = vector.shape_cast %swap3A_525 : vector<1x16xf32> to vector<16xf32>
        %swap3A_527 = vector.shape_cast %mul3A_522 : vector<16xf32> to vector<1x16xf32>
        tpu.vector_store %arg9[%swap3A_523, %swap3A_524], %swap3A_527 {strides = array<i32>} : memref<128x80xf32, #tpu.memory_space<vmem>>, vector<1x16xf32>,
        %add3A_528 = arith.constant 2 : i32
        %add3A_529 = arith.addi %mul3A_101, %add3A_528 : i32
        %eq3A_530 = vector.broadcast %add3A_529 : i32 to vector<16xi32>
        %eq3A_531 = arith.cmpi eq, %iota3A, %eq3A_530 : vector<16xi32>
        %select_n3A_532 = arith.select %eq3A_531, %gather3A_493, %select_n3A_400 : vector<16xi1>, vector<16xf32>
        %add3A_533 = arith.constant 2 : i32
        %add3A_534 = arith.addi %mul3A_101, %add3A_533 : i32
        %add3A_535 = arith.constant 1 : i32
        %add3A_536 = arith.addi %add3A_534, %add3A_535 : i32
        %eq3A_537 = vector.broadcast %add3A_536 : i32 to vector<16xi32>
        %eq3A_538 = arith.cmpi eq, %iota3A, %eq3A_537 : vector<16xi32>
        %select_n3A_539 = arith.select %eq3A_538, %gather3A_503, %select_n3A_532 : vector<16xi1>, vector<16xf32>
        %swap3A_540 = arith.index_cast %scan3A_263 : i32 to index
        %swap3A_541 = arith.constant 64 : index
        %swap3A_542 = tpu.vector_load %arg9[%swap3A_540, %swap3A_541] {strides = array<i32>} : memref<128x80xf32, #tpu.memory_space<vmem>>, vector<1x16xf32>,
        %swap3A_543 = vector.shape_cast %swap3A_542 : vector<1x16xf32> to vector<16xf32>
        %swap3A_544 = vector.shape_cast %select_n3A_539 : vector<16xf32> to vector<1x16xf32>
        tpu.vector_store %arg9[%swap3A_540, %swap3A_541], %swap3A_544 {strides = array<i32>} : memref<128x80xf32, #tpu.memory_space<vmem>>, vector<1x16xf32>,
      }
      %scan3A_215 = arith.constant 128 : i32
      "tpu.region"() ({
        %run_scoped3A = tpu.sem_alloc : memref<!tpu.dma_semaphore, #tpu.memory_space<semaphore_mem>>
        %dma_start3A_263 = arith.constant 0 : i32
        %dma_start3A_264 = tpu.memref_slice %arg11[%add3A_148, %dma_start3A_263] : memref<80x128xi32, #tpu.memory_space<vmem>> -> memref<1x128xi32, #tpu.memory_space<vmem>>
        %dma_start3A_265 = tpu.memref_squeeze %dma_start3A_264 : memref<1x128xi32, #tpu.memory_space<vmem>> -> memref<128xi32, #tpu.memory_space<vmem>>
        %dma_start3A_266 = arith.constant 0 : i32
        %dma_start3A_267 = arith.constant 0 : i32
        %dma_start3A_268 = tpu.memref_slice %arg12[%dma_start3A_266, %dma_start3A_267] : memref<10008x80xf32, #tpu.memory_space<vmem_shared>> -> memref<10008x80xf32, #tpu.memory_space<vmem_shared>>
        tpu.enqueue_indirect_dma source(%arg9 : memref<128x80xf32, #tpu.memory_space<vmem>>) target(%dma_start3A_268 : memref<10008x80xf32, #tpu.memory_space<vmem_shared>>) offsets(%dma_start3A_265 : memref<128xi32, #tpu.memory_space<vmem>>) semaphore(%run_scoped3A : memref<!tpu.dma_semaphore, #tpu.memory_space<semaphore_mem>>) {add = true}
        %dma_wait3A_269 = arith.constant 0 : i32
        %dma_wait3A_270 = tpu.memref_slice %arg11[%add3A_148, %dma_wait3A_269] : memref<80x128xi32, #tpu.memory_space<vmem>> -> memref<1x128xi32, #tpu.memory_space<vmem>>
        %dma_wait3A_271 = tpu.memref_squeeze %dma_wait3A_270 : memref<1x128xi32, #tpu.memory_space<vmem>> -> memref<128xi32, #tpu.memory_space<vmem>>
        %dma_wait3A_272 = arith.constant 0 : i32
        %dma_wait3A_273 = arith.constant 0 : i32
        %dma_wait3A_274 = tpu.memref_slice %arg12[%dma_wait3A_272, %dma_wait3A_273] : memref<10008x80xf32, #tpu.memory_space<vmem_shared>> -> memref<10008x80xf32, #tpu.memory_space<vmem_shared>>
        tpu.wait_indirect_dma semaphore(%run_scoped3A : memref<!tpu.dma_semaphore, #tpu.memory_space<semaphore_mem>>) src(%arg9 : memref<128x80xf32, #tpu.memory_space<vmem>>) dst(%dma_wait3A_274 : memref<10008x80xf32, #tpu.memory_space<vmem_shared>>)
        tpu.yield
      }) : () -> ()
      %mul3A_216 = arith.constant 2 : i32
      %mul3A_217 = arith.muli %mul3A_216, %scan3A_144 : i32
      %add3A_218 = arith.constant 1 : i32
      %add3A_219 = arith.addi %mul3A_217, %add3A_218 : i32
      %dma_wait3A_220 = arith.constant 1 : i32
      %dma_wait3A_221 = arith.constant 0 : i32
      %dma_wait3A_222 = arith.constant 0 : i32
      %dma_wait3A_223 = tpu.memref_slice %arg7[%dma_wait3A_220, %dma_wait3A_221, %dma_wait3A_222] : memref<2x128x64xf32, #tpu.memory_space<vmem>> -> memref<1x128x64xf32, #tpu.memory_space<vmem>>
      %dma_wait3A_224 = tpu.memref_squeeze %dma_wait3A_223 : memref<1x128x64xf32, #tpu.memory_space<vmem>> -> memref<128x64xf32, #tpu.memory_space<vmem>>
      %dma_wait3A_225 = arith.constant 0 : i32
      %dma_wait3A_226 = tpu.memref_slice %arg11[%add3A_219, %dma_wait3A_225] : memref<80x128xi32, #tpu.memory_space<vmem>> -> memref<1x128xi32, #tpu.memory_space<vmem>>
      %dma_wait3A_227 = tpu.memref_squeeze %dma_wait3A_226 : memref<1x128xi32, #tpu.memory_space<vmem>> -> memref<128xi32, #tpu.memory_space<vmem>>
      %dma_wait3A_228 = arith.constant 0 : i32
      %dma_wait3A_229 = arith.constant 0 : i32
      %dma_wait3A_230 = tpu.memref_slice %arg2[%arg0, %dma_wait3A_228, %dma_wait3A_229] : memref<2x10008x64xf32, #tpu.memory_space<hbm>> -> memref<1x10008x64xf32, #tpu.memory_space<hbm>>
      %dma_wait3A_231 = tpu.memref_squeeze %dma_wait3A_230 : memref<1x10008x64xf32, #tpu.memory_space<hbm>> -> memref<10008x64xf32, #tpu.memory_space<hbm>>
      %dma_wait3A_232 = arith.constant 0 : i32
      %dma_wait3A_233 = arith.constant 0 : i32
      %dma_wait3A_234 = tpu.memref_slice %dma_wait3A_231[%dma_wait3A_232, %dma_wait3A_233] : memref<10008x64xf32, #tpu.memory_space<hbm>> -> memref<10008x64xf32, #tpu.memory_space<hbm>>
      tpu.wait_indirect_dma semaphore(%arg13 : memref<!tpu.dma_semaphore, #tpu.memory_space<semaphore_mem>>) src(%dma_wait3A_234 : memref<10008x64xf32, #tpu.memory_space<hbm>>) dst(%dma_wait3A_224 : memref<128x64xf32, #tpu.memory_space<vmem>>)
      %dma_wait3A_235 = arith.constant 1 : i32
      %dma_wait3A_236 = arith.constant 0 : i32
      %dma_wait3A_237 = arith.constant 0 : i32
      %dma_wait3A_238 = tpu.memref_slice %arg8[%dma_wait3A_235, %dma_wait3A_236, %dma_wait3A_237] : memref<2x128x128xf32, #tpu.memory_space<vmem>> -> memref<1x128x128xf32, #tpu.memory_space<vmem>>
      %dma_wait3A_239 = tpu.memref_squeeze %dma_wait3A_238 : memref<1x128x128xf32, #tpu.memory_space<vmem>> -> memref<128x128xf32, #tpu.memory_space<vmem>>
      %dma_wait3A_240 = arith.constant 0 : i32
      %dma_wait3A_241 = tpu.memref_slice %arg10[%add3A_219, %dma_wait3A_240] : memref<80x128xi32, #tpu.memory_space<vmem>> -> memref<1x128xi32, #tpu.memory_space<vmem>>
      %dma_wait3A_242 = tpu.memref_squeeze %dma_wait3A_241 : memref<1x128xi32, #tpu.memory_space<vmem>> -> memref<128xi32, #tpu.memory_space<vmem>>
      %dma_wait3A_243 = arith.constant 0 : i32
      %dma_wait3A_244 = arith.constant 0 : i32
      %dma_wait3A_245 = tpu.memref_slice %arg3[%arg0, %dma_wait3A_243, %dma_wait3A_244] : memref<2x10000x128xf32, #tpu.memory_space<hbm>> -> memref<1x10000x128xf32, #tpu.memory_space<hbm>>
      %dma_wait3A_246 = tpu.memref_squeeze %dma_wait3A_245 : memref<1x10000x128xf32, #tpu.memory_space<hbm>> -> memref<10000x128xf32, #tpu.memory_space<hbm>>
      %dma_wait3A_247 = arith.constant 0 : i32
      %dma_wait3A_248 = arith.constant 0 : i32
      %dma_wait3A_249 = tpu.memref_slice %dma_wait3A_246[%dma_wait3A_247, %dma_wait3A_248] : memref<10000x128xf32, #tpu.memory_space<hbm>> -> memref<10000x128xf32, #tpu.memory_space<hbm>>
      tpu.wait_indirect_dma semaphore(%arg13 : memref<!tpu.dma_semaphore, #tpu.memory_space<semaphore_mem>>) src(%dma_wait3A_249 : memref<10000x128xf32, #tpu.memory_space<hbm>>) dst(%dma_wait3A_239 : memref<128x128xf32, #tpu.memory_space<vmem>>)
      %add3A_250 = arith.constant 1 : i32
      %add3A_251 = arith.addi %add3A_219, %add3A_250 : i32
      %lt3A_252 = arith.constant 39 : i32
      %lt3A_253 = arith.cmpi slt, %scan3A_144, %lt3A_252 : i32
      %convert_element_type3A_254 = arith.extui %lt3A_253 : i1 to i32
      %cond3A_255 = arith.constant 0 : i32
      %cond3A_256 = arith.cmpi ne, %convert_element_type3A_254, %cond3A_255 : i32
      scf.if %cond3A_256 {
        %dma_start3A_263 = arith.constant 0 : i32
        %dma_start3A_264 = arith.constant 0 : i32
        %dma_start3A_265 = arith.constant 0 : i32
        %dma_start3A_266 = tpu.memref_slice %arg7[%dma_start3A_263, %dma_start3A_264, %dma_start3A_265] : memref<2x128x64xf32, #tpu.memory_space<vmem>> -> memref<1x128x64xf32, #tpu.memory_space<vmem>>
        %dma_start3A_267 = tpu.memref_squeeze %dma_start3A_266 : memref<1x128x64xf32, #tpu.memory_space<vmem>> -> memref<128x64xf32, #tpu.memory_space<vmem>>
        %dma_start3A_268 = arith.constant 0 : i32
        %dma_start3A_269 = tpu.memref_slice %arg11[%add3A_251, %dma_start3A_268] : memref<80x128xi32, #tpu.memory_space<vmem>> -> memref<1x128xi32, #tpu.memory_space<vmem>>
        %dma_start3A_270 = tpu.memref_squeeze %dma_start3A_269 : memref<1x128xi32, #tpu.memory_space<vmem>> -> memref<128xi32, #tpu.memory_space<vmem>>
        %dma_start3A_271 = arith.constant 0 : i32
        %dma_start3A_272 = arith.constant 0 : i32
        %dma_start3A_273 = tpu.memref_slice %arg2[%arg0, %dma_start3A_271, %dma_start3A_272] : memref<2x10008x64xf32, #tpu.memory_space<hbm>> -> memref<1x10008x64xf32, #tpu.memory_space<hbm>>
        %dma_start3A_274 = tpu.memref_squeeze %dma_start3A_273 : memref<1x10008x64xf32, #tpu.memory_space<hbm>> -> memref<10008x64xf32, #tpu.memory_space<hbm>>
        %dma_start3A_275 = arith.constant 0 : i32
        %dma_start3A_276 = arith.constant 0 : i32
        %dma_start3A_277 = tpu.memref_slice %dma_start3A_274[%dma_start3A_275, %dma_start3A_276] : memref<10008x64xf32, #tpu.memory_space<hbm>> -> memref<10008x64xf32, #tpu.memory_space<hbm>>
        tpu.enqueue_indirect_dma source(%dma_start3A_277 : memref<10008x64xf32, #tpu.memory_space<hbm>>) target(%dma_start3A_267 : memref<128x64xf32, #tpu.memory_space<vmem>>) offsets(%dma_start3A_270 : memref<128xi32, #tpu.memory_space<vmem>>) semaphore(%arg13 : memref<!tpu.dma_semaphore, #tpu.memory_space<semaphore_mem>>)
        %dma_start3A_278 = arith.constant 0 : i32
        %dma_start3A_279 = arith.constant 0 : i32
        %dma_start3A_280 = arith.constant 0 : i32
        %dma_start3A_281 = tpu.memref_slice %arg8[%dma_start3A_278, %dma_start3A_279, %dma_start3A_280] : memref<2x128x128xf32, #tpu.memory_space<vmem>> -> memref<1x128x128xf32, #tpu.memory_space<vmem>>
        %dma_start3A_282 = tpu.memref_squeeze %dma_start3A_281 : memref<1x128x128xf32, #tpu.memory_space<vmem>> -> memref<128x128xf32, #tpu.memory_space<vmem>>
        %dma_start3A_283 = arith.constant 0 : i32
        %dma_start3A_284 = tpu.memref_slice %arg10[%add3A_251, %dma_start3A_283] : memref<80x128xi32, #tpu.memory_space<vmem>> -> memref<1x128xi32, #tpu.memory_space<vmem>>
        %dma_start3A_285 = tpu.memref_squeeze %dma_start3A_284 : memref<1x128xi32, #tpu.memory_space<vmem>> -> memref<128xi32, #tpu.memory_space<vmem>>
        %dma_start3A_286 = arith.constant 0 : i32
        %dma_start3A_287 = arith.constant 0 : i32
        %dma_start3A_288 = tpu.memref_slice %arg3[%arg0, %dma_start3A_286, %dma_start3A_287] : memref<2x10000x128xf32, #tpu.memory_space<hbm>> -> memref<1x10000x128xf32, #tpu.memory_space<hbm>>
        %dma_start3A_289 = tpu.memref_squeeze %dma_start3A_288 : memref<1x10000x128xf32, #tpu.memory_space<hbm>> -> memref<10000x128xf32, #tpu.memory_space<hbm>>
        %dma_start3A_290 = arith.constant 0 : i32
        %dma_start3A_291 = arith.constant 0 : i32
        %dma_start3A_292 = tpu.memref_slice %dma_start3A_289[%dma_start3A_290, %dma_start3A_291] : memref<10000x128xf32, #tpu.memory_space<hbm>> -> memref<10000x128xf32, #tpu.memory_space<hbm>>
        tpu.enqueue_indirect_dma source(%dma_start3A_292 : memref<10000x128xf32, #tpu.memory_space<hbm>>) target(%dma_start3A_282 : memref<128x128xf32, #tpu.memory_space<vmem>>) offsets(%dma_start3A_285 : memref<128xi32, #tpu.memory_space<vmem>>) semaphore(%arg13 : memref<!tpu.dma_semaphore, #tpu.memory_space<semaphore_mem>>)
      } else {
      }
      %scan3A_257 = arith.constant 0 : i32
      %scan3A_258 = arith.constant 0 : i32
      %scan3A_259 = arith.constant 128 : i32
      %scan3A_260 = arith.addi %scan3A_258, %scan3A_259 : i32
      %scan3A_261 = arith.constant 1 : i32
      scf.for %scan3A_263 = %scan3A_258 to %scan3A_260 step %scan3A_261  : i32 {
        %broadcast_in_dim3A_264 = arith.constant 0.000000e+00 : f32
        %broadcast_in_dim3A_265 = vector.broadcast %broadcast_in_dim3A_264 : f32 to vector<16xf32>
        %get3A = arith.constant 1 : i32
        %get3A_266 = arith.index_cast %get3A : i32 to index
        %get3A_267 = arith.index_cast %scan3A_263 : i32 to index
        %get3A_268 = arith.constant 0 : index
        %get3A_269 = tpu.vector_load %arg7[%get3A_266, %get3A_267, %get3A_268] {strides = array<i32>} : memref<2x128x64xf32, #tpu.memory_space<vmem>>, vector<1x1x16xf32>,
        %get3A_270 = vector.shape_cast %get3A_269 : vector<1x1x16xf32> to vector<16xf32>
        %get3A_271 = arith.constant 1 : i32
        %get3A_272 = arith.index_cast %get3A_271 : i32 to index
        %get3A_273 = arith.index_cast %scan3A_263 : i32 to index
        %get3A_274 = arith.constant 0 : index
        %get3A_275 = tpu.vector_load %arg8[%get3A_272, %get3A_273, %get3A_274] {strides = array<i32>} : memref<2x128x128xf32, #tpu.memory_space<vmem>>, vector<1x1x16xf32>,
        %get3A_276 = vector.shape_cast %get3A_275 : vector<1x1x16xf32> to vector<16xf32>
        %mul3A_277 = arith.mulf %get3A_270, %get3A_276 : vector<16xf32>
        %get3A_278 = arith.constant 1 : i32
        %get3A_279 = arith.index_cast %get3A_278 : i32 to index
        %get3A_280 = arith.index_cast %scan3A_263 : i32 to index
        %get3A_281 = arith.constant 16 : index
        %get3A_282 = tpu.vector_load %arg7[%get3A_279, %get3A_280, %get3A_281] {strides = array<i32>} : memref<2x128x64xf32, #tpu.memory_space<vmem>>, vector<1x1x16xf32>,
        %get3A_283 = vector.shape_cast %get3A_282 : vector<1x1x16xf32> to vector<16xf32>
        %get3A_284 = arith.constant 1 : i32
        %get3A_285 = arith.index_cast %get3A_284 : i32 to index
        %get3A_286 = arith.index_cast %scan3A_263 : i32 to index
        %get3A_287 = arith.constant 16 : index
        %get3A_288 = tpu.vector_load %arg8[%get3A_285, %get3A_286, %get3A_287] {strides = array<i32>} : memref<2x128x128xf32, #tpu.memory_space<vmem>>, vector<1x1x16xf32>,
        %get3A_289 = vector.shape_cast %get3A_288 : vector<1x1x16xf32> to vector<16xf32>
        %mul3A_290 = arith.mulf %get3A_283, %get3A_289 : vector<16xf32>
        %lt3A_291 = arith.constant 0 : i32
        %lt3A_292 = vector.broadcast %lt3A_291 : i32 to vector<16xi32>
        %lt3A_293 = arith.cmpi slt, %select_n3A_84, %lt3A_292 : vector<16xi32>
        %add3A_294 = arith.constant 16 : i32
        %add3A_295 = vector.broadcast %add3A_294 : i32 to vector<16xi32>
        %add3A_296 = arith.addi %select_n3A_84, %add3A_295 : vector<16xi32>
        %select_n3A_297 = arith.select %lt3A_293, %add3A_296, %select_n3A_84 : vector<16xi1>, vector<16xi32>
        %broadcast_in_dim3A_298 = vector.shape_cast %select_n3A_297 : vector<16xi32> to vector<16x1xi32>
        %gather3A = vector.shape_cast %broadcast_in_dim3A_298 : vector<16x1xi32> to vector<16xi32>
        %gather3A_299 = tpu.dynamic_gather %mul3A_277[%gather3A] in [0] : vector<16xf32>, vector<16xi32> -> vector<16xf32>
        %add3A_300 = arith.addf %mul3A_277, %gather3A_299 : vector<16xf32>
        %lt3A_301 = arith.constant 0 : i32
        %lt3A_302 = vector.broadcast %lt3A_301 : i32 to vector<16xi32>
        %lt3A_303 = arith.cmpi slt, %select_n3A_84, %lt3A_302 : vector<16xi32>
        %add3A_304 = arith.constant 16 : i32
        %add3A_305 = vector.broadcast %add3A_304 : i32 to vector<16xi32>
        %add3A_306 = arith.addi %select_n3A_84, %add3A_305 : vector<16xi32>
        %select_n3A_307 = arith.select %lt3A_303, %add3A_306, %select_n3A_84 : vector<16xi1>, vector<16xi32>
        %broadcast_in_dim3A_308 = vector.shape_cast %select_n3A_307 : vector<16xi32> to vector<16x1xi32>
        %gather3A_309 = vector.shape_cast %broadcast_in_dim3A_308 : vector<16x1xi32> to vector<16xi32>
        %gather3A_310 = tpu.dynamic_gather %mul3A_290[%gather3A_309] in [0] : vector<16xf32>, vector<16xi32> -> vector<16xf32>
        %add3A_311 = arith.addf %mul3A_290, %gather3A_310 : vector<16xf32>
        %select_n3A_312 = arith.select %lt3A_99, %add3A_300, %add3A_311 : vector<16xi1>, vector<16xf32>
        %lt3A_313 = arith.constant 0 : i32
        %lt3A_314 = vector.broadcast %lt3A_313 : i32 to vector<16xi32>
        %lt3A_315 = arith.cmpi slt, %xor3A_86, %lt3A_314 : vector<16xi32>
        %add3A_316 = arith.constant 16 : i32
        %add3A_317 = vector.broadcast %add3A_316 : i32 to vector<16xi32>
        %add3A_318 = arith.addi %xor3A_86, %add3A_317 : vector<16xi32>
        %select_n3A_319 = arith.select %lt3A_315, %add3A_318, %xor3A_86 : vector<16xi1>, vector<16xi32>
        %broadcast_in_dim3A_320 = vector.shape_cast %select_n3A_319 : vector<16xi32> to vector<16x1xi32>
        %gather3A_321 = vector.shape_cast %broadcast_in_dim3A_320 : vector<16x1xi32> to vector<16xi32>
        %gather3A_322 = tpu.dynamic_gather %select_n3A_312[%gather3A_321] in [0] : vector<16xf32>, vector<16xi32> -> vector<16xf32>
        %add3A_323 = arith.addf %select_n3A_312, %gather3A_322 : vector<16xf32>
        %lt3A_324 = arith.constant 0 : i32
        %lt3A_325 = vector.broadcast %lt3A_324 : i32 to vector<16xi32>
        %lt3A_326 = arith.cmpi slt, %xor3A_89, %lt3A_325 : vector<16xi32>
        %add3A_327 = arith.constant 16 : i32
        %add3A_328 = vector.broadcast %add3A_327 : i32 to vector<16xi32>
        %add3A_329 = arith.addi %xor3A_89, %add3A_328 : vector<16xi32>
        %select_n3A_330 = arith.select %lt3A_326, %add3A_329, %xor3A_89 : vector<16xi1>, vector<16xi32>
        %broadcast_in_dim3A_331 = vector.shape_cast %select_n3A_330 : vector<16xi32> to vector<16x1xi32>
        %gather3A_332 = vector.shape_cast %broadcast_in_dim3A_331 : vector<16x1xi32> to vector<16xi32>
        %gather3A_333 = tpu.dynamic_gather %add3A_323[%gather3A_332] in [0] : vector<16xf32>, vector<16xi32> -> vector<16xf32>
        %add3A_334 = arith.addf %add3A_323, %gather3A_333 : vector<16xf32>
        %lt3A_335 = arith.constant 0 : i32
        %lt3A_336 = vector.broadcast %lt3A_335 : i32 to vector<16xi32>
        %lt3A_337 = arith.cmpi slt, %xor3A_92, %lt3A_336 : vector<16xi32>
        %add3A_338 = arith.constant 16 : i32
        %add3A_339 = vector.broadcast %add3A_338 : i32 to vector<16xi32>
        %add3A_340 = arith.addi %xor3A_92, %add3A_339 : vector<16xi32>
        %select_n3A_341 = arith.select %lt3A_337, %add3A_340, %xor3A_92 : vector<16xi1>, vector<16xi32>
        %broadcast_in_dim3A_342 = vector.shape_cast %select_n3A_341 : vector<16xi32> to vector<16x1xi32>
        %gather3A_343 = vector.shape_cast %broadcast_in_dim3A_342 : vector<16x1xi32> to vector<16xi32>
        %gather3A_344 = tpu.dynamic_gather %add3A_334[%gather3A_343] in [0] : vector<16xf32>, vector<16xi32> -> vector<16xf32>
        %add3A_345 = arith.addf %add3A_334, %gather3A_344 : vector<16xf32>
        %exp3A = math.exp %add3A_345 : vector<16xf32>
        %lt3A_346 = arith.constant 0 : i32
        %lt3A_347 = vector.broadcast %lt3A_346 : i32 to vector<16xi32>
        %lt3A_348 = arith.cmpi slt, %broadcast_in_dim3A_94, %lt3A_347 : vector<16xi32>
        %add3A_349 = arith.constant 16 : i32
        %add3A_350 = vector.broadcast %add3A_349 : i32 to vector<16xi32>
        %add3A_351 = arith.addi %broadcast_in_dim3A_94, %add3A_350 : vector<16xi32>
        %select_n3A_352 = arith.select %lt3A_348, %add3A_351, %broadcast_in_dim3A_94 : vector<16xi1>, vector<16xi32>
        %broadcast_in_dim3A_353 = vector.shape_cast %select_n3A_352 : vector<16xi32> to vector<16x1xi32>
        %gather3A_354 = vector.shape_cast %broadcast_in_dim3A_353 : vector<16x1xi32> to vector<16xi32>
        %gather3A_355 = tpu.dynamic_gather %exp3A[%gather3A_354] in [0] : vector<16xf32>, vector<16xi32> -> vector<16xf32>
        %lt3A_356 = arith.constant 0 : i32
        %lt3A_357 = vector.broadcast %lt3A_356 : i32 to vector<16xi32>
        %lt3A_358 = arith.cmpi slt, %broadcast_in_dim3A_96, %lt3A_357 : vector<16xi32>
        %add3A_359 = arith.constant 16 : i32
        %add3A_360 = vector.broadcast %add3A_359 : i32 to vector<16xi32>
        %add3A_361 = arith.addi %broadcast_in_dim3A_96, %add3A_360 : vector<16xi32>
        %select_n3A_362 = arith.select %lt3A_358, %add3A_361, %broadcast_in_dim3A_96 : vector<16xi1>, vector<16xi32>
        %broadcast_in_dim3A_363 = vector.shape_cast %select_n3A_362 : vector<16xi32> to vector<16x1xi32>
        %gather3A_364 = vector.shape_cast %broadcast_in_dim3A_363 : vector<16x1xi32> to vector<16xi32>
        %gather3A_365 = tpu.dynamic_gather %exp3A[%gather3A_364] in [0] : vector<16xf32>, vector<16xi32> -> vector<16xf32>
        %get3A_366 = arith.constant 1 : i32
        %get3A_367 = arith.index_cast %get3A_366 : i32 to index
        %get3A_368 = arith.index_cast %scan3A_263 : i32 to index
        %get3A_369 = arith.constant 64 : index
        %get3A_370 = tpu.vector_load %arg8[%get3A_367, %get3A_368, %get3A_369] {strides = array<i32>} : memref<2x128x128xf32, #tpu.memory_space<vmem>>, vector<1x1x16xf32>,
        %get3A_371 = vector.shape_cast %get3A_370 : vector<1x1x16xf32> to vector<16xf32>
        %mul3A_372 = arith.mulf %get3A_371, %gather3A_355 : vector<16xf32>
        %swap3A = arith.index_cast %scan3A_263 : i32 to index
        %swap3A_373 = arith.constant 0 : index
        %swap3A_374 = tpu.vector_load %arg9[%swap3A, %swap3A_373] {strides = array<i32>} : memref<128x80xf32, #tpu.memory_space<vmem>>, vector<1x16xf32>,
        %swap3A_375 = vector.shape_cast %swap3A_374 : vector<1x16xf32> to vector<16xf32>
        %swap3A_376 = vector.shape_cast %mul3A_372 : vector<16xf32> to vector<1x16xf32>
        tpu.vector_store %arg9[%swap3A, %swap3A_373], %swap3A_376 {strides = array<i32>} : memref<128x80xf32, #tpu.memory_space<vmem>>, vector<1x16xf32>,
        %get3A_377 = arith.constant 1 : i32
        %get3A_378 = arith.index_cast %get3A_377 : i32 to index
        %get3A_379 = arith.index_cast %scan3A_263 : i32 to index
        %get3A_380 = arith.constant 80 : index
        %get3A_381 = tpu.vector_load %arg8[%get3A_378, %get3A_379, %get3A_380] {strides = array<i32>} : memref<2x128x128xf32, #tpu.memory_space<vmem>>, vector<1x1x16xf32>,
        %get3A_382 = vector.shape_cast %get3A_381 : vector<1x1x16xf32> to vector<16xf32>
        %mul3A_383 = arith.mulf %get3A_382, %gather3A_365 : vector<16xf32>
        %swap3A_384 = arith.index_cast %scan3A_263 : i32 to index
        %swap3A_385 = arith.constant 16 : index
        %swap3A_386 = tpu.vector_load %arg9[%swap3A_384, %swap3A_385] {strides = array<i32>} : memref<128x80xf32, #tpu.memory_space<vmem>>, vector<1x16xf32>,
        %swap3A_387 = vector.shape_cast %swap3A_386 : vector<1x16xf32> to vector<16xf32>
        %swap3A_388 = vector.shape_cast %mul3A_383 : vector<16xf32> to vector<1x16xf32>
        tpu.vector_store %arg9[%swap3A_384, %swap3A_385], %swap3A_388 {strides = array<i32>} : memref<128x80xf32, #tpu.memory_space<vmem>>, vector<1x16xf32>,
        %add3A_389 = arith.constant 0 : i32
        %add3A_390 = arith.addi %mul3A_101, %add3A_389 : i32
        %eq3A_391 = vector.broadcast %add3A_390 : i32 to vector<16xi32>
        %eq3A_392 = arith.cmpi eq, %iota3A, %eq3A_391 : vector<16xi32>
        %select_n3A_393 = arith.select %eq3A_392, %gather3A_355, %broadcast_in_dim3A_265 : vector<16xi1>, vector<16xf32>
        %add3A_394 = arith.constant 0 : i32
        %add3A_395 = arith.addi %mul3A_101, %add3A_394 : i32
        %add3A_396 = arith.constant 1 : i32
        %add3A_397 = arith.addi %add3A_395, %add3A_396 : i32
        %eq3A_398 = vector.broadcast %add3A_397 : i32 to vector<16xi32>
        %eq3A_399 = arith.cmpi eq, %iota3A, %eq3A_398 : vector<16xi32>
        %select_n3A_400 = arith.select %eq3A_399, %gather3A_365, %select_n3A_393 : vector<16xi1>, vector<16xf32>
        %get3A_401 = arith.constant 1 : i32
        %get3A_402 = arith.index_cast %get3A_401 : i32 to index
        %get3A_403 = arith.index_cast %scan3A_263 : i32 to index
        %get3A_404 = arith.constant 32 : index
        %get3A_405 = tpu.vector_load %arg7[%get3A_402, %get3A_403, %get3A_404] {strides = array<i32>} : memref<2x128x64xf32, #tpu.memory_space<vmem>>, vector<1x1x16xf32>,
        %get3A_406 = vector.shape_cast %get3A_405 : vector<1x1x16xf32> to vector<16xf32>
        %get3A_407 = arith.constant 1 : i32
        %get3A_408 = arith.index_cast %get3A_407 : i32 to index
        %get3A_409 = arith.index_cast %scan3A_263 : i32 to index
        %get3A_410 = arith.constant 32 : index
        %get3A_411 = tpu.vector_load %arg8[%get3A_408, %get3A_409, %get3A_410] {strides = array<i32>} : memref<2x128x128xf32, #tpu.memory_space<vmem>>, vector<1x1x16xf32>,
        %get3A_412 = vector.shape_cast %get3A_411 : vector<1x1x16xf32> to vector<16xf32>
        %mul3A_413 = arith.mulf %get3A_406, %get3A_412 : vector<16xf32>
        %get3A_414 = arith.constant 1 : i32
        %get3A_415 = arith.index_cast %get3A_414 : i32 to index
        %get3A_416 = arith.index_cast %scan3A_263 : i32 to index
        %get3A_417 = arith.constant 48 : index
        %get3A_418 = tpu.vector_load %arg7[%get3A_415, %get3A_416, %get3A_417] {strides = array<i32>} : memref<2x128x64xf32, #tpu.memory_space<vmem>>, vector<1x1x16xf32>,
        %get3A_419 = vector.shape_cast %get3A_418 : vector<1x1x16xf32> to vector<16xf32>
        %get3A_420 = arith.constant 1 : i32
        %get3A_421 = arith.index_cast %get3A_420 : i32 to index
        %get3A_422 = arith.index_cast %scan3A_263 : i32 to index
        %get3A_423 = arith.constant 48 : index
        %get3A_424 = tpu.vector_load %arg8[%get3A_421, %get3A_422, %get3A_423] {strides = array<i32>} : memref<2x128x128xf32, #tpu.memory_space<vmem>>, vector<1x1x16xf32>,
        %get3A_425 = vector.shape_cast %get3A_424 : vector<1x1x16xf32> to vector<16xf32>
        %mul3A_426 = arith.mulf %get3A_419, %get3A_425 : vector<16xf32>
        %lt3A_427 = arith.constant 0 : i32
        %lt3A_428 = vector.broadcast %lt3A_427 : i32 to vector<16xi32>
        %lt3A_429 = arith.cmpi slt, %select_n3A_84, %lt3A_428 : vector<16xi32>
        %add3A_430 = arith.constant 16 : i32
        %add3A_431 = vector.broadcast %add3A_430 : i32 to vector<16xi32>
        %add3A_432 = arith.addi %select_n3A_84, %add3A_431 : vector<16xi32>
        %select_n3A_433 = arith.select %lt3A_429, %add3A_432, %select_n3A_84 : vector<16xi1>, vector<16xi32>
        %broadcast_in_dim3A_434 = vector.shape_cast %select_n3A_433 : vector<16xi32> to vector<16x1xi32>
        %gather3A_435 = vector.shape_cast %broadcast_in_dim3A_434 : vector<16x1xi32> to vector<16xi32>
        %gather3A_436 = tpu.dynamic_gather %mul3A_413[%gather3A_435] in [0] : vector<16xf32>, vector<16xi32> -> vector<16xf32>
        %add3A_437 = arith.addf %mul3A_413, %gather3A_436 : vector<16xf32>
        %lt3A_438 = arith.constant 0 : i32
        %lt3A_439 = vector.broadcast %lt3A_438 : i32 to vector<16xi32>
        %lt3A_440 = arith.cmpi slt, %select_n3A_84, %lt3A_439 : vector<16xi32>
        %add3A_441 = arith.constant 16 : i32
        %add3A_442 = vector.broadcast %add3A_441 : i32 to vector<16xi32>
        %add3A_443 = arith.addi %select_n3A_84, %add3A_442 : vector<16xi32>
        %select_n3A_444 = arith.select %lt3A_440, %add3A_443, %select_n3A_84 : vector<16xi1>, vector<16xi32>
        %broadcast_in_dim3A_445 = vector.shape_cast %select_n3A_444 : vector<16xi32> to vector<16x1xi32>
        %gather3A_446 = vector.shape_cast %broadcast_in_dim3A_445 : vector<16x1xi32> to vector<16xi32>
        %gather3A_447 = tpu.dynamic_gather %mul3A_426[%gather3A_446] in [0] : vector<16xf32>, vector<16xi32> -> vector<16xf32>
        %add3A_448 = arith.addf %mul3A_426, %gather3A_447 : vector<16xf32>
        %select_n3A_449 = arith.select %lt3A_99, %add3A_437, %add3A_448 : vector<16xi1>, vector<16xf32>
        %lt3A_450 = arith.constant 0 : i32
        %lt3A_451 = vector.broadcast %lt3A_450 : i32 to vector<16xi32>
        %lt3A_452 = arith.cmpi slt, %xor3A_86, %lt3A_451 : vector<16xi32>
        %add3A_453 = arith.constant 16 : i32
        %add3A_454 = vector.broadcast %add3A_453 : i32 to vector<16xi32>
        %add3A_455 = arith.addi %xor3A_86, %add3A_454 : vector<16xi32>
        %select_n3A_456 = arith.select %lt3A_452, %add3A_455, %xor3A_86 : vector<16xi1>, vector<16xi32>
        %broadcast_in_dim3A_457 = vector.shape_cast %select_n3A_456 : vector<16xi32> to vector<16x1xi32>
        %gather3A_458 = vector.shape_cast %broadcast_in_dim3A_457 : vector<16x1xi32> to vector<16xi32>
        %gather3A_459 = tpu.dynamic_gather %select_n3A_449[%gather3A_458] in [0] : vector<16xf32>, vector<16xi32> -> vector<16xf32>
        %add3A_460 = arith.addf %select_n3A_449, %gather3A_459 : vector<16xf32>
        %lt3A_461 = arith.constant 0 : i32
        %lt3A_462 = vector.broadcast %lt3A_461 : i32 to vector<16xi32>
        %lt3A_463 = arith.cmpi slt, %xor3A_89, %lt3A_462 : vector<16xi32>
        %add3A_464 = arith.constant 16 : i32
        %add3A_465 = vector.broadcast %add3A_464 : i32 to vector<16xi32>
        %add3A_466 = arith.addi %xor3A_89, %add3A_465 : vector<16xi32>
        %select_n3A_467 = arith.select %lt3A_463, %add3A_466, %xor3A_89 : vector<16xi1>, vector<16xi32>
        %broadcast_in_dim3A_468 = vector.shape_cast %select_n3A_467 : vector<16xi32> to vector<16x1xi32>
        %gather3A_469 = vector.shape_cast %broadcast_in_dim3A_468 : vector<16x1xi32> to vector<16xi32>
        %gather3A_470 = tpu.dynamic_gather %add3A_460[%gather3A_469] in [0] : vector<16xf32>, vector<16xi32> -> vector<16xf32>
        %add3A_471 = arith.addf %add3A_460, %gather3A_470 : vector<16xf32>
        %lt3A_472 = arith.constant 0 : i32
        %lt3A_473 = vector.broadcast %lt3A_472 : i32 to vector<16xi32>
        %lt3A_474 = arith.cmpi slt, %xor3A_92, %lt3A_473 : vector<16xi32>
        %add3A_475 = arith.constant 16 : i32
        %add3A_476 = vector.broadcast %add3A_475 : i32 to vector<16xi32>
        %add3A_477 = arith.addi %xor3A_92, %add3A_476 : vector<16xi32>
        %select_n3A_478 = arith.select %lt3A_474, %add3A_477, %xor3A_92 : vector<16xi1>, vector<16xi32>
        %broadcast_in_dim3A_479 = vector.shape_cast %select_n3A_478 : vector<16xi32> to vector<16x1xi32>
        %gather3A_480 = vector.shape_cast %broadcast_in_dim3A_479 : vector<16x1xi32> to vector<16xi32>
        %gather3A_481 = tpu.dynamic_gather %add3A_471[%gather3A_480] in [0] : vector<16xf32>, vector<16xi32> -> vector<16xf32>
        %add3A_482 = arith.addf %add3A_471, %gather3A_481 : vector<16xf32>
        %exp3A_483 = math.exp %add3A_482 : vector<16xf32>
        %lt3A_484 = arith.constant 0 : i32
        %lt3A_485 = vector.broadcast %lt3A_484 : i32 to vector<16xi32>
        %lt3A_486 = arith.cmpi slt, %broadcast_in_dim3A_94, %lt3A_485 : vector<16xi32>
        %add3A_487 = arith.constant 16 : i32
        %add3A_488 = vector.broadcast %add3A_487 : i32 to vector<16xi32>
        %add3A_489 = arith.addi %broadcast_in_dim3A_94, %add3A_488 : vector<16xi32>
        %select_n3A_490 = arith.select %lt3A_486, %add3A_489, %broadcast_in_dim3A_94 : vector<16xi1>, vector<16xi32>
        %broadcast_in_dim3A_491 = vector.shape_cast %select_n3A_490 : vector<16xi32> to vector<16x1xi32>
        %gather3A_492 = vector.shape_cast %broadcast_in_dim3A_491 : vector<16x1xi32> to vector<16xi32>
        %gather3A_493 = tpu.dynamic_gather %exp3A_483[%gather3A_492] in [0] : vector<16xf32>, vector<16xi32> -> vector<16xf32>
        %lt3A_494 = arith.constant 0 : i32
        %lt3A_495 = vector.broadcast %lt3A_494 : i32 to vector<16xi32>
        %lt3A_496 = arith.cmpi slt, %broadcast_in_dim3A_96, %lt3A_495 : vector<16xi32>
        %add3A_497 = arith.constant 16 : i32
        %add3A_498 = vector.broadcast %add3A_497 : i32 to vector<16xi32>
        %add3A_499 = arith.addi %broadcast_in_dim3A_96, %add3A_498 : vector<16xi32>
        %select_n3A_500 = arith.select %lt3A_496, %add3A_499, %broadcast_in_dim3A_96 : vector<16xi1>, vector<16xi32>
        %broadcast_in_dim3A_501 = vector.shape_cast %select_n3A_500 : vector<16xi32> to vector<16x1xi32>
        %gather3A_502 = vector.shape_cast %broadcast_in_dim3A_501 : vector<16x1xi32> to vector<16xi32>
        %gather3A_503 = tpu.dynamic_gather %exp3A_483[%gather3A_502] in [0] : vector<16xf32>, vector<16xi32> -> vector<16xf32>
        %get3A_504 = arith.constant 1 : i32
        %get3A_505 = arith.index_cast %get3A_504 : i32 to index
        %get3A_506 = arith.index_cast %scan3A_263 : i32 to index
        %get3A_507 = arith.constant 96 : index
        %get3A_508 = tpu.vector_load %arg8[%get3A_505, %get3A_506, %get3A_507] {strides = array<i32>} : memref<2x128x128xf32, #tpu.memory_space<vmem>>, vector<1x1x16xf32>,
        %get3A_509 = vector.shape_cast %get3A_508 : vector<1x1x16xf32> to vector<16xf32>
        %mul3A_510 = arith.mulf %get3A_509, %gather3A_493 : vector<16xf32>
        %swap3A_511 = arith.index_cast %scan3A_263 : i32 to index
        %swap3A_512 = arith.constant 32 : index
        %swap3A_513 = tpu.vector_load %arg9[%swap3A_511, %swap3A_512] {strides = array<i32>} : memref<128x80xf32, #tpu.memory_space<vmem>>, vector<1x16xf32>,
        %swap3A_514 = vector.shape_cast %swap3A_513 : vector<1x16xf32> to vector<16xf32>
        %swap3A_515 = vector.shape_cast %mul3A_510 : vector<16xf32> to vector<1x16xf32>
        tpu.vector_store %arg9[%swap3A_511, %swap3A_512], %swap3A_515 {strides = array<i32>} : memref<128x80xf32, #tpu.memory_space<vmem>>, vector<1x16xf32>,
        %get3A_516 = arith.constant 1 : i32
        %get3A_517 = arith.index_cast %get3A_516 : i32 to index
        %get3A_518 = arith.index_cast %scan3A_263 : i32 to index
        %get3A_519 = arith.constant 112 : index
        %get3A_520 = tpu.vector_load %arg8[%get3A_517, %get3A_518, %get3A_519] {strides = array<i32>} : memref<2x128x128xf32, #tpu.memory_space<vmem>>, vector<1x1x16xf32>,
        %get3A_521 = vector.shape_cast %get3A_520 : vector<1x1x16xf32> to vector<16xf32>
        %mul3A_522 = arith.mulf %get3A_521, %gather3A_503 : vector<16xf32>
        %swap3A_523 = arith.index_cast %scan3A_263 : i32 to index
        %swap3A_524 = arith.constant 48 : index
        %swap3A_525 = tpu.vector_load %arg9[%swap3A_523, %swap3A_524] {strides = array<i32>} : memref<128x80xf32, #tpu.memory_space<vmem>>, vector<1x16xf32>,
        %swap3A_526 = vector.shape_cast %swap3A_525 : vector<1x16xf32> to vector<16xf32>
        %swap3A_527 = vector.shape_cast %mul3A_522 : vector<16xf32> to vector<1x16xf32>
        tpu.vector_store %arg9[%swap3A_523, %swap3A_524], %swap3A_527 {strides = array<i32>} : memref<128x80xf32, #tpu.memory_space<vmem>>, vector<1x16xf32>,
        %add3A_528 = arith.constant 2 : i32
        %add3A_529 = arith.addi %mul3A_101, %add3A_528 : i32
        %eq3A_530 = vector.broadcast %add3A_529 : i32 to vector<16xi32>
        %eq3A_531 = arith.cmpi eq, %iota3A, %eq3A_530 : vector<16xi32>
        %select_n3A_532 = arith.select %eq3A_531, %gather3A_493, %select_n3A_400 : vector<16xi1>, vector<16xf32>
        %add3A_533 = arith.constant 2 : i32
        %add3A_534 = arith.addi %mul3A_101, %add3A_533 : i32
        %add3A_535 = arith.constant 1 : i32
        %add3A_536 = arith.addi %add3A_534, %add3A_535 : i32
        %eq3A_537 = vector.broadcast %add3A_536 : i32 to vector<16xi32>
        %eq3A_538 = arith.cmpi eq, %iota3A, %eq3A_537 : vector<16xi32>
        %select_n3A_539 = arith.select %eq3A_538, %gather3A_503, %select_n3A_532 : vector<16xi1>, vector<16xf32>
        %swap3A_540 = arith.index_cast %scan3A_263 : i32 to index
        %swap3A_541 = arith.constant 64 : index
        %swap3A_542 = tpu.vector_load %arg9[%swap3A_540, %swap3A_541] {strides = array<i32>} : memref<128x80xf32, #tpu.memory_space<vmem>>, vector<1x16xf32>,
        %swap3A_543 = vector.shape_cast %swap3A_542 : vector<1x16xf32> to vector<16xf32>
        %swap3A_544 = vector.shape_cast %select_n3A_539 : vector<16xf32> to vector<1x16xf32>
        tpu.vector_store %arg9[%swap3A_540, %swap3A_541], %swap3A_544 {strides = array<i32>} : memref<128x80xf32, #tpu.memory_space<vmem>>, vector<1x16xf32>,
      }
      %scan3A_262 = arith.constant 128 : i32
      "tpu.region"() ({
        %run_scoped3A = tpu.sem_alloc : memref<!tpu.dma_semaphore, #tpu.memory_space<semaphore_mem>>
        %dma_start3A_263 = arith.constant 0 : i32
        %dma_start3A_264 = tpu.memref_slice %arg11[%add3A_219, %dma_start3A_263] : memref<80x128xi32, #tpu.memory_space<vmem>> -> memref<1x128xi32, #tpu.memory_space<vmem>>
        %dma_start3A_265 = tpu.memref_squeeze %dma_start3A_264 : memref<1x128xi32, #tpu.memory_space<vmem>> -> memref<128xi32, #tpu.memory_space<vmem>>
        %dma_start3A_266 = arith.constant 0 : i32
        %dma_start3A_267 = arith.constant 0 : i32
        %dma_start3A_268 = tpu.memref_slice %arg12[%dma_start3A_266, %dma_start3A_267] : memref<10008x80xf32, #tpu.memory_space<vmem_shared>> -> memref<10008x80xf32, #tpu.memory_space<vmem_shared>>
        tpu.enqueue_indirect_dma source(%arg9 : memref<128x80xf32, #tpu.memory_space<vmem>>) target(%dma_start3A_268 : memref<10008x80xf32, #tpu.memory_space<vmem_shared>>) offsets(%dma_start3A_265 : memref<128xi32, #tpu.memory_space<vmem>>) semaphore(%run_scoped3A : memref<!tpu.dma_semaphore, #tpu.memory_space<semaphore_mem>>) {add = true}
        %dma_wait3A_269 = arith.constant 0 : i32
        %dma_wait3A_270 = tpu.memref_slice %arg11[%add3A_219, %dma_wait3A_269] : memref<80x128xi32, #tpu.memory_space<vmem>> -> memref<1x128xi32, #tpu.memory_space<vmem>>
        %dma_wait3A_271 = tpu.memref_squeeze %dma_wait3A_270 : memref<1x128xi32, #tpu.memory_space<vmem>> -> memref<128xi32, #tpu.memory_space<vmem>>
        %dma_wait3A_272 = arith.constant 0 : i32
        %dma_wait3A_273 = arith.constant 0 : i32
        %dma_wait3A_274 = tpu.memref_slice %arg12[%dma_wait3A_272, %dma_wait3A_273] : memref<10008x80xf32, #tpu.memory_space<vmem_shared>> -> memref<10008x80xf32, #tpu.memory_space<vmem_shared>>
        tpu.wait_indirect_dma semaphore(%run_scoped3A : memref<!tpu.dma_semaphore, #tpu.memory_space<semaphore_mem>>) src(%arg9 : memref<128x80xf32, #tpu.memory_space<vmem>>) dst(%dma_wait3A_274 : memref<10008x80xf32, #tpu.memory_space<vmem_shared>>)
        tpu.yield
      }) : () -> ()
    }
    %scan3A_107 = arith.constant 40 : i32
    %barrier3A_108 = arith.constant 0 : index
    tpu.barrier barrier_id(%barrier3A_108)
    %mul3A_109 = arith.constant 624 : i32
    %mul3A_110 = arith.muli %arg1, %mul3A_109 : i32
    %add3A_111 = arith.constant 0 : i32
    %add3A_112 = arith.addi %mul3A_110, %add3A_111 : i32
    %multiple_of3A_113 = tpu.assume_multiple %add3A_112, 8 : i32
    "tpu.region"() ({
      %run_scoped3A = tpu.sem_alloc : memref<!tpu.dma_semaphore, #tpu.memory_space<semaphore_mem>>
      %dma_start3A_144 = arith.constant 0 : i32
      %dma_start3A_145 = arith.constant 0 : i32
      %dma_start3A_146 = tpu.memref_slice %arg9[%dma_start3A_144, %dma_start3A_145] : memref<128x80xf32, #tpu.memory_space<vmem>> -> memref<104x80xf32, #tpu.memory_space<vmem>>
      %dma_start3A_147 = arith.constant 0 : i32
      %dma_start3A_148 = tpu.memref_slice %arg12[%multiple_of3A_113, %dma_start3A_147] : memref<10008x80xf32, #tpu.memory_space<vmem_shared>> -> memref<104x80xf32, #tpu.memory_space<vmem_shared>>
      %dma_start3A_149 = arith.constant 0 : i32
      %dma_start3A_150 = arith.constant 0 : i32
      %dma_start3A_151 = tpu.memref_slice %arg9[%dma_start3A_149, %dma_start3A_150] : memref<128x80xf32, #tpu.memory_space<vmem>> -> memref<104x80xf32, #tpu.memory_space<vmem>>
      %dma_start3A_152 = arith.constant 0 : i32
      %dma_start3A_153 = tpu.memref_slice %arg12[%multiple_of3A_113, %dma_start3A_152] : memref<10008x80xf32, #tpu.memory_space<vmem_shared>> -> memref<104x80xf32, #tpu.memory_space<vmem_shared>>
      tpu.enqueue_dma source(%dma_start3A_153 : memref<104x80xf32, #tpu.memory_space<vmem_shared>>) target(%dma_start3A_151 : memref<104x80xf32, #tpu.memory_space<vmem>>) target_semaphore(%run_scoped3A : memref<!tpu.dma_semaphore, #tpu.memory_space<semaphore_mem>>)
      %dma_wait3A = arith.constant 0 : i32
      %dma_wait3A_154 = arith.constant 0 : i32
      %dma_wait3A_155 = tpu.memref_slice %arg9[%dma_wait3A, %dma_wait3A_154] : memref<128x80xf32, #tpu.memory_space<vmem>> -> memref<104x80xf32, #tpu.memory_space<vmem>>
      %dma_wait3A_156 = arith.constant 0 : i32
      %dma_wait3A_157 = tpu.memref_slice %arg12[%multiple_of3A_113, %dma_wait3A_156] : memref<10008x80xf32, #tpu.memory_space<vmem_shared>> -> memref<104x80xf32, #tpu.memory_space<vmem_shared>>
      %dma_wait3A_158 = arith.constant 0 : i32
      %dma_wait3A_159 = arith.constant 0 : i32
      %dma_wait3A_160 = tpu.memref_slice %arg9[%dma_wait3A_158, %dma_wait3A_159] : memref<128x80xf32, #tpu.memory_space<vmem>> -> memref<104x80xf32, #tpu.memory_space<vmem>>
      %dma_wait3A_161 = arith.constant 0 : i32
      %dma_wait3A_162 = tpu.memref_slice %arg12[%multiple_of3A_113, %dma_wait3A_161] : memref<10008x80xf32, #tpu.memory_space<vmem_shared>> -> memref<104x80xf32, #tpu.memory_space<vmem_shared>>
      tpu.wait_dma2 semaphore(%run_scoped3A : memref<!tpu.dma_semaphore, #tpu.memory_space<semaphore_mem>>) src(%dma_wait3A_162 : memref<104x80xf32, #tpu.memory_space<vmem_shared>>) dst(%dma_wait3A_160 : memref<104x80xf32, #tpu.memory_space<vmem>>)
      tpu.yield
    }) : () -> ()
    "tpu.region"() ({
      %run_scoped3A = tpu.sem_alloc : memref<!tpu.dma_semaphore, #tpu.memory_space<semaphore_mem>>
      %dma_start3A_144 = arith.constant 0 : i32
      %dma_start3A_145 = arith.constant 0 : i32
      %dma_start3A_146 = tpu.memref_slice %arg9[%dma_start3A_144, %dma_start3A_145] : memref<128x80xf32, #tpu.memory_space<vmem>> -> memref<104x80xf32, #tpu.memory_space<vmem>>
      %dma_start3A_147 = arith.constant 0 : i32
      %dma_start3A_148 = tpu.memref_slice %arg6[%arg0, %multiple_of3A_113, %dma_start3A_147] : memref<2x10000x80xf32, #tpu.memory_space<hbm>> -> memref<1x104x80xf32, #tpu.memory_space<hbm>>
      %dma_start3A_149 = tpu.memref_squeeze %dma_start3A_148 : memref<1x104x80xf32, #tpu.memory_space<hbm>> -> memref<104x80xf32, #tpu.memory_space<hbm>>
      %dma_start3A_150 = arith.constant 0 : i32
      %dma_start3A_151 = tpu.memref_slice %arg6[%arg0, %multiple_of3A_113, %dma_start3A_150] : memref<2x10000x80xf32, #tpu.memory_space<hbm>> -> memref<1x104x80xf32, #tpu.memory_space<hbm>>
      %dma_start3A_152 = tpu.memref_squeeze %dma_start3A_151 : memref<1x104x80xf32, #tpu.memory_space<hbm>> -> memref<104x80xf32, #tpu.memory_space<hbm>>
      %dma_start3A_153 = arith.constant 0 : i32
      %dma_start3A_154 = arith.constant 0 : i32
      %dma_start3A_155 = tpu.memref_slice %arg9[%dma_start3A_153, %dma_start3A_154] : memref<128x80xf32, #tpu.memory_space<vmem>> -> memref<104x80xf32, #tpu.memory_space<vmem>>
      tpu.enqueue_dma source(%dma_start3A_155 : memref<104x80xf32, #tpu.memory_space<vmem>>) target(%dma_start3A_152 : memref<104x80xf32, #tpu.memory_space<hbm>>) target_semaphore(%run_scoped3A : memref<!tpu.dma_semaphore, #tpu.memory_space<semaphore_mem>>)
      %dma_wait3A = arith.constant 0 : i32
      %dma_wait3A_156 = arith.constant 0 : i32
      %dma_wait3A_157 = tpu.memref_slice %arg9[%dma_wait3A, %dma_wait3A_156] : memref<128x80xf32, #tpu.memory_space<vmem>> -> memref<104x80xf32, #tpu.memory_space<vmem>>
      %dma_wait3A_158 = arith.constant 0 : i32
      %dma_wait3A_159 = tpu.memref_slice %arg6[%arg0, %multiple_of3A_113, %dma_wait3A_158] : memref<2x10000x80xf32, #tpu.memory_space<hbm>> -> memref<1x104x80xf32, #tpu.memory_space<hbm>>
      %dma_wait3A_160 = tpu.memref_squeeze %dma_wait3A_159 : memref<1x104x80xf32, #tpu.memory_space<hbm>> -> memref<104x80xf32, #tpu.memory_space<hbm>>
      %dma_wait3A_161 = arith.constant 0 : i32
      %dma_wait3A_162 = tpu.memref_slice %arg6[%arg0, %multiple_of3A_113, %dma_wait3A_161] : memref<2x10000x80xf32, #tpu.memory_space<hbm>> -> memref<1x104x80xf32, #tpu.memory_space<hbm>>
      %dma_wait3A_163 = tpu.memref_squeeze %dma_wait3A_162 : memref<1x104x80xf32, #tpu.memory_space<hbm>> -> memref<104x80xf32, #tpu.memory_space<hbm>>
      %dma_wait3A_164 = arith.constant 0 : i32
      %dma_wait3A_165 = arith.constant 0 : i32
      %dma_wait3A_166 = tpu.memref_slice %arg9[%dma_wait3A_164, %dma_wait3A_165] : memref<128x80xf32, #tpu.memory_space<vmem>> -> memref<104x80xf32, #tpu.memory_space<vmem>>
      tpu.wait_dma2 semaphore(%run_scoped3A : memref<!tpu.dma_semaphore, #tpu.memory_space<semaphore_mem>>) src(%dma_wait3A_166 : memref<104x80xf32, #tpu.memory_space<vmem>>) dst(%dma_wait3A_163 : memref<104x80xf32, #tpu.memory_space<hbm>>)
      tpu.yield
    }) : () -> ()
    %mul3A_114 = arith.constant 624 : i32
    %mul3A_115 = arith.muli %arg1, %mul3A_114 : i32
    %add3A_116 = arith.constant 104 : i32
    %add3A_117 = arith.addi %mul3A_115, %add3A_116 : i32
    %multiple_of3A_118 = tpu.assume_multiple %add3A_117, 8 : i32
    "tpu.region"() ({
      %run_scoped3A = tpu.sem_alloc : memref<!tpu.dma_semaphore, #tpu.memory_space<semaphore_mem>>
      %dma_start3A_144 = arith.constant 0 : i32
      %dma_start3A_145 = arith.constant 0 : i32
      %dma_start3A_146 = tpu.memref_slice %arg9[%dma_start3A_144, %dma_start3A_145] : memref<128x80xf32, #tpu.memory_space<vmem>> -> memref<104x80xf32, #tpu.memory_space<vmem>>
      %dma_start3A_147 = arith.constant 0 : i32
      %dma_start3A_148 = tpu.memref_slice %arg12[%multiple_of3A_118, %dma_start3A_147] : memref<10008x80xf32, #tpu.memory_space<vmem_shared>> -> memref<104x80xf32, #tpu.memory_space<vmem_shared>>
      %dma_start3A_149 = arith.constant 0 : i32
      %dma_start3A_150 = arith.constant 0 : i32
      %dma_start3A_151 = tpu.memref_slice %arg9[%dma_start3A_149, %dma_start3A_150] : memref<128x80xf32, #tpu.memory_space<vmem>> -> memref<104x80xf32, #tpu.memory_space<vmem>>
      %dma_start3A_152 = arith.constant 0 : i32
      %dma_start3A_153 = tpu.memref_slice %arg12[%multiple_of3A_118, %dma_start3A_152] : memref<10008x80xf32, #tpu.memory_space<vmem_shared>> -> memref<104x80xf32, #tpu.memory_space<vmem_shared>>
      tpu.enqueue_dma source(%dma_start3A_153 : memref<104x80xf32, #tpu.memory_space<vmem_shared>>) target(%dma_start3A_151 : memref<104x80xf32, #tpu.memory_space<vmem>>) target_semaphore(%run_scoped3A : memref<!tpu.dma_semaphore, #tpu.memory_space<semaphore_mem>>)
      %dma_wait3A = arith.constant 0 : i32
      %dma_wait3A_154 = arith.constant 0 : i32
      %dma_wait3A_155 = tpu.memref_slice %arg9[%dma_wait3A, %dma_wait3A_154] : memref<128x80xf32, #tpu.memory_space<vmem>> -> memref<104x80xf32, #tpu.memory_space<vmem>>
      %dma_wait3A_156 = arith.constant 0 : i32
      %dma_wait3A_157 = tpu.memref_slice %arg12[%multiple_of3A_118, %dma_wait3A_156] : memref<10008x80xf32, #tpu.memory_space<vmem_shared>> -> memref<104x80xf32, #tpu.memory_space<vmem_shared>>
      %dma_wait3A_158 = arith.constant 0 : i32
      %dma_wait3A_159 = arith.constant 0 : i32
      %dma_wait3A_160 = tpu.memref_slice %arg9[%dma_wait3A_158, %dma_wait3A_159] : memref<128x80xf32, #tpu.memory_space<vmem>> -> memref<104x80xf32, #tpu.memory_space<vmem>>
      %dma_wait3A_161 = arith.constant 0 : i32
      %dma_wait3A_162 = tpu.memref_slice %arg12[%multiple_of3A_118, %dma_wait3A_161] : memref<10008x80xf32, #tpu.memory_space<vmem_shared>> -> memref<104x80xf32, #tpu.memory_space<vmem_shared>>
      tpu.wait_dma2 semaphore(%run_scoped3A : memref<!tpu.dma_semaphore, #tpu.memory_space<semaphore_mem>>) src(%dma_wait3A_162 : memref<104x80xf32, #tpu.memory_space<vmem_shared>>) dst(%dma_wait3A_160 : memref<104x80xf32, #tpu.memory_space<vmem>>)
      tpu.yield
    }) : () -> ()
    "tpu.region"() ({
      %run_scoped3A = tpu.sem_alloc : memref<!tpu.dma_semaphore, #tpu.memory_space<semaphore_mem>>
      %dma_start3A_144 = arith.constant 0 : i32
      %dma_start3A_145 = arith.constant 0 : i32
      %dma_start3A_146 = tpu.memref_slice %arg9[%dma_start3A_144, %dma_start3A_145] : memref<128x80xf32, #tpu.memory_space<vmem>> -> memref<104x80xf32, #tpu.memory_space<vmem>>
      %dma_start3A_147 = arith.constant 0 : i32
      %dma_start3A_148 = tpu.memref_slice %arg6[%arg0, %multiple_of3A_118, %dma_start3A_147] : memref<2x10000x80xf32, #tpu.memory_space<hbm>> -> memref<1x104x80xf32, #tpu.memory_space<hbm>>
      %dma_start3A_149 = tpu.memref_squeeze %dma_start3A_148 : memref<1x104x80xf32, #tpu.memory_space<hbm>> -> memref<104x80xf32, #tpu.memory_space<hbm>>
      %dma_start3A_150 = arith.constant 0 : i32
      %dma_start3A_151 = tpu.memref_slice %arg6[%arg0, %multiple_of3A_118, %dma_start3A_150] : memref<2x10000x80xf32, #tpu.memory_space<hbm>> -> memref<1x104x80xf32, #tpu.memory_space<hbm>>
      %dma_start3A_152 = tpu.memref_squeeze %dma_start3A_151 : memref<1x104x80xf32, #tpu.memory_space<hbm>> -> memref<104x80xf32, #tpu.memory_space<hbm>>
      %dma_start3A_153 = arith.constant 0 : i32
      %dma_start3A_154 = arith.constant 0 : i32
      %dma_start3A_155 = tpu.memref_slice %arg9[%dma_start3A_153, %dma_start3A_154] : memref<128x80xf32, #tpu.memory_space<vmem>> -> memref<104x80xf32, #tpu.memory_space<vmem>>
      tpu.enqueue_dma source(%dma_start3A_155 : memref<104x80xf32, #tpu.memory_space<vmem>>) target(%dma_start3A_152 : memref<104x80xf32, #tpu.memory_space<hbm>>) target_semaphore(%run_scoped3A : memref<!tpu.dma_semaphore, #tpu.memory_space<semaphore_mem>>)
      %dma_wait3A = arith.constant 0 : i32
      %dma_wait3A_156 = arith.constant 0 : i32
      %dma_wait3A_157 = tpu.memref_slice %arg9[%dma_wait3A, %dma_wait3A_156] : memref<128x80xf32, #tpu.memory_space<vmem>> -> memref<104x80xf32, #tpu.memory_space<vmem>>
      %dma_wait3A_158 = arith.constant 0 : i32
      %dma_wait3A_159 = tpu.memref_slice %arg6[%arg0, %multiple_of3A_118, %dma_wait3A_158] : memref<2x10000x80xf32, #tpu.memory_space<hbm>> -> memref<1x104x80xf32, #tpu.memory_space<hbm>>
      %dma_wait3A_160 = tpu.memref_squeeze %dma_wait3A_159 : memref<1x104x80xf32, #tpu.memory_space<hbm>> -> memref<104x80xf32, #tpu.memory_space<hbm>>
      %dma_wait3A_161 = arith.constant 0 : i32
      %dma_wait3A_162 = tpu.memref_slice %arg6[%arg0, %multiple_of3A_118, %dma_wait3A_161] : memref<2x10000x80xf32, #tpu.memory_space<hbm>> -> memref<1x104x80xf32, #tpu.memory_space<hbm>>
      %dma_wait3A_163 = tpu.memref_squeeze %dma_wait3A_162 : memref<1x104x80xf32, #tpu.memory_space<hbm>> -> memref<104x80xf32, #tpu.memory_space<hbm>>
      %dma_wait3A_164 = arith.constant 0 : i32
      %dma_wait3A_165 = arith.constant 0 : i32
      %dma_wait3A_166 = tpu.memref_slice %arg9[%dma_wait3A_164, %dma_wait3A_165] : memref<128x80xf32, #tpu.memory_space<vmem>> -> memref<104x80xf32, #tpu.memory_space<vmem>>
      tpu.wait_dma2 semaphore(%run_scoped3A : memref<!tpu.dma_semaphore, #tpu.memory_space<semaphore_mem>>) src(%dma_wait3A_166 : memref<104x80xf32, #tpu.memory_space<vmem>>) dst(%dma_wait3A_163 : memref<104x80xf32, #tpu.memory_space<hbm>>)
      tpu.yield
    }) : () -> ()
    %mul3A_119 = arith.constant 624 : i32
    %mul3A_120 = arith.muli %arg1, %mul3A_119 : i32
    %add3A_121 = arith.constant 208 : i32
    %add3A_122 = arith.addi %mul3A_120, %add3A_121 : i32
    %multiple_of3A_123 = tpu.assume_multiple %add3A_122, 8 : i32
    "tpu.region"() ({
      %run_scoped3A = tpu.sem_alloc : memref<!tpu.dma_semaphore, #tpu.memory_space<semaphore_mem>>
      %dma_start3A_144 = arith.constant 0 : i32
      %dma_start3A_145 = arith.constant 0 : i32
      %dma_start3A_146 = tpu.memref_slice %arg9[%dma_start3A_144, %dma_start3A_145] : memref<128x80xf32, #tpu.memory_space<vmem>> -> memref<104x80xf32, #tpu.memory_space<vmem>>
      %dma_start3A_147 = arith.constant 0 : i32
      %dma_start3A_148 = tpu.memref_slice %arg12[%multiple_of3A_123, %dma_start3A_147] : memref<10008x80xf32, #tpu.memory_space<vmem_shared>> -> memref<104x80xf32, #tpu.memory_space<vmem_shared>>
      %dma_start3A_149 = arith.constant 0 : i32
      %dma_start3A_150 = arith.constant 0 : i32
      %dma_start3A_151 = tpu.memref_slice %arg9[%dma_start3A_149, %dma_start3A_150] : memref<128x80xf32, #tpu.memory_space<vmem>> -> memref<104x80xf32, #tpu.memory_space<vmem>>
      %dma_start3A_152 = arith.constant 0 : i32
      %dma_start3A_153 = tpu.memref_slice %arg12[%multiple_of3A_123, %dma_start3A_152] : memref<10008x80xf32, #tpu.memory_space<vmem_shared>> -> memref<104x80xf32, #tpu.memory_space<vmem_shared>>
      tpu.enqueue_dma source(%dma_start3A_153 : memref<104x80xf32, #tpu.memory_space<vmem_shared>>) target(%dma_start3A_151 : memref<104x80xf32, #tpu.memory_space<vmem>>) target_semaphore(%run_scoped3A : memref<!tpu.dma_semaphore, #tpu.memory_space<semaphore_mem>>)
      %dma_wait3A = arith.constant 0 : i32
      %dma_wait3A_154 = arith.constant 0 : i32
      %dma_wait3A_155 = tpu.memref_slice %arg9[%dma_wait3A, %dma_wait3A_154] : memref<128x80xf32, #tpu.memory_space<vmem>> -> memref<104x80xf32, #tpu.memory_space<vmem>>
      %dma_wait3A_156 = arith.constant 0 : i32
      %dma_wait3A_157 = tpu.memref_slice %arg12[%multiple_of3A_123, %dma_wait3A_156] : memref<10008x80xf32, #tpu.memory_space<vmem_shared>> -> memref<104x80xf32, #tpu.memory_space<vmem_shared>>
      %dma_wait3A_158 = arith.constant 0 : i32
      %dma_wait3A_159 = arith.constant 0 : i32
      %dma_wait3A_160 = tpu.memref_slice %arg9[%dma_wait3A_158, %dma_wait3A_159] : memref<128x80xf32, #tpu.memory_space<vmem>> -> memref<104x80xf32, #tpu.memory_space<vmem>>
      %dma_wait3A_161 = arith.constant 0 : i32
      %dma_wait3A_162 = tpu.memref_slice %arg12[%multiple_of3A_123, %dma_wait3A_161] : memref<10008x80xf32, #tpu.memory_space<vmem_shared>> -> memref<104x80xf32, #tpu.memory_space<vmem_shared>>
      tpu.wait_dma2 semaphore(%run_scoped3A : memref<!tpu.dma_semaphore, #tpu.memory_space<semaphore_mem>>) src(%dma_wait3A_162 : memref<104x80xf32, #tpu.memory_space<vmem_shared>>) dst(%dma_wait3A_160 : memref<104x80xf32, #tpu.memory_space<vmem>>)
      tpu.yield
    }) : () -> ()
    "tpu.region"() ({
      %run_scoped3A = tpu.sem_alloc : memref<!tpu.dma_semaphore, #tpu.memory_space<semaphore_mem>>
      %dma_start3A_144 = arith.constant 0 : i32
      %dma_start3A_145 = arith.constant 0 : i32
      %dma_start3A_146 = tpu.memref_slice %arg9[%dma_start3A_144, %dma_start3A_145] : memref<128x80xf32, #tpu.memory_space<vmem>> -> memref<104x80xf32, #tpu.memory_space<vmem>>
      %dma_start3A_147 = arith.constant 0 : i32
      %dma_start3A_148 = tpu.memref_slice %arg6[%arg0, %multiple_of3A_123, %dma_start3A_147] : memref<2x10000x80xf32, #tpu.memory_space<hbm>> -> memref<1x104x80xf32, #tpu.memory_space<hbm>>
      %dma_start3A_149 = tpu.memref_squeeze %dma_start3A_148 : memref<1x104x80xf32, #tpu.memory_space<hbm>> -> memref<104x80xf32, #tpu.memory_space<hbm>>
      %dma_start3A_150 = arith.constant 0 : i32
      %dma_start3A_151 = tpu.memref_slice %arg6[%arg0, %multiple_of3A_123, %dma_start3A_150] : memref<2x10000x80xf32, #tpu.memory_space<hbm>> -> memref<1x104x80xf32, #tpu.memory_space<hbm>>
      %dma_start3A_152 = tpu.memref_squeeze %dma_start3A_151 : memref<1x104x80xf32, #tpu.memory_space<hbm>> -> memref<104x80xf32, #tpu.memory_space<hbm>>
      %dma_start3A_153 = arith.constant 0 : i32
      %dma_start3A_154 = arith.constant 0 : i32
      %dma_start3A_155 = tpu.memref_slice %arg9[%dma_start3A_153, %dma_start3A_154] : memref<128x80xf32, #tpu.memory_space<vmem>> -> memref<104x80xf32, #tpu.memory_space<vmem>>
      tpu.enqueue_dma source(%dma_start3A_155 : memref<104x80xf32, #tpu.memory_space<vmem>>) target(%dma_start3A_152 : memref<104x80xf32, #tpu.memory_space<hbm>>) target_semaphore(%run_scoped3A : memref<!tpu.dma_semaphore, #tpu.memory_space<semaphore_mem>>)
      %dma_wait3A = arith.constant 0 : i32
      %dma_wait3A_156 = arith.constant 0 : i32
      %dma_wait3A_157 = tpu.memref_slice %arg9[%dma_wait3A, %dma_wait3A_156] : memref<128x80xf32, #tpu.memory_space<vmem>> -> memref<104x80xf32, #tpu.memory_space<vmem>>
      %dma_wait3A_158 = arith.constant 0 : i32
      %dma_wait3A_159 = tpu.memref_slice %arg6[%arg0, %multiple_of3A_123, %dma_wait3A_158] : memref<2x10000x80xf32, #tpu.memory_space<hbm>> -> memref<1x104x80xf32, #tpu.memory_space<hbm>>
      %dma_wait3A_160 = tpu.memref_squeeze %dma_wait3A_159 : memref<1x104x80xf32, #tpu.memory_space<hbm>> -> memref<104x80xf32, #tpu.memory_space<hbm>>
      %dma_wait3A_161 = arith.constant 0 : i32
      %dma_wait3A_162 = tpu.memref_slice %arg6[%arg0, %multiple_of3A_123, %dma_wait3A_161] : memref<2x10000x80xf32, #tpu.memory_space<hbm>> -> memref<1x104x80xf32, #tpu.memory_space<hbm>>
      %dma_wait3A_163 = tpu.memref_squeeze %dma_wait3A_162 : memref<1x104x80xf32, #tpu.memory_space<hbm>> -> memref<104x80xf32, #tpu.memory_space<hbm>>
      %dma_wait3A_164 = arith.constant 0 : i32
      %dma_wait3A_165 = arith.constant 0 : i32
      %dma_wait3A_166 = tpu.memref_slice %arg9[%dma_wait3A_164, %dma_wait3A_165] : memref<128x80xf32, #tpu.memory_space<vmem>> -> memref<104x80xf32, #tpu.memory_space<vmem>>
      tpu.wait_dma2 semaphore(%run_scoped3A : memref<!tpu.dma_semaphore, #tpu.memory_space<semaphore_mem>>) src(%dma_wait3A_166 : memref<104x80xf32, #tpu.memory_space<vmem>>) dst(%dma_wait3A_163 : memref<104x80xf32, #tpu.memory_space<hbm>>)
      tpu.yield
    }) : () -> ()
    %mul3A_124 = arith.constant 624 : i32
    %mul3A_125 = arith.muli %arg1, %mul3A_124 : i32
    %add3A_126 = arith.constant 312 : i32
    %add3A_127 = arith.addi %mul3A_125, %add3A_126 : i32
    %multiple_of3A_128 = tpu.assume_multiple %add3A_127, 8 : i32
    "tpu.region"() ({
      %run_scoped3A = tpu.sem_alloc : memref<!tpu.dma_semaphore, #tpu.memory_space<semaphore_mem>>
      %dma_start3A_144 = arith.constant 0 : i32
      %dma_start3A_145 = arith.constant 0 : i32
      %dma_start3A_146 = tpu.memref_slice %arg9[%dma_start3A_144, %dma_start3A_145] : memref<128x80xf32, #tpu.memory_space<vmem>> -> memref<104x80xf32, #tpu.memory_space<vmem>>
      %dma_start3A_147 = arith.constant 0 : i32
      %dma_start3A_148 = tpu.memref_slice %arg12[%multiple_of3A_128, %dma_start3A_147] : memref<10008x80xf32, #tpu.memory_space<vmem_shared>> -> memref<104x80xf32, #tpu.memory_space<vmem_shared>>
      %dma_start3A_149 = arith.constant 0 : i32
      %dma_start3A_150 = arith.constant 0 : i32
      %dma_start3A_151 = tpu.memref_slice %arg9[%dma_start3A_149, %dma_start3A_150] : memref<128x80xf32, #tpu.memory_space<vmem>> -> memref<104x80xf32, #tpu.memory_space<vmem>>
      %dma_start3A_152 = arith.constant 0 : i32
      %dma_start3A_153 = tpu.memref_slice %arg12[%multiple_of3A_128, %dma_start3A_152] : memref<10008x80xf32, #tpu.memory_space<vmem_shared>> -> memref<104x80xf32, #tpu.memory_space<vmem_shared>>
      tpu.enqueue_dma source(%dma_start3A_153 : memref<104x80xf32, #tpu.memory_space<vmem_shared>>) target(%dma_start3A_151 : memref<104x80xf32, #tpu.memory_space<vmem>>) target_semaphore(%run_scoped3A : memref<!tpu.dma_semaphore, #tpu.memory_space<semaphore_mem>>)
      %dma_wait3A = arith.constant 0 : i32
      %dma_wait3A_154 = arith.constant 0 : i32
      %dma_wait3A_155 = tpu.memref_slice %arg9[%dma_wait3A, %dma_wait3A_154] : memref<128x80xf32, #tpu.memory_space<vmem>> -> memref<104x80xf32, #tpu.memory_space<vmem>>
      %dma_wait3A_156 = arith.constant 0 : i32
      %dma_wait3A_157 = tpu.memref_slice %arg12[%multiple_of3A_128, %dma_wait3A_156] : memref<10008x80xf32, #tpu.memory_space<vmem_shared>> -> memref<104x80xf32, #tpu.memory_space<vmem_shared>>
      %dma_wait3A_158 = arith.constant 0 : i32
      %dma_wait3A_159 = arith.constant 0 : i32
      %dma_wait3A_160 = tpu.memref_slice %arg9[%dma_wait3A_158, %dma_wait3A_159] : memref<128x80xf32, #tpu.memory_space<vmem>> -> memref<104x80xf32, #tpu.memory_space<vmem>>
      %dma_wait3A_161 = arith.constant 0 : i32
      %dma_wait3A_162 = tpu.memref_slice %arg12[%multiple_of3A_128, %dma_wait3A_161] : memref<10008x80xf32, #tpu.memory_space<vmem_shared>> -> memref<104x80xf32, #tpu.memory_space<vmem_shared>>
      tpu.wait_dma2 semaphore(%run_scoped3A : memref<!tpu.dma_semaphore, #tpu.memory_space<semaphore_mem>>) src(%dma_wait3A_162 : memref<104x80xf32, #tpu.memory_space<vmem_shared>>) dst(%dma_wait3A_160 : memref<104x80xf32, #tpu.memory_space<vmem>>)
      tpu.yield
    }) : () -> ()
    "tpu.region"() ({
      %run_scoped3A = tpu.sem_alloc : memref<!tpu.dma_semaphore, #tpu.memory_space<semaphore_mem>>
      %dma_start3A_144 = arith.constant 0 : i32
      %dma_start3A_145 = arith.constant 0 : i32
      %dma_start3A_146 = tpu.memref_slice %arg9[%dma_start3A_144, %dma_start3A_145] : memref<128x80xf32, #tpu.memory_space<vmem>> -> memref<104x80xf32, #tpu.memory_space<vmem>>
      %dma_start3A_147 = arith.constant 0 : i32
      %dma_start3A_148 = tpu.memref_slice %arg6[%arg0, %multiple_of3A_128, %dma_start3A_147] : memref<2x10000x80xf32, #tpu.memory_space<hbm>> -> memref<1x104x80xf32, #tpu.memory_space<hbm>>
      %dma_start3A_149 = tpu.memref_squeeze %dma_start3A_148 : memref<1x104x80xf32, #tpu.memory_space<hbm>> -> memref<104x80xf32, #tpu.memory_space<hbm>>
      %dma_start3A_150 = arith.constant 0 : i32
      %dma_start3A_151 = tpu.memref_slice %arg6[%arg0, %multiple_of3A_128, %dma_start3A_150] : memref<2x10000x80xf32, #tpu.memory_space<hbm>> -> memref<1x104x80xf32, #tpu.memory_space<hbm>>
      %dma_start3A_152 = tpu.memref_squeeze %dma_start3A_151 : memref<1x104x80xf32, #tpu.memory_space<hbm>> -> memref<104x80xf32, #tpu.memory_space<hbm>>
      %dma_start3A_153 = arith.constant 0 : i32
      %dma_start3A_154 = arith.constant 0 : i32
      %dma_start3A_155 = tpu.memref_slice %arg9[%dma_start3A_153, %dma_start3A_154] : memref<128x80xf32, #tpu.memory_space<vmem>> -> memref<104x80xf32, #tpu.memory_space<vmem>>
      tpu.enqueue_dma source(%dma_start3A_155 : memref<104x80xf32, #tpu.memory_space<vmem>>) target(%dma_start3A_152 : memref<104x80xf32, #tpu.memory_space<hbm>>) target_semaphore(%run_scoped3A : memref<!tpu.dma_semaphore, #tpu.memory_space<semaphore_mem>>)
      %dma_wait3A = arith.constant 0 : i32
      %dma_wait3A_156 = arith.constant 0 : i32
      %dma_wait3A_157 = tpu.memref_slice %arg9[%dma_wait3A, %dma_wait3A_156] : memref<128x80xf32, #tpu.memory_space<vmem>> -> memref<104x80xf32, #tpu.memory_space<vmem>>
      %dma_wait3A_158 = arith.constant 0 : i32
      %dma_wait3A_159 = tpu.memref_slice %arg6[%arg0, %multiple_of3A_128, %dma_wait3A_158] : memref<2x10000x80xf32, #tpu.memory_space<hbm>> -> memref<1x104x80xf32, #tpu.memory_space<hbm>>
      %dma_wait3A_160 = tpu.memref_squeeze %dma_wait3A_159 : memref<1x104x80xf32, #tpu.memory_space<hbm>> -> memref<104x80xf32, #tpu.memory_space<hbm>>
      %dma_wait3A_161 = arith.constant 0 : i32
      %dma_wait3A_162 = tpu.memref_slice %arg6[%arg0, %multiple_of3A_128, %dma_wait3A_161] : memref<2x10000x80xf32, #tpu.memory_space<hbm>> -> memref<1x104x80xf32, #tpu.memory_space<hbm>>
      %dma_wait3A_163 = tpu.memref_squeeze %dma_wait3A_162 : memref<1x104x80xf32, #tpu.memory_space<hbm>> -> memref<104x80xf32, #tpu.memory_space<hbm>>
      %dma_wait3A_164 = arith.constant 0 : i32
      %dma_wait3A_165 = arith.constant 0 : i32
      %dma_wait3A_166 = tpu.memref_slice %arg9[%dma_wait3A_164, %dma_wait3A_165] : memref<128x80xf32, #tpu.memory_space<vmem>> -> memref<104x80xf32, #tpu.memory_space<vmem>>
      tpu.wait_dma2 semaphore(%run_scoped3A : memref<!tpu.dma_semaphore, #tpu.memory_space<semaphore_mem>>) src(%dma_wait3A_166 : memref<104x80xf32, #tpu.memory_space<vmem>>) dst(%dma_wait3A_163 : memref<104x80xf32, #tpu.memory_space<hbm>>)
      tpu.yield
    }) : () -> ()
    %mul3A_129 = arith.constant 624 : i32
    %mul3A_130 = arith.muli %arg1, %mul3A_129 : i32
    %add3A_131 = arith.constant 416 : i32
    %add3A_132 = arith.addi %mul3A_130, %add3A_131 : i32
    %multiple_of3A_133 = tpu.assume_multiple %add3A_132, 8 : i32
    "tpu.region"() ({
      %run_scoped3A = tpu.sem_alloc : memref<!tpu.dma_semaphore, #tpu.memory_space<semaphore_mem>>
      %dma_start3A_144 = arith.constant 0 : i32
      %dma_start3A_145 = arith.constant 0 : i32
      %dma_start3A_146 = tpu.memref_slice %arg9[%dma_start3A_144, %dma_start3A_145] : memref<128x80xf32, #tpu.memory_space<vmem>> -> memref<104x80xf32, #tpu.memory_space<vmem>>
      %dma_start3A_147 = arith.constant 0 : i32
      %dma_start3A_148 = tpu.memref_slice %arg12[%multiple_of3A_133, %dma_start3A_147] : memref<10008x80xf32, #tpu.memory_space<vmem_shared>> -> memref<104x80xf32, #tpu.memory_space<vmem_shared>>
      %dma_start3A_149 = arith.constant 0 : i32
      %dma_start3A_150 = arith.constant 0 : i32
      %dma_start3A_151 = tpu.memref_slice %arg9[%dma_start3A_149, %dma_start3A_150] : memref<128x80xf32, #tpu.memory_space<vmem>> -> memref<104x80xf32, #tpu.memory_space<vmem>>
      %dma_start3A_152 = arith.constant 0 : i32
      %dma_start3A_153 = tpu.memref_slice %arg12[%multiple_of3A_133, %dma_start3A_152] : memref<10008x80xf32, #tpu.memory_space<vmem_shared>> -> memref<104x80xf32, #tpu.memory_space<vmem_shared>>
      tpu.enqueue_dma source(%dma_start3A_153 : memref<104x80xf32, #tpu.memory_space<vmem_shared>>) target(%dma_start3A_151 : memref<104x80xf32, #tpu.memory_space<vmem>>) target_semaphore(%run_scoped3A : memref<!tpu.dma_semaphore, #tpu.memory_space<semaphore_mem>>)
      %dma_wait3A = arith.constant 0 : i32
      %dma_wait3A_154 = arith.constant 0 : i32
      %dma_wait3A_155 = tpu.memref_slice %arg9[%dma_wait3A, %dma_wait3A_154] : memref<128x80xf32, #tpu.memory_space<vmem>> -> memref<104x80xf32, #tpu.memory_space<vmem>>
      %dma_wait3A_156 = arith.constant 0 : i32
      %dma_wait3A_157 = tpu.memref_slice %arg12[%multiple_of3A_133, %dma_wait3A_156] : memref<10008x80xf32, #tpu.memory_space<vmem_shared>> -> memref<104x80xf32, #tpu.memory_space<vmem_shared>>
      %dma_wait3A_158 = arith.constant 0 : i32
      %dma_wait3A_159 = arith.constant 0 : i32
      %dma_wait3A_160 = tpu.memref_slice %arg9[%dma_wait3A_158, %dma_wait3A_159] : memref<128x80xf32, #tpu.memory_space<vmem>> -> memref<104x80xf32, #tpu.memory_space<vmem>>
      %dma_wait3A_161 = arith.constant 0 : i32
      %dma_wait3A_162 = tpu.memref_slice %arg12[%multiple_of3A_133, %dma_wait3A_161] : memref<10008x80xf32, #tpu.memory_space<vmem_shared>> -> memref<104x80xf32, #tpu.memory_space<vmem_shared>>
      tpu.wait_dma2 semaphore(%run_scoped3A : memref<!tpu.dma_semaphore, #tpu.memory_space<semaphore_mem>>) src(%dma_wait3A_162 : memref<104x80xf32, #tpu.memory_space<vmem_shared>>) dst(%dma_wait3A_160 : memref<104x80xf32, #tpu.memory_space<vmem>>)
      tpu.yield
    }) : () -> ()
    "tpu.region"() ({
      %run_scoped3A = tpu.sem_alloc : memref<!tpu.dma_semaphore, #tpu.memory_space<semaphore_mem>>
      %dma_start3A_144 = arith.constant 0 : i32
      %dma_start3A_145 = arith.constant 0 : i32
      %dma_start3A_146 = tpu.memref_slice %arg9[%dma_start3A_144, %dma_start3A_145] : memref<128x80xf32, #tpu.memory_space<vmem>> -> memref<104x80xf32, #tpu.memory_space<vmem>>
      %dma_start3A_147 = arith.constant 0 : i32
      %dma_start3A_148 = tpu.memref_slice %arg6[%arg0, %multiple_of3A_133, %dma_start3A_147] : memref<2x10000x80xf32, #tpu.memory_space<hbm>> -> memref<1x104x80xf32, #tpu.memory_space<hbm>>
      %dma_start3A_149 = tpu.memref_squeeze %dma_start3A_148 : memref<1x104x80xf32, #tpu.memory_space<hbm>> -> memref<104x80xf32, #tpu.memory_space<hbm>>
      %dma_start3A_150 = arith.constant 0 : i32
      %dma_start3A_151 = tpu.memref_slice %arg6[%arg0, %multiple_of3A_133, %dma_start3A_150] : memref<2x10000x80xf32, #tpu.memory_space<hbm>> -> memref<1x104x80xf32, #tpu.memory_space<hbm>>
      %dma_start3A_152 = tpu.memref_squeeze %dma_start3A_151 : memref<1x104x80xf32, #tpu.memory_space<hbm>> -> memref<104x80xf32, #tpu.memory_space<hbm>>
      %dma_start3A_153 = arith.constant 0 : i32
      %dma_start3A_154 = arith.constant 0 : i32
      %dma_start3A_155 = tpu.memref_slice %arg9[%dma_start3A_153, %dma_start3A_154] : memref<128x80xf32, #tpu.memory_space<vmem>> -> memref<104x80xf32, #tpu.memory_space<vmem>>
      tpu.enqueue_dma source(%dma_start3A_155 : memref<104x80xf32, #tpu.memory_space<vmem>>) target(%dma_start3A_152 : memref<104x80xf32, #tpu.memory_space<hbm>>) target_semaphore(%run_scoped3A : memref<!tpu.dma_semaphore, #tpu.memory_space<semaphore_mem>>)
      %dma_wait3A = arith.constant 0 : i32
      %dma_wait3A_156 = arith.constant 0 : i32
      %dma_wait3A_157 = tpu.memref_slice %arg9[%dma_wait3A, %dma_wait3A_156] : memref<128x80xf32, #tpu.memory_space<vmem>> -> memref<104x80xf32, #tpu.memory_space<vmem>>
      %dma_wait3A_158 = arith.constant 0 : i32
      %dma_wait3A_159 = tpu.memref_slice %arg6[%arg0, %multiple_of3A_133, %dma_wait3A_158] : memref<2x10000x80xf32, #tpu.memory_space<hbm>> -> memref<1x104x80xf32, #tpu.memory_space<hbm>>
      %dma_wait3A_160 = tpu.memref_squeeze %dma_wait3A_159 : memref<1x104x80xf32, #tpu.memory_space<hbm>> -> memref<104x80xf32, #tpu.memory_space<hbm>>
      %dma_wait3A_161 = arith.constant 0 : i32
      %dma_wait3A_162 = tpu.memref_slice %arg6[%arg0, %multiple_of3A_133, %dma_wait3A_161] : memref<2x10000x80xf32, #tpu.memory_space<hbm>> -> memref<1x104x80xf32, #tpu.memory_space<hbm>>
      %dma_wait3A_163 = tpu.memref_squeeze %dma_wait3A_162 : memref<1x104x80xf32, #tpu.memory_space<hbm>> -> memref<104x80xf32, #tpu.memory_space<hbm>>
      %dma_wait3A_164 = arith.constant 0 : i32
      %dma_wait3A_165 = arith.constant 0 : i32
      %dma_wait3A_166 = tpu.memref_slice %arg9[%dma_wait3A_164, %dma_wait3A_165] : memref<128x80xf32, #tpu.memory_space<vmem>> -> memref<104x80xf32, #tpu.memory_space<vmem>>
      tpu.wait_dma2 semaphore(%run_scoped3A : memref<!tpu.dma_semaphore, #tpu.memory_space<semaphore_mem>>) src(%dma_wait3A_166 : memref<104x80xf32, #tpu.memory_space<vmem>>) dst(%dma_wait3A_163 : memref<104x80xf32, #tpu.memory_space<hbm>>)
      tpu.yield
    }) : () -> ()
    %mul3A_134 = arith.constant 624 : i32
    %mul3A_135 = arith.muli %arg1, %mul3A_134 : i32
    %add3A_136 = arith.constant 520 : i32
    %add3A_137 = arith.addi %mul3A_135, %add3A_136 : i32
    %multiple_of3A_138 = tpu.assume_multiple %add3A_137, 8 : i32
    "tpu.region"() ({
      %run_scoped3A = tpu.sem_alloc : memref<!tpu.dma_semaphore, #tpu.memory_space<semaphore_mem>>
      %dma_start3A_144 = arith.constant 0 : i32
      %dma_start3A_145 = arith.constant 0 : i32
      %dma_start3A_146 = tpu.memref_slice %arg9[%dma_start3A_144, %dma_start3A_145] : memref<128x80xf32, #tpu.memory_space<vmem>> -> memref<104x80xf32, #tpu.memory_space<vmem>>
      %dma_start3A_147 = arith.constant 0 : i32
      %dma_start3A_148 = tpu.memref_slice %arg12[%multiple_of3A_138, %dma_start3A_147] : memref<10008x80xf32, #tpu.memory_space<vmem_shared>> -> memref<104x80xf32, #tpu.memory_space<vmem_shared>>
      %dma_start3A_149 = arith.constant 0 : i32
      %dma_start3A_150 = arith.constant 0 : i32
      %dma_start3A_151 = tpu.memref_slice %arg9[%dma_start3A_149, %dma_start3A_150] : memref<128x80xf32, #tpu.memory_space<vmem>> -> memref<104x80xf32, #tpu.memory_space<vmem>>
      %dma_start3A_152 = arith.constant 0 : i32
      %dma_start3A_153 = tpu.memref_slice %arg12[%multiple_of3A_138, %dma_start3A_152] : memref<10008x80xf32, #tpu.memory_space<vmem_shared>> -> memref<104x80xf32, #tpu.memory_space<vmem_shared>>
      tpu.enqueue_dma source(%dma_start3A_153 : memref<104x80xf32, #tpu.memory_space<vmem_shared>>) target(%dma_start3A_151 : memref<104x80xf32, #tpu.memory_space<vmem>>) target_semaphore(%run_scoped3A : memref<!tpu.dma_semaphore, #tpu.memory_space<semaphore_mem>>)
      %dma_wait3A = arith.constant 0 : i32
      %dma_wait3A_154 = arith.constant 0 : i32
      %dma_wait3A_155 = tpu.memref_slice %arg9[%dma_wait3A, %dma_wait3A_154] : memref<128x80xf32, #tpu.memory_space<vmem>> -> memref<104x80xf32, #tpu.memory_space<vmem>>
      %dma_wait3A_156 = arith.constant 0 : i32
      %dma_wait3A_157 = tpu.memref_slice %arg12[%multiple_of3A_138, %dma_wait3A_156] : memref<10008x80xf32, #tpu.memory_space<vmem_shared>> -> memref<104x80xf32, #tpu.memory_space<vmem_shared>>
      %dma_wait3A_158 = arith.constant 0 : i32
      %dma_wait3A_159 = arith.constant 0 : i32
      %dma_wait3A_160 = tpu.memref_slice %arg9[%dma_wait3A_158, %dma_wait3A_159] : memref<128x80xf32, #tpu.memory_space<vmem>> -> memref<104x80xf32, #tpu.memory_space<vmem>>
      %dma_wait3A_161 = arith.constant 0 : i32
      %dma_wait3A_162 = tpu.memref_slice %arg12[%multiple_of3A_138, %dma_wait3A_161] : memref<10008x80xf32, #tpu.memory_space<vmem_shared>> -> memref<104x80xf32, #tpu.memory_space<vmem_shared>>
      tpu.wait_dma2 semaphore(%run_scoped3A : memref<!tpu.dma_semaphore, #tpu.memory_space<semaphore_mem>>) src(%dma_wait3A_162 : memref<104x80xf32, #tpu.memory_space<vmem_shared>>) dst(%dma_wait3A_160 : memref<104x80xf32, #tpu.memory_space<vmem>>)
      tpu.yield
    }) : () -> ()
    "tpu.region"() ({
      %run_scoped3A = tpu.sem_alloc : memref<!tpu.dma_semaphore, #tpu.memory_space<semaphore_mem>>
      %dma_start3A_144 = arith.constant 0 : i32
      %dma_start3A_145 = arith.constant 0 : i32
      %dma_start3A_146 = tpu.memref_slice %arg9[%dma_start3A_144, %dma_start3A_145] : memref<128x80xf32, #tpu.memory_space<vmem>> -> memref<104x80xf32, #tpu.memory_space<vmem>>
      %dma_start3A_147 = arith.constant 0 : i32
      %dma_start3A_148 = tpu.memref_slice %arg6[%arg0, %multiple_of3A_138, %dma_start3A_147] : memref<2x10000x80xf32, #tpu.memory_space<hbm>> -> memref<1x104x80xf32, #tpu.memory_space<hbm>>
      %dma_start3A_149 = tpu.memref_squeeze %dma_start3A_148 : memref<1x104x80xf32, #tpu.memory_space<hbm>> -> memref<104x80xf32, #tpu.memory_space<hbm>>
      %dma_start3A_150 = arith.constant 0 : i32
      %dma_start3A_151 = tpu.memref_slice %arg6[%arg0, %multiple_of3A_138, %dma_start3A_150] : memref<2x10000x80xf32, #tpu.memory_space<hbm>> -> memref<1x104x80xf32, #tpu.memory_space<hbm>>
      %dma_start3A_152 = tpu.memref_squeeze %dma_start3A_151 : memref<1x104x80xf32, #tpu.memory_space<hbm>> -> memref<104x80xf32, #tpu.memory_space<hbm>>
      %dma_start3A_153 = arith.constant 0 : i32
      %dma_start3A_154 = arith.constant 0 : i32
      %dma_start3A_155 = tpu.memref_slice %arg9[%dma_start3A_153, %dma_start3A_154] : memref<128x80xf32, #tpu.memory_space<vmem>> -> memref<104x80xf32, #tpu.memory_space<vmem>>
      tpu.enqueue_dma source(%dma_start3A_155 : memref<104x80xf32, #tpu.memory_space<vmem>>) target(%dma_start3A_152 : memref<104x80xf32, #tpu.memory_space<hbm>>) target_semaphore(%run_scoped3A : memref<!tpu.dma_semaphore, #tpu.memory_space<semaphore_mem>>)
      %dma_wait3A = arith.constant 0 : i32
      %dma_wait3A_156 = arith.constant 0 : i32
      %dma_wait3A_157 = tpu.memref_slice %arg9[%dma_wait3A, %dma_wait3A_156] : memref<128x80xf32, #tpu.memory_space<vmem>> -> memref<104x80xf32, #tpu.memory_space<vmem>>
      %dma_wait3A_158 = arith.constant 0 : i32
      %dma_wait3A_159 = tpu.memref_slice %arg6[%arg0, %multiple_of3A_138, %dma_wait3A_158] : memref<2x10000x80xf32, #tpu.memory_space<hbm>> -> memref<1x104x80xf32, #tpu.memory_space<hbm>>
      %dma_wait3A_160 = tpu.memref_squeeze %dma_wait3A_159 : memref<1x104x80xf32, #tpu.memory_space<hbm>> -> memref<104x80xf32, #tpu.memory_space<hbm>>
      %dma_wait3A_161 = arith.constant 0 : i32
      %dma_wait3A_162 = tpu.memref_slice %arg6[%arg0, %multiple_of3A_138, %dma_wait3A_161] : memref<2x10000x80xf32, #tpu.memory_space<hbm>> -> memref<1x104x80xf32, #tpu.memory_space<hbm>>
      %dma_wait3A_163 = tpu.memref_squeeze %dma_wait3A_162 : memref<1x104x80xf32, #tpu.memory_space<hbm>> -> memref<104x80xf32, #tpu.memory_space<hbm>>
      %dma_wait3A_164 = arith.constant 0 : i32
      %dma_wait3A_165 = arith.constant 0 : i32
      %dma_wait3A_166 = tpu.memref_slice %arg9[%dma_wait3A_164, %dma_wait3A_165] : memref<128x80xf32, #tpu.memory_space<vmem>> -> memref<104x80xf32, #tpu.memory_space<vmem>>
      tpu.wait_dma2 semaphore(%run_scoped3A : memref<!tpu.dma_semaphore, #tpu.memory_space<semaphore_mem>>) src(%dma_wait3A_166 : memref<104x80xf32, #tpu.memory_space<vmem>>) dst(%dma_wait3A_163 : memref<104x80xf32, #tpu.memory_space<hbm>>)
      tpu.yield
    }) : () -> ()
    %eq3A_139 = arith.constant 0 : i32
    %eq3A_140 = arith.cmpi eq, %arg1, %eq3A_139 : i32
    %convert_element_type3A_141 = arith.extui %eq3A_140 : i1 to i32
    %cond3A_142 = arith.constant 0 : i32
    %cond3A_143 = arith.cmpi ne, %convert_element_type3A_141, %cond3A_142 : i32
    scf.if %cond3A_143 {
      "tpu.region"() ({
        %run_scoped3A = tpu.sem_alloc : memref<!tpu.dma_semaphore, #tpu.memory_space<semaphore_mem>>
        %dma_start3A_144 = arith.constant 0 : i32
        %dma_start3A_145 = arith.constant 0 : i32
        %dma_start3A_146 = tpu.memref_slice %arg9[%dma_start3A_144, %dma_start3A_145] : memref<128x80xf32, #tpu.memory_space<vmem>> -> memref<16x80xf32, #tpu.memory_space<vmem>>
        %dma_start3A_147 = arith.constant 9984 : i32
        %dma_start3A_148 = arith.constant 0 : i32
        %dma_start3A_149 = tpu.memref_slice %arg12[%dma_start3A_147, %dma_start3A_148] : memref<10008x80xf32, #tpu.memory_space<vmem_shared>> -> memref<16x80xf32, #tpu.memory_space<vmem_shared>>
        %dma_start3A_150 = arith.constant 0 : i32
        %dma_start3A_151 = arith.constant 0 : i32
        %dma_start3A_152 = tpu.memref_slice %arg9[%dma_start3A_150, %dma_start3A_151] : memref<128x80xf32, #tpu.memory_space<vmem>> -> memref<16x80xf32, #tpu.memory_space<vmem>>
        %dma_start3A_153 = arith.constant 9984 : i32
        %dma_start3A_154 = arith.constant 0 : i32
        %dma_start3A_155 = tpu.memref_slice %arg12[%dma_start3A_153, %dma_start3A_154] : memref<10008x80xf32, #tpu.memory_space<vmem_shared>> -> memref<16x80xf32, #tpu.memory_space<vmem_shared>>
        tpu.enqueue_dma source(%dma_start3A_155 : memref<16x80xf32, #tpu.memory_space<vmem_shared>>) target(%dma_start3A_152 : memref<16x80xf32, #tpu.memory_space<vmem>>) target_semaphore(%run_scoped3A : memref<!tpu.dma_semaphore, #tpu.memory_space<semaphore_mem>>)
        %dma_wait3A = arith.constant 0 : i32
        %dma_wait3A_156 = arith.constant 0 : i32
        %dma_wait3A_157 = tpu.memref_slice %arg9[%dma_wait3A, %dma_wait3A_156] : memref<128x80xf32, #tpu.memory_space<vmem>> -> memref<16x80xf32, #tpu.memory_space<vmem>>
        %dma_wait3A_158 = arith.constant 9984 : i32
        %dma_wait3A_159 = arith.constant 0 : i32
        %dma_wait3A_160 = tpu.memref_slice %arg12[%dma_wait3A_158, %dma_wait3A_159] : memref<10008x80xf32, #tpu.memory_space<vmem_shared>> -> memref<16x80xf32, #tpu.memory_space<vmem_shared>>
        %dma_wait3A_161 = arith.constant 0 : i32
        %dma_wait3A_162 = arith.constant 0 : i32
        %dma_wait3A_163 = tpu.memref_slice %arg9[%dma_wait3A_161, %dma_wait3A_162] : memref<128x80xf32, #tpu.memory_space<vmem>> -> memref<16x80xf32, #tpu.memory_space<vmem>>
        %dma_wait3A_164 = arith.constant 9984 : i32
        %dma_wait3A_165 = arith.constant 0 : i32
        %dma_wait3A_166 = tpu.memref_slice %arg12[%dma_wait3A_164, %dma_wait3A_165] : memref<10008x80xf32, #tpu.memory_space<vmem_shared>> -> memref<16x80xf32, #tpu.memory_space<vmem_shared>>
        tpu.wait_dma2 semaphore(%run_scoped3A : memref<!tpu.dma_semaphore, #tpu.memory_space<semaphore_mem>>) src(%dma_wait3A_166 : memref<16x80xf32, #tpu.memory_space<vmem_shared>>) dst(%dma_wait3A_163 : memref<16x80xf32, #tpu.memory_space<vmem>>)
        tpu.yield
      }) : () -> ()
      "tpu.region"() ({
        %run_scoped3A = tpu.sem_alloc : memref<!tpu.dma_semaphore, #tpu.memory_space<semaphore_mem>>
        %dma_start3A_144 = arith.constant 0 : i32
        %dma_start3A_145 = arith.constant 0 : i32
        %dma_start3A_146 = tpu.memref_slice %arg9[%dma_start3A_144, %dma_start3A_145] : memref<128x80xf32, #tpu.memory_space<vmem>> -> memref<16x80xf32, #tpu.memory_space<vmem>>
        %dma_start3A_147 = arith.constant 9984 : i32
        %dma_start3A_148 = arith.constant 0 : i32
        %dma_start3A_149 = tpu.memref_slice %arg6[%arg0, %dma_start3A_147, %dma_start3A_148] : memref<2x10000x80xf32, #tpu.memory_space<hbm>> -> memref<1x16x80xf32, #tpu.memory_space<hbm>>
        %dma_start3A_150 = tpu.memref_squeeze %dma_start3A_149 : memref<1x16x80xf32, #tpu.memory_space<hbm>> -> memref<16x80xf32, #tpu.memory_space<hbm>>
        %dma_start3A_151 = arith.constant 9984 : i32
        %dma_start3A_152 = arith.constant 0 : i32
        %dma_start3A_153 = tpu.memref_slice %arg6[%arg0, %dma_start3A_151, %dma_start3A_152] : memref<2x10000x80xf32, #tpu.memory_space<hbm>> -> memref<1x16x80xf32, #tpu.memory_space<hbm>>
        %dma_start3A_154 = tpu.memref_squeeze %dma_start3A_153 : memref<1x16x80xf32, #tpu.memory_space<hbm>> -> memref<16x80xf32, #tpu.memory_space<hbm>>
        %dma_start3A_155 = arith.constant 0 : i32
        %dma_start3A_156 = arith.constant 0 : i32
        %dma_start3A_157 = tpu.memref_slice %arg9[%dma_start3A_155, %dma_start3A_156] : memref<128x80xf32, #tpu.memory_space<vmem>> -> memref<16x80xf32, #tpu.memory_space<vmem>>
        tpu.enqueue_dma source(%dma_start3A_157 : memref<16x80xf32, #tpu.memory_space<vmem>>) target(%dma_start3A_154 : memref<16x80xf32, #tpu.memory_space<hbm>>) target_semaphore(%run_scoped3A : memref<!tpu.dma_semaphore, #tpu.memory_space<semaphore_mem>>)
        %dma_wait3A = arith.constant 0 : i32
        %dma_wait3A_158 = arith.constant 0 : i32
        %dma_wait3A_159 = tpu.memref_slice %arg9[%dma_wait3A, %dma_wait3A_158] : memref<128x80xf32, #tpu.memory_space<vmem>> -> memref<16x80xf32, #tpu.memory_space<vmem>>
        %dma_wait3A_160 = arith.constant 9984 : i32
        %dma_wait3A_161 = arith.constant 0 : i32
        %dma_wait3A_162 = tpu.memref_slice %arg6[%arg0, %dma_wait3A_160, %dma_wait3A_161] : memref<2x10000x80xf32, #tpu.memory_space<hbm>> -> memref<1x16x80xf32, #tpu.memory_space<hbm>>
        %dma_wait3A_163 = tpu.memref_squeeze %dma_wait3A_162 : memref<1x16x80xf32, #tpu.memory_space<hbm>> -> memref<16x80xf32, #tpu.memory_space<hbm>>
        %dma_wait3A_164 = arith.constant 9984 : i32
        %dma_wait3A_165 = arith.constant 0 : i32
        %dma_wait3A_166 = tpu.memref_slice %arg6[%arg0, %dma_wait3A_164, %dma_wait3A_165] : memref<2x10000x80xf32, #tpu.memory_space<hbm>> -> memref<1x16x80xf32, #tpu.memory_space<hbm>>
        %dma_wait3A_167 = tpu.memref_squeeze %dma_wait3A_166 : memref<1x16x80xf32, #tpu.memory_space<hbm>> -> memref<16x80xf32, #tpu.memory_space<hbm>>
        %dma_wait3A_168 = arith.constant 0 : i32
        %dma_wait3A_169 = arith.constant 0 : i32
        %dma_wait3A_170 = tpu.memref_slice %arg9[%dma_wait3A_168, %dma_wait3A_169] : memref<128x80xf32, #tpu.memory_space<vmem>> -> memref<16x80xf32, #tpu.memory_space<vmem>>
        tpu.wait_dma2 semaphore(%run_scoped3A : memref<!tpu.dma_semaphore, #tpu.memory_space<semaphore_mem>>) src(%dma_wait3A_170 : memref<16x80xf32, #tpu.memory_space<vmem>>) dst(%dma_wait3A_167 : memref<16x80xf32, #tpu.memory_space<hbm>>)
        tpu.yield
      }) : () -> ()
    } else {
    }
    return
  }
}

module attributes {stable_mosaic.version = 14 : i64} {
  func.func @_proj_body(%arg0: i32, %arg1: memref<1000x128xf32, #tpu.memory_space<vmem>>, %arg2: memref<128x384xf32, #tpu.memory_space<vmem>>, %arg3: memref<1x384xf32, #tpu.memory_space<vmem>>, %arg4: memref<1000x384xf32, #tpu.memory_space<vmem>>) attributes {dimension_semantics = [#tpu.dimension_semantics<arbitrary>], iteration_bounds = array<i64: 10>, scalar_prefetch = 0 : i64, scratch_operands = 0 : i64, tpu.core_type = #tpu.core_type<tc>, window_params = [{transform_indices = @transform_0, window_bounds = array<i64: 1000, 128>}, {pipeline_mode = #tpu.pipeline_mode<synchronous>, transform_indices = @transform_1, window_bounds = array<i64: 128, 384>}, {pipeline_mode = #tpu.pipeline_mode<synchronous>, transform_indices = @transform_2, window_bounds = array<i64: 1, 384>}, {transform_indices = @transform_3, window_bounds = array<i64: 1000, 384>}]} {
    %get3A = arith.constant 0 : index
    %get3A_0 = arith.constant 0 : index
    %get3A_1 = vector.load %arg1[%get3A, %get3A_0] : memref<1000x128xf32, #tpu.memory_space<vmem>>, vector<1000x128xf32>
    %get3A_2 = arith.constant 0 : index
    %get3A_3 = arith.constant 0 : index
    %get3A_4 = vector.load %arg2[%get3A_2, %get3A_3] : memref<128x384xf32, #tpu.memory_space<vmem>>, vector<128x384xf32>
    %dot_general3A = arith.constant dense<0.000000e+00> : vector<1000x384xf32>
    %dot_general3A_5 = tpu.matmul %get3A_1, %get3A_4, %dot_general3A {dimension_numbers = #tpu.dot_dimension_numbers<[1], [0], [0], [1], [0, 0, 1, 1], [], []>, transpose_lhs_hint = false} : vector<1000x128xf32>, vector<128x384xf32>, vector<1000x384xf32> -> vector<1000x384xf32>
    %get3A_6 = arith.constant 0 : index
    %get3A_7 = arith.constant 0 : index
    %get3A_8 = vector.load %arg3[%get3A_6, %get3A_7] : memref<1x384xf32, #tpu.memory_space<vmem>>, vector<1x384xf32>
    %add3A = vector.broadcast %get3A_8 : vector<1x384xf32> to vector<1000x384xf32>
    %add3A_9 = arith.addf %dot_general3A_5, %add3A : vector<1000x384xf32>
    %swap3A = arith.constant 0 : index
    %swap3A_10 = arith.constant 0 : index
    %swap3A_11 = vector.load %arg4[%swap3A, %swap3A_10] : memref<1000x384xf32, #tpu.memory_space<vmem>>, vector<1000x384xf32>
    tpu.vector_store %arg4[%swap3A, %swap3A_10], %add3A_9 {strides = array<i32>} : memref<1000x384xf32, #tpu.memory_space<vmem>>, vector<1000x384xf32>,
    return
  }
  func.func @transform_0(%arg0: i32) -> (i32, i32) {
    %c0_i32 = arith.constant 0 : i32
    %c0_i32_0 = arith.constant 0 : i32
    return %arg0, %c0_i32 : i32, i32
  }
  func.func @transform_1(%arg0: i32) -> (i32, i32) {
    %c0_i32 = arith.constant 0 : i32
    %c0_i32_0 = arith.constant 0 : i32
    %c0_i32_1 = arith.constant 0 : i32
    return %c0_i32, %c0_i32_0 : i32, i32
  }
  func.func @transform_2(%arg0: i32) -> (i32, i32) {
    %c0_i32 = arith.constant 0 : i32
    %c0_i32_0 = arith.constant 0 : i32
    %c0_i32_1 = arith.constant 0 : i32
    return %c0_i32, %c0_i32_0 : i32, i32
  }
  func.func @transform_3(%arg0: i32) -> (i32, i32) {
    %c0_i32 = arith.constant 0 : i32
    %c0_i32_0 = arith.constant 0 : i32
    return %arg0, %c0_i32 : i32, i32
  }
}

module attributes {stable_mosaic.version = 14 : i64} {
  func.func @_final_body(%arg0: i32, %arg1: memref<2x1000x80xf32, #tpu.memory_space<vmem>>, %arg2: memref<1000x128xf32, #tpu.memory_space<vmem>>, %arg3: memref<128x128xf32, #tpu.memory_space<vmem>>, %arg4: memref<1x128xf32, #tpu.memory_space<vmem>>, %arg5: memref<1x128xf32, #tpu.memory_space<vmem>>, %arg6: memref<1x128xf32, #tpu.memory_space<vmem>>, %arg7: memref<1000x128xf32, #tpu.memory_space<vmem>>) attributes {dimension_semantics = [#tpu.dimension_semantics<arbitrary>], iteration_bounds = array<i64: 10>, scalar_prefetch = 0 : i64, scratch_operands = 0 : i64, tpu.core_type = #tpu.core_type<tc>, window_params = [{transform_indices = @transform_0, window_bounds = array<i64: 2, 1000, 80>}, {transform_indices = @transform_1, window_bounds = array<i64: 1000, 128>}, {pipeline_mode = #tpu.pipeline_mode<synchronous>, transform_indices = @transform_2, window_bounds = array<i64: 128, 128>}, {pipeline_mode = #tpu.pipeline_mode<synchronous>, transform_indices = @transform_3, window_bounds = array<i64: 1, 128>}, {pipeline_mode = #tpu.pipeline_mode<synchronous>, transform_indices = @transform_4, window_bounds = array<i64: 1, 128>}, {pipeline_mode = #tpu.pipeline_mode<synchronous>, transform_indices = @transform_5, window_bounds = array<i64: 1, 128>}, {transform_indices = @transform_6, window_bounds = array<i64: 1000, 128>}]} {
    %get3A = arith.constant 0 : index
    %get3A_0 = arith.constant 0 : index
    %get3A_1 = arith.constant 0 : index
    %get3A_2 = vector.load %arg1[%get3A, %get3A_0, %get3A_1] : memref<2x1000x80xf32, #tpu.memory_space<vmem>>, vector<1x1000x64xf32>
    %get3A_3 = vector.shape_cast %get3A_2 : vector<1x1000x64xf32> to vector<1000x64xf32>
    %get3A_4 = arith.constant 1 : index
    %get3A_5 = arith.constant 0 : index
    %get3A_6 = arith.constant 0 : index
    %get3A_7 = vector.load %arg1[%get3A_4, %get3A_5, %get3A_6] : memref<2x1000x80xf32, #tpu.memory_space<vmem>>, vector<1x1000x64xf32>
    %get3A_8 = vector.shape_cast %get3A_7 : vector<1x1000x64xf32> to vector<1000x64xf32>
    %concatenate3A = tpu.concatenate %get3A_3, %get3A_8 in 1 : vector<1000x64xf32>, vector<1000x64xf32> -> vector<1000x128xf32>
    %get3A_9 = arith.constant 0 : index
    %get3A_10 = arith.constant 0 : index
    %get3A_11 = arith.constant 64 : index
    %get3A_12 = vector.load %arg1[%get3A_9, %get3A_10, %get3A_11] : memref<2x1000x80xf32, #tpu.memory_space<vmem>>, vector<1x1000x16xf32>
    %get3A_13 = vector.shape_cast %get3A_12 : vector<1x1000x16xf32> to vector<1000x16xf32>
    %get3A_14 = arith.constant 1 : index
    %get3A_15 = arith.constant 0 : index
    %get3A_16 = arith.constant 64 : index
    %get3A_17 = vector.load %arg1[%get3A_14, %get3A_15, %get3A_16] : memref<2x1000x80xf32, #tpu.memory_space<vmem>>, vector<1x1000x16xf32>
    %get3A_18 = vector.shape_cast %get3A_17 : vector<1x1000x16xf32> to vector<1000x16xf32>
    %add3A = arith.addf %get3A_13, %get3A_18 : vector<1000x16xf32>
    %iota3A = tpu.iota {dimensions = array<i32: 0>} : vector<16x128xi32>
    %iota3A_19 = tpu.iota {dimensions = array<i32: 1>} : vector<16x128xi32>
    %jit3A = arith.constant 16 : i32
    %div3A = vector.broadcast %jit3A : i32 to vector<16x128xi32>
    %div3A_20 = arith.divsi %iota3A_19, %div3A : vector<16x128xi32>
    %sign3A = arith.constant 0 : i32
    %sign3A_21 = vector.broadcast %sign3A : i32 to vector<16x128xi32>
    %sign3A_22 = arith.cmpi sgt, %iota3A_19, %sign3A_21 : vector<16x128xi32>
    %sign3A_23 = arith.extui %sign3A_22 : vector<16x128xi1> to vector<16x128xi32>
    %sign3A_24 = arith.constant 0 : i32
    %sign3A_25 = vector.broadcast %sign3A_24 : i32 to vector<16x128xi32>
    %sign3A_26 = arith.cmpi slt, %iota3A_19, %sign3A_25 : vector<16x128xi32>
    %sign3A_27 = arith.extui %sign3A_26 : vector<16x128xi1> to vector<16x128xi32>
    %sign3A_28 = arith.subi %sign3A_23, %sign3A_27 : vector<16x128xi32>
    %sign3A_29 = arith.constant 0 : i32
    %sign3A_30 = arith.cmpi sgt, %jit3A, %sign3A_29 : i32
    %sign3A_31 = arith.extui %sign3A_30 : i1 to i32
    %sign3A_32 = arith.constant 0 : i32
    %sign3A_33 = arith.cmpi slt, %jit3A, %sign3A_32 : i32
    %sign3A_34 = arith.extui %sign3A_33 : i1 to i32
    %sign3A_35 = arith.subi %sign3A_31, %sign3A_34 : i32
    %ne3A = vector.broadcast %sign3A_35 : i32 to vector<16x128xi32>
    %ne3A_36 = arith.cmpi ne, %sign3A_28, %ne3A : vector<16x128xi32>
    %rem3A = vector.broadcast %jit3A : i32 to vector<16x128xi32>
    %rem3A_37 = arith.remsi %iota3A_19, %rem3A : vector<16x128xi32>
    %ne3A_38 = arith.constant 0 : i32
    %ne3A_39 = vector.broadcast %ne3A_38 : i32 to vector<16x128xi32>
    %ne3A_40 = arith.cmpi ne, %rem3A_37, %ne3A_39 : vector<16x128xi32>
    %and3A = arith.andi %ne3A_36, %ne3A_40 : vector<16x128xi1>
    %sub3A = arith.constant 1 : i32
    %sub3A_41 = vector.broadcast %sub3A : i32 to vector<16x128xi32>
    %sub3A_42 = arith.subi %div3A_20, %sub3A_41 : vector<16x128xi32>
    %select_n3A = arith.select %and3A, %sub3A_42, %div3A_20 : vector<16x128xi1>, vector<16x128xi32>
    %eq3A = arith.cmpi eq, %select_n3A, %iota3A : vector<16x128xi32>
    %convert_element_type3A = arith.extui %eq3A : vector<16x128xi1> to vector<16x128xi32>
    %convert_element_type3A_43 = arith.sitofp %convert_element_type3A : vector<16x128xi32> to vector<16x128xf32>
    %dot_general3A = arith.constant dense<0.000000e+00> : vector<1000x128xf32>
    %dot_general3A_44 = tpu.matmul %add3A, %convert_element_type3A_43, %dot_general3A {dimension_numbers = #tpu.dot_dimension_numbers<[1], [0], [0], [1], [0, 0, 1, 1], [], []>, transpose_lhs_hint = false} : vector<1000x16xf32>, vector<16x128xf32>, vector<1000x128xf32> -> vector<1000x128xf32>
    %eq3A_45 = arith.constant 0.000000e+00 : f32
    %eq3A_46 = vector.broadcast %eq3A_45 : f32 to vector<1000x128xf32>
    %eq3A_47 = arith.cmpf oeq, %dot_general3A_44, %eq3A_46 : vector<1000x128xf32>
    %jit3A_48 = arith.constant 1.000000e+00 : f32
    %broadcast_in_dim3A = vector.broadcast %jit3A_48 : f32 to vector<1000x128xf32>
    %select_n3A_49 = arith.select %eq3A_47, %broadcast_in_dim3A, %dot_general3A_44 : vector<1000x128xi1>, vector<1000x128xf32>
    %div3A_50 = arith.divf %concatenate3A, %select_n3A_49 : vector<1000x128xf32>
    %get3A_51 = arith.constant 0 : index
    %get3A_52 = arith.constant 0 : index
    %get3A_53 = vector.load %arg3[%get3A_51, %get3A_52] : memref<128x128xf32, #tpu.memory_space<vmem>>, vector<128x128xf32>
    %dot_general3A_54 = arith.constant dense<0.000000e+00> : vector<1000x128xf32>
    %dot_general3A_55 = tpu.matmul %div3A_50, %get3A_53, %dot_general3A_54 {dimension_numbers = #tpu.dot_dimension_numbers<[1], [0], [0], [1], [0, 0, 1, 1], [], []>, transpose_lhs_hint = false} : vector<1000x128xf32>, vector<128x128xf32>, vector<1000x128xf32> -> vector<1000x128xf32>
    %get3A_56 = arith.constant 0 : index
    %get3A_57 = arith.constant 0 : index
    %get3A_58 = vector.load %arg4[%get3A_56, %get3A_57] : memref<1x128xf32, #tpu.memory_space<vmem>>, vector<1x128xf32>
    %add3A_59 = vector.broadcast %get3A_58 : vector<1x128xf32> to vector<1000x128xf32>
    %add3A_60 = arith.addf %dot_general3A_55, %add3A_59 : vector<1000x128xf32>
    %get3A_61 = arith.constant 0 : index
    %get3A_62 = arith.constant 0 : index
    %get3A_63 = vector.load %arg2[%get3A_61, %get3A_62] : memref<1000x128xf32, #tpu.memory_space<vmem>>, vector<1000x128xf32>
    %add3A_64 = arith.addf %add3A_60, %get3A_63 : vector<1000x128xf32>
    %reduce_sum3A = arith.constant dense<0.000000e+00> : vector<1000xf32>
    %reduce_sum3A_65 = vector.multi_reduction <add>, %add3A_64, %reduce_sum3A [1] : vector<1000x128xf32> to vector<1000xf32>
    %broadcast_in_dim3A_66 = vector.shape_cast %reduce_sum3A_65 : vector<1000xf32> to vector<1000x1xf32>
    %div3A_67 = arith.constant 1.280000e+02 : f32
    %div3A_68 = vector.broadcast %div3A_67 : f32 to vector<1000x1xf32>
    %div3A_69 = arith.divf %broadcast_in_dim3A_66, %div3A_68 : vector<1000x1xf32>
    %sub3A_70 = vector.broadcast %div3A_69 : vector<1000x1xf32> to vector<1000x128xf32>
    %sub3A_71 = arith.subf %add3A_64, %sub3A_70 : vector<1000x128xf32>
    %integer_pow3A = arith.mulf %sub3A_71, %sub3A_71 : vector<1000x128xf32>
    %reduce_sum3A_72 = arith.constant dense<0.000000e+00> : vector<1000xf32>
    %reduce_sum3A_73 = vector.multi_reduction <add>, %integer_pow3A, %reduce_sum3A_72 [1] : vector<1000x128xf32> to vector<1000xf32>
    %broadcast_in_dim3A_74 = vector.shape_cast %reduce_sum3A_73 : vector<1000xf32> to vector<1000x1xf32>
    %div3A_75 = arith.constant 1.280000e+02 : f32
    %div3A_76 = vector.broadcast %div3A_75 : f32 to vector<1000x1xf32>
    %div3A_77 = arith.divf %broadcast_in_dim3A_74, %div3A_76 : vector<1000x1xf32>
    %sub3A_78 = vector.broadcast %div3A_69 : vector<1000x1xf32> to vector<1000x128xf32>
    %sub3A_79 = arith.subf %add3A_64, %sub3A_78 : vector<1000x128xf32>
    %add3A_80 = arith.constant 9.99999974E-6 : f32
    %add3A_81 = vector.broadcast %add3A_80 : f32 to vector<1000x1xf32>
    %add3A_82 = arith.addf %div3A_77, %add3A_81 : vector<1000x1xf32>
    %rsqrt3A = math.rsqrt %add3A_82 : vector<1000x1xf32>
    %mul3A = vector.broadcast %rsqrt3A : vector<1000x1xf32> to vector<1000x128xf32>
    %mul3A_83 = arith.mulf %sub3A_79, %mul3A : vector<1000x128xf32>
    %get3A_84 = arith.constant 0 : index
    %get3A_85 = arith.constant 0 : index
    %get3A_86 = vector.load %arg5[%get3A_84, %get3A_85] : memref<1x128xf32, #tpu.memory_space<vmem>>, vector<1x128xf32>
    %mul3A_87 = vector.broadcast %get3A_86 : vector<1x128xf32> to vector<1000x128xf32>
    %mul3A_88 = arith.mulf %mul3A_83, %mul3A_87 : vector<1000x128xf32>
    %get3A_89 = arith.constant 0 : index
    %get3A_90 = arith.constant 0 : index
    %get3A_91 = vector.load %arg6[%get3A_89, %get3A_90] : memref<1x128xf32, #tpu.memory_space<vmem>>, vector<1x128xf32>
    %add3A_92 = vector.broadcast %get3A_91 : vector<1x128xf32> to vector<1000x128xf32>
    %add3A_93 = arith.addf %mul3A_88, %add3A_92 : vector<1000x128xf32>
    %swap3A = arith.constant 0 : index
    %swap3A_94 = arith.constant 0 : index
    %swap3A_95 = vector.load %arg7[%swap3A, %swap3A_94] : memref<1000x128xf32, #tpu.memory_space<vmem>>, vector<1000x128xf32>
    tpu.vector_store %arg7[%swap3A, %swap3A_94], %add3A_93 {strides = array<i32>} : memref<1000x128xf32, #tpu.memory_space<vmem>>, vector<1000x128xf32>,
    return
  }
  func.func @transform_0(%arg0: i32) -> (i32, i32, i32) {
    %c0_i32 = arith.constant 0 : i32
    %c0_i32_0 = arith.constant 0 : i32
    %c0_i32_1 = arith.constant 0 : i32
    return %c0_i32, %arg0, %c0_i32_0 : i32, i32, i32
  }
  func.func @transform_1(%arg0: i32) -> (i32, i32) {
    %c0_i32 = arith.constant 0 : i32
    %c0_i32_0 = arith.constant 0 : i32
    return %arg0, %c0_i32 : i32, i32
  }
  func.func @transform_2(%arg0: i32) -> (i32, i32) {
    %c0_i32 = arith.constant 0 : i32
    %c0_i32_0 = arith.constant 0 : i32
    %c0_i32_1 = arith.constant 0 : i32
    return %c0_i32, %c0_i32_0 : i32, i32
  }
  func.func @transform_3(%arg0: i32) -> (i32, i32) {
    %c0_i32 = arith.constant 0 : i32
    %c0_i32_0 = arith.constant 0 : i32
    %c0_i32_1 = arith.constant 0 : i32
    return %c0_i32, %c0_i32_0 : i32, i32
  }
  func.func @transform_4(%arg0: i32) -> (i32, i32) {
    %c0_i32 = arith.constant 0 : i32
    %c0_i32_0 = arith.constant 0 : i32
    %c0_i32_1 = arith.constant 0 : i32
    return %c0_i32, %c0_i32_0 : i32, i32
  }
  func.func @transform_5(%arg0: i32) -> (i32, i32) {
    %c0_i32 = arith.constant 0 : i32
    %c0_i32_0 = arith.constant 0 : i32
    %c0_i32_1 = arith.constant 0 : i32
    return %c0_i32, %c0_i32_0 : i32, i32
  }
  func.func @transform_6(%arg0: i32) -> (i32, i32) {
    %c0_i32 = arith.constant 0 : i32
    %c0_i32_0 = arith.constant 0 : i32
    return %arg0, %c0_i32 : i32, i32
  }
}

</mosaic_0001>

<sc_bundles>
// kernel: kernel.11.cloned.1.call-start
scs
__scs_entry_jumppad:
0x0: {  	(pc) =	sbr.rel $0x88, $3  }
0x1: {  	(tag) =	ssettag $0x0;
	lr =	simm.s32 $0x1  }
0x2: {  	[smem:$0x3F86] =	sst lr;
	_ =	strace $0xD0000000  }
0x3: {  	_ = 	snop  }
0x4: {  	_ = 	snop  }
0x5: {  	_ = 	snop  }
0x6: {  	_ = 	snop  }
0x7: {  	_ = 	snop  }
__scs_overlays_trampoline_lowered:
0x8: {  	[smem:$0x3F95] =	sst s0  }
0x9: {  	[smem:$0x3F96] =	sst s1  }
0xa: {  	[smem:$0x3F97] =	sst s2  }
0xb: {  	[smem:$0x3F98] =	sst s3  }
0xc: {  	[smem:$0x3F99] =	sst s4  }
0xd: {  	[smem:$0x3F9A] =	sst s5  }
0xe: {  	[smem:$0x3F9B] =	sst s6  }
0xf: {  	[smem:$0x3F9C] =	sst s7  }
0x10: {  	[smem:$0x3F9D] =	sst s8  }
0x11: {  	[smem:$0x3F9E] =	sst s9;
	s0 =	simm.s32 @!p0 $0x0  }
0x12: {  	s1 =	sld [smem:$0x3F84];
	s0 =	simm.s32 @p0 $0x1  }
0x13: {  	[smem:$0x3F9F] =	sst s0;
	s0 =	simm.s32 @!p1 $0x0  }
0x14: {  	s2 =	sld [smem:$0x3F83];
	s0 =	simm.s32 @p1 $0x1  }
0x15: {  	[smem:$0x3FA0] =	sst s0;
	s0 =	simm.s32 @!p2 $0x0  }
0x16: {  	s3 =	sld [smem:$0x3FDB];
	s0 =	simm.s32 @p2 $0x1  }
0x17: {  	s4 =	simm.s32 $0x1BF5;
	[smem:$0x3FA2] =	sst s0  }
0x18: {  	s0 =	sld [smem:$0x3F85];
	_ =	swait.ge [sflag:s4], $0x0  }
0x19: {  	s7 =	sld [smem:$0x3F86]  }
0x1a: {  	s8 =	sadd.s32 $0xFFFFE003, lr  }
0x1b: {  	s9 =	sadd.s32 $0xFFFFFEF7, lr;
	s5 =	simm.s32 $0xFFFFFFFF;
	p2 =	slt.u32 s8, $0xFFFFF086  }
0x1c: {  	p1 =	slt.u32 s9, $0xF7A;
	s5 =	simm.s32 @!p2 $0x0  }
0x1d: {  	s5 =	simm.s32 @p1 $0x1;
	p0 =	seq.s32 s7, s2  }
0x1e: {  	s7 =	smul.u32 @!p0 $0xF7A, s2;
	p2 =	seq.s32 @!p0 s5, $0x0  }
0x1f: {  	s9 =	smul.u32 $0xF7A, s1;
	s8 =	simm.s32 @!p0 $0x1BF5;
	p2 =	por !p2, p0  }
0x20: {  	[sflag:s8] =	ssyncset.s32 @!p0 $0xFFFFF086;
	s6 =	sadd.s32 @!p0 s3, s7;
	s7 =	simm.s32 @!p0 $0x108  }
0x21: {  	s3 =	sadd.s32 s3, s9;
	s6 =	sadd.s32 @!p0 $0x88, s6;
	s7 =	simm.s32 @p2 $0x1082  }
0x22: {  	[simem:s7], [sflag:s8] =	dma.local @!p0 [hbm:s6], $0xF7A  }
0x23: {  	s9 =	sor.u32 $0xD0000000, s2;
	s6 =	simm.s32 $0x108;
	_ =	swait.ge @!p0 [sflag:s8], $0x0  }
0x24: {  	s3 =	sadd.s32 $0x88, s3;
	s6 =	simm.s32 @!p1 $0x1082;
	[sflag:s4] =	ssyncset.s32 $0xFFFFF086  }
0x25: {  	[simem:s6], [sflag:s4] =	dma.local [hbm:s3], $0xF7A  }
0x26: {  	[smem:$0x3F86] =	sst s1;
	(tag) =	ssettag s2;
	_ =	strace s9  }
0x27: {  	s1 =	sld [smem:$0x3F96]  }
0x28: {  	s2 =	sld [smem:$0x3F97]  }
0x29: {  	s4 =	sld [smem:$0x3F99]  }
0x2a: {  	p0 =	seq.s32 s5, $0x0;
	s5 =	sld [smem:$0x3F9A]  }
0x2b: {  	s6 =	sld [smem:$0x3F9B]  }
0x2c: {  	s7 =	sld [smem:$0x3F9C]  }
0x2d: {  	s3 =	simm.s32 $0x108;
	s8 =	sld [smem:$0x3F9D]  }
0x2e: {  	s3 =	simm.s32 @!p0 $0x1082;
	s9 =	sld [smem:$0x3F9E]  }
0x2f: {  	lr =	sadd.s32 s0, s3;
	s0 =	sld [smem:$0x3F95]  }
0x30: {  	s3 =	sld [smem:$0x3F98]  }
0x31: {  	[smem:$0x3FA1] =	sst s10  }
0x32: {  	s10 =	sld [smem:$0x3F9F];
	_ =	sdelay $0x3  }
0x33: {  	p0 =	seq.s32 s10, $0x1;
	s10 =	sld [smem:$0x3FA1];
	_ =	sdelay $0x3  }
0x34: {  	[smem:$0x3FA1] =	sst s10  }
0x35: {  	s10 =	sld [smem:$0x3FA0];
	_ =	sdelay $0x3  }
0x36: {  	p1 =	seq.s32 s10, $0x1;
	s10 =	sld [smem:$0x3FA1];
	_ =	sdelay $0x3  }
0x37: {  	[smem:$0x3FA1] =	sst s10  }
0x38: {  	s10 =	sld [smem:$0x3FA2]  }
0x39: {  	_ = 	snop;
	(pc) =	sbr.ind lr, $3  }
0x3a: {  	_ = 	snop  }
0x3b: {  	_ = 	snop  }
0x3c: {  	p2 =	seq.s32 s10, $0x1;
	s10 =	sld [smem:$0x3FA1]  }
0x3d: {  	_ =	shalt  }
0x3e: {  	_ =	shalt  }
0x3f: {  	_ =	shalt  }
0x40: {  	_ =	shalt  }
0x41: {  	_ =	shalt  }
0x42: {  	_ =	shalt  }
0x43: {  	_ =	shalt  }
0x44: {  	_ =	shalt  }
0x45: {  	_ =	shalt  }
0x46: {  	_ =	shalt  }
0x47: {  	_ =	shalt  }
0x48: {  	_ =	shalt  }
0x49: {  	_ =	shalt  }
0x4a: {  	_ =	shalt  }
0x4b: {  	_ =	shalt  }
0x4c: {  	_ =	shalt  }
0x4d: {  	_ =	shalt  }
0x4e: {  	_ =	shalt  }
0x4f: {  	_ =	shalt  }
0x50: {  	_ =	shalt  }
0x51: {  	_ =	shalt  }
0x52: {  	_ =	shalt  }
0x53: {  	_ =	shalt  }
0x54: {  	_ =	shalt  }
0x55: {  	_ =	shalt  }
0x56: {  	_ =	shalt  }
0x57: {  	_ =	shalt  }
0x58: {  	_ =	shalt  }
0x59: {  	_ =	shalt  }
0x5a: {  	_ =	shalt  }
0x5b: {  	_ =	shalt  }
0x5c: {  	_ =	shalt  }
0x5d: {  	_ =	shalt  }
0x5e: {  	_ =	shalt  }
0x5f: {  	_ =	shalt  }
0x60: {  	_ =	shalt  }
0x61: {  	_ =	shalt  }
0x62: {  	_ =	shalt  }
0x63: {  	_ =	shalt  }
0x64: {  	_ =	shalt  }
0x65: {  	_ =	shalt  }
0x66: {  	_ =	shalt  }
0x67: {  	_ =	shalt  }
0x68: {  	_ =	shalt  }
0x69: {  	_ =	shalt  }
0x6a: {  	_ =	shalt  }
0x6b: {  	_ =	shalt  }
0x6c: {  	_ =	shalt  }
0x6d: {  	_ =	shalt  }
0x6e: {  	_ =	shalt  }
0x6f: {  	_ =	shalt  }
0x70: {  	_ =	shalt  }
0x71: {  	_ =	shalt  }
0x72: {  	_ =	shalt  }
0x73: {  	_ =	shalt  }
0x74: {  	_ =	shalt  }
0x75: {  	_ =	shalt  }
0x76: {  	_ =	shalt  }
0x77: {  	_ =	shalt  }
0x78: {  	_ =	shalt  }
0x79: {  	_ =	shalt  }
0x7a: {  	_ =	shalt  }
0x7b: {  	_ =	shalt  }
0x7c: {  	_ =	shalt  }
0x7d: {  	_ =	shalt  }
0x7e: {  	_ =	shalt  }
0x7f: {  	_ =	shalt  }
0x80: {  	_ =	shalt  }
0x81: {  	_ =	shalt  }
0x82: {  	_ =	shalt  }
0x83: {  	_ =	shalt  }
0x84: {  	_ =	shalt  }
0x85: {  	_ =	shalt  }
0x86: {  	_ =	shalt  }
0x87: {  	_ =	shalt  }
.Lfunc_end0:
.L_simem_size_0:
called_computation.1_lowered:
.L_overlay_start_0:
0x88: {  	s2 =	sld [smem:$0x3FD9]  }
0x89: {  	s3 =	sld [smem:$0x3FFE];
	_ =	sdelay $0x1  }
0x8a: {  	s1 =	srdreg.scid  }
0x8b: {  	s0 =	sand.u32 $0x1, s1  }
0x8c: {  	s15 =	sshll.u32 s0, $0xA;
	s2 =	sadd.s32 s3, s2  }
0x8d: {  	s2 =	sadd.s32 s2, s15  }
0x8e: {  	[smem:$0x3FAD] =	sst s2  }
0x8f: {  	_ = 	snop  }
0x90: {  	s2 =	sld [smem:$0x3FD0];
	_ =	sdelay $0x2  }
0x91: {  	s16 =	simm.s32 $0xB;
	s4 =	simm.s32 $0x10  }
0x92: {  	[smem:s4], [sflag:s16] =	dma.local [hbm:s2], $0x1  }
0x93: {  	_ =	swait.eq [sflag:s16], $0x1  }
0x94: {  	[sflag:s16] =	ssyncset.done $0x0  }
0x95: {  	[sflag:s16] =	ssyncadd.s32 $0xFFFFFFFF  }
0x96: {  	s17 =	sld [smem:$0x10];
	(tm) =	ssettm $0x1  }
0x97: {  	s18 =	sld [smem:$0x3FFB];
	_ =	sdelay $0x3  }
0x98: {  	_ =	strace s18  }
0x99: {  	s2 =	sld [smem:$0x3FFC];
	_ =	sdelay $0x3  }
0x9a: {  	_ =	strace s2  }
0x9b: {  	s2 =	sld [smem:$0x3FFD];
	_ =	sdelay $0x3  }
0x9c: {  	_ =	strace s2  }
0x9d: {  	_ =	strace $0x8FFFFFFF  }
0x9e: {  	s19 =	sld [smem:$0x3FDB];
	_ =	sdelay $0x1  }
0x9f: {  	s20 =	simm.s32 $_scs_section_size  }
0xa0: {  	s5 =	simm.s32 $_size__tile_overlayer_lowered;
	s6 =	simm.s32 $_tile_overlayer_lowered  }
0xa1: {  	s7 =	simm.s32 $0x1BFF;
	s21 =	sshll.u32 s6, $0x1;
	s4 =	sadd.s32 s20, s19  }
0xa2: {  	s22 =	simm.s32 $0x0;
	s5 =	sshll.u32 s5, $0x1;
	s6 =	sadd.s32 s21, s4  }
0xa3: {  	[timem:s22], [sflag:s7] =	dma.local [hbm:s6], s5  }
0xa4: {  	_ =	swait.ge [sflag:s7], s5  }
0xa5: {  	s5 =	ssub.s32 $0x0, s5;
	[sflag:s7] =	ssyncset.done $0x0  }
0xa6: {  	[sflag:s7] =	ssyncadd.s32 s5;
	_ =	sdelay $0x1  }
0xa7: {  	s23 =	simm.s32 $0x1B8B  }
0xa8: {  	_ =	swait.ge [sflag:s23], $0x1  }
0xa9: {  	[sflag:s23] =	ssyncset.done $0x0  }
0xaa: {  	[sflag:s23] =	ssyncadd.s32 $0xFFFFFFFF  }
0xab: {  	s5 =	sld [smem:$0x0]  }
0xac: {  	s6 =	sand.u32 $0xFFFFFFFE, s1  }
0xad: {  	p0 =	sne.s32 s1, s6  }
0xae: {  	s6 =	sshll.u32 @p0 s6, $0xE  }
0xaf: {  	s6 =	sadd.s32 @p0 $0x11B8D, s6;
	s7 =	sshll.u32 @p0 s5, $0x11  }
0xb0: {  	s6 =	sor.u32 @p0 s7, s6  }
0xb1: {  	[sflag:s6] =	ssyncadd.remote.s32 @p0 $0x1;
	_ =	sdelay $0x1  }
0xb2: {  	s6 =	simm.s32 @p0 $0x1B8D  }
0xb3: {  	_ =	swait.eq @p0 [sflag:s6], $0x1  }
0xb4: {  	[sflag:s6] =	ssyncadd.s32 @p0 $0xFFFFFFFF  }
0xb5: {  	s7 =	sshll.u32 @!p0 s1, $0xE  }
0xb6: {  	s7 =	sor.u32 @!p0 $0x4000, s7;
	s6 =	simm.s32 @!p0 $0x1B8D  }
0xb7: {  	s5 =	sshll.u32 @!p0 s5, $0x11;
	s7 =	sadd.s32 @!p0 $0x11B8D, s7;
	_ =	swait.eq @!p0 [sflag:s6], $0x1  }
0xb8: {  	s5 =	sor.u32 @!p0 s5, s7;
	[sflag:s6] =	ssyncadd.s32 @!p0 $0xFFFFFFFF  }
0xb9: {  	s25 =	simm.s32 $0x1B8E;
	s24 =	sld [smem:$0x3FFE];
	[sflag:s5] =	ssyncadd.remote.s32 @!p0 $0x1  }
0xba: {  	s26 =	simm.s32 $execute0_lowered;
	[smem:$0x3FD2] =	sst s25  }
0xbb: {  	s6 =	sshll.u32 s26, $0x1;
	_ =	strace $0x80000049;
	[dreg:$0x1] =	wrdreg $0xFFFFFFFF  }
0xbc: {  	s28 =	simm.s32 $_size_execute0_lowered;
	s4 =	sadd.s32 s4, s6;
	[dreg:$0x0] =	wrdreg $0x0  }
0xbd: {  	s6 =	sshll.u32 s28, $0x1;
	[dreg:$0x2] =	wrdreg s4  }
0xbe: {  	[dreg:$0x3] =	wrdreg s6  }
0xbf: {  	[dreg:$0x4] =	wrdreg $0xC0  }
0xc0: {  	_ =	task [dreg:s22], $0x5FFFF  }
0xc1: {  	[dreg:$0x1] =	wrdreg $0xFFFFFFFF  }
0xc2: {  	[dreg:$0x0] =	wrdreg $0x60  }
0xc3: {  	[dreg:$0x2] =	wrdreg s24  }
0xc4: {  	[dreg:$0x3] =	wrdreg s17  }
0xc5: {  	[dreg:$0x4] =	wrdreg $0x138000  }
0xc6: {  	[dreg:$0x5] =	wrdreg $0xA  }
0xc7: {  	_ =	task.clear_ibuf [dreg:s22], $0x6FFFF;
	_ =	strace $0x90000049  }
0xc8: {  	s29 =	simm.s32 $0xA;
	_ =	strace $0x8000004B  }
0xc9: {  	_ =	swait.ge [sflag:s29], $0x1  }
0xca: {  	[sflag:s29] =	ssyncadd.s32 $0xFFFFFFFF  }
0xcb: {  	_ =	strace $0x9000004B  }
0xcc: {  	_ =	sfence  }
0xcd: {  	s30 =	sld [smem:$0x0];
	_ =	sdelay $0x2  }
0xce: {  	s31 =	sshll.u32 s1, $0xD;
	s1 =	sshrl.u32 s1, $0x2  }
0xcf: {  	s4 =	sand.u32 $0x4000, s31;
	s1 =	sadd.s32 s1, s30  }
0xd0: {  	s0 =	sor.u32 s4, s0;
	s1 =	sshll.u32 s1, $0x11  }
0xd1: {  	s0 =	sor.u32 s1, s0  }
0xd2: {  	s0 =	sadd.s32 $0x8F2B, s0  }
0xd3: {  	[sflag:s0] =	ssyncadd.remote.s32 $0x1  }
0xd4: {  	_ =	sfence.sel $0xFFFF  }
0xd5: {  	[dreg:$0x0] =	wrdreg $0xFFFFFFFF;
	(pc) =	sbr.abs _section_cstart, $3  }
0xd6: {  	[dreg:$0x1] =	wrdreg $0xFFFFFFFF  }
0xd7: {  	_ =	task.clear_ibuf [dreg:s22], $0x2FFFF;
	_ =	strace $0x9FFFFFFF  }
0xd8: {  	(tm) =	ssettm $0x7FFFFFFF  }
0xd9: {  	_ =	shalt  }
tec
execute0_lowered:
.L_overlay_start_1:
0x0: {  	(tag) =	ssettag $0x1  }
0x1: {  	s3 =	rddreg [dreg:$0x0]  }
0x2: {  	s5 =	rddreg [dreg:$0x1]  }
0x3: {  	s0 =	srdreg.scid;
	s1 =	rddreg [dreg:$0x2]  }
0x4: {  	s2 =	simm.s32 $0x0;
	s28 =	simm.s32 $0xC000;
	s8 =	sand.u32 $0x1, s0  }
0x5: {  	s29 =	simm.s32 $0x1;
	s0 =	stileid.u32;
	s4 =	smul.u32 $0x138C0, s8  }
0x6: {  	s30 =	simm.s32 $0x2000;
	[smem:$0x7FF] =	sst s2;
	s6 =	smul.u32 $0x27100, s8  }
0x7: {  	s31 =	simm.s32 $0x8000;
	s7 =	smul.u32 $0x500, s0;
	_ =	strace $0x8000004A  }
0x8: {  	s10 =	ssub.s32 $0x2, s8;
	s26 =	smul.u32 $0xC300, s0;
	s19 =	sshll.u32 s8, $0x2  }
0x9: {  	s22 =	sshllo.u32 s8, $0x2;
	s16 =	smul.u32 $0xC3500, s8;
	p0 =	sne.s32 s0, $0x0  }
0xa: {  	s0 =	simm.s32 $0x0;
	s12 =	sshrl.u32 s10, $0x1;
	s20 =	sor.u32 $0x1, s19  }
0xb: {  	s21 =	sor.u32 $0x2, s19;
	v3 =	vmov s22;
	s22 =	simm.s32 $0xE800;
	s9 =	sadd.s32 s4, s3  }
0xc: {  	s6 =	sadd.s32 s6, s3;
	s11 =	sadd.s32 s7, s3;
	s4 =	sadd.s32 $0x2B600, s3  }
0xd: {  	s3 =	ssub.s32 s10, s12;
	s5 =	sadd.s32 s5, s7;
	s7 =	sadd.s32 s26, s1  }
0xe: {  	v4 =	vlaneseq.u32;
	v6 =	vimm.s32 $0xEFCDAB89;
	s14 =	sadd.s32 $0x2080, s26;
	s15 =	sadd.s32 $0x4100, s26;
	s17 =	sadd.s32 $0x6180, s26  }
0xf: {  	v7 =	vimm.s32 $0x67452301;
	v6 =	vunpack.c.l.s4.s8 v6;
	v0 =	vmov s19;
	s13 =	sadd.s32 s26, s16;
	s19 =	sadd.s32 $0xA280, s26;
	s18 =	sadd.s32 $0x129C00, s11  }
0x10: {  	v5 =	vimm.s32 $0xFEDCBA98;
	vm4 =	vmmov $0xff;
	v7 =	vunpack.c.l.s4.s8 v7;
	[dreg:$0x4] =	wrdreg s5;
	s5 =	sadd.s32 $0x4400, s9;
	s6 =	sadd.s32 $0x12EC00, s6  }
0x11: {  	v6 =	vunpack.c.0.s8.s32 v6;
	v1 =	vmov s20;
	v2 =	vmov s21;
	s8 =	sadd.s32 s14, s1;
	s9 =	sadd.s32 s15, s1;
	s10 =	sadd.s32 s17, s1  }
0x12: {  	vm0 =	veq.s32 v3, v4;
	vm1 =	veq.s32 v2, v4;
	v2 =	vunpack.c.l.s4.s8 v5;
	s20 =	sshrl.u32 s13, $0x3;
	s12 =	sadd.s32 s19, s1;
	s13 =	sadd.s32 $0xC3000, s1  }
0x13: {  	vm3 =	veq.s32 v0, v4;
	v3 =	vimm.s32 $0x32107654;
	vm2 =	veq.s32 v1, v4;
	s14 =	sadd.s32 s16, s14;
	s15 =	sadd.s32 s16, s15;
	s17 =	sadd.s32 s16, s17  }
0x14: {  	v4 =	vimm.s32 $0xDCFE98BA;
	s21 =	smax.u32 s3, $0x1;
	[dreg:$0x5] =	wrdreg s18;
	s18 =	sadd.s32 $0x8200, s26;
	v1 =	vunpack.c.0.s8.s32 v2;
	v2 =	vimm.s32 $0xBA98FEDC  }
0x15: {  	v3 =	vunpack.c.l.s4.s8 v3;
	v5 =	vimm.s32 $0x54761032;
	s20 =	sadd.s32 s4, s20;
	s14 =	sshrl.u32 s14, $0x3;
	s15 =	sshrl.u32 s15, $0x3;
	v2 =	vunpack.c.l.s4.s8 v2  }
0x16: {  	v0 =	vimm.s32 $0x76543210;
	s17 =	sshrl.u32 s17, $0x3;
	v4 =	vunpack.c.l.s4.s8 v4;
	v5 =	vunpack.c.l.s4.s8 v5;
	s26 =	sadd.s32 s16, s19;
	s11 =	sadd.s32 s18, s1  }
0x17: {  	v0 =	vunpack.c.l.s4.s8 v0;
	[dreg:$0x6] =	wrdreg s20;
	s14 =	sadd.s32 s4, s14;
	s23 =	sadd.s32 s4, s15;
	v3 =	vunpack.c.0.s8.s32 v3;
	v2 =	vunpack.c.0.s8.s32 v2  }
0x18: {  	v7 =	vunpack.c.0.s8.s32 v7;
	s24 =	sadd.s32 s4, s17;
	s25 =	sadd.s32 s16, s18;
	[dreg:$0x7] =	wrdreg s14;
	v4 =	vunpack.c.0.s8.s32 v4;
	v5 =	vunpack.c.0.s8.s32 v5  }
0x19: {  	s16 =	sshrl.u32 s16, $0x3;
	s15 =	sshrl.u32 s26, $0x3;
	v8 =	vunpack.c.0.s8.s32 v0;
	v0 =	vimm.f32 $0.0e+00;
	[dreg:$0x8] =	wrdreg s23;
	v2 =	vcombine.low v3, v2  }
0x1a: {  	[dreg:$0x9] =	wrdreg s24;
	s14 =	sshrl.u32 s25, $0x3;
	s16 =	sadd.s32 s4, s16;
	v1 =	vand.u32 $0xF, v1;
	v3 =	vcombine.low v5, v4;
	v4 =	vcombine.low v7, v6  }
0x1b: {  	s19 =	sadd.s32 s4, s15;
	s23 =	simm.s32 $0x2;
	s24 =	simm.s32 $0x11000;
	v1 =	vcombine.low v1, v8;
	v5 =	vimm.s32 $0x0;
	v6 =	vimm.s32 $0x8  }
0x1c: {  	s25 =	simm.s32 $0x80;
	s18 =	sadd.s32 s4, s14;
	s20 =	sadd.s32 $0x18600, s16;
	v2 =	vand.u32 $0xF, v2;
	v3 =	vand.u32 $0xF, v3;
	v4 =	vand.u32 $0xF, v4  }
.LBB2_1:
0x1d: {  	s3 =	rddreg [dreg:$0x4]  }
0x1e: {  	[tilespmem:s22], [sflag:$0x2] =	stream.linear.gather [hbm4b:s3+s2], $0x2800, $0x38;
	[tilespmem:$0x1FB78] =	vst v63  }
0x1f: {  	_ =	swait.ge [sflag:s23], $0x2800  }
0x20: {  	[sflag:s23] =	ssyncset.done $0x0  }
0x21: {  	s17 =	rddreg [dreg:$0x5];
	[sflag:s23] =	ssyncadd.s32 $0xFFFFD800  }
0x22: {  	[tilespmem:s24], [sflag:$0x2] =	stream.linear.gather [hbm4b:s17+s2], $0x2800, $0x38;
	[tilespmem:$0x1FB78] =	vst v63  }
0x23: {  	_ =	swait.ge [sflag:s23], $0x2800  }
0x24: {  	[sflag:s23] =	ssyncset.done $0x0  }
0x25: {  	[sflag:s23] =	ssyncadd.s32 $0xFFFFD800  }
0x26: {  	[tilespmem:s2], [sflag:$0x1] =	stream.indirect.gather [hbm4b:s5+s25], $0x40, s24, s25, $0xb8;
	[tilespmem:$0x1FB78] =	vst v63  }
0x27: {  	s26 =	simm.s32 $0x4000;
	s4 =	simm.s32 $0x140;
	s3 =	simm.s32 $0x0  }
0x28: {  	[tilespmem:s26], [sflag:$0x1] =	stream.indirect.gather [hbm4b:s6+s25], $0x80, s22, s25, $0xb8;
	[tilespmem:$0x1FB78] =	vst v63  }
.LBB2_2:
0x29: {  	p1 =	sne.s32 s4, $0x9EC0;
	[tilespmem:s3+$0xC040] =	vst v0;
	s14 =	smov.u32 s4;
	s4 =	sadd.s32 $0x140, s4  }
.Ltmp0:
0x2a: {  	[tilespmem:s3+$0xC030] =	vst v0;
	(pc) =	sbr.rel @p1 .LBB2_2-.Ltmp0, $4  }
0x2b: {  	[tilespmem:s3+$0xC020] =	vst v0  }
0x2c: {  	[tilespmem:s3+$0xC000] =	vst v0  }
0x2d: {  	[tilespmem:s3+$0xC010] =	vst v0  }
0x2e: {  	s3 =	sshra.s32 s14, $0x2  }
0x2f: {  	[tilespmem:s3+$0xC040] =	vst v0  }
0x30: {  	[tilespmem:s3+$0xC030] =	vst v0  }
0x31: {  	[tilespmem:s3+$0xC020] =	vst v0  }
0x32: {  	[tilespmem:s3+$0xC000] =	vst v0  }
0x33: {  	[tilespmem:s3+$0xC010] =	vst v0  }
0x34: {  	[spmem:s7] =	stream.linear.scatter [tilespmem:s28], [sflag:$0x2], $0x2080, $0x38;
	[tilespmem:$0x1FB78] =	vst v63  }
0x35: {  	_ =	swait.ge [sflag:s23], $0x2080  }
0x36: {  	[sflag:s23] =	ssyncset.done $0x0  }
0x37: {  	[sflag:s23] =	ssyncadd.s32 $0xFFFFDF80  }
0x38: {  	[spmem:s8] =	stream.linear.scatter [tilespmem:s28], [sflag:$0x2], $0x2080, $0x38;
	[tilespmem:$0x1FB78] =	vst v63  }
0x39: {  	_ =	swait.ge [sflag:s23], $0x2080  }
0x3a: {  	[sflag:s23] =	ssyncset.done $0x0  }
0x3b: {  	[sflag:s23] =	ssyncadd.s32 $0xFFFFDF80  }
0x3c: {  	[spmem:s9] =	stream.linear.scatter [tilespmem:s28], [sflag:$0x2], $0x2080, $0x38;
	[tilespmem:$0x1FB78] =	vst v63  }
0x3d: {  	_ =	swait.ge [sflag:s23], $0x2080  }
0x3e: {  	[sflag:s23] =	ssyncset.done $0x0  }
0x3f: {  	[sflag:s23] =	ssyncadd.s32 $0xFFFFDF80  }
0x40: {  	[spmem:s10] =	stream.linear.scatter [tilespmem:s28], [sflag:$0x2], $0x2080, $0x38;
	[tilespmem:$0x1FB78] =	vst v63  }
0x41: {  	_ =	swait.ge [sflag:s23], $0x2080  }
0x42: {  	[sflag:s23] =	ssyncset.done $0x0  }
0x43: {  	[sflag:s23] =	ssyncadd.s32 $0xFFFFDF80  }
0x44: {  	[spmem:s11] =	stream.linear.scatter [tilespmem:s28], [sflag:$0x2], $0x2080, $0x38;
	[tilespmem:$0x1FB78] =	vst v63  }
0x45: {  	_ =	swait.ge [sflag:s23], $0x2080  }
0x46: {  	[sflag:s23] =	ssyncset.done $0x0  }
0x47: {  	[sflag:s23] =	ssyncadd.s32 $0xFFFFDF80  }
0x48: {  	[spmem:s12] =	stream.linear.scatter [tilespmem:s28], [sflag:$0x2], $0x2080, $0x38;
	[tilespmem:$0x1FB78] =	vst v63  }
0x49: {  	_ =	swait.ge [sflag:s23], $0x2080  }
0x4a: {  	[sflag:s23] =	ssyncset.done $0x0  }
0x4b: {  	s3 =	simm.s32 @!p0 $0xC000;
	[sflag:s23] =	ssyncadd.s32 $0xFFFFDF80  }
0x4c: {  	[spmem:s13] =	stream.linear.scatter @!p0 [tilespmem:s3], [sflag:$0x2], $0x780, $0x38;
	[tilespmem:$0x1FB78] =	vst v63  }
0x4d: {  	s3 =	simm.s32 @!p0 $0x2  }
0x4e: {  	_ =	swait.ge @!p0 [sflag:s3], $0x780  }
0x4f: {  	[sflag:s3] =	ssyncset.done @!p0 $0x0  }
0x50: {  	[sflag:s3] =	ssyncadd.s32 @!p0 $0xFFFFF880  }
0x51: {  	s26 =	simm.s32 $0x0;
	[bflag:$0x0] =	sbarrier.arrive $0xFFFF  }
.LBB2_4:
0x52: {  	_ =	swait.ge [sflag:s29], $0x2000  }
0x53: {  	[sflag:s29] =	ssyncset.done $0x0  }
0x54: {  	[sflag:s29] =	ssyncadd.s32 $0xFFFFE000  }
0x55: {  	_ =	swait.ge [sflag:s29], $0x4000  }
0x56: {  	s4 =	sshll.u32 s26, $0x8;
	[sflag:s29] =	ssyncset.done $0x0  }
0x57: {  	s3 =	sadd.s32 $0x11080, s4;
	[sflag:s29] =	ssyncadd.s32 $0xFFFFC000  }
0x58: {  	[tilespmem:s30], [sflag:$0x1] =	stream.indirect.gather [hbm4b:s5+s25], $0x40, s3, s25, $0xb8;
	[tilespmem:$0x1FB78] =	vst v63  }
0x59: {  	s15 =	simm.s32 $0x4040;
	s14 =	sadd.s32 $0xE880, s4  }
0x5a: {  	[tilespmem:s31], [sflag:$0x1] =	stream.indirect.gather [hbm4b:s6+s25], $0x80, s14, s25, $0xb8;
	[tilespmem:$0x1FB78] =	vst v63  }
0x5b: {  	s16 =	simm.s32 $0x0;
	v7 =	vld [tilespmem:s15+$0xFFFFFFC0]  }
0x5c: {  	v8 =	vld [tilespmem:s16+$0x10]  }
0x5d: {  	v9 =	vld [tilespmem:s15+$0xFFFFFFD0]  }
0x5e: {  	v10 =	vld [tilespmem:s16+$0x0];
	_ =	sdelay $0x4  }
0x5f: {  	v7 =	vmul.f32 v7, v10;
	v8 =	vmul.f32 v9, v8;
	_ =	sdelay $0x1  }
0x60: {  	v9 =	vperm.xlane v7, v1;
	v10 =	vperm.xlane v8, v1;
	_ =	sdelay $0x1  }
0x61: {  	v7 =	vadd.f32 v9, v7;
	v8 =	vadd.f32 v10, v8;
	_ =	sdelay $0x1  }
0x62: {  	v7 =	vsel vm4, v7, v8  }
0x63: {  	v8 =	vperm.xlane v7, v2;
	_ =	sdelay $0x1  }
0x64: {  	v7 =	vadd.f32 v7, v8;
	_ =	sdelay $0x1  }
0x65: {  	v8 =	vperm.xlane v7, v3;
	_ =	sdelay $0x1  }
0x66: {  	v7 =	vadd.f32 v7, v8;
	_ =	sdelay $0x1  }
0x67: {  	v8 =	vperm.xlane v7, v4;
	_ =	sdelay $0x1  }
0x68: {  	v7 =	vadd.f32 v7, v8;
	_ =	sdelay $0x1  }
0x69: {  	v7 =	vmul.f32 $1.442695020e+00, v7;
	_ =	sdelay $0x1  }
0x6a: {  	(erf) = vpow2.f32 v7;
	_ =	sdelay $0x6  }
0x6b: {  	v7 =	vld [tilespmem:s15+$0x0];
	_ =	sdelay $0x1  }
0x6c: {  	v8 =	vpop (erf)  }
0x6d: {  	v9 =	vperm.xlane v8, v5;
	_ =	sdelay $0x1  }
0x6e: {  	v7 =	vmul.f32 v7, v9  }
0x6f: {  	s14 =	simm.s32 $0xC020  }
0x70: {  	[tilespmem:s14+$0xFFFFFFE0] =	vst v7  }
0x71: {  	v7 =	vld [tilespmem:s15+$0x10];
	_ =	sdelay $0x2  }
0x72: {  	v8 =	vperm.xlane v8, v6;
	_ =	sdelay $0x1  }
0x73: {  	v7 =	vmul.f32 v7, v8;
	_ =	sdelay $0x1  }
0x74: {  	[tilespmem:s14+$0xFFFFFFF0] =	vst v7  }
0x75: {  	v7 =	vld [tilespmem:s16+$0x20]  }
0x76: {  	v10 =	vld [tilespmem:s15+$0xFFFFFFE0]  }
0x77: {  	v11 =	vld [tilespmem:s16+$0x30]  }
0x78: {  	v12 =	vld [tilespmem:s15+$0xFFFFFFF0];
	_ =	sdelay $0x4  }
0x79: {  	v7 =	vmul.f32 v10, v7;
	v10 =	vmul.f32 v12, v11;
	_ =	sdelay $0x1  }
0x7a: {  	v11 =	vperm.xlane v7, v1;
	v12 =	vperm.xlane v10, v1;
	_ =	sdelay $0x1  }
0x7b: {  	v7 =	vadd.f32 v11, v7;
	v10 =	vadd.f32 v12, v10;
	_ =	sdelay $0x1  }
0x7c: {  	v7 =	vsel vm4, v7, v10  }
0x7d: {  	v10 =	vperm.xlane v7, v2;
	_ =	sdelay $0x1  }
0x7e: {  	v7 =	vadd.f32 v7, v10;
	_ =	sdelay $0x1  }
0x7f: {  	v10 =	vperm.xlane v7, v3;
	_ =	sdelay $0x1  }
0x80: {  	v7 =	vadd.f32 v7, v10;
	_ =	sdelay $0x1  }
0x81: {  	v10 =	vperm.xlane v7, v4;
	_ =	sdelay $0x1  }
0x82: {  	v7 =	vadd.f32 v7, v10;
	_ =	sdelay $0x1  }
0x83: {  	v7 =	vmul.f32 $1.442695020e+00, v7;
	_ =	sdelay $0x1  }
0x84: {  	(erf) = vpow2.f32 v7;
	_ =	sdelay $0x6  }
0x85: {  	v7 =	vld [tilespmem:s15+$0x20];
	_ =	sdelay $0x1  }
0x86: {  	v10 =	vpop (erf)  }
0x87: {  	v11 =	vperm.xlane v10, v5;
	_ =	sdelay $0x1  }
0x88: {  	v7 =	vmul.f32 v7, v11;
	_ =	sdelay $0x1  }
0x89: {  	[tilespmem:s14+$0x0] =	vst v7  }
0x8a: {  	v7 =	vld [tilespmem:s15+$0x30];
	_ =	sdelay $0x1  }
0x8b: {  	v9 =	vnsel vm3, $0x0, v9  }
0x8c: {  	v8 =	vsel vm2, v8, v9;
	v9 =	vperm.xlane v10, v6  }
0x8d: {  	v8 =	vsel vm1, v11, v8  }
0x8e: {  	v8 =	vsel vm0, v9, v8;
	v7 =	vmul.f32 v7, v9  }
0x8f: {  	[tilespmem:s14+$0x20] =	vst v8  }
0x90: {  	s15 =	simm.s32 $0x40C0;
	[tilespmem:s14+$0x10] =	vst v7  }
0x91: {  	s17 =	simm.s32 $0x40;
	v7 =	vld [tilespmem:s15+$0xFFFFFFC0]  }
0x92: {  	v8 =	vld [tilespmem:s17+$0x10]  }
0x93: {  	v9 =	vld [tilespmem:s15+$0xFFFFFFD0]  }
0x94: {  	v10 =	vld [tilespmem:s17+$0x0];
	_ =	sdelay $0x1  }
0x95: {  	s16 =	simm.s32 $0x200  }
.LBB2_5:
0x96: {  	p1 =	sne.s32 s16, $0x7F00;
	_ =	sdelay $0x1  }
0x97: {  	v8 =	vmul.f32 v9, v8;
	v7 =	vmul.f32 v7, v10;
	_ =	sdelay $0x1  }
0x98: {  	v10 =	vperm.xlane v8, v1;
	v9 =	vperm.xlane v7, v1;
	_ =	sdelay $0x1  }
0x99: {  	v8 =	vadd.f32 v10, v8;
	v7 =	vadd.f32 v9, v7;
	_ =	sdelay $0x1  }
0x9a: {  	v7 =	vsel vm4, v7, v8  }
0x9b: {  	v8 =	vperm.xlane v7, v2;
	_ =	sdelay $0x1  }
0x9c: {  	v7 =	vadd.f32 v7, v8;
	_ =	sdelay $0x1  }
0x9d: {  	v8 =	vperm.xlane v7, v3;
	_ =	sdelay $0x1  }
0x9e: {  	v7 =	vadd.f32 v7, v8;
	_ =	sdelay $0x1  }
0x9f: {  	v8 =	vperm.xlane v7, v4;
	_ =	sdelay $0x1  }
0xa0: {  	v7 =	vadd.f32 v7, v8;
	_ =	sdelay $0x1  }
0xa1: {  	v7 =	vmul.f32 $1.442695020e+00, v7;
	_ =	sdelay $0x1  }
0xa2: {  	(erf) = vpow2.f32 v7;
	_ =	sdelay $0x6  }
0xa3: {  	v7 =	vld [tilespmem:s15+$0x0];
	_ =	sdelay $0x1  }
0xa4: {  	v8 =	vpop (erf)  }
0xa5: {  	v9 =	vperm.xlane v8, v5;
	_ =	sdelay $0x1  }
0xa6: {  	v7 =	vmul.f32 v7, v9;
	v9 =	vnsel vm3, $0x0, v9  }
0xa7: {  	s14 =	sadd.s32 $0x50, s14  }
0xa8: {  	[tilespmem:s14+$0xFFFFFFE0] =	vst v7  }
0xa9: {  	v7 =	vld [tilespmem:s15+$0x10];
	_ =	sdelay $0x2  }
0xaa: {  	v8 =	vperm.xlane v8, v6;
	_ =	sdelay $0x1  }
0xab: {  	v7 =	vmul.f32 v7, v8;
	v8 =	vsel vm2, v8, v9;
	_ =	sdelay $0x1  }
0xac: {  	[tilespmem:s14+$0xFFFFFFF0] =	vst v7  }
0xad: {  	v7 =	vld [tilespmem:s17+$0x20]  }
0xae: {  	v9 =	vld [tilespmem:s15+$0xFFFFFFE0]  }
0xaf: {  	v10 =	vld [tilespmem:s17+$0x30]  }
0xb0: {  	v11 =	vld [tilespmem:s15+$0xFFFFFFF0];
	_ =	sdelay $0x4  }
0xb1: {  	v7 =	vmul.f32 v9, v7;
	v9 =	vmul.f32 v11, v10;
	_ =	sdelay $0x1  }
0xb2: {  	v10 =	vperm.xlane v7, v1;
	v11 =	vperm.xlane v9, v1;
	_ =	sdelay $0x1  }
0xb3: {  	v7 =	vadd.f32 v10, v7;
	v9 =	vadd.f32 v11, v9;
	_ =	sdelay $0x1  }
0xb4: {  	v7 =	vsel vm4, v7, v9  }
0xb5: {  	v9 =	vperm.xlane v7, v2;
	_ =	sdelay $0x1  }
0xb6: {  	v7 =	vadd.f32 v7, v9;
	_ =	sdelay $0x1  }
0xb7: {  	v9 =	vperm.xlane v7, v3;
	_ =	sdelay $0x1  }
0xb8: {  	v7 =	vadd.f32 v7, v9;
	_ =	sdelay $0x1  }
0xb9: {  	v9 =	vperm.xlane v7, v4;
	_ =	sdelay $0x1  }
0xba: {  	v7 =	vadd.f32 v7, v9;
	_ =	sdelay $0x1  }
0xbb: {  	v7 =	vmul.f32 $1.442695020e+00, v7;
	_ =	sdelay $0x1  }
0xbc: {  	(erf) = vpow2.f32 v7;
	_ =	sdelay $0x6  }
0xbd: {  	v7 =	vld [tilespmem:s15+$0x20];
	_ =	sdelay $0x1  }
0xbe: {  	v9 =	vpop (erf)  }
0xbf: {  	v10 =	vperm.xlane v9, v5;
	_ =	sdelay $0x1  }
0xc0: {  	v7 =	vmul.f32 v7, v10;
	v8 =	vsel vm1, v10, v8;
	_ =	sdelay $0x1  }
0xc1: {  	[tilespmem:s14+$0x0] =	vst v7  }
0xc2: {  	v7 =	vld [tilespmem:s15+$0x30];
	_ =	sdelay $0x2  }
0xc3: {  	v9 =	vperm.xlane v9, v6;
	_ =	sdelay $0x1  }
0xc4: {  	v8 =	vsel vm0, v9, v8;
	v7 =	vmul.f32 v7, v9  }
0xc5: {  	[tilespmem:s14+$0x20] =	vst v8  }
0xc6: {  	s15 =	sadd.s32 $0x80, s15;
	[tilespmem:s14+$0x10] =	vst v7  }
0xc7: {  	s17 =	sshra.s32 s16, $0x2;
	v7 =	vld [tilespmem:s15+$0xFFFFFFC0]  }
.Ltmp1:
0xc8: {  	v8 =	vld [tilespmem:s17+$0x10];
	(pc) =	sbr.rel @p1 .LBB2_5-.Ltmp1, $3  }
0xc9: {  	v9 =	vld [tilespmem:s15+$0xFFFFFFD0]  }
0xca: {  	v10 =	vld [tilespmem:s17+$0x0];
	_ =	sdelay $0x1  }
0xcb: {  	s16 =	sadd.s32 $0x100, s16  }
0xcc: {  	_ =	sdelay $0x1  }
0xcd: {  	v8 =	vmul.f32 v9, v8;
	v7 =	vmul.f32 v7, v10;
	_ =	sdelay $0x1  }
0xce: {  	v10 =	vperm.xlane v8, v1;
	v9 =	vperm.xlane v7, v1;
	_ =	sdelay $0x1  }
0xcf: {  	v8 =	vadd.f32 v10, v8;
	v7 =	vadd.f32 v9, v7;
	_ =	sdelay $0x1  }
0xd0: {  	v7 =	vsel vm4, v7, v8  }
0xd1: {  	v8 =	vperm.xlane v7, v2;
	_ =	sdelay $0x1  }
0xd2: {  	v7 =	vadd.f32 v7, v8;
	_ =	sdelay $0x1  }
0xd3: {  	v8 =	vperm.xlane v7, v3;
	_ =	sdelay $0x1  }
0xd4: {  	v7 =	vadd.f32 v7, v8;
	_ =	sdelay $0x1  }
0xd5: {  	v8 =	vperm.xlane v7, v4;
	_ =	sdelay $0x1  }
0xd6: {  	v7 =	vadd.f32 v7, v8;
	_ =	sdelay $0x1  }
0xd7: {  	v7 =	vmul.f32 $1.442695020e+00, v7;
	_ =	sdelay $0x1  }
0xd8: {  	(erf) = vpow2.f32 v7;
	_ =	sdelay $0x6  }
0xd9: {  	v7 =	vld [tilespmem:s15+$0x0];
	_ =	sdelay $0x1  }
0xda: {  	v8 =	vpop (erf)  }
0xdb: {  	v9 =	vperm.xlane v8, v5;
	_ =	sdelay $0x1  }
0xdc: {  	v7 =	vmul.f32 v7, v9  }
0xdd: {  	s14 =	sadd.s32 $0x50, s14  }
0xde: {  	[tilespmem:s14+$0xFFFFFFE0] =	vst v7  }
0xdf: {  	v7 =	vld [tilespmem:s15+$0x10];
	_ =	sdelay $0x2  }
0xe0: {  	v8 =	vperm.xlane v8, v6;
	_ =	sdelay $0x1  }
0xe1: {  	v7 =	vmul.f32 v7, v8;
	_ =	sdelay $0x1  }
0xe2: {  	[tilespmem:s14+$0xFFFFFFF0] =	vst v7  }
0xe3: {  	v7 =	vld [tilespmem:s17+$0x20]  }
0xe4: {  	v10 =	vld [tilespmem:s15+$0xFFFFFFE0]  }
0xe5: {  	v11 =	vld [tilespmem:s17+$0x30]  }
0xe6: {  	v12 =	vld [tilespmem:s15+$0xFFFFFFF0];
	_ =	sdelay $0x4  }
0xe7: {  	v7 =	vmul.f32 v10, v7;
	v10 =	vmul.f32 v12, v11;
	_ =	sdelay $0x1  }
0xe8: {  	v11 =	vperm.xlane v7, v1;
	v12 =	vperm.xlane v10, v1;
	_ =	sdelay $0x1  }
0xe9: {  	v7 =	vadd.f32 v11, v7;
	v10 =	vadd.f32 v12, v10;
	_ =	sdelay $0x1  }
0xea: {  	v7 =	vsel vm4, v7, v10  }
0xeb: {  	v10 =	vperm.xlane v7, v2;
	_ =	sdelay $0x1  }
0xec: {  	v7 =	vadd.f32 v7, v10;
	_ =	sdelay $0x1  }
0xed: {  	v10 =	vperm.xlane v7, v3;
	_ =	sdelay $0x1  }
0xee: {  	v7 =	vadd.f32 v7, v10;
	_ =	sdelay $0x1  }
0xef: {  	v10 =	vperm.xlane v7, v4;
	_ =	sdelay $0x1  }
0xf0: {  	v7 =	vadd.f32 v7, v10;
	_ =	sdelay $0x1  }
0xf1: {  	v7 =	vmul.f32 $1.442695020e+00, v7;
	_ =	sdelay $0x1  }
0xf2: {  	(erf) = vpow2.f32 v7;
	_ =	sdelay $0x6  }
0xf3: {  	v7 =	vld [tilespmem:s15+$0x20];
	_ =	sdelay $0x1  }
0xf4: {  	v10 =	vpop (erf)  }
0xf5: {  	v11 =	vperm.xlane v10, v5;
	_ =	sdelay $0x1  }
0xf6: {  	v7 =	vmul.f32 v7, v11;
	_ =	sdelay $0x1  }
0xf7: {  	[tilespmem:s14+$0x0] =	vst v7  }
0xf8: {  	v7 =	vld [tilespmem:s15+$0x30];
	_ =	sdelay $0x1  }
0xf9: {  	v9 =	vnsel vm3, $0x0, v9  }
0xfa: {  	v8 =	vsel vm2, v8, v9;
	v9 =	vperm.xlane v10, v6  }
0xfb: {  	v8 =	vsel vm1, v11, v8  }
0xfc: {  	v8 =	vsel vm0, v9, v8;
	v7 =	vmul.f32 v7, v9  }
0xfd: {  	s17 =	sand.u32 $0x3FFFFF00, s4;
	[tilespmem:s14+$0x20] =	vst v8  }
0xfe: {  	s15 =	sadd.s32 $0x11000, s17;
	[tilespmem:s14+$0x10] =	vst v7  }
0xff: {  	[spmem:s1] =	stream.indirect.scatter.add.f32 [tilespmem:s28], [sflag:$0x2], $0x50, s15, s25, $0xb8;
	[tilespmem:$0x1FB78] =	vst v63  }
0x100: {  	_ =	swait.ge [sflag:s23], $0x2800  }
0x101: {  	[sflag:s23] =	ssyncset.done $0x0  }
0x102: {  	[sflag:s23] =	ssyncadd.s32 $0xFFFFD800  }
0x103: {  	_ =	swait.ge [sflag:s29], $0x2000  }
0x104: {  	[sflag:s29] =	ssyncset.done $0x0  }
0x105: {  	[sflag:s29] =	ssyncadd.s32 $0xFFFFE000  }
0x106: {  	p1 =	seq.s32 s26, $0x27;
	_ =	swait.ge [sflag:s29], $0x4000  }
0x107: {  	s16 =	simm.s32 @!p1 $0x0;
	[sflag:s29] =	ssyncset.done $0x0  }
0x108: {  	s14 =	sadd.s32 @!p1 $0x11100, s4;
	s15 =	simm.s32 @!p1 $0x80;
	[sflag:s29] =	ssyncadd.s32 $0xFFFFC000  }
0x109: {  	[tilespmem:s16], [sflag:$0x1] =	stream.indirect.gather @!p1 [hbm4b:s5+s15], $0x40, s14, s15, $0xb8;
	[tilespmem:$0x1FB78] =	vst v63  }
0x10a: {  	s4 =	sadd.s32 @!p1 $0xE900, s4;
	s14 =	simm.s32 @!p1 $0x4000;
	s16 =	simm.s32 $0x0  }
0x10b: {  	[tilespmem:s14], [sflag:$0x1] =	stream.indirect.gather @!p1 [hbm4b:s6+s15], $0x80, s4, s15, $0xb8;
	[tilespmem:$0x1FB78] =	vst v63  }
0x10c: {  	s17 =	simm.s32 $0x2030;
	v7 =	vld [tilespmem:s16+$0x8000]  }
0x10d: {  	v8 =	vld [tilespmem:s17+$0xFFFFFFE0]  }
0x10e: {  	v9 =	vld [tilespmem:s16+$0x8010]  }
0x10f: {  	v10 =	vld [tilespmem:s17+$0xFFFFFFD0];
	_ =	sdelay $0x4  }
0x110: {  	v7 =	vmul.f32 v7, v10;
	v8 =	vmul.f32 v9, v8;
	_ =	sdelay $0x1  }
0x111: {  	v9 =	vperm.xlane v7, v1;
	v10 =	vperm.xlane v8, v1;
	_ =	sdelay $0x1  }
0x112: {  	v7 =	vadd.f32 v9, v7;
	v8 =	vadd.f32 v10, v8;
	_ =	sdelay $0x1  }
0x113: {  	v7 =	vsel vm4, v7, v8  }
0x114: {  	v8 =	vperm.xlane v7, v2;
	_ =	sdelay $0x1  }
0x115: {  	v7 =	vadd.f32 v7, v8;
	_ =	sdelay $0x1  }
0x116: {  	v8 =	vperm.xlane v7, v3;
	_ =	sdelay $0x1  }
0x117: {  	v7 =	vadd.f32 v7, v8;
	_ =	sdelay $0x1  }
0x118: {  	v8 =	vperm.xlane v7, v4;
	_ =	sdelay $0x1  }
0x119: {  	v7 =	vadd.f32 v7, v8;
	_ =	sdelay $0x1  }
0x11a: {  	v7 =	vmul.f32 $1.442695020e+00, v7;
	_ =	sdelay $0x1  }
0x11b: {  	(erf) = vpow2.f32 v7;
	_ =	sdelay $0x6  }
0x11c: {  	v7 =	vld [tilespmem:s16+$0x8040];
	_ =	sdelay $0x1  }
0x11d: {  	v8 =	vpop (erf)  }
0x11e: {  	v9 =	vperm.xlane v8, v5;
	_ =	sdelay $0x1  }
0x11f: {  	v7 =	vmul.f32 v7, v9  }
0x120: {  	s4 =	simm.s32 $0xC020  }
0x121: {  	[tilespmem:s4+$0xFFFFFFE0] =	vst v7  }
0x122: {  	v7 =	vld [tilespmem:s16+$0x8050];
	_ =	sdelay $0x2  }
0x123: {  	v8 =	vperm.xlane v8, v6;
	_ =	sdelay $0x1  }
0x124: {  	v7 =	vmul.f32 v7, v8;
	_ =	sdelay $0x1  }
0x125: {  	[tilespmem:s4+$0xFFFFFFF0] =	vst v7  }
0x126: {  	v7 =	vld [tilespmem:s17+$0xFFFFFFF0]  }
0x127: {  	v10 =	vld [tilespmem:s16+$0x8020]  }
0x128: {  	v11 =	vld [tilespmem:s17+$0x0]  }
0x129: {  	v63 =	vld [tilespmem:s16+$0x8030];
	_ =	sdelay $0x4  }
0x12a: {  	v7 =	vmul.f32 v10, v7;
	v10 =	vmul.f32 v63, v11;
	_ =	sdelay $0x1  }
0x12b: {  	v11 =	vperm.xlane v7, v1;
	v12 =	vperm.xlane v10, v1;
	_ =	sdelay $0x1  }
0x12c: {  	v7 =	vadd.f32 v11, v7;
	v10 =	vadd.f32 v12, v10;
	_ =	sdelay $0x1  }
0x12d: {  	v7 =	vsel vm4, v7, v10  }
0x12e: {  	v10 =	vperm.xlane v7, v2;
	_ =	sdelay $0x1  }
0x12f: {  	v7 =	vadd.f32 v7, v10;
	_ =	sdelay $0x1  }
0x130: {  	v10 =	vperm.xlane v7, v3;
	_ =	sdelay $0x1  }
0x131: {  	v7 =	vadd.f32 v7, v10;
	_ =	sdelay $0x1  }
0x132: {  	v10 =	vperm.xlane v7, v4;
	_ =	sdelay $0x1  }
0x133: {  	v7 =	vadd.f32 v7, v10;
	_ =	sdelay $0x1  }
0x134: {  	v7 =	vmul.f32 $1.442695020e+00, v7;
	_ =	sdelay $0x1  }
0x135: {  	(erf) = vpow2.f32 v7;
	_ =	sdelay $0x6  }
0x136: {  	v7 =	vld [tilespmem:s16+$0x8060];
	_ =	sdelay $0x1  }
0x137: {  	v10 =	vpop (erf)  }
0x138: {  	v11 =	vperm.xlane v10, v5;
	_ =	sdelay $0x1  }
0x139: {  	v7 =	vmul.f32 v7, v11;
	_ =	sdelay $0x1  }
0x13a: {  	[tilespmem:s4+$0x0] =	vst v7  }
0x13b: {  	v7 =	vld [tilespmem:s16+$0x8070];
	_ =	sdelay $0x1  }
0x13c: {  	v9 =	vnsel vm3, $0x0, v9  }
0x13d: {  	v8 =	vsel vm2, v8, v9;
	v9 =	vperm.xlane v10, v6  }
0x13e: {  	v8 =	vsel vm1, v11, v8  }
0x13f: {  	v8 =	vsel vm0, v9, v8;
	v7 =	vmul.f32 v7, v9  }
0x140: {  	[tilespmem:s4+$0x20] =	vst v8  }
0x141: {  	s14 =	simm.s32 $0x80;
	[tilespmem:s4+$0x10] =	vst v7  }
0x142: {  	s15 =	simm.s32 $0x2070;
	v7 =	vld [tilespmem:s14+$0x8000]  }
0x143: {  	v8 =	vld [tilespmem:s15+$0xFFFFFFE0]  }
0x144: {  	v9 =	vld [tilespmem:s14+$0x8010]  }
0x145: {  	v10 =	vld [tilespmem:s15+$0xFFFFFFD0];
	_ =	sdelay $0x1  }
0x146: {  	s16 =	simm.s32 $0x400  }
.LBB2_7:
0x147: {  	p1 =	sne.s32 s16, $0xFE00;
	_ =	sdelay $0x1  }
0x148: {  	v8 =	vmul.f32 v9, v8;
	v7 =	vmul.f32 v7, v10;
	_ =	sdelay $0x1  }
0x149: {  	v10 =	vperm.xlane v8, v1;
	v9 =	vperm.xlane v7, v1;
	_ =	sdelay $0x1  }
0x14a: {  	v8 =	vadd.f32 v10, v8;
	v7 =	vadd.f32 v9, v7;
	_ =	sdelay $0x1  }
0x14b: {  	v7 =	vsel vm4, v7, v8  }
0x14c: {  	v8 =	vperm.xlane v7, v2;
	_ =	sdelay $0x1  }
0x14d: {  	v7 =	vadd.f32 v7, v8;
	_ =	sdelay $0x1  }
0x14e: {  	v8 =	vperm.xlane v7, v3;
	_ =	sdelay $0x1  }
0x14f: {  	v7 =	vadd.f32 v7, v8;
	_ =	sdelay $0x1  }
0x150: {  	v8 =	vperm.xlane v7, v4;
	_ =	sdelay $0x1  }
0x151: {  	v7 =	vadd.f32 v7, v8;
	_ =	sdelay $0x1  }
0x152: {  	v7 =	vmul.f32 $1.442695020e+00, v7;
	_ =	sdelay $0x1  }
0x153: {  	(erf) = vpow2.f32 v7;
	_ =	sdelay $0x6  }
0x154: {  	v7 =	vld [tilespmem:s14+$0x8040];
	_ =	sdelay $0x1  }
0x155: {  	v8 =	vpop (erf)  }
0x156: {  	v9 =	vperm.xlane v8, v5;
	_ =	sdelay $0x1  }
0x157: {  	v7 =	vmul.f32 v7, v9;
	v9 =	vnsel vm3, $0x0, v9  }
0x158: {  	s4 =	sadd.s32 $0x50, s4  }
0x159: {  	[tilespmem:s4+$0xFFFFFFE0] =	vst v7  }
0x15a: {  	v7 =	vld [tilespmem:s14+$0x8050];
	_ =	sdelay $0x2  }
0x15b: {  	v8 =	vperm.xlane v8, v6;
	_ =	sdelay $0x1  }
0x15c: {  	v7 =	vmul.f32 v7, v8;
	v8 =	vsel vm2, v8, v9;
	_ =	sdelay $0x1  }
0x15d: {  	[tilespmem:s4+$0xFFFFFFF0] =	vst v7  }
0x15e: {  	v7 =	vld [tilespmem:s15+$0xFFFFFFF0]  }
0x15f: {  	v9 =	vld [tilespmem:s14+$0x8020]  }
0x160: {  	v10 =	vld [tilespmem:s15+$0x0]  }
0x161: {  	v11 =	vld [tilespmem:s14+$0x8030];
	_ =	sdelay $0x4  }
0x162: {  	v7 =	vmul.f32 v9, v7;
	v9 =	vmul.f32 v11, v10;
	_ =	sdelay $0x1  }
0x163: {  	v10 =	vperm.xlane v7, v1;
	v11 =	vperm.xlane v9, v1;
	_ =	sdelay $0x1  }
0x164: {  	v7 =	vadd.f32 v10, v7;
	v9 =	vadd.f32 v11, v9;
	_ =	sdelay $0x1  }
0x165: {  	v7 =	vsel vm4, v7, v9  }
0x166: {  	v9 =	vperm.xlane v7, v2;
	_ =	sdelay $0x1  }
0x167: {  	v7 =	vadd.f32 v7, v9;
	_ =	sdelay $0x1  }
0x168: {  	v9 =	vperm.xlane v7, v3;
	_ =	sdelay $0x1  }
0x169: {  	v7 =	vadd.f32 v7, v9;
	_ =	sdelay $0x1  }
0x16a: {  	v9 =	vperm.xlane v7, v4;
	_ =	sdelay $0x1  }
0x16b: {  	v7 =	vadd.f32 v7, v9;
	_ =	sdelay $0x1  }
0x16c: {  	v7 =	vmul.f32 $1.442695020e+00, v7;
	_ =	sdelay $0x1  }
0x16d: {  	(erf) = vpow2.f32 v7;
	_ =	sdelay $0x6  }
0x16e: {  	v7 =	vld [tilespmem:s14+$0x8060];
	_ =	sdelay $0x1  }
0x16f: {  	v9 =	vpop (erf)  }
0x170: {  	v10 =	vperm.xlane v9, v5;
	_ =	sdelay $0x1  }
0x171: {  	v7 =	vmul.f32 v7, v10;
	v8 =	vsel vm1, v10, v8;
	_ =	sdelay $0x1  }
0x172: {  	[tilespmem:s4+$0x0] =	vst v7  }
0x173: {  	v7 =	vld [tilespmem:s14+$0x8070];
	_ =	sdelay $0x2  }
0x174: {  	v9 =	vperm.xlane v9, v6;
	_ =	sdelay $0x1  }
0x175: {  	v8 =	vsel vm0, v9, v8;
	v7 =	vmul.f32 v7, v9  }
0x176: {  	[tilespmem:s4+$0x20] =	vst v8  }
0x177: {  	s14 =	sshra.s32 s16, $0x2;
	[tilespmem:s4+$0x10] =	vst v7  }
0x178: {  	s15 =	sadd.s32 $0x40, s15;
	v7 =	vld [tilespmem:s14+$0x8000]  }
.Ltmp2:
0x179: {  	v8 =	vld [tilespmem:s15+$0xFFFFFFE0];
	(pc) =	sbr.rel @p1 .LBB2_7-.Ltmp2, $3  }
0x17a: {  	v9 =	vld [tilespmem:s14+$0x8010]  }
0x17b: {  	v10 =	vld [tilespmem:s15+$0xFFFFFFD0];
	_ =	sdelay $0x1  }
0x17c: {  	s16 =	sadd.s32 $0x200, s16  }
0x17d: {  	_ =	sdelay $0x1  }
0x17e: {  	v8 =	vmul.f32 v9, v8;
	v7 =	vmul.f32 v7, v10;
	_ =	sdelay $0x1  }
0x17f: {  	v56 =	vperm.xlane v8, v1;
	v55 =	vperm.xlane v7, v1;
	_ =	sdelay $0x1  }
0x180: {  	v8 =	vadd.f32 v56, v8;
	v7 =	vadd.f32 v55, v7;
	_ =	sdelay $0x1  }
0x181: {  	v7 =	vsel vm4, v7, v8  }
0x182: {  	v8 =	vperm.xlane v7, v2;
	_ =	sdelay $0x1  }
0x183: {  	v7 =	vadd.f32 v7, v8;
	_ =	sdelay $0x1  }
0x184: {  	v8 =	vperm.xlane v7, v3;
	_ =	sdelay $0x1  }
0x185: {  	v7 =	vadd.f32 v7, v8;
	_ =	sdelay $0x1  }
0x186: {  	v8 =	vperm.xlane v7, v4;
	_ =	sdelay $0x1  }
0x187: {  	v7 =	vadd.f32 v7, v8;
	_ =	sdelay $0x1  }
0x188: {  	v7 =	vmul.f32 $1.442695020e+00, v7;
	_ =	sdelay $0x1  }
0x189: {  	(erf) = vpow2.f32 v7;
	_ =	sdelay $0x6  }
0x18a: {  	v7 =	vld [tilespmem:s14+$0x8040];
	_ =	sdelay $0x1  }
0x18b: {  	v8 =	vpop (erf)  }
0x18c: {  	v57 =	vperm.xlane v8, v5;
	_ =	sdelay $0x1  }
0x18d: {  	v7 =	vmul.f32 v7, v57  }
0x18e: {  	s4 =	sadd.s32 $0x50, s4  }
0x18f: {  	[tilespmem:s4+$0xFFFFFFE0] =	vst v7  }
0x190: {  	v7 =	vld [tilespmem:s14+$0x8050];
	_ =	sdelay $0x2  }
0x191: {  	v8 =	vperm.xlane v8, v6;
	_ =	sdelay $0x1  }
0x192: {  	v7 =	vmul.f32 v7, v8;
	_ =	sdelay $0x1  }
0x193: {  	[tilespmem:s4+$0xFFFFFFF0] =	vst v7  }
0x194: {  	v7 =	vld [tilespmem:s15+$0xFFFFFFF0]  }
0x195: {  	v58 =	vld [tilespmem:s14+$0x8020]  }
0x196: {  	v11 =	vld [tilespmem:s15+$0x0]  }
0x197: {  	v12 =	vld [tilespmem:s14+$0x8030];
	_ =	sdelay $0x4  }
0x198: {  	v7 =	vmul.f32 v58, v7;
	v59 =	vmul.f32 v12, v11;
	_ =	sdelay $0x1  }
0x199: {  	v60 =	vperm.xlane v7, v1;
	v12 =	vperm.xlane v59, v1;
	_ =	sdelay $0x1  }
0x19a: {  	v7 =	vadd.f32 v60, v7;
	v10 =	vadd.f32 v12, v59;
	_ =	sdelay $0x1  }
0x19b: {  	v7 =	vsel vm4, v7, v10  }
0x19c: {  	v10 =	vperm.xlane v7, v2;
	_ =	sdelay $0x1  }
0x19d: {  	v7 =	vadd.f32 v7, v10;
	_ =	sdelay $0x1  }
0x19e: {  	v10 =	vperm.xlane v7, v3;
	_ =	sdelay $0x1  }
0x19f: {  	v7 =	vadd.f32 v7, v10;
	_ =	sdelay $0x1  }
0x1a0: {  	v10 =	vperm.xlane v7, v4;
	_ =	sdelay $0x1  }
0x1a1: {  	v7 =	vadd.f32 v7, v10;
	_ =	sdelay $0x1  }
0x1a2: {  	v7 =	vmul.f32 $1.442695020e+00, v7;
	_ =	sdelay $0x1  }
0x1a3: {  	(erf) = vpow2.f32 v7;
	_ =	sdelay $0x6  }
0x1a4: {  	v7 =	vld [tilespmem:s14+$0x8060];
	_ =	sdelay $0x1  }
0x1a5: {  	v61 =	vpop (erf)  }
0x1a6: {  	v62 =	vperm.xlane v61, v5;
	_ =	sdelay $0x1  }
0x1a7: {  	v7 =	vmul.f32 v7, v62;
	_ =	sdelay $0x1  }
0x1a8: {  	[tilespmem:s4+$0x0] =	vst v7  }
0x1a9: {  	v7 =	vld [tilespmem:s14+$0x8070];
	_ =	sdelay $0x1  }
0x1aa: {  	v9 =	vnsel vm3, $0x0, v57  }
0x1ab: {  	v8 =	vsel vm2, v8, v9;
	v63 =	vperm.xlane v61, v6  }
0x1ac: {  	v8 =	vsel vm1, v62, v8  }
0x1ad: {  	s26 =	sadd.s32 $0x1, s26;
	v8 =	vsel vm0, v63, v8;
	v7 =	vmul.f32 v7, v63  }
0x1ae: {  	p1 =	sne.s32 s26, $0x28;
	[tilespmem:s4+$0x20] =	vst v8  }
.Ltmp3:
0x1af: {  	[tilespmem:s4+$0x10] =	vst v7;
	(pc) =	sbr.rel @p1 .LBB2_4-.Ltmp3, $4  }
0x1b0: {  	[spmem:s1] =	stream.indirect.scatter.add.f32 [tilespmem:s28], [sflag:$0x2], $0x50, s3, s25, $0xb8;
	[tilespmem:$0x1FB78] =	vst v63  }
0x1b1: {  	_ =	swait.ge [sflag:s23], $0x2800  }
0x1b2: {  	[sflag:s23] =	ssyncset.done $0x0  }
0x1b3: {  	[sflag:s23] =	ssyncadd.s32 $0xFFFFD800  }
0x1b4: {  	[bflag:$0x0] =	sbarrier.arrive $0xFFFF  }
0x1b5: {  	[tilespmem:s28], [sflag:$0x2] =	stream.linear.gather [spmem:s7], $0x2080, $0x38;
	[tilespmem:$0x1FB78] =	vst v63  }
0x1b6: {  	_ =	swait.ge [sflag:s23], $0x2080  }
0x1b7: {  	[sflag:s23] =	ssyncset.done $0x0  }
0x1b8: {  	s3 =	rddreg [dreg:$0x6];
	[sflag:s23] =	ssyncadd.s32 $0xFFFFDF80  }
0x1b9: {  	[hbm4b:s3+s2] =	stream.linear.scatter [tilespmem:s28], [sflag:$0x2], $0x2080, $0x38;
	[tilespmem:$0x1FB78] =	vst v63  }
0x1ba: {  	_ =	swait.ge [sflag:s23], $0x2080  }
0x1bb: {  	[sflag:s23] =	ssyncset.done $0x0  }
0x1bc: {  	[sflag:s23] =	ssyncadd.s32 $0xFFFFDF80  }
0x1bd: {  	[tilespmem:s28], [sflag:$0x2] =	stream.linear.gather [spmem:s8], $0x2080, $0x38;
	[tilespmem:$0x1FB78] =	vst v63  }
0x1be: {  	_ =	swait.ge [sflag:s23], $0x2080  }
0x1bf: {  	[sflag:s23] =	ssyncset.done $0x0  }
0x1c0: {  	s16 =	rddreg [dreg:$0x7];
	[sflag:s23] =	ssyncadd.s32 $0xFFFFDF80  }
0x1c1: {  	[hbm4b:s16+s2] =	stream.linear.scatter [tilespmem:s28], [sflag:$0x2], $0x2080, $0x38;
	[tilespmem:$0x1FB78] =	vst v63  }
0x1c2: {  	_ =	swait.ge [sflag:s23], $0x2080  }
0x1c3: {  	[sflag:s23] =	ssyncset.done $0x0  }
0x1c4: {  	[sflag:s23] =	ssyncadd.s32 $0xFFFFDF80  }
0x1c5: {  	[tilespmem:s28], [sflag:$0x2] =	stream.linear.gather [spmem:s9], $0x2080, $0x38;
	[tilespmem:$0x1FB78] =	vst v63  }
0x1c6: {  	_ =	swait.ge [sflag:s23], $0x2080  }
0x1c7: {  	[sflag:s23] =	ssyncset.done $0x0  }
0x1c8: {  	s17 =	rddreg [dreg:$0x8];
	[sflag:s23] =	ssyncadd.s32 $0xFFFFDF80  }
0x1c9: {  	[hbm4b:s17+s2] =	stream.linear.scatter [tilespmem:s28], [sflag:$0x2], $0x2080, $0x38;
	[tilespmem:$0x1FB78] =	vst v63  }
0x1ca: {  	_ =	swait.ge [sflag:s23], $0x2080  }
0x1cb: {  	[sflag:s23] =	ssyncset.done $0x0  }
0x1cc: {  	[sflag:s23] =	ssyncadd.s32 $0xFFFFDF80  }
0x1cd: {  	[tilespmem:s28], [sflag:$0x2] =	stream.linear.gather [spmem:s10], $0x2080, $0x38;
	[tilespmem:$0x1FB78] =	vst v63  }
0x1ce: {  	_ =	swait.ge [sflag:s23], $0x2080  }
0x1cf: {  	[sflag:s23] =	ssyncset.done $0x0  }
0x1d0: {  	s26 =	rddreg [dreg:$0x9];
	[sflag:s23] =	ssyncadd.s32 $0xFFFFDF80  }
0x1d1: {  	[hbm4b:s26+s2] =	stream.linear.scatter [tilespmem:s28], [sflag:$0x2], $0x2080, $0x38;
	[tilespmem:$0x1FB78] =	vst v63  }
0x1d2: {  	_ =	swait.ge [sflag:s23], $0x2080  }
0x1d3: {  	[sflag:s23] =	ssyncset.done $0x0  }
0x1d4: {  	[sflag:s23] =	ssyncadd.s32 $0xFFFFDF80  }
0x1d5: {  	[tilespmem:s28], [sflag:$0x2] =	stream.linear.gather [spmem:s11], $0x2080, $0x38;
	[tilespmem:$0x1FB78] =	vst v63  }
0x1d6: {  	_ =	swait.ge [sflag:s23], $0x2080  }
0x1d7: {  	[sflag:s23] =	ssyncset.done $0x0  }
0x1d8: {  	[sflag:s23] =	ssyncadd.s32 $0xFFFFDF80  }
0x1d9: {  	[hbm4b:s18+s2] =	stream.linear.scatter [tilespmem:s28], [sflag:$0x2], $0x2080, $0x38;
	[tilespmem:$0x1FB78] =	vst v63  }
0x1da: {  	_ =	swait.ge [sflag:s23], $0x2080  }
0x1db: {  	[sflag:s23] =	ssyncset.done $0x0  }
0x1dc: {  	[sflag:s23] =	ssyncadd.s32 $0xFFFFDF80  }
0x1dd: {  	[tilespmem:s28], [sflag:$0x2] =	stream.linear.gather [spmem:s12], $0x2080, $0x38;
	[tilespmem:$0x1FB78] =	vst v63  }
0x1de: {  	_ =	swait.ge [sflag:s23], $0x2080  }
0x1df: {  	[sflag:s23] =	ssyncset.done $0x0  }
0x1e0: {  	[sflag:s23] =	ssyncadd.s32 $0xFFFFDF80  }
0x1e1: {  	[hbm4b:s19+s2] =	stream.linear.scatter [tilespmem:s28], [sflag:$0x2], $0x2080, $0x38;
	[tilespmem:$0x1FB78] =	vst v63  }
0x1e2: {  	_ =	swait.ge [sflag:s23], $0x2080  }
0x1e3: {  	[sflag:s23] =	ssyncset.done $0x0  }
0x1e4: {  	s4 =	simm.s32 @!p0 $0x2;
	s3 =	simm.s32 @!p0 $0xC000;
	[sflag:s23] =	ssyncadd.s32 $0xFFFFDF80  }
0x1e5: {  	[tilespmem:s3], [sflag:$0x2] =	stream.linear.gather @!p0 [spmem:s13], $0x500, $0x38;
	[tilespmem:$0x1FB78] =	vst v63  }
0x1e6: {  	s0 =	sadd.s32 $0x1, s0;
	_ =	swait.ge @!p0 [sflag:s4], $0x500  }
0x1e7: {  	p1 =	sne.s32 s0, s21;
	[sflag:s4] =	ssyncset.done @!p0 $0x0  }
.Ltmp4:
0x1e8: {  	s14 =	simm.s32 @!p0 $0x0;
	[sflag:s4] =	ssyncadd.s32 @!p0 $0xFFFFFB00;
	(pc) =	sbr.rel @p1 .LBB2_1-.Ltmp4, $4  }
0x1e9: {  	[hbm4b:s20+s14] =	stream.linear.scatter @!p0 [tilespmem:s3], [sflag:$0x2], $0x500, $0x38;
	[tilespmem:$0x1FB78] =	vst v63  }
0x1ea: {  	_ =	swait.ge @!p0 [sflag:s4], $0x500  }
0x1eb: {  	[sflag:s4] =	ssyncset.done @!p0 $0x0  }
0x1ec: {  	[sflag:s4] =	ssyncadd.s32 @!p0 $0xFFFFFB00  }
0x1ed: {  	_ =	sfence.sel $0x180000  }
0x1ee: {  	[bflag:$0x0] =	sbarrier.arrive $0xFFFF  }
0x1ef: {  	_ =	strace $0x9000004A  }
0x1f0: {  	[bflag:$0x2] =	sbarrier.arrive $0xFFFF  }
0x1f1: {  	s0 =	rddreg [dreg:$0x3]  }
0x1f2: {  	s0 =	sadd.s32 @!p0 $0x100000, s0  }
0x1f3: {  	[sflag:s0] =	ssyncadd.tile.s32 @!p0 $0x1;
	_ =	shalt  }
.Lfunc_end2:
_tile_overlayer_lowered:
.L_overlay_start_2:
0x1f4: {  	(tag) =	ssettag $0x2  }
0x1f5: {  	s0 =	rddreg [dreg:$0x0];
	s2 =	stileid.u32  }
0x1f6: {  	s1 =	rddreg [dreg:$0x1];
	p0 =	sne.s32 s2, $0x0  }
0x1f7: {  	s3 =	rddreg [dreg:$0x2];
	[bflag:$0x3] =	sbarrier.arrive $0xFFFF;
	s2 =	simm.s32 @!p0 $0x1C02  }
0x1f8: {  	[timem:s3], [sflag:s2] =	dma.local @!p0 [hbm:s0], s1  }
0x1f9: {  	s0 =	simm.s32 @!p0 $0x2  }
0x1fa: {  	_ =	swait.ge @!p0 [sflag:s0], s1  }
0x1fb: {  	s1 =	ssub.s32 @!p0 $0x0, s1;
	[sflag:s0] =	ssyncset.done @!p0 $0x0  }
0x1fc: {  	[sflag:s0] =	ssyncadd.s32 @!p0 s1  }
0x1fd: {  	[bflag:$0x3] =	sbarrier.arrive $0xFFFF  }
0x1fe: {  	_ =	shalt  }

// kernel: kernel.8.cloned.1.call-start
scs
__scs_entry_jumppad:
0x0: {  	(pc) =	sbr.rel $0x88, $3  }
0x1: {  	(tag) =	ssettag $0x0;
	lr =	simm.s32 $0x1  }
0x2: {  	[smem:$0x3F86] =	sst lr;
	_ =	strace $0xD0000000  }
0x3: {  	_ = 	snop  }
0x4: {  	_ = 	snop  }
0x5: {  	_ = 	snop  }
0x6: {  	_ = 	snop  }
0x7: {  	_ = 	snop  }
__scs_overlays_trampoline_lowered:
0x8: {  	[smem:$0x3F95] =	sst s0  }
0x9: {  	[smem:$0x3F96] =	sst s1  }
0xa: {  	[smem:$0x3F97] =	sst s2  }
0xb: {  	[smem:$0x3F98] =	sst s3  }
0xc: {  	[smem:$0x3F99] =	sst s4  }
0xd: {  	[smem:$0x3F9A] =	sst s5  }
0xe: {  	[smem:$0x3F9B] =	sst s6  }
0xf: {  	[smem:$0x3F9C] =	sst s7  }
0x10: {  	[smem:$0x3F9D] =	sst s8  }
0x11: {  	[smem:$0x3F9E] =	sst s9;
	s0 =	simm.s32 @!p0 $0x0  }
0x12: {  	s1 =	sld [smem:$0x3F84];
	s0 =	simm.s32 @p0 $0x1  }
0x13: {  	[smem:$0x3F9F] =	sst s0;
	s0 =	simm.s32 @!p1 $0x0  }
0x14: {  	s2 =	sld [smem:$0x3F83];
	s0 =	simm.s32 @p1 $0x1  }
0x15: {  	[smem:$0x3FA0] =	sst s0;
	s0 =	simm.s32 @!p2 $0x0  }
0x16: {  	s3 =	sld [smem:$0x3FDB];
	s0 =	simm.s32 @p2 $0x1  }
0x17: {  	s4 =	simm.s32 $0x1BF5;
	[smem:$0x3FA2] =	sst s0  }
0x18: {  	s0 =	sld [smem:$0x3F85];
	_ =	swait.ge [sflag:s4], $0x0  }
0x19: {  	s7 =	sld [smem:$0x3F86]  }
0x1a: {  	s8 =	sadd.s32 $0xFFFFE003, lr  }
0x1b: {  	s9 =	sadd.s32 $0xFFFFFEF7, lr;
	s5 =	simm.s32 $0xFFFFFFFF;
	p2 =	slt.u32 s8, $0xFFFFF086  }
0x1c: {  	p1 =	slt.u32 s9, $0xF7A;
	s5 =	simm.s32 @!p2 $0x0  }
0x1d: {  	s5 =	simm.s32 @p1 $0x1;
	p0 =	seq.s32 s7, s2  }
0x1e: {  	s7 =	smul.u32 @!p0 $0xF7A, s2;
	p2 =	seq.s32 @!p0 s5, $0x0  }
0x1f: {  	s9 =	smul.u32 $0xF7A, s1;
	s8 =	simm.s32 @!p0 $0x1BF5;
	p2 =	por !p2, p0  }
0x20: {  	[sflag:s8] =	ssyncset.s32 @!p0 $0xFFFFF086;
	s6 =	sadd.s32 @!p0 s3, s7;
	s7 =	simm.s32 @!p0 $0x108  }
0x21: {  	s3 =	sadd.s32 s3, s9;
	s6 =	sadd.s32 @!p0 $0x88, s6;
	s7 =	simm.s32 @p2 $0x1082  }
0x22: {  	[simem:s7], [sflag:s8] =	dma.local @!p0 [hbm:s6], $0xF7A  }
0x23: {  	s9 =	sor.u32 $0xD0000000, s2;
	s6 =	simm.s32 $0x108;
	_ =	swait.ge @!p0 [sflag:s8], $0x0  }
0x24: {  	s3 =	sadd.s32 $0x88, s3;
	s6 =	simm.s32 @!p1 $0x1082;
	[sflag:s4] =	ssyncset.s32 $0xFFFFF086  }
0x25: {  	[simem:s6], [sflag:s4] =	dma.local [hbm:s3], $0xF7A  }
0x26: {  	[smem:$0x3F86] =	sst s1;
	(tag) =	ssettag s2;
	_ =	strace s9  }
0x27: {  	s1 =	sld [smem:$0x3F96]  }
0x28: {  	s2 =	sld [smem:$0x3F97]  }
0x29: {  	s4 =	sld [smem:$0x3F99]  }
0x2a: {  	p0 =	seq.s32 s5, $0x0;
	s5 =	sld [smem:$0x3F9A]  }
0x2b: {  	s6 =	sld [smem:$0x3F9B]  }
0x2c: {  	s7 =	sld [smem:$0x3F9C]  }
0x2d: {  	s3 =	simm.s32 $0x108;
	s8 =	sld [smem:$0x3F9D]  }
0x2e: {  	s3 =	simm.s32 @!p0 $0x1082;
	s9 =	sld [smem:$0x3F9E]  }
0x2f: {  	lr =	sadd.s32 s0, s3;
	s0 =	sld [smem:$0x3F95]  }
0x30: {  	s3 =	sld [smem:$0x3F98]  }
0x31: {  	[smem:$0x3FA1] =	sst s10  }
0x32: {  	s10 =	sld [smem:$0x3F9F];
	_ =	sdelay $0x3  }
0x33: {  	p0 =	seq.s32 s10, $0x1;
	s10 =	sld [smem:$0x3FA1];
	_ =	sdelay $0x3  }
0x34: {  	[smem:$0x3FA1] =	sst s10  }
0x35: {  	s10 =	sld [smem:$0x3FA0];
	_ =	sdelay $0x3  }
0x36: {  	p1 =	seq.s32 s10, $0x1;
	s10 =	sld [smem:$0x3FA1];
	_ =	sdelay $0x3  }
0x37: {  	[smem:$0x3FA1] =	sst s10  }
0x38: {  	s10 =	sld [smem:$0x3FA2]  }
0x39: {  	_ = 	snop;
	(pc) =	sbr.ind lr, $3  }
0x3a: {  	_ = 	snop  }
0x3b: {  	_ = 	snop  }
0x3c: {  	p2 =	seq.s32 s10, $0x1;
	s10 =	sld [smem:$0x3FA1]  }
0x3d: {  	_ =	shalt  }
0x3e: {  	_ =	shalt  }
0x3f: {  	_ =	shalt  }
0x40: {  	_ =	shalt  }
0x41: {  	_ =	shalt  }
0x42: {  	_ =	shalt  }
0x43: {  	_ =	shalt  }
0x44: {  	_ =	shalt  }
0x45: {  	_ =	shalt  }
0x46: {  	_ =	shalt  }
0x47: {  	_ =	shalt  }
0x48: {  	_ =	shalt  }
0x49: {  	_ =	shalt  }
0x4a: {  	_ =	shalt  }
0x4b: {  	_ =	shalt  }
0x4c: {  	_ =	shalt  }
0x4d: {  	_ =	shalt  }
0x4e: {  	_ =	shalt  }
0x4f: {  	_ =	shalt  }
0x50: {  	_ =	shalt  }
0x51: {  	_ =	shalt  }
0x52: {  	_ =	shalt  }
0x53: {  	_ =	shalt  }
0x54: {  	_ =	shalt  }
0x55: {  	_ =	shalt  }
0x56: {  	_ =	shalt  }
0x57: {  	_ =	shalt  }
0x58: {  	_ =	shalt  }
0x59: {  	_ =	shalt  }
0x5a: {  	_ =	shalt  }
0x5b: {  	_ =	shalt  }
0x5c: {  	_ =	shalt  }
0x5d: {  	_ =	shalt  }
0x5e: {  	_ =	shalt  }
0x5f: {  	_ =	shalt  }
0x60: {  	_ =	shalt  }
0x61: {  	_ =	shalt  }
0x62: {  	_ =	shalt  }
0x63: {  	_ =	shalt  }
0x64: {  	_ =	shalt  }
0x65: {  	_ =	shalt  }
0x66: {  	_ =	shalt  }
0x67: {  	_ =	shalt  }
0x68: {  	_ =	shalt  }
0x69: {  	_ =	shalt  }
0x6a: {  	_ =	shalt  }
0x6b: {  	_ =	shalt  }
0x6c: {  	_ =	shalt  }
0x6d: {  	_ =	shalt  }
0x6e: {  	_ =	shalt  }
0x6f: {  	_ =	shalt  }
0x70: {  	_ =	shalt  }
0x71: {  	_ =	shalt  }
0x72: {  	_ =	shalt  }
0x73: {  	_ =	shalt  }
0x74: {  	_ =	shalt  }
0x75: {  	_ =	shalt  }
0x76: {  	_ =	shalt  }
0x77: {  	_ =	shalt  }
0x78: {  	_ =	shalt  }
0x79: {  	_ =	shalt  }
0x7a: {  	_ =	shalt  }
0x7b: {  	_ =	shalt  }
0x7c: {  	_ =	shalt  }
0x7d: {  	_ =	shalt  }
0x7e: {  	_ =	shalt  }
0x7f: {  	_ =	shalt  }
0x80: {  	_ =	shalt  }
0x81: {  	_ =	shalt  }
0x82: {  	_ =	shalt  }
0x83: {  	_ =	shalt  }
0x84: {  	_ =	shalt  }
0x85: {  	_ =	shalt  }
0x86: {  	_ =	shalt  }
0x87: {  	_ =	shalt  }
.Lfunc_end0:
.L_simem_size_0:
called_computation_lowered:
.L_overlay_start_0:
0x88: {  	s2 =	sld [smem:$0x3FD9]  }
0x89: {  	s3 =	sld [smem:$0x3FFE];
	_ =	sdelay $0x1  }
0x8a: {  	s1 =	srdreg.scid  }
0x8b: {  	s0 =	sand.u32 $0x1, s1  }
0x8c: {  	s16 =	sshll.u32 s0, $0xA;
	s2 =	sadd.s32 s3, s2  }
0x8d: {  	s2 =	sadd.s32 s2, s16  }
0x8e: {  	[smem:$0x3FAD] =	sst s2  }
0x8f: {  	_ = 	snop  }
0x90: {  	(tm) =	ssettm $0x1  }
0x91: {  	s17 =	sld [smem:$0x3FFB];
	_ =	sdelay $0x3  }
0x92: {  	_ =	strace s17  }
0x93: {  	s2 =	sld [smem:$0x3FFC];
	_ =	sdelay $0x3  }
0x94: {  	_ =	strace s2  }
0x95: {  	s2 =	sld [smem:$0x3FFD];
	_ =	sdelay $0x3  }
0x96: {  	_ =	strace s2  }
0x97: {  	_ =	strace $0x8FFFFFFF  }
0x98: {  	s18 =	sld [smem:$0x3FDB];
	_ =	sdelay $0x1  }
0x99: {  	s19 =	simm.s32 $_scs_section_size  }
0x9a: {  	s4 =	simm.s32 $_size__tile_overlayer_lowered;
	s5 =	simm.s32 $_tile_overlayer_lowered  }
0x9b: {  	s22 =	simm.s32 $0x1BFF;
	s21 =	sshll.u32 s5, $0x1;
	s2 =	sadd.s32 s19, s18  }
0x9c: {  	s6 =	simm.s32 $0x0;
	s20 =	sshll.u32 s4, $0x1;
	s4 =	sadd.s32 s21, s2  }
0x9d: {  	[timem:s6], [sflag:s22] =	dma.local [hbm:s4], s20  }
0x9e: {  	_ =	swait.ge [sflag:s22], s20  }
0x9f: {  	s3 =	ssub.s32 $0x0, s20;
	[sflag:s22] =	ssyncset.done $0x0  }
0xa0: {  	[sflag:s22] =	ssyncadd.s32 s3;
	_ =	sdelay $0x1  }
0xa1: {  	s23 =	simm.s32 $0x1B8B  }
0xa2: {  	_ =	swait.ge [sflag:s23], $0x1  }
0xa3: {  	[sflag:s23] =	ssyncset.done $0x0  }
0xa4: {  	s25 =	simm.s32 $0x1B8E;
	s24 =	sld [smem:$0x3FFE];
	[sflag:s23] =	ssyncadd.s32 $0xFFFFFFFF  }
0xa5: {  	s26 =	simm.s32 $execute0_lowered;
	[smem:$0x3FD2] =	sst s25  }
0xa6: {  	s4 =	sshll.u32 s26, $0x1;
	_ =	strace $0x80000046;
	[dreg:$0x1] =	wrdreg $0xFFFFFFFF  }
0xa7: {  	s28 =	simm.s32 $_size_execute0_lowered;
	s2 =	sadd.s32 s2, s4;
	[dreg:$0x0] =	wrdreg $0x0  }
0xa8: {  	s4 =	sshll.u32 s28, $0x1;
	[dreg:$0x2] =	wrdreg s2  }
0xa9: {  	[dreg:$0x3] =	wrdreg s4  }
0xaa: {  	[dreg:$0x4] =	wrdreg $0xC0  }
0xab: {  	_ =	task [dreg:s6], $0x5FFFF  }
0xac: {  	[dreg:$0x1] =	wrdreg $0xFFFFFFFF  }
0xad: {  	[dreg:$0x0] =	wrdreg $0x60  }
0xae: {  	[dreg:$0x2] =	wrdreg s24  }
0xaf: {  	[dreg:$0x3] =	wrdreg $0x138000  }
0xb0: {  	[dreg:$0x4] =	wrdreg $0x9  }
0xb1: {  	_ =	task.clear_ibuf [dreg:s6], $0x5FFFF;
	_ =	strace $0x90000046  }
0xb2: {  	s29 =	simm.s32 $0x9;
	_ =	strace $0x80000048  }
0xb3: {  	_ =	swait.ge [sflag:s29], $0x1  }
0xb4: {  	[sflag:s29] =	ssyncadd.s32 $0xFFFFFFFF  }
0xb5: {  	_ =	strace $0x90000048  }
0xb6: {  	_ =	sfence  }
0xb7: {  	s30 =	sld [smem:$0x0];
	_ =	sdelay $0x2  }
0xb8: {  	s31 =	sshll.u32 s1, $0xD;
	s1 =	sshrl.u32 s1, $0x2  }
0xb9: {  	s3 =	sand.u32 $0x4000, s31;
	s1 =	sadd.s32 s1, s30  }
0xba: {  	s0 =	sor.u32 s3, s0;
	s1 =	sshll.u32 s1, $0x11  }
0xbb: {  	s0 =	sor.u32 s1, s0  }
0xbc: {  	s0 =	sadd.s32 $0x8F2B, s0  }
0xbd: {  	[sflag:s0] =	ssyncadd.remote.s32 $0x1  }
0xbe: {  	_ =	sfence.sel $0xFFFF  }
0xbf: {  	[dreg:$0x0] =	wrdreg $0xFFFFFFFF;
	(pc) =	sbr.abs _section_cstart, $3  }
0xc0: {  	[dreg:$0x1] =	wrdreg $0xFFFFFFFF  }
0xc1: {  	_ =	task.clear_ibuf [dreg:s6], $0x2FFFF;
	_ =	strace $0x9FFFFFFF  }
0xc2: {  	(tm) =	ssettm $0x7FFFFFFF  }
0xc3: {  	_ =	shalt  }
tec
execute0_lowered:
.L_overlay_start_1:
0x0: {  	(tag) =	ssettag $0x1  }
0x1: {  	s3 =	rddreg [dreg:$0x0]  }
0x2: {  	s0 =	srdreg.scid;
	s1 =	rddreg [dreg:$0x1]  }
0x3: {  	s2 =	simm.s32 $0x0;
	s28 =	simm.s32 $0xC000;
	s8 =	sand.u32 $0x1, s0  }
0x4: {  	s29 =	simm.s32 $0x1;
	s0 =	stileid.u32;
	s4 =	smul.u32 $0x138C0, s8  }
0x5: {  	s30 =	simm.s32 $0x2000;
	[smem:$0x7FF] =	sst s2;
	s5 =	smul.u32 $0x27100, s8  }
0x6: {  	s31 =	simm.s32 $0x8000;
	s6 =	smul.u32 $0x500, s0;
	_ =	strace $0x80000047  }
0x7: {  	s9 =	ssub.s32 $0x2, s8;
	s12 =	smul.u32 $0xC300, s0;
	s20 =	sshll.u32 s8, $0x2  }
0x8: {  	s22 =	sshllo.u32 s8, $0x2;
	s16 =	smul.u32 $0xC3500, s8;
	p0 =	sne.s32 s0, $0x0  }
0x9: {  	s0 =	simm.s32 $0x0;
	s18 =	sshrl.u32 s9, $0x1;
	s21 =	sor.u32 $0x1, s20  }
0xa: {  	s11 =	sor.u32 $0x2, s20;
	v3 =	vmov s22;
	s22 =	simm.s32 $0xE800;
	s7 =	sadd.s32 s4, s3  }
0xb: {  	s10 =	sadd.s32 s5, s3;
	s17 =	sadd.s32 s6, s3;
	s4 =	sadd.s32 $0xF8E00, s3  }
0xc: {  	s3 =	ssub.s32 s9, s18;
	s14 =	sadd.s32 $0x2080, s12;
	s15 =	sadd.s32 $0x4100, s12  }
0xd: {  	v4 =	vlaneseq.u32;
	v6 =	vimm.s32 $0xEFCDAB89;
	s18 =	sadd.s32 $0x8200, s12;
	s13 =	sadd.s32 s12, s16;
	s19 =	sadd.s32 $0xF3E00, s17  }
0xe: {  	v5 =	vimm.s32 $0xFEDCBA98;
	v7 =	vimm.s32 $0x67452301;
	v6 =	vunpack.c.l.s4.s8 v6;
	s5 =	sadd.s32 $0xEEE00, s17;
	s6 =	sadd.s32 $0x79800, s10;
	s8 =	sadd.s32 s14, s1  }
0xf: {  	vm4 =	vmmov $0xff;
	v7 =	vunpack.c.l.s4.s8 v7;
	v2 =	vmov s11;
	s9 =	sadd.s32 s15, s1;
	s17 =	sadd.s32 $0x6180, s12;
	s11 =	sadd.s32 s18, s1  }
0x10: {  	v0 =	vmov s20;
	v6 =	vunpack.c.0.s8.s32 v6;
	v1 =	vmov s21;
	s20 =	sshrl.u32 s13, $0x3;
	s13 =	sadd.s32 $0xC3000, s1;
	s14 =	sadd.s32 s16, s14  }
0x11: {  	vm0 =	veq.s32 v3, v4;
	vm1 =	veq.s32 v2, v4;
	v2 =	vunpack.c.l.s4.s8 v5;
	s15 =	sadd.s32 s16, s15;
	s25 =	sadd.s32 s16, s18;
	[dreg:$0x3] =	wrdreg s19  }
0x12: {  	vm3 =	veq.s32 v0, v4;
	v3 =	vimm.s32 $0x32107654;
	vm2 =	veq.s32 v1, v4;
	s21 =	smax.u32 s3, $0x1;
	[dreg:$0x4] =	wrdreg s5;
	s5 =	sadd.s32 $0xC7C00, s7  }
0x13: {  	v4 =	vimm.s32 $0xDCFE98BA;
	s7 =	sadd.s32 s12, s1;
	s10 =	sadd.s32 s17, s1;
	s19 =	sadd.s32 $0xA280, s12;
	v1 =	vunpack.c.0.s8.s32 v2;
	v2 =	vimm.s32 $0xBA98FEDC  }
0x14: {  	v3 =	vunpack.c.l.s4.s8 v3;
	v5 =	vimm.s32 $0x54761032;
	s20 =	sadd.s32 s4, s20;
	s17 =	sadd.s32 s16, s17;
	s14 =	sshrl.u32 s14, $0x3;
	v2 =	vunpack.c.l.s4.s8 v2  }
0x15: {  	v0 =	vimm.s32 $0x76543210;
	s15 =	sshrl.u32 s15, $0x3;
	v4 =	vunpack.c.l.s4.s8 v4;
	v5 =	vunpack.c.l.s4.s8 v5;
	s12 =	sadd.s32 s19, s1;
	[dreg:$0x5] =	wrdreg s20  }
0x16: {  	v0 =	vunpack.c.l.s4.s8 v0;
	s17 =	sshrl.u32 s17, $0x3;
	s14 =	sadd.s32 s4, s14;
	s23 =	sadd.s32 s4, s15;
	v3 =	vunpack.c.0.s8.s32 v3;
	v2 =	vunpack.c.0.s8.s32 v2  }
0x17: {  	v7 =	vunpack.c.0.s8.s32 v7;
	s26 =	sadd.s32 s16, s19;
	s16 =	sshrl.u32 s16, $0x3;
	[dreg:$0x6] =	wrdreg s14;
	v4 =	vunpack.c.0.s8.s32 v4;
	v5 =	vunpack.c.0.s8.s32 v5  }
0x18: {  	v8 =	vunpack.c.0.s8.s32 v0;
	v0 =	vimm.f32 $0.0e+00;
	[dreg:$0x7] =	wrdreg s23;
	s24 =	sadd.s32 s4, s17;
	s14 =	sshrl.u32 s25, $0x3;
	v2 =	vcombine.low v3, v2  }
0x19: {  	s15 =	sshrl.u32 s26, $0x3;
	s16 =	sadd.s32 s4, s16;
	s23 =	simm.s32 $0x2;
	v1 =	vand.u32 $0xF, v1;
	v3 =	vcombine.low v5, v4;
	v4 =	vcombine.low v7, v6  }
0x1a: {  	s25 =	simm.s32 $0x80;
	[dreg:$0x8] =	wrdreg s24;
	s18 =	sadd.s32 s4, s14;
	v1 =	vcombine.low v1, v8;
	v5 =	vimm.s32 $0x0;
	v6 =	vimm.s32 $0x8  }
0x1b: {  	s19 =	sadd.s32 s4, s15;
	s20 =	sadd.s32 $0x18600, s16;
	s24 =	simm.s32 $0x11000;
	v2 =	vand.u32 $0xF, v2;
	v3 =	vand.u32 $0xF, v3;
	v4 =	vand.u32 $0xF, v4  }
.LBB2_1:
0x1c: {  	s3 =	rddreg [dreg:$0x3]  }
0x1d: {  	[tilespmem:s22], [sflag:$0x2] =	stream.linear.gather [hbm4b:s3+s2], $0x2800, $0x38;
	[tilespmem:$0x1FB78] =	vst v63  }
0x1e: {  	_ =	swait.ge [sflag:s23], $0x2800  }
0x1f: {  	[sflag:s23] =	ssyncset.done $0x0  }
0x20: {  	s17 =	rddreg [dreg:$0x4];
	[sflag:s23] =	ssyncadd.s32 $0xFFFFD800  }
0x21: {  	[tilespmem:s24], [sflag:$0x2] =	stream.linear.gather [hbm4b:s17+s2], $0x2800, $0x38;
	[tilespmem:$0x1FB78] =	vst v63  }
0x22: {  	_ =	swait.ge [sflag:s23], $0x2800  }
0x23: {  	[sflag:s23] =	ssyncset.done $0x0  }
0x24: {  	[sflag:s23] =	ssyncadd.s32 $0xFFFFD800  }
0x25: {  	[tilespmem:s2], [sflag:$0x1] =	stream.indirect.gather [hbm4b:s5+s25], $0x40, s24, s25, $0xb8;
	[tilespmem:$0x1FB78] =	vst v63  }
0x26: {  	s26 =	simm.s32 $0x4000;
	s4 =	simm.s32 $0x140;
	s3 =	simm.s32 $0x0  }
0x27: {  	[tilespmem:s26], [sflag:$0x1] =	stream.indirect.gather [hbm4b:s6+s25], $0x80, s22, s25, $0xb8;
	[tilespmem:$0x1FB78] =	vst v63  }
.LBB2_2:
0x28: {  	p1 =	sne.s32 s4, $0x9EC0;
	[tilespmem:s3+$0xC040] =	vst v0;
	s14 =	smov.u32 s4;
	s4 =	sadd.s32 $0x140, s4  }
.Ltmp0:
0x29: {  	[tilespmem:s3+$0xC030] =	vst v0;
	(pc) =	sbr.rel @p1 .LBB2_2-.Ltmp0, $4  }
0x2a: {  	[tilespmem:s3+$0xC020] =	vst v0  }
0x2b: {  	[tilespmem:s3+$0xC000] =	vst v0  }
0x2c: {  	[tilespmem:s3+$0xC010] =	vst v0  }
0x2d: {  	s3 =	sshra.s32 s14, $0x2  }
0x2e: {  	[tilespmem:s3+$0xC040] =	vst v0  }
0x2f: {  	[tilespmem:s3+$0xC030] =	vst v0  }
0x30: {  	[tilespmem:s3+$0xC020] =	vst v0  }
0x31: {  	[tilespmem:s3+$0xC000] =	vst v0  }
0x32: {  	[tilespmem:s3+$0xC010] =	vst v0  }
0x33: {  	[spmem:s7] =	stream.linear.scatter [tilespmem:s28], [sflag:$0x2], $0x2080, $0x38;
	[tilespmem:$0x1FB78] =	vst v63  }
0x34: {  	_ =	swait.ge [sflag:s23], $0x2080  }
0x35: {  	[sflag:s23] =	ssyncset.done $0x0  }
0x36: {  	[sflag:s23] =	ssyncadd.s32 $0xFFFFDF80  }
0x37: {  	[spmem:s8] =	stream.linear.scatter [tilespmem:s28], [sflag:$0x2], $0x2080, $0x38;
	[tilespmem:$0x1FB78] =	vst v63  }
0x38: {  	_ =	swait.ge [sflag:s23], $0x2080  }
0x39: {  	[sflag:s23] =	ssyncset.done $0x0  }
0x3a: {  	[sflag:s23] =	ssyncadd.s32 $0xFFFFDF80  }
0x3b: {  	[spmem:s9] =	stream.linear.scatter [tilespmem:s28], [sflag:$0x2], $0x2080, $0x38;
	[tilespmem:$0x1FB78] =	vst v63  }
0x3c: {  	_ =	swait.ge [sflag:s23], $0x2080  }
0x3d: {  	[sflag:s23] =	ssyncset.done $0x0  }
0x3e: {  	[sflag:s23] =	ssyncadd.s32 $0xFFFFDF80  }
0x3f: {  	[spmem:s10] =	stream.linear.scatter [tilespmem:s28], [sflag:$0x2], $0x2080, $0x38;
	[tilespmem:$0x1FB78] =	vst v63  }
0x40: {  	_ =	swait.ge [sflag:s23], $0x2080  }
0x41: {  	[sflag:s23] =	ssyncset.done $0x0  }
0x42: {  	[sflag:s23] =	ssyncadd.s32 $0xFFFFDF80  }
0x43: {  	[spmem:s11] =	stream.linear.scatter [tilespmem:s28], [sflag:$0x2], $0x2080, $0x38;
	[tilespmem:$0x1FB78] =	vst v63  }
0x44: {  	_ =	swait.ge [sflag:s23], $0x2080  }
0x45: {  	[sflag:s23] =	ssyncset.done $0x0  }
0x46: {  	[sflag:s23] =	ssyncadd.s32 $0xFFFFDF80  }
0x47: {  	[spmem:s12] =	stream.linear.scatter [tilespmem:s28], [sflag:$0x2], $0x2080, $0x38;
	[tilespmem:$0x1FB78] =	vst v63  }
0x48: {  	_ =	swait.ge [sflag:s23], $0x2080  }
0x49: {  	[sflag:s23] =	ssyncset.done $0x0  }
0x4a: {  	s3 =	simm.s32 @!p0 $0xC000;
	[sflag:s23] =	ssyncadd.s32 $0xFFFFDF80  }
0x4b: {  	[spmem:s13] =	stream.linear.scatter @!p0 [tilespmem:s3], [sflag:$0x2], $0x780, $0x38;
	[tilespmem:$0x1FB78] =	vst v63  }
0x4c: {  	s3 =	simm.s32 @!p0 $0x2  }
0x4d: {  	_ =	swait.ge @!p0 [sflag:s3], $0x780  }
0x4e: {  	[sflag:s3] =	ssyncset.done @!p0 $0x0  }
0x4f: {  	[sflag:s3] =	ssyncadd.s32 @!p0 $0xFFFFF880  }
0x50: {  	s26 =	simm.s32 $0x0;
	[bflag:$0x0] =	sbarrier.arrive $0xFFFF  }
.LBB2_4:
0x51: {  	_ =	swait.ge [sflag:s29], $0x2000  }
0x52: {  	[sflag:s29] =	ssyncset.done $0x0  }
0x53: {  	[sflag:s29] =	ssyncadd.s32 $0xFFFFE000  }
0x54: {  	_ =	swait.ge [sflag:s29], $0x4000  }
0x55: {  	s4 =	sshll.u32 s26, $0x8;
	[sflag:s29] =	ssyncset.done $0x0  }
0x56: {  	s3 =	sadd.s32 $0x11080, s4;
	[sflag:s29] =	ssyncadd.s32 $0xFFFFC000  }
0x57: {  	[tilespmem:s30], [sflag:$0x1] =	stream.indirect.gather [hbm4b:s5+s25], $0x40, s3, s25, $0xb8;
	[tilespmem:$0x1FB78] =	vst v63  }
0x58: {  	s15 =	simm.s32 $0x4040;
	s14 =	sadd.s32 $0xE880, s4  }
0x59: {  	[tilespmem:s31], [sflag:$0x1] =	stream.indirect.gather [hbm4b:s6+s25], $0x80, s14, s25, $0xb8;
	[tilespmem:$0x1FB78] =	vst v63  }
0x5a: {  	s16 =	simm.s32 $0x0;
	v7 =	vld [tilespmem:s15+$0xFFFFFFC0]  }
0x5b: {  	v8 =	vld [tilespmem:s16+$0x10]  }
0x5c: {  	v9 =	vld [tilespmem:s15+$0xFFFFFFD0]  }
0x5d: {  	v10 =	vld [tilespmem:s16+$0x0];
	_ =	sdelay $0x4  }
0x5e: {  	v7 =	vmul.f32 v7, v10;
	v8 =	vmul.f32 v9, v8;
	_ =	sdelay $0x1  }
0x5f: {  	v9 =	vperm.xlane v7, v1;
	v10 =	vperm.xlane v8, v1;
	_ =	sdelay $0x1  }
0x60: {  	v7 =	vadd.f32 v9, v7;
	v8 =	vadd.f32 v10, v8;
	_ =	sdelay $0x1  }
0x61: {  	v7 =	vsel vm4, v7, v8  }
0x62: {  	v8 =	vperm.xlane v7, v2;
	_ =	sdelay $0x1  }
0x63: {  	v7 =	vadd.f32 v7, v8;
	_ =	sdelay $0x1  }
0x64: {  	v8 =	vperm.xlane v7, v3;
	_ =	sdelay $0x1  }
0x65: {  	v7 =	vadd.f32 v7, v8;
	_ =	sdelay $0x1  }
0x66: {  	v8 =	vperm.xlane v7, v4;
	_ =	sdelay $0x1  }
0x67: {  	v7 =	vadd.f32 v7, v8;
	_ =	sdelay $0x1  }
0x68: {  	v7 =	vmul.f32 $1.442695020e+00, v7;
	_ =	sdelay $0x1  }
0x69: {  	(erf) = vpow2.f32 v7;
	_ =	sdelay $0x6  }
0x6a: {  	v7 =	vld [tilespmem:s15+$0x0];
	_ =	sdelay $0x1  }
0x6b: {  	v8 =	vpop (erf)  }
0x6c: {  	v9 =	vperm.xlane v8, v5;
	_ =	sdelay $0x1  }
0x6d: {  	v7 =	vmul.f32 v7, v9  }
0x6e: {  	s14 =	simm.s32 $0xC020  }
0x6f: {  	[tilespmem:s14+$0xFFFFFFE0] =	vst v7  }
0x70: {  	v7 =	vld [tilespmem:s15+$0x10];
	_ =	sdelay $0x2  }
0x71: {  	v8 =	vperm.xlane v8, v6;
	_ =	sdelay $0x1  }
0x72: {  	v7 =	vmul.f32 v7, v8;
	_ =	sdelay $0x1  }
0x73: {  	[tilespmem:s14+$0xFFFFFFF0] =	vst v7  }
0x74: {  	v7 =	vld [tilespmem:s16+$0x20]  }
0x75: {  	v10 =	vld [tilespmem:s15+$0xFFFFFFE0]  }
0x76: {  	v11 =	vld [tilespmem:s16+$0x30]  }
0x77: {  	v12 =	vld [tilespmem:s15+$0xFFFFFFF0];
	_ =	sdelay $0x4  }
0x78: {  	v7 =	vmul.f32 v10, v7;
	v10 =	vmul.f32 v12, v11;
	_ =	sdelay $0x1  }
0x79: {  	v11 =	vperm.xlane v7, v1;
	v12 =	vperm.xlane v10, v1;
	_ =	sdelay $0x1  }
0x7a: {  	v7 =	vadd.f32 v11, v7;
	v10 =	vadd.f32 v12, v10;
	_ =	sdelay $0x1  }
0x7b: {  	v7 =	vsel vm4, v7, v10  }
0x7c: {  	v10 =	vperm.xlane v7, v2;
	_ =	sdelay $0x1  }
0x7d: {  	v7 =	vadd.f32 v7, v10;
	_ =	sdelay $0x1  }
0x7e: {  	v10 =	vperm.xlane v7, v3;
	_ =	sdelay $0x1  }
0x7f: {  	v7 =	vadd.f32 v7, v10;
	_ =	sdelay $0x1  }
0x80: {  	v10 =	vperm.xlane v7, v4;
	_ =	sdelay $0x1  }
0x81: {  	v7 =	vadd.f32 v7, v10;
	_ =	sdelay $0x1  }
0x82: {  	v7 =	vmul.f32 $1.442695020e+00, v7;
	_ =	sdelay $0x1  }
0x83: {  	(erf) = vpow2.f32 v7;
	_ =	sdelay $0x6  }
0x84: {  	v7 =	vld [tilespmem:s15+$0x20];
	_ =	sdelay $0x1  }
0x85: {  	v10 =	vpop (erf)  }
0x86: {  	v11 =	vperm.xlane v10, v5;
	_ =	sdelay $0x1  }
0x87: {  	v7 =	vmul.f32 v7, v11;
	_ =	sdelay $0x1  }
0x88: {  	[tilespmem:s14+$0x0] =	vst v7  }
0x89: {  	v7 =	vld [tilespmem:s15+$0x30];
	_ =	sdelay $0x1  }
0x8a: {  	v9 =	vnsel vm3, $0x0, v9  }
0x8b: {  	v8 =	vsel vm2, v8, v9;
	v9 =	vperm.xlane v10, v6  }
0x8c: {  	v8 =	vsel vm1, v11, v8  }
0x8d: {  	v8 =	vsel vm0, v9, v8;
	v7 =	vmul.f32 v7, v9  }
0x8e: {  	[tilespmem:s14+$0x20] =	vst v8  }
0x8f: {  	s15 =	simm.s32 $0x40C0;
	[tilespmem:s14+$0x10] =	vst v7  }
0x90: {  	s17 =	simm.s32 $0x40;
	v7 =	vld [tilespmem:s15+$0xFFFFFFC0]  }
0x91: {  	v8 =	vld [tilespmem:s17+$0x10]  }
0x92: {  	v9 =	vld [tilespmem:s15+$0xFFFFFFD0]  }
0x93: {  	v10 =	vld [tilespmem:s17+$0x0];
	_ =	sdelay $0x1  }
0x94: {  	s16 =	simm.s32 $0x200  }
.LBB2_5:
0x95: {  	p1 =	sne.s32 s16, $0x7F00;
	_ =	sdelay $0x1  }
0x96: {  	v8 =	vmul.f32 v9, v8;
	v7 =	vmul.f32 v7, v10;
	_ =	sdelay $0x1  }
0x97: {  	v10 =	vperm.xlane v8, v1;
	v9 =	vperm.xlane v7, v1;
	_ =	sdelay $0x1  }
0x98: {  	v8 =	vadd.f32 v10, v8;
	v7 =	vadd.f32 v9, v7;
	_ =	sdelay $0x1  }
0x99: {  	v7 =	vsel vm4, v7, v8  }
0x9a: {  	v8 =	vperm.xlane v7, v2;
	_ =	sdelay $0x1  }
0x9b: {  	v7 =	vadd.f32 v7, v8;
	_ =	sdelay $0x1  }
0x9c: {  	v8 =	vperm.xlane v7, v3;
	_ =	sdelay $0x1  }
0x9d: {  	v7 =	vadd.f32 v7, v8;
	_ =	sdelay $0x1  }
0x9e: {  	v8 =	vperm.xlane v7, v4;
	_ =	sdelay $0x1  }
0x9f: {  	v7 =	vadd.f32 v7, v8;
	_ =	sdelay $0x1  }
0xa0: {  	v7 =	vmul.f32 $1.442695020e+00, v7;
	_ =	sdelay $0x1  }
0xa1: {  	(erf) = vpow2.f32 v7;
	_ =	sdelay $0x6  }
0xa2: {  	v7 =	vld [tilespmem:s15+$0x0];
	_ =	sdelay $0x1  }
0xa3: {  	v8 =	vpop (erf)  }
0xa4: {  	v9 =	vperm.xlane v8, v5;
	_ =	sdelay $0x1  }
0xa5: {  	v7 =	vmul.f32 v7, v9;
	v9 =	vnsel vm3, $0x0, v9  }
0xa6: {  	s14 =	sadd.s32 $0x50, s14  }
0xa7: {  	[tilespmem:s14+$0xFFFFFFE0] =	vst v7  }
0xa8: {  	v7 =	vld [tilespmem:s15+$0x10];
	_ =	sdelay $0x2  }
0xa9: {  	v8 =	vperm.xlane v8, v6;
	_ =	sdelay $0x1  }
0xaa: {  	v7 =	vmul.f32 v7, v8;
	v8 =	vsel vm2, v8, v9;
	_ =	sdelay $0x1  }
0xab: {  	[tilespmem:s14+$0xFFFFFFF0] =	vst v7  }
0xac: {  	v7 =	vld [tilespmem:s17+$0x20]  }
0xad: {  	v9 =	vld [tilespmem:s15+$0xFFFFFFE0]  }
0xae: {  	v10 =	vld [tilespmem:s17+$0x30]  }
0xaf: {  	v11 =	vld [tilespmem:s15+$0xFFFFFFF0];
	_ =	sdelay $0x4  }
0xb0: {  	v7 =	vmul.f32 v9, v7;
	v9 =	vmul.f32 v11, v10;
	_ =	sdelay $0x1  }
0xb1: {  	v10 =	vperm.xlane v7, v1;
	v11 =	vperm.xlane v9, v1;
	_ =	sdelay $0x1  }
0xb2: {  	v7 =	vadd.f32 v10, v7;
	v9 =	vadd.f32 v11, v9;
	_ =	sdelay $0x1  }
0xb3: {  	v7 =	vsel vm4, v7, v9  }
0xb4: {  	v9 =	vperm.xlane v7, v2;
	_ =	sdelay $0x1  }
0xb5: {  	v7 =	vadd.f32 v7, v9;
	_ =	sdelay $0x1  }
0xb6: {  	v9 =	vperm.xlane v7, v3;
	_ =	sdelay $0x1  }
0xb7: {  	v7 =	vadd.f32 v7, v9;
	_ =	sdelay $0x1  }
0xb8: {  	v9 =	vperm.xlane v7, v4;
	_ =	sdelay $0x1  }
0xb9: {  	v7 =	vadd.f32 v7, v9;
	_ =	sdelay $0x1  }
0xba: {  	v7 =	vmul.f32 $1.442695020e+00, v7;
	_ =	sdelay $0x1  }
0xbb: {  	(erf) = vpow2.f32 v7;
	_ =	sdelay $0x6  }
0xbc: {  	v7 =	vld [tilespmem:s15+$0x20];
	_ =	sdelay $0x1  }
0xbd: {  	v9 =	vpop (erf)  }
0xbe: {  	v10 =	vperm.xlane v9, v5;
	_ =	sdelay $0x1  }
0xbf: {  	v7 =	vmul.f32 v7, v10;
	v8 =	vsel vm1, v10, v8;
	_ =	sdelay $0x1  }
0xc0: {  	[tilespmem:s14+$0x0] =	vst v7  }
0xc1: {  	v7 =	vld [tilespmem:s15+$0x30];
	_ =	sdelay $0x2  }
0xc2: {  	v9 =	vperm.xlane v9, v6;
	_ =	sdelay $0x1  }
0xc3: {  	v8 =	vsel vm0, v9, v8;
	v7 =	vmul.f32 v7, v9  }
0xc4: {  	[tilespmem:s14+$0x20] =	vst v8  }
0xc5: {  	s15 =	sadd.s32 $0x80, s15;
	[tilespmem:s14+$0x10] =	vst v7  }
0xc6: {  	s17 =	sshra.s32 s16, $0x2;
	v7 =	vld [tilespmem:s15+$0xFFFFFFC0]  }
.Ltmp1:
0xc7: {  	v8 =	vld [tilespmem:s17+$0x10];
	(pc) =	sbr.rel @p1 .LBB2_5-.Ltmp1, $3  }
0xc8: {  	v9 =	vld [tilespmem:s15+$0xFFFFFFD0]  }
0xc9: {  	v10 =	vld [tilespmem:s17+$0x0];
	_ =	sdelay $0x1  }
0xca: {  	s16 =	sadd.s32 $0x100, s16  }
0xcb: {  	_ =	sdelay $0x1  }
0xcc: {  	v8 =	vmul.f32 v9, v8;
	v7 =	vmul.f32 v7, v10;
	_ =	sdelay $0x1  }
0xcd: {  	v10 =	vperm.xlane v8, v1;
	v9 =	vperm.xlane v7, v1;
	_ =	sdelay $0x1  }
0xce: {  	v8 =	vadd.f32 v10, v8;
	v7 =	vadd.f32 v9, v7;
	_ =	sdelay $0x1  }
0xcf: {  	v7 =	vsel vm4, v7, v8  }
0xd0: {  	v8 =	vperm.xlane v7, v2;
	_ =	sdelay $0x1  }
0xd1: {  	v7 =	vadd.f32 v7, v8;
	_ =	sdelay $0x1  }
0xd2: {  	v8 =	vperm.xlane v7, v3;
	_ =	sdelay $0x1  }
0xd3: {  	v7 =	vadd.f32 v7, v8;
	_ =	sdelay $0x1  }
0xd4: {  	v8 =	vperm.xlane v7, v4;
	_ =	sdelay $0x1  }
0xd5: {  	v7 =	vadd.f32 v7, v8;
	_ =	sdelay $0x1  }
0xd6: {  	v7 =	vmul.f32 $1.442695020e+00, v7;
	_ =	sdelay $0x1  }
0xd7: {  	(erf) = vpow2.f32 v7;
	_ =	sdelay $0x6  }
0xd8: {  	v7 =	vld [tilespmem:s15+$0x0];
	_ =	sdelay $0x1  }
0xd9: {  	v8 =	vpop (erf)  }
0xda: {  	v9 =	vperm.xlane v8, v5;
	_ =	sdelay $0x1  }
0xdb: {  	v7 =	vmul.f32 v7, v9  }
0xdc: {  	s14 =	sadd.s32 $0x50, s14  }
0xdd: {  	[tilespmem:s14+$0xFFFFFFE0] =	vst v7  }
0xde: {  	v7 =	vld [tilespmem:s15+$0x10];
	_ =	sdelay $0x2  }
0xdf: {  	v8 =	vperm.xlane v8, v6;
	_ =	sdelay $0x1  }
0xe0: {  	v7 =	vmul.f32 v7, v8;
	_ =	sdelay $0x1  }
0xe1: {  	[tilespmem:s14+$0xFFFFFFF0] =	vst v7  }
0xe2: {  	v7 =	vld [tilespmem:s17+$0x20]  }
0xe3: {  	v10 =	vld [tilespmem:s15+$0xFFFFFFE0]  }
0xe4: {  	v11 =	vld [tilespmem:s17+$0x30]  }
0xe5: {  	v12 =	vld [tilespmem:s15+$0xFFFFFFF0];
	_ =	sdelay $0x4  }
0xe6: {  	v7 =	vmul.f32 v10, v7;
	v10 =	vmul.f32 v12, v11;
	_ =	sdelay $0x1  }
0xe7: {  	v11 =	vperm.xlane v7, v1;
	v12 =	vperm.xlane v10, v1;
	_ =	sdelay $0x1  }
0xe8: {  	v7 =	vadd.f32 v11, v7;
	v10 =	vadd.f32 v12, v10;
	_ =	sdelay $0x1  }
0xe9: {  	v7 =	vsel vm4, v7, v10  }
0xea: {  	v10 =	vperm.xlane v7, v2;
	_ =	sdelay $0x1  }
0xeb: {  	v7 =	vadd.f32 v7, v10;
	_ =	sdelay $0x1  }
0xec: {  	v10 =	vperm.xlane v7, v3;
	_ =	sdelay $0x1  }
0xed: {  	v7 =	vadd.f32 v7, v10;
	_ =	sdelay $0x1  }
0xee: {  	v10 =	vperm.xlane v7, v4;
	_ =	sdelay $0x1  }
0xef: {  	v7 =	vadd.f32 v7, v10;
	_ =	sdelay $0x1  }
0xf0: {  	v7 =	vmul.f32 $1.442695020e+00, v7;
	_ =	sdelay $0x1  }
0xf1: {  	(erf) = vpow2.f32 v7;
	_ =	sdelay $0x6  }
0xf2: {  	v7 =	vld [tilespmem:s15+$0x20];
	_ =	sdelay $0x1  }
0xf3: {  	v10 =	vpop (erf)  }
0xf4: {  	v11 =	vperm.xlane v10, v5;
	_ =	sdelay $0x1  }
0xf5: {  	v7 =	vmul.f32 v7, v11;
	_ =	sdelay $0x1  }
0xf6: {  	[tilespmem:s14+$0x0] =	vst v7  }
0xf7: {  	v7 =	vld [tilespmem:s15+$0x30];
	_ =	sdelay $0x1  }
0xf8: {  	v9 =	vnsel vm3, $0x0, v9  }
0xf9: {  	v8 =	vsel vm2, v8, v9;
	v9 =	vperm.xlane v10, v6  }
0xfa: {  	v8 =	vsel vm1, v11, v8  }
0xfb: {  	v8 =	vsel vm0, v9, v8;
	v7 =	vmul.f32 v7, v9  }
0xfc: {  	s17 =	sand.u32 $0x3FFFFF00, s4;
	[tilespmem:s14+$0x20] =	vst v8  }
0xfd: {  	s15 =	sadd.s32 $0x11000, s17;
	[tilespmem:s14+$0x10] =	vst v7  }
0xfe: {  	[spmem:s1] =	stream.indirect.scatter.add.f32 [tilespmem:s28], [sflag:$0x2], $0x50, s15, s25, $0xb8;
	[tilespmem:$0x1FB78] =	vst v63  }
0xff: {  	_ =	swait.ge [sflag:s23], $0x2800  }
0x100: {  	[sflag:s23] =	ssyncset.done $0x0  }
0x101: {  	[sflag:s23] =	ssyncadd.s32 $0xFFFFD800  }
0x102: {  	_ =	swait.ge [sflag:s29], $0x2000  }
0x103: {  	[sflag:s29] =	ssyncset.done $0x0  }
0x104: {  	[sflag:s29] =	ssyncadd.s32 $0xFFFFE000  }
0x105: {  	p1 =	seq.s32 s26, $0x27;
	_ =	swait.ge [sflag:s29], $0x4000  }
0x106: {  	s16 =	simm.s32 @!p1 $0x0;
	[sflag:s29] =	ssyncset.done $0x0  }
0x107: {  	s14 =	sadd.s32 @!p1 $0x11100, s4;
	s15 =	simm.s32 @!p1 $0x80;
	[sflag:s29] =	ssyncadd.s32 $0xFFFFC000  }
0x108: {  	[tilespmem:s16], [sflag:$0x1] =	stream.indirect.gather @!p1 [hbm4b:s5+s15], $0x40, s14, s15, $0xb8;
	[tilespmem:$0x1FB78] =	vst v63  }
0x109: {  	s4 =	sadd.s32 @!p1 $0xE900, s4;
	s14 =	simm.s32 @!p1 $0x4000;
	s16 =	simm.s32 $0x0  }
0x10a: {  	[tilespmem:s14], [sflag:$0x1] =	stream.indirect.gather @!p1 [hbm4b:s6+s15], $0x80, s4, s15, $0xb8;
	[tilespmem:$0x1FB78] =	vst v63  }
0x10b: {  	s17 =	simm.s32 $0x2030;
	v7 =	vld [tilespmem:s16+$0x8000]  }
0x10c: {  	v8 =	vld [tilespmem:s17+$0xFFFFFFE0]  }
0x10d: {  	v9 =	vld [tilespmem:s16+$0x8010]  }
0x10e: {  	v10 =	vld [tilespmem:s17+$0xFFFFFFD0];
	_ =	sdelay $0x4  }
0x10f: {  	v7 =	vmul.f32 v7, v10;
	v8 =	vmul.f32 v9, v8;
	_ =	sdelay $0x1  }
0x110: {  	v9 =	vperm.xlane v7, v1;
	v10 =	vperm.xlane v8, v1;
	_ =	sdelay $0x1  }
0x111: {  	v7 =	vadd.f32 v9, v7;
	v8 =	vadd.f32 v10, v8;
	_ =	sdelay $0x1  }
0x112: {  	v7 =	vsel vm4, v7, v8  }
0x113: {  	v8 =	vperm.xlane v7, v2;
	_ =	sdelay $0x1  }
0x114: {  	v7 =	vadd.f32 v7, v8;
	_ =	sdelay $0x1  }
0x115: {  	v8 =	vperm.xlane v7, v3;
	_ =	sdelay $0x1  }
0x116: {  	v7 =	vadd.f32 v7, v8;
	_ =	sdelay $0x1  }
0x117: {  	v8 =	vperm.xlane v7, v4;
	_ =	sdelay $0x1  }
0x118: {  	v7 =	vadd.f32 v7, v8;
	_ =	sdelay $0x1  }
0x119: {  	v7 =	vmul.f32 $1.442695020e+00, v7;
	_ =	sdelay $0x1  }
0x11a: {  	(erf) = vpow2.f32 v7;
	_ =	sdelay $0x6  }
0x11b: {  	v7 =	vld [tilespmem:s16+$0x8040];
	_ =	sdelay $0x1  }
0x11c: {  	v8 =	vpop (erf)  }
0x11d: {  	v9 =	vperm.xlane v8, v5;
	_ =	sdelay $0x1  }
0x11e: {  	v7 =	vmul.f32 v7, v9  }
0x11f: {  	s4 =	simm.s32 $0xC020  }
0x120: {  	[tilespmem:s4+$0xFFFFFFE0] =	vst v7  }
0x121: {  	v7 =	vld [tilespmem:s16+$0x8050];
	_ =	sdelay $0x2  }
0x122: {  	v8 =	vperm.xlane v8, v6;
	_ =	sdelay $0x1  }
0x123: {  	v7 =	vmul.f32 v7, v8;
	_ =	sdelay $0x1  }
0x124: {  	[tilespmem:s4+$0xFFFFFFF0] =	vst v7  }
0x125: {  	v7 =	vld [tilespmem:s17+$0xFFFFFFF0]  }
0x126: {  	v10 =	vld [tilespmem:s16+$0x8020]  }
0x127: {  	v11 =	vld [tilespmem:s17+$0x0]  }
0x128: {  	v63 =	vld [tilespmem:s16+$0x8030];
	_ =	sdelay $0x4  }
0x129: {  	v7 =	vmul.f32 v10, v7;
	v10 =	vmul.f32 v63, v11;
	_ =	sdelay $0x1  }
0x12a: {  	v11 =	vperm.xlane v7, v1;
	v12 =	vperm.xlane v10, v1;
	_ =	sdelay $0x1  }
0x12b: {  	v7 =	vadd.f32 v11, v7;
	v10 =	vadd.f32 v12, v10;
	_ =	sdelay $0x1  }
0x12c: {  	v7 =	vsel vm4, v7, v10  }
0x12d: {  	v10 =	vperm.xlane v7, v2;
	_ =	sdelay $0x1  }
0x12e: {  	v7 =	vadd.f32 v7, v10;
	_ =	sdelay $0x1  }
0x12f: {  	v10 =	vperm.xlane v7, v3;
	_ =	sdelay $0x1  }
0x130: {  	v7 =	vadd.f32 v7, v10;
	_ =	sdelay $0x1  }
0x131: {  	v10 =	vperm.xlane v7, v4;
	_ =	sdelay $0x1  }
0x132: {  	v7 =	vadd.f32 v7, v10;
	_ =	sdelay $0x1  }
0x133: {  	v7 =	vmul.f32 $1.442695020e+00, v7;
	_ =	sdelay $0x1  }
0x134: {  	(erf) = vpow2.f32 v7;
	_ =	sdelay $0x6  }
0x135: {  	v7 =	vld [tilespmem:s16+$0x8060];
	_ =	sdelay $0x1  }
0x136: {  	v10 =	vpop (erf)  }
0x137: {  	v11 =	vperm.xlane v10, v5;
	_ =	sdelay $0x1  }
0x138: {  	v7 =	vmul.f32 v7, v11;
	_ =	sdelay $0x1  }
0x139: {  	[tilespmem:s4+$0x0] =	vst v7  }
0x13a: {  	v7 =	vld [tilespmem:s16+$0x8070];
	_ =	sdelay $0x1  }
0x13b: {  	v9 =	vnsel vm3, $0x0, v9  }
0x13c: {  	v8 =	vsel vm2, v8, v9;
	v9 =	vperm.xlane v10, v6  }
0x13d: {  	v8 =	vsel vm1, v11, v8  }
0x13e: {  	v8 =	vsel vm0, v9, v8;
	v7 =	vmul.f32 v7, v9  }
0x13f: {  	[tilespmem:s4+$0x20] =	vst v8  }
0x140: {  	s14 =	simm.s32 $0x80;
	[tilespmem:s4+$0x10] =	vst v7  }
0x141: {  	s15 =	simm.s32 $0x2070;
	v7 =	vld [tilespmem:s14+$0x8000]  }
0x142: {  	v8 =	vld [tilespmem:s15+$0xFFFFFFE0]  }
0x143: {  	v9 =	vld [tilespmem:s14+$0x8010]  }
0x144: {  	v10 =	vld [tilespmem:s15+$0xFFFFFFD0];
	_ =	sdelay $0x1  }
0x145: {  	s16 =	simm.s32 $0x400  }
.LBB2_7:
0x146: {  	p1 =	sne.s32 s16, $0xFE00;
	_ =	sdelay $0x1  }
0x147: {  	v8 =	vmul.f32 v9, v8;
	v7 =	vmul.f32 v7, v10;
	_ =	sdelay $0x1  }
0x148: {  	v10 =	vperm.xlane v8, v1;
	v9 =	vperm.xlane v7, v1;
	_ =	sdelay $0x1  }
0x149: {  	v8 =	vadd.f32 v10, v8;
	v7 =	vadd.f32 v9, v7;
	_ =	sdelay $0x1  }
0x14a: {  	v7 =	vsel vm4, v7, v8  }
0x14b: {  	v8 =	vperm.xlane v7, v2;
	_ =	sdelay $0x1  }
0x14c: {  	v7 =	vadd.f32 v7, v8;
	_ =	sdelay $0x1  }
0x14d: {  	v8 =	vperm.xlane v7, v3;
	_ =	sdelay $0x1  }
0x14e: {  	v7 =	vadd.f32 v7, v8;
	_ =	sdelay $0x1  }
0x14f: {  	v8 =	vperm.xlane v7, v4;
	_ =	sdelay $0x1  }
0x150: {  	v7 =	vadd.f32 v7, v8;
	_ =	sdelay $0x1  }
0x151: {  	v7 =	vmul.f32 $1.442695020e+00, v7;
	_ =	sdelay $0x1  }
0x152: {  	(erf) = vpow2.f32 v7;
	_ =	sdelay $0x6  }
0x153: {  	v7 =	vld [tilespmem:s14+$0x8040];
	_ =	sdelay $0x1  }
0x154: {  	v8 =	vpop (erf)  }
0x155: {  	v9 =	vperm.xlane v8, v5;
	_ =	sdelay $0x1  }
0x156: {  	v7 =	vmul.f32 v7, v9;
	v9 =	vnsel vm3, $0x0, v9  }
0x157: {  	s4 =	sadd.s32 $0x50, s4  }
0x158: {  	[tilespmem:s4+$0xFFFFFFE0] =	vst v7  }
0x159: {  	v7 =	vld [tilespmem:s14+$0x8050];
	_ =	sdelay $0x2  }
0x15a: {  	v8 =	vperm.xlane v8, v6;
	_ =	sdelay $0x1  }
0x15b: {  	v7 =	vmul.f32 v7, v8;
	v8 =	vsel vm2, v8, v9;
	_ =	sdelay $0x1  }
0x15c: {  	[tilespmem:s4+$0xFFFFFFF0] =	vst v7  }
0x15d: {  	v7 =	vld [tilespmem:s15+$0xFFFFFFF0]  }
0x15e: {  	v9 =	vld [tilespmem:s14+$0x8020]  }
0x15f: {  	v10 =	vld [tilespmem:s15+$0x0]  }
0x160: {  	v11 =	vld [tilespmem:s14+$0x8030];
	_ =	sdelay $0x4  }
0x161: {  	v7 =	vmul.f32 v9, v7;
	v9 =	vmul.f32 v11, v10;
	_ =	sdelay $0x1  }
0x162: {  	v10 =	vperm.xlane v7, v1;
	v11 =	vperm.xlane v9, v1;
	_ =	sdelay $0x1  }
0x163: {  	v7 =	vadd.f32 v10, v7;
	v9 =	vadd.f32 v11, v9;
	_ =	sdelay $0x1  }
0x164: {  	v7 =	vsel vm4, v7, v9  }
0x165: {  	v9 =	vperm.xlane v7, v2;
	_ =	sdelay $0x1  }
0x166: {  	v7 =	vadd.f32 v7, v9;
	_ =	sdelay $0x1  }
0x167: {  	v9 =	vperm.xlane v7, v3;
	_ =	sdelay $0x1  }
0x168: {  	v7 =	vadd.f32 v7, v9;
	_ =	sdelay $0x1  }
0x169: {  	v9 =	vperm.xlane v7, v4;
	_ =	sdelay $0x1  }
0x16a: {  	v7 =	vadd.f32 v7, v9;
	_ =	sdelay $0x1  }
0x16b: {  	v7 =	vmul.f32 $1.442695020e+00, v7;
	_ =	sdelay $0x1  }
0x16c: {  	(erf) = vpow2.f32 v7;
	_ =	sdelay $0x6  }
0x16d: {  	v7 =	vld [tilespmem:s14+$0x8060];
	_ =	sdelay $0x1  }
0x16e: {  	v9 =	vpop (erf)  }
0x16f: {  	v10 =	vperm.xlane v9, v5;
	_ =	sdelay $0x1  }
0x170: {  	v7 =	vmul.f32 v7, v10;
	v8 =	vsel vm1, v10, v8;
	_ =	sdelay $0x1  }
0x171: {  	[tilespmem:s4+$0x0] =	vst v7  }
0x172: {  	v7 =	vld [tilespmem:s14+$0x8070];
	_ =	sdelay $0x2  }
0x173: {  	v9 =	vperm.xlane v9, v6;
	_ =	sdelay $0x1  }
0x174: {  	v8 =	vsel vm0, v9, v8;
	v7 =	vmul.f32 v7, v9  }
0x175: {  	[tilespmem:s4+$0x20] =	vst v8  }
0x176: {  	s14 =	sshra.s32 s16, $0x2;
	[tilespmem:s4+$0x10] =	vst v7  }
0x177: {  	s15 =	sadd.s32 $0x40, s15;
	v7 =	vld [tilespmem:s14+$0x8000]  }
.Ltmp2:
0x178: {  	v8 =	vld [tilespmem:s15+$0xFFFFFFE0];
	(pc) =	sbr.rel @p1 .LBB2_7-.Ltmp2, $3  }
0x179: {  	v9 =	vld [tilespmem:s14+$0x8010]  }
0x17a: {  	v10 =	vld [tilespmem:s15+$0xFFFFFFD0];
	_ =	sdelay $0x1  }
0x17b: {  	s16 =	sadd.s32 $0x200, s16  }
0x17c: {  	_ =	sdelay $0x1  }
0x17d: {  	v8 =	vmul.f32 v9, v8;
	v7 =	vmul.f32 v7, v10;
	_ =	sdelay $0x1  }
0x17e: {  	v56 =	vperm.xlane v8, v1;
	v55 =	vperm.xlane v7, v1;
	_ =	sdelay $0x1  }
0x17f: {  	v8 =	vadd.f32 v56, v8;
	v7 =	vadd.f32 v55, v7;
	_ =	sdelay $0x1  }
0x180: {  	v7 =	vsel vm4, v7, v8  }
0x181: {  	v8 =	vperm.xlane v7, v2;
	_ =	sdelay $0x1  }
0x182: {  	v7 =	vadd.f32 v7, v8;
	_ =	sdelay $0x1  }
0x183: {  	v8 =	vperm.xlane v7, v3;
	_ =	sdelay $0x1  }
0x184: {  	v7 =	vadd.f32 v7, v8;
	_ =	sdelay $0x1  }
0x185: {  	v8 =	vperm.xlane v7, v4;
	_ =	sdelay $0x1  }
0x186: {  	v7 =	vadd.f32 v7, v8;
	_ =	sdelay $0x1  }
0x187: {  	v7 =	vmul.f32 $1.442695020e+00, v7;
	_ =	sdelay $0x1  }
0x188: {  	(erf) = vpow2.f32 v7;
	_ =	sdelay $0x6  }
0x189: {  	v7 =	vld [tilespmem:s14+$0x8040];
	_ =	sdelay $0x1  }
0x18a: {  	v8 =	vpop (erf)  }
0x18b: {  	v57 =	vperm.xlane v8, v5;
	_ =	sdelay $0x1  }
0x18c: {  	v7 =	vmul.f32 v7, v57  }
0x18d: {  	s4 =	sadd.s32 $0x50, s4  }
0x18e: {  	[tilespmem:s4+$0xFFFFFFE0] =	vst v7  }
0x18f: {  	v7 =	vld [tilespmem:s14+$0x8050];
	_ =	sdelay $0x2  }
0x190: {  	v8 =	vperm.xlane v8, v6;
	_ =	sdelay $0x1  }
0x191: {  	v7 =	vmul.f32 v7, v8;
	_ =	sdelay $0x1  }
0x192: {  	[tilespmem:s4+$0xFFFFFFF0] =	vst v7  }
0x193: {  	v7 =	vld [tilespmem:s15+$0xFFFFFFF0]  }
0x194: {  	v58 =	vld [tilespmem:s14+$0x8020]  }
0x195: {  	v11 =	vld [tilespmem:s15+$0x0]  }
0x196: {  	v12 =	vld [tilespmem:s14+$0x8030];
	_ =	sdelay $0x4  }
0x197: {  	v7 =	vmul.f32 v58, v7;
	v59 =	vmul.f32 v12, v11;
	_ =	sdelay $0x1  }
0x198: {  	v60 =	vperm.xlane v7, v1;
	v12 =	vperm.xlane v59, v1;
	_ =	sdelay $0x1  }
0x199: {  	v7 =	vadd.f32 v60, v7;
	v10 =	vadd.f32 v12, v59;
	_ =	sdelay $0x1  }
0x19a: {  	v7 =	vsel vm4, v7, v10  }
0x19b: {  	v10 =	vperm.xlane v7, v2;
	_ =	sdelay $0x1  }
0x19c: {  	v7 =	vadd.f32 v7, v10;
	_ =	sdelay $0x1  }
0x19d: {  	v10 =	vperm.xlane v7, v3;
	_ =	sdelay $0x1  }
0x19e: {  	v7 =	vadd.f32 v7, v10;
	_ =	sdelay $0x1  }
0x19f: {  	v10 =	vperm.xlane v7, v4;
	_ =	sdelay $0x1  }
0x1a0: {  	v7 =	vadd.f32 v7, v10;
	_ =	sdelay $0x1  }
0x1a1: {  	v7 =	vmul.f32 $1.442695020e+00, v7;
	_ =	sdelay $0x1  }
0x1a2: {  	(erf) = vpow2.f32 v7;
	_ =	sdelay $0x6  }
0x1a3: {  	v7 =	vld [tilespmem:s14+$0x8060];
	_ =	sdelay $0x1  }
0x1a4: {  	v61 =	vpop (erf)  }
0x1a5: {  	v62 =	vperm.xlane v61, v5;
	_ =	sdelay $0x1  }
0x1a6: {  	v7 =	vmul.f32 v7, v62;
	_ =	sdelay $0x1  }
0x1a7: {  	[tilespmem:s4+$0x0] =	vst v7  }
0x1a8: {  	v7 =	vld [tilespmem:s14+$0x8070];
	_ =	sdelay $0x1  }
0x1a9: {  	v9 =	vnsel vm3, $0x0, v57  }
0x1aa: {  	v8 =	vsel vm2, v8, v9;
	v63 =	vperm.xlane v61, v6  }
0x1ab: {  	v8 =	vsel vm1, v62, v8  }
0x1ac: {  	s26 =	sadd.s32 $0x1, s26;
	v8 =	vsel vm0, v63, v8;
	v7 =	vmul.f32 v7, v63  }
0x1ad: {  	p1 =	sne.s32 s26, $0x28;
	[tilespmem:s4+$0x20] =	vst v8  }
.Ltmp3:
0x1ae: {  	[tilespmem:s4+$0x10] =	vst v7;
	(pc) =	sbr.rel @p1 .LBB2_4-.Ltmp3, $4  }
0x1af: {  	[spmem:s1] =	stream.indirect.scatter.add.f32 [tilespmem:s28], [sflag:$0x2], $0x50, s3, s25, $0xb8;
	[tilespmem:$0x1FB78] =	vst v63  }
0x1b0: {  	_ =	swait.ge [sflag:s23], $0x2800  }
0x1b1: {  	[sflag:s23] =	ssyncset.done $0x0  }
0x1b2: {  	[sflag:s23] =	ssyncadd.s32 $0xFFFFD800  }
0x1b3: {  	[bflag:$0x0] =	sbarrier.arrive $0xFFFF  }
0x1b4: {  	[tilespmem:s28], [sflag:$0x2] =	stream.linear.gather [spmem:s7], $0x2080, $0x38;
	[tilespmem:$0x1FB78] =	vst v63  }
0x1b5: {  	_ =	swait.ge [sflag:s23], $0x2080  }
0x1b6: {  	[sflag:s23] =	ssyncset.done $0x0  }
0x1b7: {  	s3 =	rddreg [dreg:$0x5];
	[sflag:s23] =	ssyncadd.s32 $0xFFFFDF80  }
0x1b8: {  	[hbm4b:s3+s2] =	stream.linear.scatter [tilespmem:s28], [sflag:$0x2], $0x2080, $0x38;
	[tilespmem:$0x1FB78] =	vst v63  }
0x1b9: {  	_ =	swait.ge [sflag:s23], $0x2080  }
0x1ba: {  	[sflag:s23] =	ssyncset.done $0x0  }
0x1bb: {  	[sflag:s23] =	ssyncadd.s32 $0xFFFFDF80  }
0x1bc: {  	[tilespmem:s28], [sflag:$0x2] =	stream.linear.gather [spmem:s8], $0x2080, $0x38;
	[tilespmem:$0x1FB78] =	vst v63  }
0x1bd: {  	_ =	swait.ge [sflag:s23], $0x2080  }
0x1be: {  	[sflag:s23] =	ssyncset.done $0x0  }
0x1bf: {  	s16 =	rddreg [dreg:$0x6];
	[sflag:s23] =	ssyncadd.s32 $0xFFFFDF80  }
0x1c0: {  	[hbm4b:s16+s2] =	stream.linear.scatter [tilespmem:s28], [sflag:$0x2], $0x2080, $0x38;
	[tilespmem:$0x1FB78] =	vst v63  }
0x1c1: {  	_ =	swait.ge [sflag:s23], $0x2080  }
0x1c2: {  	[sflag:s23] =	ssyncset.done $0x0  }
0x1c3: {  	[sflag:s23] =	ssyncadd.s32 $0xFFFFDF80  }
0x1c4: {  	[tilespmem:s28], [sflag:$0x2] =	stream.linear.gather [spmem:s9], $0x2080, $0x38;
	[tilespmem:$0x1FB78] =	vst v63  }
0x1c5: {  	_ =	swait.ge [sflag:s23], $0x2080  }
0x1c6: {  	[sflag:s23] =	ssyncset.done $0x0  }
0x1c7: {  	s17 =	rddreg [dreg:$0x7];
	[sflag:s23] =	ssyncadd.s32 $0xFFFFDF80  }
0x1c8: {  	[hbm4b:s17+s2] =	stream.linear.scatter [tilespmem:s28], [sflag:$0x2], $0x2080, $0x38;
	[tilespmem:$0x1FB78] =	vst v63  }
0x1c9: {  	_ =	swait.ge [sflag:s23], $0x2080  }
0x1ca: {  	[sflag:s23] =	ssyncset.done $0x0  }
0x1cb: {  	[sflag:s23] =	ssyncadd.s32 $0xFFFFDF80  }
0x1cc: {  	[tilespmem:s28], [sflag:$0x2] =	stream.linear.gather [spmem:s10], $0x2080, $0x38;
	[tilespmem:$0x1FB78] =	vst v63  }
0x1cd: {  	_ =	swait.ge [sflag:s23], $0x2080  }
0x1ce: {  	[sflag:s23] =	ssyncset.done $0x0  }
0x1cf: {  	s26 =	rddreg [dreg:$0x8];
	[sflag:s23] =	ssyncadd.s32 $0xFFFFDF80  }
0x1d0: {  	[hbm4b:s26+s2] =	stream.linear.scatter [tilespmem:s28], [sflag:$0x2], $0x2080, $0x38;
	[tilespmem:$0x1FB78] =	vst v63  }
0x1d1: {  	_ =	swait.ge [sflag:s23], $0x2080  }
0x1d2: {  	[sflag:s23] =	ssyncset.done $0x0  }
0x1d3: {  	[sflag:s23] =	ssyncadd.s32 $0xFFFFDF80  }
0x1d4: {  	[tilespmem:s28], [sflag:$0x2] =	stream.linear.gather [spmem:s11], $0x2080, $0x38;
	[tilespmem:$0x1FB78] =	vst v63  }
0x1d5: {  	_ =	swait.ge [sflag:s23], $0x2080  }
0x1d6: {  	[sflag:s23] =	ssyncset.done $0x0  }
0x1d7: {  	[sflag:s23] =	ssyncadd.s32 $0xFFFFDF80  }
0x1d8: {  	[hbm4b:s18+s2] =	stream.linear.scatter [tilespmem:s28], [sflag:$0x2], $0x2080, $0x38;
	[tilespmem:$0x1FB78] =	vst v63  }
0x1d9: {  	_ =	swait.ge [sflag:s23], $0x2080  }
0x1da: {  	[sflag:s23] =	ssyncset.done $0x0  }
0x1db: {  	[sflag:s23] =	ssyncadd.s32 $0xFFFFDF80  }
0x1dc: {  	[tilespmem:s28], [sflag:$0x2] =	stream.linear.gather [spmem:s12], $0x2080, $0x38;
	[tilespmem:$0x1FB78] =	vst v63  }
0x1dd: {  	_ =	swait.ge [sflag:s23], $0x2080  }
0x1de: {  	[sflag:s23] =	ssyncset.done $0x0  }
0x1df: {  	[sflag:s23] =	ssyncadd.s32 $0xFFFFDF80  }
0x1e0: {  	[hbm4b:s19+s2] =	stream.linear.scatter [tilespmem:s28], [sflag:$0x2], $0x2080, $0x38;
	[tilespmem:$0x1FB78] =	vst v63  }
0x1e1: {  	_ =	swait.ge [sflag:s23], $0x2080  }
0x1e2: {  	[sflag:s23] =	ssyncset.done $0x0  }
0x1e3: {  	s4 =	simm.s32 @!p0 $0x2;
	s3 =	simm.s32 @!p0 $0xC000;
	[sflag:s23] =	ssyncadd.s32 $0xFFFFDF80  }
0x1e4: {  	[tilespmem:s3], [sflag:$0x2] =	stream.linear.gather @!p0 [spmem:s13], $0x500, $0x38;
	[tilespmem:$0x1FB78] =	vst v63  }
0x1e5: {  	s0 =	sadd.s32 $0x1, s0;
	_ =	swait.ge @!p0 [sflag:s4], $0x500  }
0x1e6: {  	p1 =	sne.s32 s0, s21;
	[sflag:s4] =	ssyncset.done @!p0 $0x0  }
.Ltmp4:
0x1e7: {  	s14 =	simm.s32 @!p0 $0x0;
	[sflag:s4] =	ssyncadd.s32 @!p0 $0xFFFFFB00;
	(pc) =	sbr.rel @p1 .LBB2_1-.Ltmp4, $4  }
0x1e8: {  	[hbm4b:s20+s14] =	stream.linear.scatter @!p0 [tilespmem:s3], [sflag:$0x2], $0x500, $0x38;
	[tilespmem:$0x1FB78] =	vst v63  }
0x1e9: {  	_ =	swait.ge @!p0 [sflag:s4], $0x500  }
0x1ea: {  	[sflag:s4] =	ssyncset.done @!p0 $0x0  }
0x1eb: {  	[sflag:s4] =	ssyncadd.s32 @!p0 $0xFFFFFB00  }
0x1ec: {  	_ =	sfence.sel $0x180000  }
0x1ed: {  	[bflag:$0x0] =	sbarrier.arrive $0xFFFF  }
0x1ee: {  	_ =	strace $0x90000047  }
0x1ef: {  	[bflag:$0x2] =	sbarrier.arrive $0xFFFF  }
0x1f0: {  	s0 =	rddreg [dreg:$0x2]  }
0x1f1: {  	s0 =	sadd.s32 @!p0 $0x100000, s0  }
0x1f2: {  	[sflag:s0] =	ssyncadd.tile.s32 @!p0 $0x1;
	_ =	shalt  }
.Lfunc_end2:
_tile_overlayer_lowered:
.L_overlay_start_2:
0x1f3: {  	(tag) =	ssettag $0x2  }
0x1f4: {  	s0 =	rddreg [dreg:$0x0];
	s2 =	stileid.u32  }
0x1f5: {  	s1 =	rddreg [dreg:$0x1];
	p0 =	sne.s32 s2, $0x0  }
0x1f6: {  	s3 =	rddreg [dreg:$0x2];
	[bflag:$0x3] =	sbarrier.arrive $0xFFFF;
	s2 =	simm.s32 @!p0 $0x1C02  }
0x1f7: {  	[timem:s3], [sflag:s2] =	dma.local @!p0 [hbm:s0], s1  }
0x1f8: {  	s0 =	simm.s32 @!p0 $0x2  }
0x1f9: {  	_ =	swait.ge @!p0 [sflag:s0], s1  }
0x1fa: {  	s1 =	ssub.s32 @!p0 $0x0, s1;
	[sflag:s0] =	ssyncset.done @!p0 $0x0  }
0x1fb: {  	[sflag:s0] =	ssyncadd.s32 @!p0 s1  }
0x1fc: {  	[bflag:$0x3] =	sbarrier.arrive $0xFFFF  }
0x1fd: {  	_ =	shalt  }

</sc_bundles>
